<compile_context>
chip_gen: v7x
topology: tpu7x:2x2x1
jax: 0.10.2.dev20260603
libtpu: 0.0.44.dev20260713+nightly
codegen_flags: <defaults>
</compile_context>

<pallas_src>
import functools

import jax
import jax.numpy as jnp
from jax import lax
from jax.experimental import pallas as pl
from jax.experimental.pallas import tpu as pltpu
from jax.experimental.pallas import tpu_sc as plsc

_VOCAB = 1000
_HIDDEN = 128
_B = 4096
_SEQ = 20

_NC = 2
_NS = 16
_NW = _NC * _NS

_TR = _VOCAB // 8
_TRPW = 4
_NUNIT = _SEQ * _TRPW
_NTC = _B // 128


def _table_body(w_ref, we_ref, b_ref, out_ref):
    out_ref[...] = lax.dot_general(
        w_ref[...], we_ref[...],
        (((1,), (1,)), ((), ())),
        preferred_element_type=jnp.float32,
    ) + b_ref[...]


def _build_table_t(we, W, b):
    return pl.pallas_call(
        _table_body,
        out_shape=jax.ShapeDtypeStruct((_VOCAB, _VOCAB), jnp.float32),
    )(W, we, b.reshape(_VOCAB, 1))


def _gather_body(tabt_hbm, xt_hbm, out_hbm, slab, idx2, stage2,
                 ssem0, ssem1, isem0, isem1):
    cid = lax.axis_index("c")
    sid = lax.axis_index("s")
    wid = sid * _NC + cid

    lane = lax.broadcasted_iota(jnp.int32, (16,), 0) * 0
    isem = (isem0, isem1)
    ssem = (ssem0, ssem1)

    def _prefetch_idx(s, q):
        pltpu.async_copy(
            xt_hbm.at[jnp.minimum(s, _SEQ - 1)], idx2.at[q], isem[q])

    def _wait_idx(q):
        pltpu.make_async_copy(xt_hbm.at[0], idx2.at[q], isem[q]).wait()

    def _drain(p):
        pltpu.make_async_copy(stage2.at[p], out_hbm.at[0, 0], ssem[p]).wait()

    _prefetch_idx(jnp.int32(0), 0)
    _prefetch_idx(jnp.int32(1), 1)

    for i in range(_TRPW):
        tr = jnp.minimum(wid + _NW * i, _TR - 1)
        pltpu.sync_copy(tabt_hbm.at[pl.ds(tr * 8, 8)], slab.at[i])

    @pl.loop(0, _NUNIT)
    def _unit(u):
        s = u // _TRPW
        i = u % _TRPW
        p = u % 2
        q = s % 2

        @pl.when(i == 0)
        def _wait():
            @pl.when(q == 0)
            def _():
                _wait_idx(0)

            @pl.when(q == 1)
            def _():
                _wait_idx(1)

        @pl.when(u >= 2)
        def _dr():
            @pl.when(p == 0)
            def _():
                _drain(0)

            @pl.when(p == 1)
            def _():
                _drain(1)

        tr = jnp.minimum(wid + _NW * i, _TR - 1)
        i_splat = lane + i

        @plsc.parallel_loop(0, _NTC, unroll=2)
        def _tc(tc):
            for k in range(8):
                idxv = idx2[q, pl.ds(tc * 128 + k * 16, 16)]
                for sl in range(8):
                    vals = plsc.load_gather(
                        slab, [i_splat, lane + sl, idxv])
                    stage2[p, tc, sl, pl.ds(k * 16, 16)] = vals

        @pl.when(p == 0)
        def _s0():
            pltpu.async_copy(stage2.at[0], out_hbm.at[s, tr], ssem0)

        @pl.when(p == 1)
        def _s1():
            pltpu.async_copy(stage2.at[1], out_hbm.at[s, tr], ssem1)

        @pl.when(i == 3)
        def _pf():
            @pl.when(q == 0)
            def _():
                _prefetch_idx(s + 2, 0)

            @pl.when(q == 1)
            def _():
                _prefetch_idx(s + 2, 1)

    _wait_idx(0)
    _wait_idx(1)
    _drain(0)
    _drain(1)


@functools.partial(
    pl.kernel,
    out_type=jax.ShapeDtypeStruct((_SEQ, _TR, _NTC, 8, 128), jnp.float32),
    mesh=plsc.VectorSubcoreMesh(core_axis_name="c", subcore_axis_name="s"),
    compiler_params=pltpu.CompilerParams(
        use_tc_tiling_on_sc=False, needs_layout_passes=False),
    scratch_types=[
        pltpu.VMEM((_TRPW, 8, _VOCAB), jnp.float32),
        pltpu.VMEM((2, _B), jnp.int32),
        pltpu.VMEM((2, _NTC, 8, 128), jnp.float32),
        pltpu.SemaphoreType.DMA,
        pltpu.SemaphoreType.DMA,
        pltpu.SemaphoreType.DMA,
        pltpu.SemaphoreType.DMA,
    ],
)
def _gather(tabt_hbm, xt_hbm, out_hbm, slab, idx2, stage2,
            ssem0, ssem1, isem0, isem1):
    _gather_body(tabt_hbm, xt_hbm, out_hbm, slab, idx2, stage2,
                 ssem0, ssem1, isem0, isem1)


def kernel(x, we, W, b):
    tabt = _build_table_t(we, W, b)
    xt = x.astype(jnp.int32).T
    out5 = _gather(tabt, xt)
    t = jnp.transpose(out5, (2, 4, 0, 1, 3))
    return t.reshape(_B, _SEQ, _VOCAB)

# --- scband reference (transcript-rebuilt; emitter-appended) ---
"""Pipeline reference for scband-dummy-gpt-15479062135487 (READ-ONLY COPY).

The authoritative reference and input builder live on the scoring server;
editing this copy changes nothing except your own understanding.
"""

import jax, jax.numpy as jnp
import numpy as np

VOCAB = 1000
HIDDEN = 128
B = 4096
SEQ = 20

def setup_inputs(seed: int = 0) -> dict:
    key = jax.random.key(seed)
    k1, k2, k3, k4 = jax.random.split(key, 4)
    x = jax.random.randint(k1, (B, SEQ), 0, VOCAB, dtype=jnp.int64 if jax.config.jax_enable_x64 else jnp.int32)
    we = jax.random.normal(k2, (VOCAB, HIDDEN), dtype=jnp.float32) * 0.02
    # torch nn.Linear weight is [out_features, in_features]
    W = jax.random.normal(k3, (VOCAB, HIDDEN), dtype=jnp.float32) * (1.0 / np.sqrt(HIDDEN))
    b = jax.random.normal(k4, (VOCAB,), dtype=jnp.float32) * 0.01
    return {"x": x, "we": we, "W": W, "b": b}

def reference(x, we, W, b):
    # embedding lookup (gather)
    h = jnp.take(we, x, axis=0)           # [B, SEQ, HIDDEN]
    # linear projection to vocab: h @ W^T + b
    logits = jnp.einsum('bsh,vh->bsv', h, W) + b  # [B, SEQ, VOCAB]
    return logits

if __name__ == "__main__":
    import jax
    _d = setup_inputs()
    print(jax.jit(kernel)(*tuple(_d.values())))

</pallas_src>

<mosaic_0001>
#map = affine_map<(d0, d1) -> (0, 0)>
#map1 = affine_map<(d0, d1) -> (0, 0, 0, 0, 0)>
module attributes {stable_mosaic.version = 14 : i64} {
  func.func @_gather(%arg0: i32, %arg1: i32, %arg2: memref<1000x1000xf32, #tpu.memory_space<hbm>>, %arg3: memref<20x4096xi32, #tpu.memory_space<hbm>>, %arg4: memref<20x125x32x8x128xf32, #tpu.memory_space<hbm>>, %arg5: memref<4x8x1000xf32, #tpu.memory_space<vmem>>, %arg6: memref<2x4096xi32, #tpu.memory_space<vmem>>, %arg7: memref<2x32x8x128xf32, #tpu.memory_space<vmem>>, %arg8: memref<!tpu.dma_semaphore, #tpu.memory_space<semaphore_mem>>, %arg9: memref<!tpu.dma_semaphore, #tpu.memory_space<semaphore_mem>>, %arg10: memref<!tpu.dma_semaphore, #tpu.memory_space<semaphore_mem>>, %arg11: memref<!tpu.dma_semaphore, #tpu.memory_space<semaphore_mem>>) attributes {dimension_semantics = [#tpu.dimension_semantics<core_parallel>, #tpu.dimension_semantics<subcore_parallel>], iteration_bounds = array<i64: 2, 16>, scalar_prefetch = 0 : i64, scratch_operands = 7 : i64, tpu.core_type = #tpu.core_type<sc_vector_subcore>, window_params = [{transform_indices = #map}, {transform_indices = #map}, {transform_indices = #map1}]} {
    %mul3A = arith.constant 2 : i32
    %mul3A_0 = arith.muli %arg1, %mul3A : i32
    %add3A = arith.addi %mul3A_0, %arg0 : i32
    %iota3A = tpu.iota {dimensions = array<i32: 0>} : vector<16xi32>
    %mul3A_1 = arith.constant 0 : i32
    %mul3A_2 = vector.broadcast %mul3A_1 : i32 to vector<16xi32>
    %mul3A_3 = arith.muli %iota3A, %mul3A_2 : vector<16xi32>
    %min3A = arith.constant 0 : i32
    %min3A_4 = arith.constant 19 : i32
    %min3A_5 = arith.minsi %min3A, %min3A_4 : i32
    %dma_start3A = arith.constant 0 : i32
    %dma_start3A_6 = arith.constant 0 : i32
    %dma_start3A_7 = tpu.memref_slice %arg6[%dma_start3A, %dma_start3A_6] : memref<2x4096xi32, #tpu.memory_space<vmem>> -> memref<1x4096xi32, #tpu.memory_space<vmem>>
    %dma_start3A_8 = tpu.memref_squeeze %dma_start3A_7 : memref<1x4096xi32, #tpu.memory_space<vmem>> -> memref<4096xi32, #tpu.memory_space<vmem>>
    %dma_start3A_9 = arith.constant 0 : i32
    %dma_start3A_10 = tpu.memref_slice %arg3[%min3A_5, %dma_start3A_9] : memref<20x4096xi32, #tpu.memory_space<hbm>> -> memref<1x4096xi32, #tpu.memory_space<hbm>>
    %dma_start3A_11 = tpu.memref_squeeze %dma_start3A_10 : memref<1x4096xi32, #tpu.memory_space<hbm>> -> memref<4096xi32, #tpu.memory_space<hbm>>
    %dma_start3A_12 = arith.constant 0 : i32
    %dma_start3A_13 = tpu.memref_slice %arg6[%dma_start3A, %dma_start3A_12] : memref<2x4096xi32, #tpu.memory_space<vmem>> -> memref<1x4096xi32, #tpu.memory_space<vmem>>
    %dma_start3A_14 = tpu.memref_squeeze %dma_start3A_13 : memref<1x4096xi32, #tpu.memory_space<vmem>> -> memref<4096xi32, #tpu.memory_space<vmem>>
    %dma_start3A_15 = arith.constant 0 : i32
    %dma_start3A_16 = tpu.memref_slice %arg3[%min3A_5, %dma_start3A_15] : memref<20x4096xi32, #tpu.memory_space<hbm>> -> memref<1x4096xi32, #tpu.memory_space<hbm>>
    %dma_start3A_17 = tpu.memref_squeeze %dma_start3A_16 : memref<1x4096xi32, #tpu.memory_space<hbm>> -> memref<4096xi32, #tpu.memory_space<hbm>>
    tpu.enqueue_dma source(%dma_start3A_17 : memref<4096xi32, #tpu.memory_space<hbm>>) target(%dma_start3A_14 : memref<4096xi32, #tpu.memory_space<vmem>>) target_semaphore(%arg10 : memref<!tpu.dma_semaphore, #tpu.memory_space<semaphore_mem>>)
    %min3A_18 = arith.constant 1 : i32
    %min3A_19 = arith.constant 19 : i32
    %min3A_20 = arith.minsi %min3A_18, %min3A_19 : i32
    %dma_start3A_21 = arith.constant 1 : i32
    %dma_start3A_22 = arith.constant 0 : i32
    %dma_start3A_23 = tpu.memref_slice %arg6[%dma_start3A_21, %dma_start3A_22] : memref<2x4096xi32, #tpu.memory_space<vmem>> -> memref<1x4096xi32, #tpu.memory_space<vmem>>
    %dma_start3A_24 = tpu.memref_squeeze %dma_start3A_23 : memref<1x4096xi32, #tpu.memory_space<vmem>> -> memref<4096xi32, #tpu.memory_space<vmem>>
    %dma_start3A_25 = arith.constant 0 : i32
    %dma_start3A_26 = tpu.memref_slice %arg3[%min3A_20, %dma_start3A_25] : memref<20x4096xi32, #tpu.memory_space<hbm>> -> memref<1x4096xi32, #tpu.memory_space<hbm>>
    %dma_start3A_27 = tpu.memref_squeeze %dma_start3A_26 : memref<1x4096xi32, #tpu.memory_space<hbm>> -> memref<4096xi32, #tpu.memory_space<hbm>>
    %dma_start3A_28 = arith.constant 0 : i32
    %dma_start3A_29 = tpu.memref_slice %arg6[%dma_start3A_21, %dma_start3A_28] : memref<2x4096xi32, #tpu.memory_space<vmem>> -> memref<1x4096xi32, #tpu.memory_space<vmem>>
    %dma_start3A_30 = tpu.memref_squeeze %dma_start3A_29 : memref<1x4096xi32, #tpu.memory_space<vmem>> -> memref<4096xi32, #tpu.memory_space<vmem>>
    %dma_start3A_31 = arith.constant 0 : i32
    %dma_start3A_32 = tpu.memref_slice %arg3[%min3A_20, %dma_start3A_31] : memref<20x4096xi32, #tpu.memory_space<hbm>> -> memref<1x4096xi32, #tpu.memory_space<hbm>>
    %dma_start3A_33 = tpu.memref_squeeze %dma_start3A_32 : memref<1x4096xi32, #tpu.memory_space<hbm>> -> memref<4096xi32, #tpu.memory_space<hbm>>
    tpu.enqueue_dma source(%dma_start3A_33 : memref<4096xi32, #tpu.memory_space<hbm>>) target(%dma_start3A_30 : memref<4096xi32, #tpu.memory_space<vmem>>) target_semaphore(%arg11 : memref<!tpu.dma_semaphore, #tpu.memory_space<semaphore_mem>>)
    %add3A_34 = arith.constant 0 : i32
    %add3A_35 = arith.addi %add3A, %add3A_34 : i32
    %min3A_36 = arith.constant 124 : i32
    %min3A_37 = arith.minsi %add3A_35, %min3A_36 : i32
    %mul3A_38 = arith.constant 8 : i32
    %mul3A_39 = arith.muli %min3A_37, %mul3A_38 : i32
    %run_scoped3A = arith.constant 0 : i32
    "tpu.region"() ({
      %run_scoped3A_138 = tpu.sem_alloc : memref<!tpu.dma_semaphore, #tpu.memory_space<semaphore_mem>>
      %dma_start3A_139 = arith.constant 0 : i32
      %dma_start3A_140 = arith.constant 0 : i32
      %dma_start3A_141 = tpu.memref_slice %arg5[%run_scoped3A, %dma_start3A_139, %dma_start3A_140] : memref<4x8x1000xf32, #tpu.memory_space<vmem>> -> memref<1x8x1000xf32, #tpu.memory_space<vmem>>
      %dma_start3A_142 = tpu.memref_squeeze %dma_start3A_141 : memref<1x8x1000xf32, #tpu.memory_space<vmem>> -> memref<8x1000xf32, #tpu.memory_space<vmem>>
      %dma_start3A_143 = arith.constant 0 : i32
      %dma_start3A_144 = tpu.memref_slice %arg2[%mul3A_39, %dma_start3A_143] : memref<1000x1000xf32, #tpu.memory_space<hbm>> -> memref<8x1000xf32, #tpu.memory_space<hbm>>
      %dma_start3A_145 = arith.constant 0 : i32
      %dma_start3A_146 = arith.constant 0 : i32
      %dma_start3A_147 = tpu.memref_slice %arg5[%run_scoped3A, %dma_start3A_145, %dma_start3A_146] : memref<4x8x1000xf32, #tpu.memory_space<vmem>> -> memref<1x8x1000xf32, #tpu.memory_space<vmem>>
      %dma_start3A_148 = tpu.memref_squeeze %dma_start3A_147 : memref<1x8x1000xf32, #tpu.memory_space<vmem>> -> memref<8x1000xf32, #tpu.memory_space<vmem>>
      %dma_start3A_149 = arith.constant 0 : i32
      %dma_start3A_150 = tpu.memref_slice %arg2[%mul3A_39, %dma_start3A_149] : memref<1000x1000xf32, #tpu.memory_space<hbm>> -> memref<8x1000xf32, #tpu.memory_space<hbm>>
      tpu.enqueue_dma source(%dma_start3A_150 : memref<8x1000xf32, #tpu.memory_space<hbm>>) target(%dma_start3A_148 : memref<8x1000xf32, #tpu.memory_space<vmem>>) target_semaphore(%run_scoped3A_138 : memref<!tpu.dma_semaphore, #tpu.memory_space<semaphore_mem>>)
      %dma_wait3A_151 = arith.constant 0 : i32
      %dma_wait3A_152 = arith.constant 0 : i32
      %dma_wait3A_153 = tpu.memref_slice %arg5[%run_scoped3A, %dma_wait3A_151, %dma_wait3A_152] : memref<4x8x1000xf32, #tpu.memory_space<vmem>> -> memref<1x8x1000xf32, #tpu.memory_space<vmem>>
      %dma_wait3A_154 = tpu.memref_squeeze %dma_wait3A_153 : memref<1x8x1000xf32, #tpu.memory_space<vmem>> -> memref<8x1000xf32, #tpu.memory_space<vmem>>
      %dma_wait3A_155 = arith.constant 0 : i32
      %dma_wait3A_156 = tpu.memref_slice %arg2[%mul3A_39, %dma_wait3A_155] : memref<1000x1000xf32, #tpu.memory_space<hbm>> -> memref<8x1000xf32, #tpu.memory_space<hbm>>
      %dma_wait3A_157 = arith.constant 0 : i32
      %dma_wait3A_158 = arith.constant 0 : i32
      %dma_wait3A_159 = tpu.memref_slice %arg5[%run_scoped3A, %dma_wait3A_157, %dma_wait3A_158] : memref<4x8x1000xf32, #tpu.memory_space<vmem>> -> memref<1x8x1000xf32, #tpu.memory_space<vmem>>
      %dma_wait3A_160 = tpu.memref_squeeze %dma_wait3A_159 : memref<1x8x1000xf32, #tpu.memory_space<vmem>> -> memref<8x1000xf32, #tpu.memory_space<vmem>>
      %dma_wait3A_161 = arith.constant 0 : i32
      %dma_wait3A_162 = tpu.memref_slice %arg2[%mul3A_39, %dma_wait3A_161] : memref<1000x1000xf32, #tpu.memory_space<hbm>> -> memref<8x1000xf32, #tpu.memory_space<hbm>>
      tpu.wait_dma2 semaphore(%run_scoped3A_138 : memref<!tpu.dma_semaphore, #tpu.memory_space<semaphore_mem>>) src(%dma_wait3A_162 : memref<8x1000xf32, #tpu.memory_space<hbm>>) dst(%dma_wait3A_160 : memref<8x1000xf32, #tpu.memory_space<vmem>>)
      tpu.yield
    }) : () -> ()
    %add3A_40 = arith.constant 32 : i32
    %add3A_41 = arith.addi %add3A, %add3A_40 : i32
    %min3A_42 = arith.constant 124 : i32
    %min3A_43 = arith.minsi %add3A_41, %min3A_42 : i32
    %mul3A_44 = arith.constant 8 : i32
    %mul3A_45 = arith.muli %min3A_43, %mul3A_44 : i32
    %run_scoped3A_46 = arith.constant 1 : i32
    "tpu.region"() ({
      %run_scoped3A_138 = tpu.sem_alloc : memref<!tpu.dma_semaphore, #tpu.memory_space<semaphore_mem>>
      %dma_start3A_139 = arith.constant 0 : i32
      %dma_start3A_140 = arith.constant 0 : i32
      %dma_start3A_141 = tpu.memref_slice %arg5[%run_scoped3A_46, %dma_start3A_139, %dma_start3A_140] : memref<4x8x1000xf32, #tpu.memory_space<vmem>> -> memref<1x8x1000xf32, #tpu.memory_space<vmem>>
      %dma_start3A_142 = tpu.memref_squeeze %dma_start3A_141 : memref<1x8x1000xf32, #tpu.memory_space<vmem>> -> memref<8x1000xf32, #tpu.memory_space<vmem>>
      %dma_start3A_143 = arith.constant 0 : i32
      %dma_start3A_144 = tpu.memref_slice %arg2[%mul3A_45, %dma_start3A_143] : memref<1000x1000xf32, #tpu.memory_space<hbm>> -> memref<8x1000xf32, #tpu.memory_space<hbm>>
      %dma_start3A_145 = arith.constant 0 : i32
      %dma_start3A_146 = arith.constant 0 : i32
      %dma_start3A_147 = tpu.memref_slice %arg5[%run_scoped3A_46, %dma_start3A_145, %dma_start3A_146] : memref<4x8x1000xf32, #tpu.memory_space<vmem>> -> memref<1x8x1000xf32, #tpu.memory_space<vmem>>
      %dma_start3A_148 = tpu.memref_squeeze %dma_start3A_147 : memref<1x8x1000xf32, #tpu.memory_space<vmem>> -> memref<8x1000xf32, #tpu.memory_space<vmem>>
      %dma_start3A_149 = arith.constant 0 : i32
      %dma_start3A_150 = tpu.memref_slice %arg2[%mul3A_45, %dma_start3A_149] : memref<1000x1000xf32, #tpu.memory_space<hbm>> -> memref<8x1000xf32, #tpu.memory_space<hbm>>
      tpu.enqueue_dma source(%dma_start3A_150 : memref<8x1000xf32, #tpu.memory_space<hbm>>) target(%dma_start3A_148 : memref<8x1000xf32, #tpu.memory_space<vmem>>) target_semaphore(%run_scoped3A_138 : memref<!tpu.dma_semaphore, #tpu.memory_space<semaphore_mem>>)
      %dma_wait3A_151 = arith.constant 0 : i32
      %dma_wait3A_152 = arith.constant 0 : i32
      %dma_wait3A_153 = tpu.memref_slice %arg5[%run_scoped3A_46, %dma_wait3A_151, %dma_wait3A_152] : memref<4x8x1000xf32, #tpu.memory_space<vmem>> -> memref<1x8x1000xf32, #tpu.memory_space<vmem>>
      %dma_wait3A_154 = tpu.memref_squeeze %dma_wait3A_153 : memref<1x8x1000xf32, #tpu.memory_space<vmem>> -> memref<8x1000xf32, #tpu.memory_space<vmem>>
      %dma_wait3A_155 = arith.constant 0 : i32
      %dma_wait3A_156 = tpu.memref_slice %arg2[%mul3A_45, %dma_wait3A_155] : memref<1000x1000xf32, #tpu.memory_space<hbm>> -> memref<8x1000xf32, #tpu.memory_space<hbm>>
      %dma_wait3A_157 = arith.constant 0 : i32
      %dma_wait3A_158 = arith.constant 0 : i32
      %dma_wait3A_159 = tpu.memref_slice %arg5[%run_scoped3A_46, %dma_wait3A_157, %dma_wait3A_158] : memref<4x8x1000xf32, #tpu.memory_space<vmem>> -> memref<1x8x1000xf32, #tpu.memory_space<vmem>>
      %dma_wait3A_160 = tpu.memref_squeeze %dma_wait3A_159 : memref<1x8x1000xf32, #tpu.memory_space<vmem>> -> memref<8x1000xf32, #tpu.memory_space<vmem>>
      %dma_wait3A_161 = arith.constant 0 : i32
      %dma_wait3A_162 = tpu.memref_slice %arg2[%mul3A_45, %dma_wait3A_161] : memref<1000x1000xf32, #tpu.memory_space<hbm>> -> memref<8x1000xf32, #tpu.memory_space<hbm>>
      tpu.wait_dma2 semaphore(%run_scoped3A_138 : memref<!tpu.dma_semaphore, #tpu.memory_space<semaphore_mem>>) src(%dma_wait3A_162 : memref<8x1000xf32, #tpu.memory_space<hbm>>) dst(%dma_wait3A_160 : memref<8x1000xf32, #tpu.memory_space<vmem>>)
      tpu.yield
    }) : () -> ()
    %add3A_47 = arith.constant 64 : i32
    %add3A_48 = arith.addi %add3A, %add3A_47 : i32
    %min3A_49 = arith.constant 124 : i32
    %min3A_50 = arith.minsi %add3A_48, %min3A_49 : i32
    %mul3A_51 = arith.constant 8 : i32
    %mul3A_52 = arith.muli %min3A_50, %mul3A_51 : i32
    %run_scoped3A_53 = arith.constant 2 : i32
    "tpu.region"() ({
      %run_scoped3A_138 = tpu.sem_alloc : memref<!tpu.dma_semaphore, #tpu.memory_space<semaphore_mem>>
      %dma_start3A_139 = arith.constant 0 : i32
      %dma_start3A_140 = arith.constant 0 : i32
      %dma_start3A_141 = tpu.memref_slice %arg5[%run_scoped3A_53, %dma_start3A_139, %dma_start3A_140] : memref<4x8x1000xf32, #tpu.memory_space<vmem>> -> memref<1x8x1000xf32, #tpu.memory_space<vmem>>
      %dma_start3A_142 = tpu.memref_squeeze %dma_start3A_141 : memref<1x8x1000xf32, #tpu.memory_space<vmem>> -> memref<8x1000xf32, #tpu.memory_space<vmem>>
      %dma_start3A_143 = arith.constant 0 : i32
      %dma_start3A_144 = tpu.memref_slice %arg2[%mul3A_52, %dma_start3A_143] : memref<1000x1000xf32, #tpu.memory_space<hbm>> -> memref<8x1000xf32, #tpu.memory_space<hbm>>
      %dma_start3A_145 = arith.constant 0 : i32
      %dma_start3A_146 = arith.constant 0 : i32
      %dma_start3A_147 = tpu.memref_slice %arg5[%run_scoped3A_53, %dma_start3A_145, %dma_start3A_146] : memref<4x8x1000xf32, #tpu.memory_space<vmem>> -> memref<1x8x1000xf32, #tpu.memory_space<vmem>>
      %dma_start3A_148 = tpu.memref_squeeze %dma_start3A_147 : memref<1x8x1000xf32, #tpu.memory_space<vmem>> -> memref<8x1000xf32, #tpu.memory_space<vmem>>
      %dma_start3A_149 = arith.constant 0 : i32
      %dma_start3A_150 = tpu.memref_slice %arg2[%mul3A_52, %dma_start3A_149] : memref<1000x1000xf32, #tpu.memory_space<hbm>> -> memref<8x1000xf32, #tpu.memory_space<hbm>>
      tpu.enqueue_dma source(%dma_start3A_150 : memref<8x1000xf32, #tpu.memory_space<hbm>>) target(%dma_start3A_148 : memref<8x1000xf32, #tpu.memory_space<vmem>>) target_semaphore(%run_scoped3A_138 : memref<!tpu.dma_semaphore, #tpu.memory_space<semaphore_mem>>)
      %dma_wait3A_151 = arith.constant 0 : i32
      %dma_wait3A_152 = arith.constant 0 : i32
      %dma_wait3A_153 = tpu.memref_slice %arg5[%run_scoped3A_53, %dma_wait3A_151, %dma_wait3A_152] : memref<4x8x1000xf32, #tpu.memory_space<vmem>> -> memref<1x8x1000xf32, #tpu.memory_space<vmem>>
      %dma_wait3A_154 = tpu.memref_squeeze %dma_wait3A_153 : memref<1x8x1000xf32, #tpu.memory_space<vmem>> -> memref<8x1000xf32, #tpu.memory_space<vmem>>
      %dma_wait3A_155 = arith.constant 0 : i32
      %dma_wait3A_156 = tpu.memref_slice %arg2[%mul3A_52, %dma_wait3A_155] : memref<1000x1000xf32, #tpu.memory_space<hbm>> -> memref<8x1000xf32, #tpu.memory_space<hbm>>
      %dma_wait3A_157 = arith.constant 0 : i32
      %dma_wait3A_158 = arith.constant 0 : i32
      %dma_wait3A_159 = tpu.memref_slice %arg5[%run_scoped3A_53, %dma_wait3A_157, %dma_wait3A_158] : memref<4x8x1000xf32, #tpu.memory_space<vmem>> -> memref<1x8x1000xf32, #tpu.memory_space<vmem>>
      %dma_wait3A_160 = tpu.memref_squeeze %dma_wait3A_159 : memref<1x8x1000xf32, #tpu.memory_space<vmem>> -> memref<8x1000xf32, #tpu.memory_space<vmem>>
      %dma_wait3A_161 = arith.constant 0 : i32
      %dma_wait3A_162 = tpu.memref_slice %arg2[%mul3A_52, %dma_wait3A_161] : memref<1000x1000xf32, #tpu.memory_space<hbm>> -> memref<8x1000xf32, #tpu.memory_space<hbm>>
      tpu.wait_dma2 semaphore(%run_scoped3A_138 : memref<!tpu.dma_semaphore, #tpu.memory_space<semaphore_mem>>) src(%dma_wait3A_162 : memref<8x1000xf32, #tpu.memory_space<hbm>>) dst(%dma_wait3A_160 : memref<8x1000xf32, #tpu.memory_space<vmem>>)
      tpu.yield
    }) : () -> ()
    %add3A_54 = arith.constant 96 : i32
    %add3A_55 = arith.addi %add3A, %add3A_54 : i32
    %min3A_56 = arith.constant 124 : i32
    %min3A_57 = arith.minsi %add3A_55, %min3A_56 : i32
    %mul3A_58 = arith.constant 8 : i32
    %mul3A_59 = arith.muli %min3A_57, %mul3A_58 : i32
    %run_scoped3A_60 = arith.constant 3 : i32
    "tpu.region"() ({
      %run_scoped3A_138 = tpu.sem_alloc : memref<!tpu.dma_semaphore, #tpu.memory_space<semaphore_mem>>
      %dma_start3A_139 = arith.constant 0 : i32
      %dma_start3A_140 = arith.constant 0 : i32
      %dma_start3A_141 = tpu.memref_slice %arg5[%run_scoped3A_60, %dma_start3A_139, %dma_start3A_140] : memref<4x8x1000xf32, #tpu.memory_space<vmem>> -> memref<1x8x1000xf32, #tpu.memory_space<vmem>>
      %dma_start3A_142 = tpu.memref_squeeze %dma_start3A_141 : memref<1x8x1000xf32, #tpu.memory_space<vmem>> -> memref<8x1000xf32, #tpu.memory_space<vmem>>
      %dma_start3A_143 = arith.constant 0 : i32
      %dma_start3A_144 = tpu.memref_slice %arg2[%mul3A_59, %dma_start3A_143] : memref<1000x1000xf32, #tpu.memory_space<hbm>> -> memref<8x1000xf32, #tpu.memory_space<hbm>>
      %dma_start3A_145 = arith.constant 0 : i32
      %dma_start3A_146 = arith.constant 0 : i32
      %dma_start3A_147 = tpu.memref_slice %arg5[%run_scoped3A_60, %dma_start3A_145, %dma_start3A_146] : memref<4x8x1000xf32, #tpu.memory_space<vmem>> -> memref<1x8x1000xf32, #tpu.memory_space<vmem>>
      %dma_start3A_148 = tpu.memref_squeeze %dma_start3A_147 : memref<1x8x1000xf32, #tpu.memory_space<vmem>> -> memref<8x1000xf32, #tpu.memory_space<vmem>>
      %dma_start3A_149 = arith.constant 0 : i32
      %dma_start3A_150 = tpu.memref_slice %arg2[%mul3A_59, %dma_start3A_149] : memref<1000x1000xf32, #tpu.memory_space<hbm>> -> memref<8x1000xf32, #tpu.memory_space<hbm>>
      tpu.enqueue_dma source(%dma_start3A_150 : memref<8x1000xf32, #tpu.memory_space<hbm>>) target(%dma_start3A_148 : memref<8x1000xf32, #tpu.memory_space<vmem>>) target_semaphore(%run_scoped3A_138 : memref<!tpu.dma_semaphore, #tpu.memory_space<semaphore_mem>>)
      %dma_wait3A_151 = arith.constant 0 : i32
      %dma_wait3A_152 = arith.constant 0 : i32
      %dma_wait3A_153 = tpu.memref_slice %arg5[%run_scoped3A_60, %dma_wait3A_151, %dma_wait3A_152] : memref<4x8x1000xf32, #tpu.memory_space<vmem>> -> memref<1x8x1000xf32, #tpu.memory_space<vmem>>
      %dma_wait3A_154 = tpu.memref_squeeze %dma_wait3A_153 : memref<1x8x1000xf32, #tpu.memory_space<vmem>> -> memref<8x1000xf32, #tpu.memory_space<vmem>>
      %dma_wait3A_155 = arith.constant 0 : i32
      %dma_wait3A_156 = tpu.memref_slice %arg2[%mul3A_59, %dma_wait3A_155] : memref<1000x1000xf32, #tpu.memory_space<hbm>> -> memref<8x1000xf32, #tpu.memory_space<hbm>>
      %dma_wait3A_157 = arith.constant 0 : i32
      %dma_wait3A_158 = arith.constant 0 : i32
      %dma_wait3A_159 = tpu.memref_slice %arg5[%run_scoped3A_60, %dma_wait3A_157, %dma_wait3A_158] : memref<4x8x1000xf32, #tpu.memory_space<vmem>> -> memref<1x8x1000xf32, #tpu.memory_space<vmem>>
      %dma_wait3A_160 = tpu.memref_squeeze %dma_wait3A_159 : memref<1x8x1000xf32, #tpu.memory_space<vmem>> -> memref<8x1000xf32, #tpu.memory_space<vmem>>
      %dma_wait3A_161 = arith.constant 0 : i32
      %dma_wait3A_162 = tpu.memref_slice %arg2[%mul3A_59, %dma_wait3A_161] : memref<1000x1000xf32, #tpu.memory_space<hbm>> -> memref<8x1000xf32, #tpu.memory_space<hbm>>
      tpu.wait_dma2 semaphore(%run_scoped3A_138 : memref<!tpu.dma_semaphore, #tpu.memory_space<semaphore_mem>>) src(%dma_wait3A_162 : memref<8x1000xf32, #tpu.memory_space<hbm>>) dst(%dma_wait3A_160 : memref<8x1000xf32, #tpu.memory_space<vmem>>)
      tpu.yield
    }) : () -> ()
    %scan3A = arith.constant 0 : i32
    %scan3A_61 = arith.constant 80 : i32
    %scan3A_62 = arith.addi %scan3A, %scan3A_61 : i32
    %scan3A_63 = arith.constant 1 : i32
    scf.for %scan3A_138 = %scan3A to %scan3A_62 step %scan3A_63  : i32 {
      %mul3A_139 = arith.constant 1 : i32
      %mul3A_140 = arith.muli %scan3A_138, %mul3A_139 : i32
      %add3A_141 = arith.constant 0 : i32
      %add3A_142 = arith.addi %add3A_141, %mul3A_140 : i32
      %jit3A = arith.constant 4 : i32
      %div3A = arith.divsi %add3A_142, %jit3A : i32
      %sign3A = arith.constant 0 : i32
      %sign3A_143 = arith.cmpi sgt, %add3A_142, %sign3A : i32
      %sign3A_144 = arith.extui %sign3A_143 : i1 to i32
      %sign3A_145 = arith.constant 0 : i32
      %sign3A_146 = arith.cmpi slt, %add3A_142, %sign3A_145 : i32
      %sign3A_147 = arith.extui %sign3A_146 : i1 to i32
      %sign3A_148 = arith.subi %sign3A_144, %sign3A_147 : i32
      %sign3A_149 = arith.constant 0 : i32
      %sign3A_150 = arith.cmpi sgt, %jit3A, %sign3A_149 : i32
      %sign3A_151 = arith.extui %sign3A_150 : i1 to i32
      %sign3A_152 = arith.constant 0 : i32
      %sign3A_153 = arith.cmpi slt, %jit3A, %sign3A_152 : i32
      %sign3A_154 = arith.extui %sign3A_153 : i1 to i32
      %sign3A_155 = arith.subi %sign3A_151, %sign3A_154 : i32
      %ne3A = arith.cmpi ne, %sign3A_148, %sign3A_155 : i32
      %rem3A = arith.remsi %add3A_142, %jit3A : i32
      %ne3A_156 = arith.constant 0 : i32
      %ne3A_157 = arith.cmpi ne, %rem3A, %ne3A_156 : i32
      %and3A = arith.andi %ne3A, %ne3A_157 : i1
      %sub3A = arith.constant 1 : i32
      %sub3A_158 = arith.subi %div3A, %sub3A : i32
      %select_n3A = arith.select %and3A, %sub3A_158, %div3A : i32
      %jit3A_159 = arith.constant 4 : i32
      %eq3A = arith.constant 0 : i32
      %eq3A_160 = arith.cmpi eq, %jit3A_159, %eq3A : i32
      %jit3A_161 = arith.constant 1 : i32
      %select_n3A_162 = arith.select %eq3A_160, %jit3A_161, %jit3A_159 : i32
      %rem3A_163 = arith.remsi %add3A_142, %select_n3A_162 : i32
      %ne3A_164 = arith.constant 0 : i32
      %ne3A_165 = arith.cmpi ne, %rem3A_163, %ne3A_164 : i32
      %lt3A = arith.constant 0 : i32
      %lt3A_166 = arith.cmpi slt, %rem3A_163, %lt3A : i32
      %lt3A_167 = arith.constant 0 : i32
      %lt3A_168 = arith.cmpi slt, %select_n3A_162, %lt3A_167 : i32
      %ne3A_169 = arith.xori %lt3A_166, %lt3A_168 : i1
      %and3A_170 = arith.andi %ne3A_169, %ne3A_165 : i1
      %add3A_171 = arith.addi %rem3A_163, %select_n3A_162 : i32
      %select_n3A_172 = arith.select %and3A_170, %add3A_171, %rem3A_163 : i32
      %jit3A_173 = arith.constant 2 : i32
      %eq3A_174 = arith.constant 0 : i32
      %eq3A_175 = arith.cmpi eq, %jit3A_173, %eq3A_174 : i32
      %jit3A_176 = arith.constant 1 : i32
      %select_n3A_177 = arith.select %eq3A_175, %jit3A_176, %jit3A_173 : i32
      %rem3A_178 = arith.remsi %add3A_142, %select_n3A_177 : i32
      %ne3A_179 = arith.constant 0 : i32
      %ne3A_180 = arith.cmpi ne, %rem3A_178, %ne3A_179 : i32
      %lt3A_181 = arith.constant 0 : i32
      %lt3A_182 = arith.cmpi slt, %rem3A_178, %lt3A_181 : i32
      %lt3A_183 = arith.constant 0 : i32
      %lt3A_184 = arith.cmpi slt, %select_n3A_177, %lt3A_183 : i32
      %ne3A_185 = arith.xori %lt3A_182, %lt3A_184 : i1
      %and3A_186 = arith.andi %ne3A_185, %ne3A_180 : i1
      %add3A_187 = arith.addi %rem3A_178, %select_n3A_177 : i32
      %select_n3A_188 = arith.select %and3A_186, %add3A_187, %rem3A_178 : i32
      %jit3A_189 = arith.constant 2 : i32
      %eq3A_190 = arith.constant 0 : i32
      %eq3A_191 = arith.cmpi eq, %jit3A_189, %eq3A_190 : i32
      %jit3A_192 = arith.constant 1 : i32
      %select_n3A_193 = arith.select %eq3A_191, %jit3A_192, %jit3A_189 : i32
      %rem3A_194 = arith.remsi %select_n3A, %select_n3A_193 : i32
      %ne3A_195 = arith.constant 0 : i32
      %ne3A_196 = arith.cmpi ne, %rem3A_194, %ne3A_195 : i32
      %lt3A_197 = arith.constant 0 : i32
      %lt3A_198 = arith.cmpi slt, %rem3A_194, %lt3A_197 : i32
      %lt3A_199 = arith.constant 0 : i32
      %lt3A_200 = arith.cmpi slt, %select_n3A_193, %lt3A_199 : i32
      %ne3A_201 = arith.xori %lt3A_198, %lt3A_200 : i1
      %and3A_202 = arith.andi %ne3A_201, %ne3A_196 : i1
      %add3A_203 = arith.addi %rem3A_194, %select_n3A_193 : i32
      %select_n3A_204 = arith.select %and3A_202, %add3A_203, %rem3A_194 : i32
      %eq3A_205 = arith.constant 0 : i32
      %eq3A_206 = arith.cmpi eq, %select_n3A_172, %eq3A_205 : i32
      %convert_element_type3A = arith.extui %eq3A_206 : i1 to i32
      %cond3A = arith.constant 0 : i32
      %cond3A_207 = arith.cmpi ne, %convert_element_type3A, %cond3A : i32
      scf.if %cond3A_207 {
        %eq3A_236 = arith.constant 0 : i32
        %eq3A_237 = arith.cmpi eq, %select_n3A_204, %eq3A_236 : i32
        %convert_element_type3A_238 = arith.extui %eq3A_237 : i1 to i32
        %cond3A_239 = arith.constant 0 : i32
        %cond3A_240 = arith.cmpi ne, %convert_element_type3A_238, %cond3A_239 : i32
        scf.if %cond3A_240 {
          %dma_wait3A_246 = arith.constant 0 : i32
          %dma_wait3A_247 = arith.constant 0 : i32
          %dma_wait3A_248 = arith.constant 0 : i32
          %dma_wait3A_249 = tpu.memref_slice %arg6[%dma_wait3A_247, %dma_wait3A_248] : memref<2x4096xi32, #tpu.memory_space<vmem>> -> memref<1x4096xi32, #tpu.memory_space<vmem>>
          %dma_wait3A_250 = tpu.memref_squeeze %dma_wait3A_249 : memref<1x4096xi32, #tpu.memory_space<vmem>> -> memref<4096xi32, #tpu.memory_space<vmem>>
          %dma_wait3A_251 = arith.constant 0 : i32
          %dma_wait3A_252 = tpu.memref_slice %arg3[%dma_wait3A_246, %dma_wait3A_251] : memref<20x4096xi32, #tpu.memory_space<hbm>> -> memref<1x4096xi32, #tpu.memory_space<hbm>>
          %dma_wait3A_253 = tpu.memref_squeeze %dma_wait3A_252 : memref<1x4096xi32, #tpu.memory_space<hbm>> -> memref<4096xi32, #tpu.memory_space<hbm>>
          %dma_wait3A_254 = arith.constant 0 : i32
          %dma_wait3A_255 = tpu.memref_slice %arg6[%dma_wait3A_247, %dma_wait3A_254] : memref<2x4096xi32, #tpu.memory_space<vmem>> -> memref<1x4096xi32, #tpu.memory_space<vmem>>
          %dma_wait3A_256 = tpu.memref_squeeze %dma_wait3A_255 : memref<1x4096xi32, #tpu.memory_space<vmem>> -> memref<4096xi32, #tpu.memory_space<vmem>>
          %dma_wait3A_257 = arith.constant 0 : i32
          %dma_wait3A_258 = tpu.memref_slice %arg3[%dma_wait3A_246, %dma_wait3A_257] : memref<20x4096xi32, #tpu.memory_space<hbm>> -> memref<1x4096xi32, #tpu.memory_space<hbm>>
          %dma_wait3A_259 = tpu.memref_squeeze %dma_wait3A_258 : memref<1x4096xi32, #tpu.memory_space<hbm>> -> memref<4096xi32, #tpu.memory_space<hbm>>
          tpu.wait_dma2 semaphore(%arg10 : memref<!tpu.dma_semaphore, #tpu.memory_space<semaphore_mem>>) src(%dma_wait3A_259 : memref<4096xi32, #tpu.memory_space<hbm>>) dst(%dma_wait3A_256 : memref<4096xi32, #tpu.memory_space<vmem>>)
        } else {
        }
        %eq3A_241 = arith.constant 1 : i32
        %eq3A_242 = arith.cmpi eq, %select_n3A_204, %eq3A_241 : i32
        %convert_element_type3A_243 = arith.extui %eq3A_242 : i1 to i32
        %cond3A_244 = arith.constant 0 : i32
        %cond3A_245 = arith.cmpi ne, %convert_element_type3A_243, %cond3A_244 : i32
        scf.if %cond3A_245 {
          %dma_wait3A_246 = arith.constant 0 : i32
          %dma_wait3A_247 = arith.constant 1 : i32
          %dma_wait3A_248 = arith.constant 0 : i32
          %dma_wait3A_249 = tpu.memref_slice %arg6[%dma_wait3A_247, %dma_wait3A_248] : memref<2x4096xi32, #tpu.memory_space<vmem>> -> memref<1x4096xi32, #tpu.memory_space<vmem>>
          %dma_wait3A_250 = tpu.memref_squeeze %dma_wait3A_249 : memref<1x4096xi32, #tpu.memory_space<vmem>> -> memref<4096xi32, #tpu.memory_space<vmem>>
          %dma_wait3A_251 = arith.constant 0 : i32
          %dma_wait3A_252 = tpu.memref_slice %arg3[%dma_wait3A_246, %dma_wait3A_251] : memref<20x4096xi32, #tpu.memory_space<hbm>> -> memref<1x4096xi32, #tpu.memory_space<hbm>>
          %dma_wait3A_253 = tpu.memref_squeeze %dma_wait3A_252 : memref<1x4096xi32, #tpu.memory_space<hbm>> -> memref<4096xi32, #tpu.memory_space<hbm>>
          %dma_wait3A_254 = arith.constant 0 : i32
          %dma_wait3A_255 = tpu.memref_slice %arg6[%dma_wait3A_247, %dma_wait3A_254] : memref<2x4096xi32, #tpu.memory_space<vmem>> -> memref<1x4096xi32, #tpu.memory_space<vmem>>
          %dma_wait3A_256 = tpu.memref_squeeze %dma_wait3A_255 : memref<1x4096xi32, #tpu.memory_space<vmem>> -> memref<4096xi32, #tpu.memory_space<vmem>>
          %dma_wait3A_257 = arith.constant 0 : i32
          %dma_wait3A_258 = tpu.memref_slice %arg3[%dma_wait3A_246, %dma_wait3A_257] : memref<20x4096xi32, #tpu.memory_space<hbm>> -> memref<1x4096xi32, #tpu.memory_space<hbm>>
          %dma_wait3A_259 = tpu.memref_squeeze %dma_wait3A_258 : memref<1x4096xi32, #tpu.memory_space<hbm>> -> memref<4096xi32, #tpu.memory_space<hbm>>
          tpu.wait_dma2 semaphore(%arg11 : memref<!tpu.dma_semaphore, #tpu.memory_space<semaphore_mem>>) src(%dma_wait3A_259 : memref<4096xi32, #tpu.memory_space<hbm>>) dst(%dma_wait3A_256 : memref<4096xi32, #tpu.memory_space<vmem>>)
        } else {
        }
      } else {
      }
      %ge3A = arith.constant 2 : i32
      %ge3A_208 = arith.cmpi sge, %add3A_142, %ge3A : i32
      %convert_element_type3A_209 = arith.extui %ge3A_208 : i1 to i32
      %cond3A_210 = arith.constant 0 : i32
      %cond3A_211 = arith.cmpi ne, %convert_element_type3A_209, %cond3A_210 : i32
      scf.if %cond3A_211 {
        %eq3A_236 = arith.constant 0 : i32
        %eq3A_237 = arith.cmpi eq, %select_n3A_188, %eq3A_236 : i32
        %convert_element_type3A_238 = arith.extui %eq3A_237 : i1 to i32
        %cond3A_239 = arith.constant 0 : i32
        %cond3A_240 = arith.cmpi ne, %convert_element_type3A_238, %cond3A_239 : i32
        scf.if %cond3A_240 {
          %dma_wait3A_246 = arith.constant 0 : i32
          %dma_wait3A_247 = arith.constant 0 : i32
          %dma_wait3A_248 = arith.constant 0 : i32
          %dma_wait3A_249 = arith.constant 0 : i32
          %dma_wait3A_250 = arith.constant 0 : i32
          %dma_wait3A_251 = arith.constant 0 : i32
          %dma_wait3A_252 = tpu.memref_slice %arg7[%dma_wait3A_246, %dma_wait3A_249, %dma_wait3A_250, %dma_wait3A_251] : memref<2x32x8x128xf32, #tpu.memory_space<vmem>> -> memref<1x32x8x128xf32, #tpu.memory_space<vmem>>
          %dma_wait3A_253 = tpu.memref_squeeze %dma_wait3A_252 : memref<1x32x8x128xf32, #tpu.memory_space<vmem>> -> memref<32x8x128xf32, #tpu.memory_space<vmem>>
          %dma_wait3A_254 = arith.constant 0 : i32
          %dma_wait3A_255 = arith.constant 0 : i32
          %dma_wait3A_256 = arith.constant 0 : i32
          %dma_wait3A_257 = tpu.memref_slice %arg4[%dma_wait3A_247, %dma_wait3A_248, %dma_wait3A_254, %dma_wait3A_255, %dma_wait3A_256] : memref<20x125x32x8x128xf32, #tpu.memory_space<hbm>> -> memref<1x1x32x8x128xf32, #tpu.memory_space<hbm>>
          %dma_wait3A_258 = tpu.memref_squeeze %dma_wait3A_257 : memref<1x1x32x8x128xf32, #tpu.memory_space<hbm>> -> memref<32x8x128xf32, #tpu.memory_space<hbm>>
          %dma_wait3A_259 = arith.constant 0 : i32
          %dma_wait3A_260 = arith.constant 0 : i32
          %dma_wait3A_261 = arith.constant 0 : i32
          %dma_wait3A_262 = tpu.memref_slice %arg4[%dma_wait3A_247, %dma_wait3A_248, %dma_wait3A_259, %dma_wait3A_260, %dma_wait3A_261] : memref<20x125x32x8x128xf32, #tpu.memory_space<hbm>> -> memref<1x1x32x8x128xf32, #tpu.memory_space<hbm>>
          %dma_wait3A_263 = tpu.memref_squeeze %dma_wait3A_262 : memref<1x1x32x8x128xf32, #tpu.memory_space<hbm>> -> memref<32x8x128xf32, #tpu.memory_space<hbm>>
          %dma_wait3A_264 = arith.constant 0 : i32
          %dma_wait3A_265 = arith.constant 0 : i32
          %dma_wait3A_266 = arith.constant 0 : i32
          %dma_wait3A_267 = tpu.memref_slice %arg7[%dma_wait3A_246, %dma_wait3A_264, %dma_wait3A_265, %dma_wait3A_266] : memref<2x32x8x128xf32, #tpu.memory_space<vmem>> -> memref<1x32x8x128xf32, #tpu.memory_space<vmem>>
          %dma_wait3A_268 = tpu.memref_squeeze %dma_wait3A_267 : memref<1x32x8x128xf32, #tpu.memory_space<vmem>> -> memref<32x8x128xf32, #tpu.memory_space<vmem>>
          tpu.wait_dma2 semaphore(%arg8 : memref<!tpu.dma_semaphore, #tpu.memory_space<semaphore_mem>>) src(%dma_wait3A_268 : memref<32x8x128xf32, #tpu.memory_space<vmem>>) dst(%dma_wait3A_263 : memref<32x8x128xf32, #tpu.memory_space<hbm>>)
        } else {
        }
        %eq3A_241 = arith.constant 1 : i32
        %eq3A_242 = arith.cmpi eq, %select_n3A_188, %eq3A_241 : i32
        %convert_element_type3A_243 = arith.extui %eq3A_242 : i1 to i32
        %cond3A_244 = arith.constant 0 : i32
        %cond3A_245 = arith.cmpi ne, %convert_element_type3A_243, %cond3A_244 : i32
        scf.if %cond3A_245 {
          %dma_wait3A_246 = arith.constant 1 : i32
          %dma_wait3A_247 = arith.constant 0 : i32
          %dma_wait3A_248 = arith.constant 0 : i32
          %dma_wait3A_249 = arith.constant 0 : i32
          %dma_wait3A_250 = arith.constant 0 : i32
          %dma_wait3A_251 = arith.constant 0 : i32
          %dma_wait3A_252 = tpu.memref_slice %arg7[%dma_wait3A_246, %dma_wait3A_249, %dma_wait3A_250, %dma_wait3A_251] : memref<2x32x8x128xf32, #tpu.memory_space<vmem>> -> memref<1x32x8x128xf32, #tpu.memory_space<vmem>>
          %dma_wait3A_253 = tpu.memref_squeeze %dma_wait3A_252 : memref<1x32x8x128xf32, #tpu.memory_space<vmem>> -> memref<32x8x128xf32, #tpu.memory_space<vmem>>
          %dma_wait3A_254 = arith.constant 0 : i32
          %dma_wait3A_255 = arith.constant 0 : i32
          %dma_wait3A_256 = arith.constant 0 : i32
          %dma_wait3A_257 = tpu.memref_slice %arg4[%dma_wait3A_247, %dma_wait3A_248, %dma_wait3A_254, %dma_wait3A_255, %dma_wait3A_256] : memref<20x125x32x8x128xf32, #tpu.memory_space<hbm>> -> memref<1x1x32x8x128xf32, #tpu.memory_space<hbm>>
          %dma_wait3A_258 = tpu.memref_squeeze %dma_wait3A_257 : memref<1x1x32x8x128xf32, #tpu.memory_space<hbm>> -> memref<32x8x128xf32, #tpu.memory_space<hbm>>
          %dma_wait3A_259 = arith.constant 0 : i32
          %dma_wait3A_260 = arith.constant 0 : i32
          %dma_wait3A_261 = arith.constant 0 : i32
          %dma_wait3A_262 = tpu.memref_slice %arg4[%dma_wait3A_247, %dma_wait3A_248, %dma_wait3A_259, %dma_wait3A_260, %dma_wait3A_261] : memref<20x125x32x8x128xf32, #tpu.memory_space<hbm>> -> memref<1x1x32x8x128xf32, #tpu.memory_space<hbm>>
          %dma_wait3A_263 = tpu.memref_squeeze %dma_wait3A_262 : memref<1x1x32x8x128xf32, #tpu.memory_space<hbm>> -> memref<32x8x128xf32, #tpu.memory_space<hbm>>
          %dma_wait3A_264 = arith.constant 0 : i32
          %dma_wait3A_265 = arith.constant 0 : i32
          %dma_wait3A_266 = arith.constant 0 : i32
          %dma_wait3A_267 = tpu.memref_slice %arg7[%dma_wait3A_246, %dma_wait3A_264, %dma_wait3A_265, %dma_wait3A_266] : memref<2x32x8x128xf32, #tpu.memory_space<vmem>> -> memref<1x32x8x128xf32, #tpu.memory_space<vmem>>
          %dma_wait3A_268 = tpu.memref_squeeze %dma_wait3A_267 : memref<1x32x8x128xf32, #tpu.memory_space<vmem>> -> memref<32x8x128xf32, #tpu.memory_space<vmem>>
          tpu.wait_dma2 semaphore(%arg9 : memref<!tpu.dma_semaphore, #tpu.memory_space<semaphore_mem>>) src(%dma_wait3A_268 : memref<32x8x128xf32, #tpu.memory_space<vmem>>) dst(%dma_wait3A_263 : memref<32x8x128xf32, #tpu.memory_space<hbm>>)
        } else {
        }
      } else {
      }
      %mul3A_212 = arith.constant 32 : i32
      %mul3A_213 = arith.muli %mul3A_212, %select_n3A_172 : i32
      %add3A_214 = arith.addi %add3A, %mul3A_213 : i32
      %min3A_215 = arith.constant 124 : i32
      %min3A_216 = arith.minsi %add3A_214, %min3A_215 : i32
      %add3A_217 = vector.broadcast %select_n3A_172 : i32 to vector<16xi32>
      %add3A_218 = arith.addi %mul3A_3, %add3A_217 : vector<16xi32>
      %parallel_loop3A = arith.constant 0 : i32
      %parallel_loop3A_219 = arith.constant 32 : i32
      %parallel_loop3A_220 = arith.constant 1 : i32
      scf.for %parallel_loop3A_236 = %parallel_loop3A to %parallel_loop3A_219 step %parallel_loop3A_220  : i32 {
        %parallel_loop3A_237 = arith.constant 128 : i32
        %parallel_loop3A_238 = arith.muli %parallel_loop3A_236, %parallel_loop3A_237 : i32
        %parallel_loop3A_239 = arith.constant 0 : i32
        %parallel_loop3A_240 = arith.addi %parallel_loop3A_238, %parallel_loop3A_239 : i32
        %parallel_loop3A_241 = arith.index_cast %select_n3A_204 : i32 to index
        %parallel_loop3A_242 = arith.index_cast %parallel_loop3A_240 : i32 to index
        %parallel_loop3A_243 = tpu.vector_load %arg6[%parallel_loop3A_241, %parallel_loop3A_242] {strides = array<i32>} : memref<2x4096xi32, #tpu.memory_space<vmem>>, vector<16xi32>,
        %parallel_loop3A_244 = arith.constant 0 : i32
        %parallel_loop3A_245 = vector.broadcast %parallel_loop3A_244 : i32 to vector<16xi32>
        %parallel_loop3A_246 = arith.addi %mul3A_3, %parallel_loop3A_245 : vector<16xi32>
        %parallel_loop3A_247 = tpu.vector_load_idx %arg5[%add3A_218, %parallel_loop3A_246, %parallel_loop3A_243] : memref<4x8x1000xf32, #tpu.memory_space<vmem>>[vector<16xi32>, vector<16xi32>, vector<16xi32>], vector<16xf32>,
        %parallel_loop3A_248 = arith.constant 0 : i32
        %parallel_loop3A_249 = arith.index_cast %select_n3A_188 : i32 to index
        %parallel_loop3A_250 = arith.index_cast %parallel_loop3A_236 : i32 to index
        %parallel_loop3A_251 = arith.index_cast %parallel_loop3A_248 : i32 to index
        %parallel_loop3A_252 = arith.constant 0 : index
        %parallel_loop3A_253 = tpu.vector_load %arg7[%parallel_loop3A_249, %parallel_loop3A_250, %parallel_loop3A_251, %parallel_loop3A_252] {strides = array<i32>} : memref<2x32x8x128xf32, #tpu.memory_space<vmem>>, vector<16xf32>,
        tpu.vector_store %arg7[%parallel_loop3A_249, %parallel_loop3A_250, %parallel_loop3A_251, %parallel_loop3A_252], %parallel_loop3A_247 {strides = array<i32>} : memref<2x32x8x128xf32, #tpu.memory_space<vmem>>, vector<16xf32>,
        %parallel_loop3A_254 = arith.constant 1 : i32
        %parallel_loop3A_255 = vector.broadcast %parallel_loop3A_254 : i32 to vector<16xi32>
        %parallel_loop3A_256 = arith.addi %mul3A_3, %parallel_loop3A_255 : vector<16xi32>
        %parallel_loop3A_257 = tpu.vector_load_idx %arg5[%add3A_218, %parallel_loop3A_256, %parallel_loop3A_243] : memref<4x8x1000xf32, #tpu.memory_space<vmem>>[vector<16xi32>, vector<16xi32>, vector<16xi32>], vector<16xf32>,
        %parallel_loop3A_258 = arith.constant 1 : i32
        %parallel_loop3A_259 = arith.index_cast %select_n3A_188 : i32 to index
        %parallel_loop3A_260 = arith.index_cast %parallel_loop3A_236 : i32 to index
        %parallel_loop3A_261 = arith.index_cast %parallel_loop3A_258 : i32 to index
        %parallel_loop3A_262 = arith.constant 0 : index
        %parallel_loop3A_263 = tpu.vector_load %arg7[%parallel_loop3A_259, %parallel_loop3A_260, %parallel_loop3A_261, %parallel_loop3A_262] {strides = array<i32>} : memref<2x32x8x128xf32, #tpu.memory_space<vmem>>, vector<16xf32>,
        tpu.vector_store %arg7[%parallel_loop3A_259, %parallel_loop3A_260, %parallel_loop3A_261, %parallel_loop3A_262], %parallel_loop3A_257 {strides = array<i32>} : memref<2x32x8x128xf32, #tpu.memory_space<vmem>>, vector<16xf32>,
        %parallel_loop3A_264 = arith.constant 2 : i32
        %parallel_loop3A_265 = vector.broadcast %parallel_loop3A_264 : i32 to vector<16xi32>
        %parallel_loop3A_266 = arith.addi %mul3A_3, %parallel_loop3A_265 : vector<16xi32>
        %parallel_loop3A_267 = tpu.vector_load_idx %arg5[%add3A_218, %parallel_loop3A_266, %parallel_loop3A_243] : memref<4x8x1000xf32, #tpu.memory_space<vmem>>[vector<16xi32>, vector<16xi32>, vector<16xi32>], vector<16xf32>,
        %parallel_loop3A_268 = arith.constant 2 : i32
        %parallel_loop3A_269 = arith.index_cast %select_n3A_188 : i32 to index
        %parallel_loop3A_270 = arith.index_cast %parallel_loop3A_236 : i32 to index
        %parallel_loop3A_271 = arith.index_cast %parallel_loop3A_268 : i32 to index
        %parallel_loop3A_272 = arith.constant 0 : index
        %parallel_loop3A_273 = tpu.vector_load %arg7[%parallel_loop3A_269, %parallel_loop3A_270, %parallel_loop3A_271, %parallel_loop3A_272] {strides = array<i32>} : memref<2x32x8x128xf32, #tpu.memory_space<vmem>>, vector<16xf32>,
        tpu.vector_store %arg7[%parallel_loop3A_269, %parallel_loop3A_270, %parallel_loop3A_271, %parallel_loop3A_272], %parallel_loop3A_267 {strides = array<i32>} : memref<2x32x8x128xf32, #tpu.memory_space<vmem>>, vector<16xf32>,
        %parallel_loop3A_274 = arith.constant 3 : i32
        %parallel_loop3A_275 = vector.broadcast %parallel_loop3A_274 : i32 to vector<16xi32>
        %parallel_loop3A_276 = arith.addi %mul3A_3, %parallel_loop3A_275 : vector<16xi32>
        %parallel_loop3A_277 = tpu.vector_load_idx %arg5[%add3A_218, %parallel_loop3A_276, %parallel_loop3A_243] : memref<4x8x1000xf32, #tpu.memory_space<vmem>>[vector<16xi32>, vector<16xi32>, vector<16xi32>], vector<16xf32>,
        %parallel_loop3A_278 = arith.constant 3 : i32
        %parallel_loop3A_279 = arith.index_cast %select_n3A_188 : i32 to index
        %parallel_loop3A_280 = arith.index_cast %parallel_loop3A_236 : i32 to index
        %parallel_loop3A_281 = arith.index_cast %parallel_loop3A_278 : i32 to index
        %parallel_loop3A_282 = arith.constant 0 : index
        %parallel_loop3A_283 = tpu.vector_load %arg7[%parallel_loop3A_279, %parallel_loop3A_280, %parallel_loop3A_281, %parallel_loop3A_282] {strides = array<i32>} : memref<2x32x8x128xf32, #tpu.memory_space<vmem>>, vector<16xf32>,
        tpu.vector_store %arg7[%parallel_loop3A_279, %parallel_loop3A_280, %parallel_loop3A_281, %parallel_loop3A_282], %parallel_loop3A_277 {strides = array<i32>} : memref<2x32x8x128xf32, #tpu.memory_space<vmem>>, vector<16xf32>,
        %parallel_loop3A_284 = arith.constant 4 : i32
        %parallel_loop3A_285 = vector.broadcast %parallel_loop3A_284 : i32 to vector<16xi32>
        %parallel_loop3A_286 = arith.addi %mul3A_3, %parallel_loop3A_285 : vector<16xi32>
        %parallel_loop3A_287 = tpu.vector_load_idx %arg5[%add3A_218, %parallel_loop3A_286, %parallel_loop3A_243] : memref<4x8x1000xf32, #tpu.memory_space<vmem>>[vector<16xi32>, vector<16xi32>, vector<16xi32>], vector<16xf32>,
        %parallel_loop3A_288 = arith.constant 4 : i32
        %parallel_loop3A_289 = arith.index_cast %select_n3A_188 : i32 to index
        %parallel_loop3A_290 = arith.index_cast %parallel_loop3A_236 : i32 to index
        %parallel_loop3A_291 = arith.index_cast %parallel_loop3A_288 : i32 to index
        %parallel_loop3A_292 = arith.constant 0 : index
        %parallel_loop3A_293 = tpu.vector_load %arg7[%parallel_loop3A_289, %parallel_loop3A_290, %parallel_loop3A_291, %parallel_loop3A_292] {strides = array<i32>} : memref<2x32x8x128xf32, #tpu.memory_space<vmem>>, vector<16xf32>,
        tpu.vector_store %arg7[%parallel_loop3A_289, %parallel_loop3A_290, %parallel_loop3A_291, %parallel_loop3A_292], %parallel_loop3A_287 {strides = array<i32>} : memref<2x32x8x128xf32, #tpu.memory_space<vmem>>, vector<16xf32>,
        %parallel_loop3A_294 = arith.constant 5 : i32
        %parallel_loop3A_295 = vector.broadcast %parallel_loop3A_294 : i32 to vector<16xi32>
        %parallel_loop3A_296 = arith.addi %mul3A_3, %parallel_loop3A_295 : vector<16xi32>
        %parallel_loop3A_297 = tpu.vector_load_idx %arg5[%add3A_218, %parallel_loop3A_296, %parallel_loop3A_243] : memref<4x8x1000xf32, #tpu.memory_space<vmem>>[vector<16xi32>, vector<16xi32>, vector<16xi32>], vector<16xf32>,
        %parallel_loop3A_298 = arith.constant 5 : i32
        %parallel_loop3A_299 = arith.index_cast %select_n3A_188 : i32 to index
        %parallel_loop3A_300 = arith.index_cast %parallel_loop3A_236 : i32 to index
        %parallel_loop3A_301 = arith.index_cast %parallel_loop3A_298 : i32 to index
        %parallel_loop3A_302 = arith.constant 0 : index
        %parallel_loop3A_303 = tpu.vector_load %arg7[%parallel_loop3A_299, %parallel_loop3A_300, %parallel_loop3A_301, %parallel_loop3A_302] {strides = array<i32>} : memref<2x32x8x128xf32, #tpu.memory_space<vmem>>, vector<16xf32>,
        tpu.vector_store %arg7[%parallel_loop3A_299, %parallel_loop3A_300, %parallel_loop3A_301, %parallel_loop3A_302], %parallel_loop3A_297 {strides = array<i32>} : memref<2x32x8x128xf32, #tpu.memory_space<vmem>>, vector<16xf32>,
        %parallel_loop3A_304 = arith.constant 6 : i32
        %parallel_loop3A_305 = vector.broadcast %parallel_loop3A_304 : i32 to vector<16xi32>
        %parallel_loop3A_306 = arith.addi %mul3A_3, %parallel_loop3A_305 : vector<16xi32>
        %parallel_loop3A_307 = tpu.vector_load_idx %arg5[%add3A_218, %parallel_loop3A_306, %parallel_loop3A_243] : memref<4x8x1000xf32, #tpu.memory_space<vmem>>[vector<16xi32>, vector<16xi32>, vector<16xi32>], vector<16xf32>,
        %parallel_loop3A_308 = arith.constant 6 : i32
        %parallel_loop3A_309 = arith.index_cast %select_n3A_188 : i32 to index
        %parallel_loop3A_310 = arith.index_cast %parallel_loop3A_236 : i32 to index
        %parallel_loop3A_311 = arith.index_cast %parallel_loop3A_308 : i32 to index
        %parallel_loop3A_312 = arith.constant 0 : index
        %parallel_loop3A_313 = tpu.vector_load %arg7[%parallel_loop3A_309, %parallel_loop3A_310, %parallel_loop3A_311, %parallel_loop3A_312] {strides = array<i32>} : memref<2x32x8x128xf32, #tpu.memory_space<vmem>>, vector<16xf32>,
        tpu.vector_store %arg7[%parallel_loop3A_309, %parallel_loop3A_310, %parallel_loop3A_311, %parallel_loop3A_312], %parallel_loop3A_307 {strides = array<i32>} : memref<2x32x8x128xf32, #tpu.memory_space<vmem>>, vector<16xf32>,
        %parallel_loop3A_314 = arith.constant 7 : i32
        %parallel_loop3A_315 = vector.broadcast %parallel_loop3A_314 : i32 to vector<16xi32>
        %parallel_loop3A_316 = arith.addi %mul3A_3, %parallel_loop3A_315 : vector<16xi32>
        %parallel_loop3A_317 = tpu.vector_load_idx %arg5[%add3A_218, %parallel_loop3A_316, %parallel_loop3A_243] : memref<4x8x1000xf32, #tpu.memory_space<vmem>>[vector<16xi32>, vector<16xi32>, vector<16xi32>], vector<16xf32>,
        %parallel_loop3A_318 = arith.constant 7 : i32
        %parallel_loop3A_319 = arith.index_cast %select_n3A_188 : i32 to index
        %parallel_loop3A_320 = arith.index_cast %parallel_loop3A_236 : i32 to index
        %parallel_loop3A_321 = arith.index_cast %parallel_loop3A_318 : i32 to index
        %parallel_loop3A_322 = arith.constant 0 : index
        %parallel_loop3A_323 = tpu.vector_load %arg7[%parallel_loop3A_319, %parallel_loop3A_320, %parallel_loop3A_321, %parallel_loop3A_322] {strides = array<i32>} : memref<2x32x8x128xf32, #tpu.memory_space<vmem>>, vector<16xf32>,
        tpu.vector_store %arg7[%parallel_loop3A_319, %parallel_loop3A_320, %parallel_loop3A_321, %parallel_loop3A_322], %parallel_loop3A_317 {strides = array<i32>} : memref<2x32x8x128xf32, #tpu.memory_space<vmem>>, vector<16xf32>,
        %parallel_loop3A_324 = arith.constant 128 : i32
        %parallel_loop3A_325 = arith.muli %parallel_loop3A_236, %parallel_loop3A_324 : i32
        %parallel_loop3A_326 = arith.constant 16 : i32
        %parallel_loop3A_327 = arith.addi %parallel_loop3A_325, %parallel_loop3A_326 : i32
        %parallel_loop3A_328 = arith.index_cast %select_n3A_204 : i32 to index
        %parallel_loop3A_329 = arith.index_cast %parallel_loop3A_327 : i32 to index
        %parallel_loop3A_330 = tpu.vector_load %arg6[%parallel_loop3A_328, %parallel_loop3A_329] {strides = array<i32>} : memref<2x4096xi32, #tpu.memory_space<vmem>>, vector<16xi32>,
        %parallel_loop3A_331 = arith.constant 0 : i32
        %parallel_loop3A_332 = vector.broadcast %parallel_loop3A_331 : i32 to vector<16xi32>
        %parallel_loop3A_333 = arith.addi %mul3A_3, %parallel_loop3A_332 : vector<16xi32>
        %parallel_loop3A_334 = tpu.vector_load_idx %arg5[%add3A_218, %parallel_loop3A_333, %parallel_loop3A_330] : memref<4x8x1000xf32, #tpu.memory_space<vmem>>[vector<16xi32>, vector<16xi32>, vector<16xi32>], vector<16xf32>,
        %parallel_loop3A_335 = arith.constant 0 : i32
        %parallel_loop3A_336 = arith.index_cast %select_n3A_188 : i32 to index
        %parallel_loop3A_337 = arith.index_cast %parallel_loop3A_236 : i32 to index
        %parallel_loop3A_338 = arith.index_cast %parallel_loop3A_335 : i32 to index
        %parallel_loop3A_339 = arith.constant 16 : index
        %parallel_loop3A_340 = tpu.vector_load %arg7[%parallel_loop3A_336, %parallel_loop3A_337, %parallel_loop3A_338, %parallel_loop3A_339] {strides = array<i32>} : memref<2x32x8x128xf32, #tpu.memory_space<vmem>>, vector<16xf32>,
        tpu.vector_store %arg7[%parallel_loop3A_336, %parallel_loop3A_337, %parallel_loop3A_338, %parallel_loop3A_339], %parallel_loop3A_334 {strides = array<i32>} : memref<2x32x8x128xf32, #tpu.memory_space<vmem>>, vector<16xf32>,
        %parallel_loop3A_341 = arith.constant 1 : i32
        %parallel_loop3A_342 = vector.broadcast %parallel_loop3A_341 : i32 to vector<16xi32>
        %parallel_loop3A_343 = arith.addi %mul3A_3, %parallel_loop3A_342 : vector<16xi32>
        %parallel_loop3A_344 = tpu.vector_load_idx %arg5[%add3A_218, %parallel_loop3A_343, %parallel_loop3A_330] : memref<4x8x1000xf32, #tpu.memory_space<vmem>>[vector<16xi32>, vector<16xi32>, vector<16xi32>], vector<16xf32>,
        %parallel_loop3A_345 = arith.constant 1 : i32
        %parallel_loop3A_346 = arith.index_cast %select_n3A_188 : i32 to index
        %parallel_loop3A_347 = arith.index_cast %parallel_loop3A_236 : i32 to index
        %parallel_loop3A_348 = arith.index_cast %parallel_loop3A_345 : i32 to index
        %parallel_loop3A_349 = arith.constant 16 : index
        %parallel_loop3A_350 = tpu.vector_load %arg7[%parallel_loop3A_346, %parallel_loop3A_347, %parallel_loop3A_348, %parallel_loop3A_349] {strides = array<i32>} : memref<2x32x8x128xf32, #tpu.memory_space<vmem>>, vector<16xf32>,
        tpu.vector_store %arg7[%parallel_loop3A_346, %parallel_loop3A_347, %parallel_loop3A_348, %parallel_loop3A_349], %parallel_loop3A_344 {strides = array<i32>} : memref<2x32x8x128xf32, #tpu.memory_space<vmem>>, vector<16xf32>,
        %parallel_loop3A_351 = arith.constant 2 : i32
        %parallel_loop3A_352 = vector.broadcast %parallel_loop3A_351 : i32 to vector<16xi32>
        %parallel_loop3A_353 = arith.addi %mul3A_3, %parallel_loop3A_352 : vector<16xi32>
        %parallel_loop3A_354 = tpu.vector_load_idx %arg5[%add3A_218, %parallel_loop3A_353, %parallel_loop3A_330] : memref<4x8x1000xf32, #tpu.memory_space<vmem>>[vector<16xi32>, vector<16xi32>, vector<16xi32>], vector<16xf32>,
        %parallel_loop3A_355 = arith.constant 2 : i32
        %parallel_loop3A_356 = arith.index_cast %select_n3A_188 : i32 to index
        %parallel_loop3A_357 = arith.index_cast %parallel_loop3A_236 : i32 to index
        %parallel_loop3A_358 = arith.index_cast %parallel_loop3A_355 : i32 to index
        %parallel_loop3A_359 = arith.constant 16 : index
        %parallel_loop3A_360 = tpu.vector_load %arg7[%parallel_loop3A_356, %parallel_loop3A_357, %parallel_loop3A_358, %parallel_loop3A_359] {strides = array<i32>} : memref<2x32x8x128xf32, #tpu.memory_space<vmem>>, vector<16xf32>,
        tpu.vector_store %arg7[%parallel_loop3A_356, %parallel_loop3A_357, %parallel_loop3A_358, %parallel_loop3A_359], %parallel_loop3A_354 {strides = array<i32>} : memref<2x32x8x128xf32, #tpu.memory_space<vmem>>, vector<16xf32>,
        %parallel_loop3A_361 = arith.constant 3 : i32
        %parallel_loop3A_362 = vector.broadcast %parallel_loop3A_361 : i32 to vector<16xi32>
        %parallel_loop3A_363 = arith.addi %mul3A_3, %parallel_loop3A_362 : vector<16xi32>
        %parallel_loop3A_364 = tpu.vector_load_idx %arg5[%add3A_218, %parallel_loop3A_363, %parallel_loop3A_330] : memref<4x8x1000xf32, #tpu.memory_space<vmem>>[vector<16xi32>, vector<16xi32>, vector<16xi32>], vector<16xf32>,
        %parallel_loop3A_365 = arith.constant 3 : i32
        %parallel_loop3A_366 = arith.index_cast %select_n3A_188 : i32 to index
        %parallel_loop3A_367 = arith.index_cast %parallel_loop3A_236 : i32 to index
        %parallel_loop3A_368 = arith.index_cast %parallel_loop3A_365 : i32 to index
        %parallel_loop3A_369 = arith.constant 16 : index
        %parallel_loop3A_370 = tpu.vector_load %arg7[%parallel_loop3A_366, %parallel_loop3A_367, %parallel_loop3A_368, %parallel_loop3A_369] {strides = array<i32>} : memref<2x32x8x128xf32, #tpu.memory_space<vmem>>, vector<16xf32>,
        tpu.vector_store %arg7[%parallel_loop3A_366, %parallel_loop3A_367, %parallel_loop3A_368, %parallel_loop3A_369], %parallel_loop3A_364 {strides = array<i32>} : memref<2x32x8x128xf32, #tpu.memory_space<vmem>>, vector<16xf32>,
        %parallel_loop3A_371 = arith.constant 4 : i32
        %parallel_loop3A_372 = vector.broadcast %parallel_loop3A_371 : i32 to vector<16xi32>
        %parallel_loop3A_373 = arith.addi %mul3A_3, %parallel_loop3A_372 : vector<16xi32>
        %parallel_loop3A_374 = tpu.vector_load_idx %arg5[%add3A_218, %parallel_loop3A_373, %parallel_loop3A_330] : memref<4x8x1000xf32, #tpu.memory_space<vmem>>[vector<16xi32>, vector<16xi32>, vector<16xi32>], vector<16xf32>,
        %parallel_loop3A_375 = arith.constant 4 : i32
        %parallel_loop3A_376 = arith.index_cast %select_n3A_188 : i32 to index
        %parallel_loop3A_377 = arith.index_cast %parallel_loop3A_236 : i32 to index
        %parallel_loop3A_378 = arith.index_cast %parallel_loop3A_375 : i32 to index
        %parallel_loop3A_379 = arith.constant 16 : index
        %parallel_loop3A_380 = tpu.vector_load %arg7[%parallel_loop3A_376, %parallel_loop3A_377, %parallel_loop3A_378, %parallel_loop3A_379] {strides = array<i32>} : memref<2x32x8x128xf32, #tpu.memory_space<vmem>>, vector<16xf32>,
        tpu.vector_store %arg7[%parallel_loop3A_376, %parallel_loop3A_377, %parallel_loop3A_378, %parallel_loop3A_379], %parallel_loop3A_374 {strides = array<i32>} : memref<2x32x8x128xf32, #tpu.memory_space<vmem>>, vector<16xf32>,
        %parallel_loop3A_381 = arith.constant 5 : i32
        %parallel_loop3A_382 = vector.broadcast %parallel_loop3A_381 : i32 to vector<16xi32>
        %parallel_loop3A_383 = arith.addi %mul3A_3, %parallel_loop3A_382 : vector<16xi32>
        %parallel_loop3A_384 = tpu.vector_load_idx %arg5[%add3A_218, %parallel_loop3A_383, %parallel_loop3A_330] : memref<4x8x1000xf32, #tpu.memory_space<vmem>>[vector<16xi32>, vector<16xi32>, vector<16xi32>], vector<16xf32>,
        %parallel_loop3A_385 = arith.constant 5 : i32
        %parallel_loop3A_386 = arith.index_cast %select_n3A_188 : i32 to index
        %parallel_loop3A_387 = arith.index_cast %parallel_loop3A_236 : i32 to index
        %parallel_loop3A_388 = arith.index_cast %parallel_loop3A_385 : i32 to index
        %parallel_loop3A_389 = arith.constant 16 : index
        %parallel_loop3A_390 = tpu.vector_load %arg7[%parallel_loop3A_386, %parallel_loop3A_387, %parallel_loop3A_388, %parallel_loop3A_389] {strides = array<i32>} : memref<2x32x8x128xf32, #tpu.memory_space<vmem>>, vector<16xf32>,
        tpu.vector_store %arg7[%parallel_loop3A_386, %parallel_loop3A_387, %parallel_loop3A_388, %parallel_loop3A_389], %parallel_loop3A_384 {strides = array<i32>} : memref<2x32x8x128xf32, #tpu.memory_space<vmem>>, vector<16xf32>,
        %parallel_loop3A_391 = arith.constant 6 : i32
        %parallel_loop3A_392 = vector.broadcast %parallel_loop3A_391 : i32 to vector<16xi32>
        %parallel_loop3A_393 = arith.addi %mul3A_3, %parallel_loop3A_392 : vector<16xi32>
        %parallel_loop3A_394 = tpu.vector_load_idx %arg5[%add3A_218, %parallel_loop3A_393, %parallel_loop3A_330] : memref<4x8x1000xf32, #tpu.memory_space<vmem>>[vector<16xi32>, vector<16xi32>, vector<16xi32>], vector<16xf32>,
        %parallel_loop3A_395 = arith.constant 6 : i32
        %parallel_loop3A_396 = arith.index_cast %select_n3A_188 : i32 to index
        %parallel_loop3A_397 = arith.index_cast %parallel_loop3A_236 : i32 to index
        %parallel_loop3A_398 = arith.index_cast %parallel_loop3A_395 : i32 to index
        %parallel_loop3A_399 = arith.constant 16 : index
        %parallel_loop3A_400 = tpu.vector_load %arg7[%parallel_loop3A_396, %parallel_loop3A_397, %parallel_loop3A_398, %parallel_loop3A_399] {strides = array<i32>} : memref<2x32x8x128xf32, #tpu.memory_space<vmem>>, vector<16xf32>,
        tpu.vector_store %arg7[%parallel_loop3A_396, %parallel_loop3A_397, %parallel_loop3A_398, %parallel_loop3A_399], %parallel_loop3A_394 {strides = array<i32>} : memref<2x32x8x128xf32, #tpu.memory_space<vmem>>, vector<16xf32>,
        %parallel_loop3A_401 = arith.constant 7 : i32
        %parallel_loop3A_402 = vector.broadcast %parallel_loop3A_401 : i32 to vector<16xi32>
        %parallel_loop3A_403 = arith.addi %mul3A_3, %parallel_loop3A_402 : vector<16xi32>
        %parallel_loop3A_404 = tpu.vector_load_idx %arg5[%add3A_218, %parallel_loop3A_403, %parallel_loop3A_330] : memref<4x8x1000xf32, #tpu.memory_space<vmem>>[vector<16xi32>, vector<16xi32>, vector<16xi32>], vector<16xf32>,
        %parallel_loop3A_405 = arith.constant 7 : i32
        %parallel_loop3A_406 = arith.index_cast %select_n3A_188 : i32 to index
        %parallel_loop3A_407 = arith.index_cast %parallel_loop3A_236 : i32 to index
        %parallel_loop3A_408 = arith.index_cast %parallel_loop3A_405 : i32 to index
        %parallel_loop3A_409 = arith.constant 16 : index
        %parallel_loop3A_410 = tpu.vector_load %arg7[%parallel_loop3A_406, %parallel_loop3A_407, %parallel_loop3A_408, %parallel_loop3A_409] {strides = array<i32>} : memref<2x32x8x128xf32, #tpu.memory_space<vmem>>, vector<16xf32>,
        tpu.vector_store %arg7[%parallel_loop3A_406, %parallel_loop3A_407, %parallel_loop3A_408, %parallel_loop3A_409], %parallel_loop3A_404 {strides = array<i32>} : memref<2x32x8x128xf32, #tpu.memory_space<vmem>>, vector<16xf32>,
        %parallel_loop3A_411 = arith.constant 128 : i32
        %parallel_loop3A_412 = arith.muli %parallel_loop3A_236, %parallel_loop3A_411 : i32
        %parallel_loop3A_413 = arith.constant 32 : i32
        %parallel_loop3A_414 = arith.addi %parallel_loop3A_412, %parallel_loop3A_413 : i32
        %parallel_loop3A_415 = arith.index_cast %select_n3A_204 : i32 to index
        %parallel_loop3A_416 = arith.index_cast %parallel_loop3A_414 : i32 to index
        %parallel_loop3A_417 = tpu.vector_load %arg6[%parallel_loop3A_415, %parallel_loop3A_416] {strides = array<i32>} : memref<2x4096xi32, #tpu.memory_space<vmem>>, vector<16xi32>,
        %parallel_loop3A_418 = arith.constant 0 : i32
        %parallel_loop3A_419 = vector.broadcast %parallel_loop3A_418 : i32 to vector<16xi32>
        %parallel_loop3A_420 = arith.addi %mul3A_3, %parallel_loop3A_419 : vector<16xi32>
        %parallel_loop3A_421 = tpu.vector_load_idx %arg5[%add3A_218, %parallel_loop3A_420, %parallel_loop3A_417] : memref<4x8x1000xf32, #tpu.memory_space<vmem>>[vector<16xi32>, vector<16xi32>, vector<16xi32>], vector<16xf32>,
        %parallel_loop3A_422 = arith.constant 0 : i32
        %parallel_loop3A_423 = arith.index_cast %select_n3A_188 : i32 to index
        %parallel_loop3A_424 = arith.index_cast %parallel_loop3A_236 : i32 to index
        %parallel_loop3A_425 = arith.index_cast %parallel_loop3A_422 : i32 to index
        %parallel_loop3A_426 = arith.constant 32 : index
        %parallel_loop3A_427 = tpu.vector_load %arg7[%parallel_loop3A_423, %parallel_loop3A_424, %parallel_loop3A_425, %parallel_loop3A_426] {strides = array<i32>} : memref<2x32x8x128xf32, #tpu.memory_space<vmem>>, vector<16xf32>,
        tpu.vector_store %arg7[%parallel_loop3A_423, %parallel_loop3A_424, %parallel_loop3A_425, %parallel_loop3A_426], %parallel_loop3A_421 {strides = array<i32>} : memref<2x32x8x128xf32, #tpu.memory_space<vmem>>, vector<16xf32>,
        %parallel_loop3A_428 = arith.constant 1 : i32
        %parallel_loop3A_429 = vector.broadcast %parallel_loop3A_428 : i32 to vector<16xi32>
        %parallel_loop3A_430 = arith.addi %mul3A_3, %parallel_loop3A_429 : vector<16xi32>
        %parallel_loop3A_431 = tpu.vector_load_idx %arg5[%add3A_218, %parallel_loop3A_430, %parallel_loop3A_417] : memref<4x8x1000xf32, #tpu.memory_space<vmem>>[vector<16xi32>, vector<16xi32>, vector<16xi32>], vector<16xf32>,
        %parallel_loop3A_432 = arith.constant 1 : i32
        %parallel_loop3A_433 = arith.index_cast %select_n3A_188 : i32 to index
        %parallel_loop3A_434 = arith.index_cast %parallel_loop3A_236 : i32 to index
        %parallel_loop3A_435 = arith.index_cast %parallel_loop3A_432 : i32 to index
        %parallel_loop3A_436 = arith.constant 32 : index
        %parallel_loop3A_437 = tpu.vector_load %arg7[%parallel_loop3A_433, %parallel_loop3A_434, %parallel_loop3A_435, %parallel_loop3A_436] {strides = array<i32>} : memref<2x32x8x128xf32, #tpu.memory_space<vmem>>, vector<16xf32>,
        tpu.vector_store %arg7[%parallel_loop3A_433, %parallel_loop3A_434, %parallel_loop3A_435, %parallel_loop3A_436], %parallel_loop3A_431 {strides = array<i32>} : memref<2x32x8x128xf32, #tpu.memory_space<vmem>>, vector<16xf32>,
        %parallel_loop3A_438 = arith.constant 2 : i32
        %parallel_loop3A_439 = vector.broadcast %parallel_loop3A_438 : i32 to vector<16xi32>
        %parallel_loop3A_440 = arith.addi %mul3A_3, %parallel_loop3A_439 : vector<16xi32>
        %parallel_loop3A_441 = tpu.vector_load_idx %arg5[%add3A_218, %parallel_loop3A_440, %parallel_loop3A_417] : memref<4x8x1000xf32, #tpu.memory_space<vmem>>[vector<16xi32>, vector<16xi32>, vector<16xi32>], vector<16xf32>,
        %parallel_loop3A_442 = arith.constant 2 : i32
        %parallel_loop3A_443 = arith.index_cast %select_n3A_188 : i32 to index
        %parallel_loop3A_444 = arith.index_cast %parallel_loop3A_236 : i32 to index
        %parallel_loop3A_445 = arith.index_cast %parallel_loop3A_442 : i32 to index
        %parallel_loop3A_446 = arith.constant 32 : index
        %parallel_loop3A_447 = tpu.vector_load %arg7[%parallel_loop3A_443, %parallel_loop3A_444, %parallel_loop3A_445, %parallel_loop3A_446] {strides = array<i32>} : memref<2x32x8x128xf32, #tpu.memory_space<vmem>>, vector<16xf32>,
        tpu.vector_store %arg7[%parallel_loop3A_443, %parallel_loop3A_444, %parallel_loop3A_445, %parallel_loop3A_446], %parallel_loop3A_441 {strides = array<i32>} : memref<2x32x8x128xf32, #tpu.memory_space<vmem>>, vector<16xf32>,
        %parallel_loop3A_448 = arith.constant 3 : i32
        %parallel_loop3A_449 = vector.broadcast %parallel_loop3A_448 : i32 to vector<16xi32>
        %parallel_loop3A_450 = arith.addi %mul3A_3, %parallel_loop3A_449 : vector<16xi32>
        %parallel_loop3A_451 = tpu.vector_load_idx %arg5[%add3A_218, %parallel_loop3A_450, %parallel_loop3A_417] : memref<4x8x1000xf32, #tpu.memory_space<vmem>>[vector<16xi32>, vector<16xi32>, vector<16xi32>], vector<16xf32>,
        %parallel_loop3A_452 = arith.constant 3 : i32
        %parallel_loop3A_453 = arith.index_cast %select_n3A_188 : i32 to index
        %parallel_loop3A_454 = arith.index_cast %parallel_loop3A_236 : i32 to index
        %parallel_loop3A_455 = arith.index_cast %parallel_loop3A_452 : i32 to index
        %parallel_loop3A_456 = arith.constant 32 : index
        %parallel_loop3A_457 = tpu.vector_load %arg7[%parallel_loop3A_453, %parallel_loop3A_454, %parallel_loop3A_455, %parallel_loop3A_456] {strides = array<i32>} : memref<2x32x8x128xf32, #tpu.memory_space<vmem>>, vector<16xf32>,
        tpu.vector_store %arg7[%parallel_loop3A_453, %parallel_loop3A_454, %parallel_loop3A_455, %parallel_loop3A_456], %parallel_loop3A_451 {strides = array<i32>} : memref<2x32x8x128xf32, #tpu.memory_space<vmem>>, vector<16xf32>,
        %parallel_loop3A_458 = arith.constant 4 : i32
        %parallel_loop3A_459 = vector.broadcast %parallel_loop3A_458 : i32 to vector<16xi32>
        %parallel_loop3A_460 = arith.addi %mul3A_3, %parallel_loop3A_459 : vector<16xi32>
        %parallel_loop3A_461 = tpu.vector_load_idx %arg5[%add3A_218, %parallel_loop3A_460, %parallel_loop3A_417] : memref<4x8x1000xf32, #tpu.memory_space<vmem>>[vector<16xi32>, vector<16xi32>, vector<16xi32>], vector<16xf32>,
        %parallel_loop3A_462 = arith.constant 4 : i32
        %parallel_loop3A_463 = arith.index_cast %select_n3A_188 : i32 to index
        %parallel_loop3A_464 = arith.index_cast %parallel_loop3A_236 : i32 to index
        %parallel_loop3A_465 = arith.index_cast %parallel_loop3A_462 : i32 to index
        %parallel_loop3A_466 = arith.constant 32 : index
        %parallel_loop3A_467 = tpu.vector_load %arg7[%parallel_loop3A_463, %parallel_loop3A_464, %parallel_loop3A_465, %parallel_loop3A_466] {strides = array<i32>} : memref<2x32x8x128xf32, #tpu.memory_space<vmem>>, vector<16xf32>,
        tpu.vector_store %arg7[%parallel_loop3A_463, %parallel_loop3A_464, %parallel_loop3A_465, %parallel_loop3A_466], %parallel_loop3A_461 {strides = array<i32>} : memref<2x32x8x128xf32, #tpu.memory_space<vmem>>, vector<16xf32>,
        %parallel_loop3A_468 = arith.constant 5 : i32
        %parallel_loop3A_469 = vector.broadcast %parallel_loop3A_468 : i32 to vector<16xi32>
        %parallel_loop3A_470 = arith.addi %mul3A_3, %parallel_loop3A_469 : vector<16xi32>
        %parallel_loop3A_471 = tpu.vector_load_idx %arg5[%add3A_218, %parallel_loop3A_470, %parallel_loop3A_417] : memref<4x8x1000xf32, #tpu.memory_space<vmem>>[vector<16xi32>, vector<16xi32>, vector<16xi32>], vector<16xf32>,
        %parallel_loop3A_472 = arith.constant 5 : i32
        %parallel_loop3A_473 = arith.index_cast %select_n3A_188 : i32 to index
        %parallel_loop3A_474 = arith.index_cast %parallel_loop3A_236 : i32 to index
        %parallel_loop3A_475 = arith.index_cast %parallel_loop3A_472 : i32 to index
        %parallel_loop3A_476 = arith.constant 32 : index
        %parallel_loop3A_477 = tpu.vector_load %arg7[%parallel_loop3A_473, %parallel_loop3A_474, %parallel_loop3A_475, %parallel_loop3A_476] {strides = array<i32>} : memref<2x32x8x128xf32, #tpu.memory_space<vmem>>, vector<16xf32>,
        tpu.vector_store %arg7[%parallel_loop3A_473, %parallel_loop3A_474, %parallel_loop3A_475, %parallel_loop3A_476], %parallel_loop3A_471 {strides = array<i32>} : memref<2x32x8x128xf32, #tpu.memory_space<vmem>>, vector<16xf32>,
        %parallel_loop3A_478 = arith.constant 6 : i32
        %parallel_loop3A_479 = vector.broadcast %parallel_loop3A_478 : i32 to vector<16xi32>
        %parallel_loop3A_480 = arith.addi %mul3A_3, %parallel_loop3A_479 : vector<16xi32>
        %parallel_loop3A_481 = tpu.vector_load_idx %arg5[%add3A_218, %parallel_loop3A_480, %parallel_loop3A_417] : memref<4x8x1000xf32, #tpu.memory_space<vmem>>[vector<16xi32>, vector<16xi32>, vector<16xi32>], vector<16xf32>,
        %parallel_loop3A_482 = arith.constant 6 : i32
        %parallel_loop3A_483 = arith.index_cast %select_n3A_188 : i32 to index
        %parallel_loop3A_484 = arith.index_cast %parallel_loop3A_236 : i32 to index
        %parallel_loop3A_485 = arith.index_cast %parallel_loop3A_482 : i32 to index
        %parallel_loop3A_486 = arith.constant 32 : index
        %parallel_loop3A_487 = tpu.vector_load %arg7[%parallel_loop3A_483, %parallel_loop3A_484, %parallel_loop3A_485, %parallel_loop3A_486] {strides = array<i32>} : memref<2x32x8x128xf32, #tpu.memory_space<vmem>>, vector<16xf32>,
        tpu.vector_store %arg7[%parallel_loop3A_483, %parallel_loop3A_484, %parallel_loop3A_485, %parallel_loop3A_486], %parallel_loop3A_481 {strides = array<i32>} : memref<2x32x8x128xf32, #tpu.memory_space<vmem>>, vector<16xf32>,
        %parallel_loop3A_488 = arith.constant 7 : i32
        %parallel_loop3A_489 = vector.broadcast %parallel_loop3A_488 : i32 to vector<16xi32>
        %parallel_loop3A_490 = arith.addi %mul3A_3, %parallel_loop3A_489 : vector<16xi32>
        %parallel_loop3A_491 = tpu.vector_load_idx %arg5[%add3A_218, %parallel_loop3A_490, %parallel_loop3A_417] : memref<4x8x1000xf32, #tpu.memory_space<vmem>>[vector<16xi32>, vector<16xi32>, vector<16xi32>], vector<16xf32>,
        %parallel_loop3A_492 = arith.constant 7 : i32
        %parallel_loop3A_493 = arith.index_cast %select_n3A_188 : i32 to index
        %parallel_loop3A_494 = arith.index_cast %parallel_loop3A_236 : i32 to index
        %parallel_loop3A_495 = arith.index_cast %parallel_loop3A_492 : i32 to index
        %parallel_loop3A_496 = arith.constant 32 : index
        %parallel_loop3A_497 = tpu.vector_load %arg7[%parallel_loop3A_493, %parallel_loop3A_494, %parallel_loop3A_495, %parallel_loop3A_496] {strides = array<i32>} : memref<2x32x8x128xf32, #tpu.memory_space<vmem>>, vector<16xf32>,
        tpu.vector_store %arg7[%parallel_loop3A_493, %parallel_loop3A_494, %parallel_loop3A_495, %parallel_loop3A_496], %parallel_loop3A_491 {strides = array<i32>} : memref<2x32x8x128xf32, #tpu.memory_space<vmem>>, vector<16xf32>,
        %parallel_loop3A_498 = arith.constant 128 : i32
        %parallel_loop3A_499 = arith.muli %parallel_loop3A_236, %parallel_loop3A_498 : i32
        %parallel_loop3A_500 = arith.constant 48 : i32
        %parallel_loop3A_501 = arith.addi %parallel_loop3A_499, %parallel_loop3A_500 : i32
        %parallel_loop3A_502 = arith.index_cast %select_n3A_204 : i32 to index
        %parallel_loop3A_503 = arith.index_cast %parallel_loop3A_501 : i32 to index
        %parallel_loop3A_504 = tpu.vector_load %arg6[%parallel_loop3A_502, %parallel_loop3A_503] {strides = array<i32>} : memref<2x4096xi32, #tpu.memory_space<vmem>>, vector<16xi32>,
        %parallel_loop3A_505 = arith.constant 0 : i32
        %parallel_loop3A_506 = vector.broadcast %parallel_loop3A_505 : i32 to vector<16xi32>
        %parallel_loop3A_507 = arith.addi %mul3A_3, %parallel_loop3A_506 : vector<16xi32>
        %parallel_loop3A_508 = tpu.vector_load_idx %arg5[%add3A_218, %parallel_loop3A_507, %parallel_loop3A_504] : memref<4x8x1000xf32, #tpu.memory_space<vmem>>[vector<16xi32>, vector<16xi32>, vector<16xi32>], vector<16xf32>,
        %parallel_loop3A_509 = arith.constant 0 : i32
        %parallel_loop3A_510 = arith.index_cast %select_n3A_188 : i32 to index
        %parallel_loop3A_511 = arith.index_cast %parallel_loop3A_236 : i32 to index
        %parallel_loop3A_512 = arith.index_cast %parallel_loop3A_509 : i32 to index
        %parallel_loop3A_513 = arith.constant 48 : index
        %parallel_loop3A_514 = tpu.vector_load %arg7[%parallel_loop3A_510, %parallel_loop3A_511, %parallel_loop3A_512, %parallel_loop3A_513] {strides = array<i32>} : memref<2x32x8x128xf32, #tpu.memory_space<vmem>>, vector<16xf32>,
        tpu.vector_store %arg7[%parallel_loop3A_510, %parallel_loop3A_511, %parallel_loop3A_512, %parallel_loop3A_513], %parallel_loop3A_508 {strides = array<i32>} : memref<2x32x8x128xf32, #tpu.memory_space<vmem>>, vector<16xf32>,
        %parallel_loop3A_515 = arith.constant 1 : i32
        %parallel_loop3A_516 = vector.broadcast %parallel_loop3A_515 : i32 to vector<16xi32>
        %parallel_loop3A_517 = arith.addi %mul3A_3, %parallel_loop3A_516 : vector<16xi32>
        %parallel_loop3A_518 = tpu.vector_load_idx %arg5[%add3A_218, %parallel_loop3A_517, %parallel_loop3A_504] : memref<4x8x1000xf32, #tpu.memory_space<vmem>>[vector<16xi32>, vector<16xi32>, vector<16xi32>], vector<16xf32>,
        %parallel_loop3A_519 = arith.constant 1 : i32
        %parallel_loop3A_520 = arith.index_cast %select_n3A_188 : i32 to index
        %parallel_loop3A_521 = arith.index_cast %parallel_loop3A_236 : i32 to index
        %parallel_loop3A_522 = arith.index_cast %parallel_loop3A_519 : i32 to index
        %parallel_loop3A_523 = arith.constant 48 : index
        %parallel_loop3A_524 = tpu.vector_load %arg7[%parallel_loop3A_520, %parallel_loop3A_521, %parallel_loop3A_522, %parallel_loop3A_523] {strides = array<i32>} : memref<2x32x8x128xf32, #tpu.memory_space<vmem>>, vector<16xf32>,
        tpu.vector_store %arg7[%parallel_loop3A_520, %parallel_loop3A_521, %parallel_loop3A_522, %parallel_loop3A_523], %parallel_loop3A_518 {strides = array<i32>} : memref<2x32x8x128xf32, #tpu.memory_space<vmem>>, vector<16xf32>,
        %parallel_loop3A_525 = arith.constant 2 : i32
        %parallel_loop3A_526 = vector.broadcast %parallel_loop3A_525 : i32 to vector<16xi32>
        %parallel_loop3A_527 = arith.addi %mul3A_3, %parallel_loop3A_526 : vector<16xi32>
        %parallel_loop3A_528 = tpu.vector_load_idx %arg5[%add3A_218, %parallel_loop3A_527, %parallel_loop3A_504] : memref<4x8x1000xf32, #tpu.memory_space<vmem>>[vector<16xi32>, vector<16xi32>, vector<16xi32>], vector<16xf32>,
        %parallel_loop3A_529 = arith.constant 2 : i32
        %parallel_loop3A_530 = arith.index_cast %select_n3A_188 : i32 to index
        %parallel_loop3A_531 = arith.index_cast %parallel_loop3A_236 : i32 to index
        %parallel_loop3A_532 = arith.index_cast %parallel_loop3A_529 : i32 to index
        %parallel_loop3A_533 = arith.constant 48 : index
        %parallel_loop3A_534 = tpu.vector_load %arg7[%parallel_loop3A_530, %parallel_loop3A_531, %parallel_loop3A_532, %parallel_loop3A_533] {strides = array<i32>} : memref<2x32x8x128xf32, #tpu.memory_space<vmem>>, vector<16xf32>,
        tpu.vector_store %arg7[%parallel_loop3A_530, %parallel_loop3A_531, %parallel_loop3A_532, %parallel_loop3A_533], %parallel_loop3A_528 {strides = array<i32>} : memref<2x32x8x128xf32, #tpu.memory_space<vmem>>, vector<16xf32>,
        %parallel_loop3A_535 = arith.constant 3 : i32
        %parallel_loop3A_536 = vector.broadcast %parallel_loop3A_535 : i32 to vector<16xi32>
        %parallel_loop3A_537 = arith.addi %mul3A_3, %parallel_loop3A_536 : vector<16xi32>
        %parallel_loop3A_538 = tpu.vector_load_idx %arg5[%add3A_218, %parallel_loop3A_537, %parallel_loop3A_504] : memref<4x8x1000xf32, #tpu.memory_space<vmem>>[vector<16xi32>, vector<16xi32>, vector<16xi32>], vector<16xf32>,
        %parallel_loop3A_539 = arith.constant 3 : i32
        %parallel_loop3A_540 = arith.index_cast %select_n3A_188 : i32 to index
        %parallel_loop3A_541 = arith.index_cast %parallel_loop3A_236 : i32 to index
        %parallel_loop3A_542 = arith.index_cast %parallel_loop3A_539 : i32 to index
        %parallel_loop3A_543 = arith.constant 48 : index
        %parallel_loop3A_544 = tpu.vector_load %arg7[%parallel_loop3A_540, %parallel_loop3A_541, %parallel_loop3A_542, %parallel_loop3A_543] {strides = array<i32>} : memref<2x32x8x128xf32, #tpu.memory_space<vmem>>, vector<16xf32>,
        tpu.vector_store %arg7[%parallel_loop3A_540, %parallel_loop3A_541, %parallel_loop3A_542, %parallel_loop3A_543], %parallel_loop3A_538 {strides = array<i32>} : memref<2x32x8x128xf32, #tpu.memory_space<vmem>>, vector<16xf32>,
        %parallel_loop3A_545 = arith.constant 4 : i32
        %parallel_loop3A_546 = vector.broadcast %parallel_loop3A_545 : i32 to vector<16xi32>
        %parallel_loop3A_547 = arith.addi %mul3A_3, %parallel_loop3A_546 : vector<16xi32>
        %parallel_loop3A_548 = tpu.vector_load_idx %arg5[%add3A_218, %parallel_loop3A_547, %parallel_loop3A_504] : memref<4x8x1000xf32, #tpu.memory_space<vmem>>[vector<16xi32>, vector<16xi32>, vector<16xi32>], vector<16xf32>,
        %parallel_loop3A_549 = arith.constant 4 : i32
        %parallel_loop3A_550 = arith.index_cast %select_n3A_188 : i32 to index
        %parallel_loop3A_551 = arith.index_cast %parallel_loop3A_236 : i32 to index
        %parallel_loop3A_552 = arith.index_cast %parallel_loop3A_549 : i32 to index
        %parallel_loop3A_553 = arith.constant 48 : index
        %parallel_loop3A_554 = tpu.vector_load %arg7[%parallel_loop3A_550, %parallel_loop3A_551, %parallel_loop3A_552, %parallel_loop3A_553] {strides = array<i32>} : memref<2x32x8x128xf32, #tpu.memory_space<vmem>>, vector<16xf32>,
        tpu.vector_store %arg7[%parallel_loop3A_550, %parallel_loop3A_551, %parallel_loop3A_552, %parallel_loop3A_553], %parallel_loop3A_548 {strides = array<i32>} : memref<2x32x8x128xf32, #tpu.memory_space<vmem>>, vector<16xf32>,
        %parallel_loop3A_555 = arith.constant 5 : i32
        %parallel_loop3A_556 = vector.broadcast %parallel_loop3A_555 : i32 to vector<16xi32>
        %parallel_loop3A_557 = arith.addi %mul3A_3, %parallel_loop3A_556 : vector<16xi32>
        %parallel_loop3A_558 = tpu.vector_load_idx %arg5[%add3A_218, %parallel_loop3A_557, %parallel_loop3A_504] : memref<4x8x1000xf32, #tpu.memory_space<vmem>>[vector<16xi32>, vector<16xi32>, vector<16xi32>], vector<16xf32>,
        %parallel_loop3A_559 = arith.constant 5 : i32
        %parallel_loop3A_560 = arith.index_cast %select_n3A_188 : i32 to index
        %parallel_loop3A_561 = arith.index_cast %parallel_loop3A_236 : i32 to index
        %parallel_loop3A_562 = arith.index_cast %parallel_loop3A_559 : i32 to index
        %parallel_loop3A_563 = arith.constant 48 : index
        %parallel_loop3A_564 = tpu.vector_load %arg7[%parallel_loop3A_560, %parallel_loop3A_561, %parallel_loop3A_562, %parallel_loop3A_563] {strides = array<i32>} : memref<2x32x8x128xf32, #tpu.memory_space<vmem>>, vector<16xf32>,
        tpu.vector_store %arg7[%parallel_loop3A_560, %parallel_loop3A_561, %parallel_loop3A_562, %parallel_loop3A_563], %parallel_loop3A_558 {strides = array<i32>} : memref<2x32x8x128xf32, #tpu.memory_space<vmem>>, vector<16xf32>,
        %parallel_loop3A_565 = arith.constant 6 : i32
        %parallel_loop3A_566 = vector.broadcast %parallel_loop3A_565 : i32 to vector<16xi32>
        %parallel_loop3A_567 = arith.addi %mul3A_3, %parallel_loop3A_566 : vector<16xi32>
        %parallel_loop3A_568 = tpu.vector_load_idx %arg5[%add3A_218, %parallel_loop3A_567, %parallel_loop3A_504] : memref<4x8x1000xf32, #tpu.memory_space<vmem>>[vector<16xi32>, vector<16xi32>, vector<16xi32>], vector<16xf32>,
        %parallel_loop3A_569 = arith.constant 6 : i32
        %parallel_loop3A_570 = arith.index_cast %select_n3A_188 : i32 to index
        %parallel_loop3A_571 = arith.index_cast %parallel_loop3A_236 : i32 to index
        %parallel_loop3A_572 = arith.index_cast %parallel_loop3A_569 : i32 to index
        %parallel_loop3A_573 = arith.constant 48 : index
        %parallel_loop3A_574 = tpu.vector_load %arg7[%parallel_loop3A_570, %parallel_loop3A_571, %parallel_loop3A_572, %parallel_loop3A_573] {strides = array<i32>} : memref<2x32x8x128xf32, #tpu.memory_space<vmem>>, vector<16xf32>,
        tpu.vector_store %arg7[%parallel_loop3A_570, %parallel_loop3A_571, %parallel_loop3A_572, %parallel_loop3A_573], %parallel_loop3A_568 {strides = array<i32>} : memref<2x32x8x128xf32, #tpu.memory_space<vmem>>, vector<16xf32>,
        %parallel_loop3A_575 = arith.constant 7 : i32
        %parallel_loop3A_576 = vector.broadcast %parallel_loop3A_575 : i32 to vector<16xi32>
        %parallel_loop3A_577 = arith.addi %mul3A_3, %parallel_loop3A_576 : vector<16xi32>
        %parallel_loop3A_578 = tpu.vector_load_idx %arg5[%add3A_218, %parallel_loop3A_577, %parallel_loop3A_504] : memref<4x8x1000xf32, #tpu.memory_space<vmem>>[vector<16xi32>, vector<16xi32>, vector<16xi32>], vector<16xf32>,
        %parallel_loop3A_579 = arith.constant 7 : i32
        %parallel_loop3A_580 = arith.index_cast %select_n3A_188 : i32 to index
        %parallel_loop3A_581 = arith.index_cast %parallel_loop3A_236 : i32 to index
        %parallel_loop3A_582 = arith.index_cast %parallel_loop3A_579 : i32 to index
        %parallel_loop3A_583 = arith.constant 48 : index
        %parallel_loop3A_584 = tpu.vector_load %arg7[%parallel_loop3A_580, %parallel_loop3A_581, %parallel_loop3A_582, %parallel_loop3A_583] {strides = array<i32>} : memref<2x32x8x128xf32, #tpu.memory_space<vmem>>, vector<16xf32>,
        tpu.vector_store %arg7[%parallel_loop3A_580, %parallel_loop3A_581, %parallel_loop3A_582, %parallel_loop3A_583], %parallel_loop3A_578 {strides = array<i32>} : memref<2x32x8x128xf32, #tpu.memory_space<vmem>>, vector<16xf32>,
        %parallel_loop3A_585 = arith.constant 128 : i32
        %parallel_loop3A_586 = arith.muli %parallel_loop3A_236, %parallel_loop3A_585 : i32
        %parallel_loop3A_587 = arith.constant 64 : i32
        %parallel_loop3A_588 = arith.addi %parallel_loop3A_586, %parallel_loop3A_587 : i32
        %parallel_loop3A_589 = arith.index_cast %select_n3A_204 : i32 to index
        %parallel_loop3A_590 = arith.index_cast %parallel_loop3A_588 : i32 to index
        %parallel_loop3A_591 = tpu.vector_load %arg6[%parallel_loop3A_589, %parallel_loop3A_590] {strides = array<i32>} : memref<2x4096xi32, #tpu.memory_space<vmem>>, vector<16xi32>,
        %parallel_loop3A_592 = arith.constant 0 : i32
        %parallel_loop3A_593 = vector.broadcast %parallel_loop3A_592 : i32 to vector<16xi32>
        %parallel_loop3A_594 = arith.addi %mul3A_3, %parallel_loop3A_593 : vector<16xi32>
        %parallel_loop3A_595 = tpu.vector_load_idx %arg5[%add3A_218, %parallel_loop3A_594, %parallel_loop3A_591] : memref<4x8x1000xf32, #tpu.memory_space<vmem>>[vector<16xi32>, vector<16xi32>, vector<16xi32>], vector<16xf32>,
        %parallel_loop3A_596 = arith.constant 0 : i32
        %parallel_loop3A_597 = arith.index_cast %select_n3A_188 : i32 to index
        %parallel_loop3A_598 = arith.index_cast %parallel_loop3A_236 : i32 to index
        %parallel_loop3A_599 = arith.index_cast %parallel_loop3A_596 : i32 to index
        %parallel_loop3A_600 = arith.constant 64 : index
        %parallel_loop3A_601 = tpu.vector_load %arg7[%parallel_loop3A_597, %parallel_loop3A_598, %parallel_loop3A_599, %parallel_loop3A_600] {strides = array<i32>} : memref<2x32x8x128xf32, #tpu.memory_space<vmem>>, vector<16xf32>,
        tpu.vector_store %arg7[%parallel_loop3A_597, %parallel_loop3A_598, %parallel_loop3A_599, %parallel_loop3A_600], %parallel_loop3A_595 {strides = array<i32>} : memref<2x32x8x128xf32, #tpu.memory_space<vmem>>, vector<16xf32>,
        %parallel_loop3A_602 = arith.constant 1 : i32
        %parallel_loop3A_603 = vector.broadcast %parallel_loop3A_602 : i32 to vector<16xi32>
        %parallel_loop3A_604 = arith.addi %mul3A_3, %parallel_loop3A_603 : vector<16xi32>
        %parallel_loop3A_605 = tpu.vector_load_idx %arg5[%add3A_218, %parallel_loop3A_604, %parallel_loop3A_591] : memref<4x8x1000xf32, #tpu.memory_space<vmem>>[vector<16xi32>, vector<16xi32>, vector<16xi32>], vector<16xf32>,
        %parallel_loop3A_606 = arith.constant 1 : i32
        %parallel_loop3A_607 = arith.index_cast %select_n3A_188 : i32 to index
        %parallel_loop3A_608 = arith.index_cast %parallel_loop3A_236 : i32 to index
        %parallel_loop3A_609 = arith.index_cast %parallel_loop3A_606 : i32 to index
        %parallel_loop3A_610 = arith.constant 64 : index
        %parallel_loop3A_611 = tpu.vector_load %arg7[%parallel_loop3A_607, %parallel_loop3A_608, %parallel_loop3A_609, %parallel_loop3A_610] {strides = array<i32>} : memref<2x32x8x128xf32, #tpu.memory_space<vmem>>, vector<16xf32>,
        tpu.vector_store %arg7[%parallel_loop3A_607, %parallel_loop3A_608, %parallel_loop3A_609, %parallel_loop3A_610], %parallel_loop3A_605 {strides = array<i32>} : memref<2x32x8x128xf32, #tpu.memory_space<vmem>>, vector<16xf32>,
        %parallel_loop3A_612 = arith.constant 2 : i32
        %parallel_loop3A_613 = vector.broadcast %parallel_loop3A_612 : i32 to vector<16xi32>
        %parallel_loop3A_614 = arith.addi %mul3A_3, %parallel_loop3A_613 : vector<16xi32>
        %parallel_loop3A_615 = tpu.vector_load_idx %arg5[%add3A_218, %parallel_loop3A_614, %parallel_loop3A_591] : memref<4x8x1000xf32, #tpu.memory_space<vmem>>[vector<16xi32>, vector<16xi32>, vector<16xi32>], vector<16xf32>,
        %parallel_loop3A_616 = arith.constant 2 : i32
        %parallel_loop3A_617 = arith.index_cast %select_n3A_188 : i32 to index
        %parallel_loop3A_618 = arith.index_cast %parallel_loop3A_236 : i32 to index
        %parallel_loop3A_619 = arith.index_cast %parallel_loop3A_616 : i32 to index
        %parallel_loop3A_620 = arith.constant 64 : index
        %parallel_loop3A_621 = tpu.vector_load %arg7[%parallel_loop3A_617, %parallel_loop3A_618, %parallel_loop3A_619, %parallel_loop3A_620] {strides = array<i32>} : memref<2x32x8x128xf32, #tpu.memory_space<vmem>>, vector<16xf32>,
        tpu.vector_store %arg7[%parallel_loop3A_617, %parallel_loop3A_618, %parallel_loop3A_619, %parallel_loop3A_620], %parallel_loop3A_615 {strides = array<i32>} : memref<2x32x8x128xf32, #tpu.memory_space<vmem>>, vector<16xf32>,
        %parallel_loop3A_622 = arith.constant 3 : i32
        %parallel_loop3A_623 = vector.broadcast %parallel_loop3A_622 : i32 to vector<16xi32>
        %parallel_loop3A_624 = arith.addi %mul3A_3, %parallel_loop3A_623 : vector<16xi32>
        %parallel_loop3A_625 = tpu.vector_load_idx %arg5[%add3A_218, %parallel_loop3A_624, %parallel_loop3A_591] : memref<4x8x1000xf32, #tpu.memory_space<vmem>>[vector<16xi32>, vector<16xi32>, vector<16xi32>], vector<16xf32>,
        %parallel_loop3A_626 = arith.constant 3 : i32
        %parallel_loop3A_627 = arith.index_cast %select_n3A_188 : i32 to index
        %parallel_loop3A_628 = arith.index_cast %parallel_loop3A_236 : i32 to index
        %parallel_loop3A_629 = arith.index_cast %parallel_loop3A_626 : i32 to index
        %parallel_loop3A_630 = arith.constant 64 : index
        %parallel_loop3A_631 = tpu.vector_load %arg7[%parallel_loop3A_627, %parallel_loop3A_628, %parallel_loop3A_629, %parallel_loop3A_630] {strides = array<i32>} : memref<2x32x8x128xf32, #tpu.memory_space<vmem>>, vector<16xf32>,
        tpu.vector_store %arg7[%parallel_loop3A_627, %parallel_loop3A_628, %parallel_loop3A_629, %parallel_loop3A_630], %parallel_loop3A_625 {strides = array<i32>} : memref<2x32x8x128xf32, #tpu.memory_space<vmem>>, vector<16xf32>,
        %parallel_loop3A_632 = arith.constant 4 : i32
        %parallel_loop3A_633 = vector.broadcast %parallel_loop3A_632 : i32 to vector<16xi32>
        %parallel_loop3A_634 = arith.addi %mul3A_3, %parallel_loop3A_633 : vector<16xi32>
        %parallel_loop3A_635 = tpu.vector_load_idx %arg5[%add3A_218, %parallel_loop3A_634, %parallel_loop3A_591] : memref<4x8x1000xf32, #tpu.memory_space<vmem>>[vector<16xi32>, vector<16xi32>, vector<16xi32>], vector<16xf32>,
        %parallel_loop3A_636 = arith.constant 4 : i32
        %parallel_loop3A_637 = arith.index_cast %select_n3A_188 : i32 to index
        %parallel_loop3A_638 = arith.index_cast %parallel_loop3A_236 : i32 to index
        %parallel_loop3A_639 = arith.index_cast %parallel_loop3A_636 : i32 to index
        %parallel_loop3A_640 = arith.constant 64 : index
        %parallel_loop3A_641 = tpu.vector_load %arg7[%parallel_loop3A_637, %parallel_loop3A_638, %parallel_loop3A_639, %parallel_loop3A_640] {strides = array<i32>} : memref<2x32x8x128xf32, #tpu.memory_space<vmem>>, vector<16xf32>,
        tpu.vector_store %arg7[%parallel_loop3A_637, %parallel_loop3A_638, %parallel_loop3A_639, %parallel_loop3A_640], %parallel_loop3A_635 {strides = array<i32>} : memref<2x32x8x128xf32, #tpu.memory_space<vmem>>, vector<16xf32>,
        %parallel_loop3A_642 = arith.constant 5 : i32
        %parallel_loop3A_643 = vector.broadcast %parallel_loop3A_642 : i32 to vector<16xi32>
        %parallel_loop3A_644 = arith.addi %mul3A_3, %parallel_loop3A_643 : vector<16xi32>
        %parallel_loop3A_645 = tpu.vector_load_idx %arg5[%add3A_218, %parallel_loop3A_644, %parallel_loop3A_591] : memref<4x8x1000xf32, #tpu.memory_space<vmem>>[vector<16xi32>, vector<16xi32>, vector<16xi32>], vector<16xf32>,
        %parallel_loop3A_646 = arith.constant 5 : i32
        %parallel_loop3A_647 = arith.index_cast %select_n3A_188 : i32 to index
        %parallel_loop3A_648 = arith.index_cast %parallel_loop3A_236 : i32 to index
        %parallel_loop3A_649 = arith.index_cast %parallel_loop3A_646 : i32 to index
        %parallel_loop3A_650 = arith.constant 64 : index
        %parallel_loop3A_651 = tpu.vector_load %arg7[%parallel_loop3A_647, %parallel_loop3A_648, %parallel_loop3A_649, %parallel_loop3A_650] {strides = array<i32>} : memref<2x32x8x128xf32, #tpu.memory_space<vmem>>, vector<16xf32>,
        tpu.vector_store %arg7[%parallel_loop3A_647, %parallel_loop3A_648, %parallel_loop3A_649, %parallel_loop3A_650], %parallel_loop3A_645 {strides = array<i32>} : memref<2x32x8x128xf32, #tpu.memory_space<vmem>>, vector<16xf32>,
        %parallel_loop3A_652 = arith.constant 6 : i32
        %parallel_loop3A_653 = vector.broadcast %parallel_loop3A_652 : i32 to vector<16xi32>
        %parallel_loop3A_654 = arith.addi %mul3A_3, %parallel_loop3A_653 : vector<16xi32>
        %parallel_loop3A_655 = tpu.vector_load_idx %arg5[%add3A_218, %parallel_loop3A_654, %parallel_loop3A_591] : memref<4x8x1000xf32, #tpu.memory_space<vmem>>[vector<16xi32>, vector<16xi32>, vector<16xi32>], vector<16xf32>,
        %parallel_loop3A_656 = arith.constant 6 : i32
        %parallel_loop3A_657 = arith.index_cast %select_n3A_188 : i32 to index
        %parallel_loop3A_658 = arith.index_cast %parallel_loop3A_236 : i32 to index
        %parallel_loop3A_659 = arith.index_cast %parallel_loop3A_656 : i32 to index
        %parallel_loop3A_660 = arith.constant 64 : index
        %parallel_loop3A_661 = tpu.vector_load %arg7[%parallel_loop3A_657, %parallel_loop3A_658, %parallel_loop3A_659, %parallel_loop3A_660] {strides = array<i32>} : memref<2x32x8x128xf32, #tpu.memory_space<vmem>>, vector<16xf32>,
        tpu.vector_store %arg7[%parallel_loop3A_657, %parallel_loop3A_658, %parallel_loop3A_659, %parallel_loop3A_660], %parallel_loop3A_655 {strides = array<i32>} : memref<2x32x8x128xf32, #tpu.memory_space<vmem>>, vector<16xf32>,
        %parallel_loop3A_662 = arith.constant 7 : i32
        %parallel_loop3A_663 = vector.broadcast %parallel_loop3A_662 : i32 to vector<16xi32>
        %parallel_loop3A_664 = arith.addi %mul3A_3, %parallel_loop3A_663 : vector<16xi32>
        %parallel_loop3A_665 = tpu.vector_load_idx %arg5[%add3A_218, %parallel_loop3A_664, %parallel_loop3A_591] : memref<4x8x1000xf32, #tpu.memory_space<vmem>>[vector<16xi32>, vector<16xi32>, vector<16xi32>], vector<16xf32>,
        %parallel_loop3A_666 = arith.constant 7 : i32
        %parallel_loop3A_667 = arith.index_cast %select_n3A_188 : i32 to index
        %parallel_loop3A_668 = arith.index_cast %parallel_loop3A_236 : i32 to index
        %parallel_loop3A_669 = arith.index_cast %parallel_loop3A_666 : i32 to index
        %parallel_loop3A_670 = arith.constant 64 : index
        %parallel_loop3A_671 = tpu.vector_load %arg7[%parallel_loop3A_667, %parallel_loop3A_668, %parallel_loop3A_669, %parallel_loop3A_670] {strides = array<i32>} : memref<2x32x8x128xf32, #tpu.memory_space<vmem>>, vector<16xf32>,
        tpu.vector_store %arg7[%parallel_loop3A_667, %parallel_loop3A_668, %parallel_loop3A_669, %parallel_loop3A_670], %parallel_loop3A_665 {strides = array<i32>} : memref<2x32x8x128xf32, #tpu.memory_space<vmem>>, vector<16xf32>,
        %parallel_loop3A_672 = arith.constant 128 : i32
        %parallel_loop3A_673 = arith.muli %parallel_loop3A_236, %parallel_loop3A_672 : i32
        %parallel_loop3A_674 = arith.constant 80 : i32
        %parallel_loop3A_675 = arith.addi %parallel_loop3A_673, %parallel_loop3A_674 : i32
        %parallel_loop3A_676 = arith.index_cast %select_n3A_204 : i32 to index
        %parallel_loop3A_677 = arith.index_cast %parallel_loop3A_675 : i32 to index
        %parallel_loop3A_678 = tpu.vector_load %arg6[%parallel_loop3A_676, %parallel_loop3A_677] {strides = array<i32>} : memref<2x4096xi32, #tpu.memory_space<vmem>>, vector<16xi32>,
        %parallel_loop3A_679 = arith.constant 0 : i32
        %parallel_loop3A_680 = vector.broadcast %parallel_loop3A_679 : i32 to vector<16xi32>
        %parallel_loop3A_681 = arith.addi %mul3A_3, %parallel_loop3A_680 : vector<16xi32>
        %parallel_loop3A_682 = tpu.vector_load_idx %arg5[%add3A_218, %parallel_loop3A_681, %parallel_loop3A_678] : memref<4x8x1000xf32, #tpu.memory_space<vmem>>[vector<16xi32>, vector<16xi32>, vector<16xi32>], vector<16xf32>,
        %parallel_loop3A_683 = arith.constant 0 : i32
        %parallel_loop3A_684 = arith.index_cast %select_n3A_188 : i32 to index
        %parallel_loop3A_685 = arith.index_cast %parallel_loop3A_236 : i32 to index
        %parallel_loop3A_686 = arith.index_cast %parallel_loop3A_683 : i32 to index
        %parallel_loop3A_687 = arith.constant 80 : index
        %parallel_loop3A_688 = tpu.vector_load %arg7[%parallel_loop3A_684, %parallel_loop3A_685, %parallel_loop3A_686, %parallel_loop3A_687] {strides = array<i32>} : memref<2x32x8x128xf32, #tpu.memory_space<vmem>>, vector<16xf32>,
        tpu.vector_store %arg7[%parallel_loop3A_684, %parallel_loop3A_685, %parallel_loop3A_686, %parallel_loop3A_687], %parallel_loop3A_682 {strides = array<i32>} : memref<2x32x8x128xf32, #tpu.memory_space<vmem>>, vector<16xf32>,
        %parallel_loop3A_689 = arith.constant 1 : i32
        %parallel_loop3A_690 = vector.broadcast %parallel_loop3A_689 : i32 to vector<16xi32>
        %parallel_loop3A_691 = arith.addi %mul3A_3, %parallel_loop3A_690 : vector<16xi32>
        %parallel_loop3A_692 = tpu.vector_load_idx %arg5[%add3A_218, %parallel_loop3A_691, %parallel_loop3A_678] : memref<4x8x1000xf32, #tpu.memory_space<vmem>>[vector<16xi32>, vector<16xi32>, vector<16xi32>], vector<16xf32>,
        %parallel_loop3A_693 = arith.constant 1 : i32
        %parallel_loop3A_694 = arith.index_cast %select_n3A_188 : i32 to index
        %parallel_loop3A_695 = arith.index_cast %parallel_loop3A_236 : i32 to index
        %parallel_loop3A_696 = arith.index_cast %parallel_loop3A_693 : i32 to index
        %parallel_loop3A_697 = arith.constant 80 : index
        %parallel_loop3A_698 = tpu.vector_load %arg7[%parallel_loop3A_694, %parallel_loop3A_695, %parallel_loop3A_696, %parallel_loop3A_697] {strides = array<i32>} : memref<2x32x8x128xf32, #tpu.memory_space<vmem>>, vector<16xf32>,
        tpu.vector_store %arg7[%parallel_loop3A_694, %parallel_loop3A_695, %parallel_loop3A_696, %parallel_loop3A_697], %parallel_loop3A_692 {strides = array<i32>} : memref<2x32x8x128xf32, #tpu.memory_space<vmem>>, vector<16xf32>,
        %parallel_loop3A_699 = arith.constant 2 : i32
        %parallel_loop3A_700 = vector.broadcast %parallel_loop3A_699 : i32 to vector<16xi32>
        %parallel_loop3A_701 = arith.addi %mul3A_3, %parallel_loop3A_700 : vector<16xi32>
        %parallel_loop3A_702 = tpu.vector_load_idx %arg5[%add3A_218, %parallel_loop3A_701, %parallel_loop3A_678] : memref<4x8x1000xf32, #tpu.memory_space<vmem>>[vector<16xi32>, vector<16xi32>, vector<16xi32>], vector<16xf32>,
        %parallel_loop3A_703 = arith.constant 2 : i32
        %parallel_loop3A_704 = arith.index_cast %select_n3A_188 : i32 to index
        %parallel_loop3A_705 = arith.index_cast %parallel_loop3A_236 : i32 to index
        %parallel_loop3A_706 = arith.index_cast %parallel_loop3A_703 : i32 to index
        %parallel_loop3A_707 = arith.constant 80 : index
        %parallel_loop3A_708 = tpu.vector_load %arg7[%parallel_loop3A_704, %parallel_loop3A_705, %parallel_loop3A_706, %parallel_loop3A_707] {strides = array<i32>} : memref<2x32x8x128xf32, #tpu.memory_space<vmem>>, vector<16xf32>,
        tpu.vector_store %arg7[%parallel_loop3A_704, %parallel_loop3A_705, %parallel_loop3A_706, %parallel_loop3A_707], %parallel_loop3A_702 {strides = array<i32>} : memref<2x32x8x128xf32, #tpu.memory_space<vmem>>, vector<16xf32>,
        %parallel_loop3A_709 = arith.constant 3 : i32
        %parallel_loop3A_710 = vector.broadcast %parallel_loop3A_709 : i32 to vector<16xi32>
        %parallel_loop3A_711 = arith.addi %mul3A_3, %parallel_loop3A_710 : vector<16xi32>
        %parallel_loop3A_712 = tpu.vector_load_idx %arg5[%add3A_218, %parallel_loop3A_711, %parallel_loop3A_678] : memref<4x8x1000xf32, #tpu.memory_space<vmem>>[vector<16xi32>, vector<16xi32>, vector<16xi32>], vector<16xf32>,
        %parallel_loop3A_713 = arith.constant 3 : i32
        %parallel_loop3A_714 = arith.index_cast %select_n3A_188 : i32 to index
        %parallel_loop3A_715 = arith.index_cast %parallel_loop3A_236 : i32 to index
        %parallel_loop3A_716 = arith.index_cast %parallel_loop3A_713 : i32 to index
        %parallel_loop3A_717 = arith.constant 80 : index
        %parallel_loop3A_718 = tpu.vector_load %arg7[%parallel_loop3A_714, %parallel_loop3A_715, %parallel_loop3A_716, %parallel_loop3A_717] {strides = array<i32>} : memref<2x32x8x128xf32, #tpu.memory_space<vmem>>, vector<16xf32>,
        tpu.vector_store %arg7[%parallel_loop3A_714, %parallel_loop3A_715, %parallel_loop3A_716, %parallel_loop3A_717], %parallel_loop3A_712 {strides = array<i32>} : memref<2x32x8x128xf32, #tpu.memory_space<vmem>>, vector<16xf32>,
        %parallel_loop3A_719 = arith.constant 4 : i32
        %parallel_loop3A_720 = vector.broadcast %parallel_loop3A_719 : i32 to vector<16xi32>
        %parallel_loop3A_721 = arith.addi %mul3A_3, %parallel_loop3A_720 : vector<16xi32>
        %parallel_loop3A_722 = tpu.vector_load_idx %arg5[%add3A_218, %parallel_loop3A_721, %parallel_loop3A_678] : memref<4x8x1000xf32, #tpu.memory_space<vmem>>[vector<16xi32>, vector<16xi32>, vector<16xi32>], vector<16xf32>,
        %parallel_loop3A_723 = arith.constant 4 : i32
        %parallel_loop3A_724 = arith.index_cast %select_n3A_188 : i32 to index
        %parallel_loop3A_725 = arith.index_cast %parallel_loop3A_236 : i32 to index
        %parallel_loop3A_726 = arith.index_cast %parallel_loop3A_723 : i32 to index
        %parallel_loop3A_727 = arith.constant 80 : index
        %parallel_loop3A_728 = tpu.vector_load %arg7[%parallel_loop3A_724, %parallel_loop3A_725, %parallel_loop3A_726, %parallel_loop3A_727] {strides = array<i32>} : memref<2x32x8x128xf32, #tpu.memory_space<vmem>>, vector<16xf32>,
        tpu.vector_store %arg7[%parallel_loop3A_724, %parallel_loop3A_725, %parallel_loop3A_726, %parallel_loop3A_727], %parallel_loop3A_722 {strides = array<i32>} : memref<2x32x8x128xf32, #tpu.memory_space<vmem>>, vector<16xf32>,
        %parallel_loop3A_729 = arith.constant 5 : i32
        %parallel_loop3A_730 = vector.broadcast %parallel_loop3A_729 : i32 to vector<16xi32>
        %parallel_loop3A_731 = arith.addi %mul3A_3, %parallel_loop3A_730 : vector<16xi32>
        %parallel_loop3A_732 = tpu.vector_load_idx %arg5[%add3A_218, %parallel_loop3A_731, %parallel_loop3A_678] : memref<4x8x1000xf32, #tpu.memory_space<vmem>>[vector<16xi32>, vector<16xi32>, vector<16xi32>], vector<16xf32>,
        %parallel_loop3A_733 = arith.constant 5 : i32
        %parallel_loop3A_734 = arith.index_cast %select_n3A_188 : i32 to index
        %parallel_loop3A_735 = arith.index_cast %parallel_loop3A_236 : i32 to index
        %parallel_loop3A_736 = arith.index_cast %parallel_loop3A_733 : i32 to index
        %parallel_loop3A_737 = arith.constant 80 : index
        %parallel_loop3A_738 = tpu.vector_load %arg7[%parallel_loop3A_734, %parallel_loop3A_735, %parallel_loop3A_736, %parallel_loop3A_737] {strides = array<i32>} : memref<2x32x8x128xf32, #tpu.memory_space<vmem>>, vector<16xf32>,
        tpu.vector_store %arg7[%parallel_loop3A_734, %parallel_loop3A_735, %parallel_loop3A_736, %parallel_loop3A_737], %parallel_loop3A_732 {strides = array<i32>} : memref<2x32x8x128xf32, #tpu.memory_space<vmem>>, vector<16xf32>,
        %parallel_loop3A_739 = arith.constant 6 : i32
        %parallel_loop3A_740 = vector.broadcast %parallel_loop3A_739 : i32 to vector<16xi32>
        %parallel_loop3A_741 = arith.addi %mul3A_3, %parallel_loop3A_740 : vector<16xi32>
        %parallel_loop3A_742 = tpu.vector_load_idx %arg5[%add3A_218, %parallel_loop3A_741, %parallel_loop3A_678] : memref<4x8x1000xf32, #tpu.memory_space<vmem>>[vector<16xi32>, vector<16xi32>, vector<16xi32>], vector<16xf32>,
        %parallel_loop3A_743 = arith.constant 6 : i32
        %parallel_loop3A_744 = arith.index_cast %select_n3A_188 : i32 to index
        %parallel_loop3A_745 = arith.index_cast %parallel_loop3A_236 : i32 to index
        %parallel_loop3A_746 = arith.index_cast %parallel_loop3A_743 : i32 to index
        %parallel_loop3A_747 = arith.constant 80 : index
        %parallel_loop3A_748 = tpu.vector_load %arg7[%parallel_loop3A_744, %parallel_loop3A_745, %parallel_loop3A_746, %parallel_loop3A_747] {strides = array<i32>} : memref<2x32x8x128xf32, #tpu.memory_space<vmem>>, vector<16xf32>,
        tpu.vector_store %arg7[%parallel_loop3A_744, %parallel_loop3A_745, %parallel_loop3A_746, %parallel_loop3A_747], %parallel_loop3A_742 {strides = array<i32>} : memref<2x32x8x128xf32, #tpu.memory_space<vmem>>, vector<16xf32>,
        %parallel_loop3A_749 = arith.constant 7 : i32
        %parallel_loop3A_750 = vector.broadcast %parallel_loop3A_749 : i32 to vector<16xi32>
        %parallel_loop3A_751 = arith.addi %mul3A_3, %parallel_loop3A_750 : vector<16xi32>
        %parallel_loop3A_752 = tpu.vector_load_idx %arg5[%add3A_218, %parallel_loop3A_751, %parallel_loop3A_678] : memref<4x8x1000xf32, #tpu.memory_space<vmem>>[vector<16xi32>, vector<16xi32>, vector<16xi32>], vector<16xf32>,
        %parallel_loop3A_753 = arith.constant 7 : i32
        %parallel_loop3A_754 = arith.index_cast %select_n3A_188 : i32 to index
        %parallel_loop3A_755 = arith.index_cast %parallel_loop3A_236 : i32 to index
        %parallel_loop3A_756 = arith.index_cast %parallel_loop3A_753 : i32 to index
        %parallel_loop3A_757 = arith.constant 80 : index
        %parallel_loop3A_758 = tpu.vector_load %arg7[%parallel_loop3A_754, %parallel_loop3A_755, %parallel_loop3A_756, %parallel_loop3A_757] {strides = array<i32>} : memref<2x32x8x128xf32, #tpu.memory_space<vmem>>, vector<16xf32>,
        tpu.vector_store %arg7[%parallel_loop3A_754, %parallel_loop3A_755, %parallel_loop3A_756, %parallel_loop3A_757], %parallel_loop3A_752 {strides = array<i32>} : memref<2x32x8x128xf32, #tpu.memory_space<vmem>>, vector<16xf32>,
        %parallel_loop3A_759 = arith.constant 128 : i32
        %parallel_loop3A_760 = arith.muli %parallel_loop3A_236, %parallel_loop3A_759 : i32
        %parallel_loop3A_761 = arith.constant 96 : i32
        %parallel_loop3A_762 = arith.addi %parallel_loop3A_760, %parallel_loop3A_761 : i32
        %parallel_loop3A_763 = arith.index_cast %select_n3A_204 : i32 to index
        %parallel_loop3A_764 = arith.index_cast %parallel_loop3A_762 : i32 to index
        %parallel_loop3A_765 = tpu.vector_load %arg6[%parallel_loop3A_763, %parallel_loop3A_764] {strides = array<i32>} : memref<2x4096xi32, #tpu.memory_space<vmem>>, vector<16xi32>,
        %parallel_loop3A_766 = arith.constant 0 : i32
        %parallel_loop3A_767 = vector.broadcast %parallel_loop3A_766 : i32 to vector<16xi32>
        %parallel_loop3A_768 = arith.addi %mul3A_3, %parallel_loop3A_767 : vector<16xi32>
        %parallel_loop3A_769 = tpu.vector_load_idx %arg5[%add3A_218, %parallel_loop3A_768, %parallel_loop3A_765] : memref<4x8x1000xf32, #tpu.memory_space<vmem>>[vector<16xi32>, vector<16xi32>, vector<16xi32>], vector<16xf32>,
        %parallel_loop3A_770 = arith.constant 0 : i32
        %parallel_loop3A_771 = arith.index_cast %select_n3A_188 : i32 to index
        %parallel_loop3A_772 = arith.index_cast %parallel_loop3A_236 : i32 to index
        %parallel_loop3A_773 = arith.index_cast %parallel_loop3A_770 : i32 to index
        %parallel_loop3A_774 = arith.constant 96 : index
        %parallel_loop3A_775 = tpu.vector_load %arg7[%parallel_loop3A_771, %parallel_loop3A_772, %parallel_loop3A_773, %parallel_loop3A_774] {strides = array<i32>} : memref<2x32x8x128xf32, #tpu.memory_space<vmem>>, vector<16xf32>,
        tpu.vector_store %arg7[%parallel_loop3A_771, %parallel_loop3A_772, %parallel_loop3A_773, %parallel_loop3A_774], %parallel_loop3A_769 {strides = array<i32>} : memref<2x32x8x128xf32, #tpu.memory_space<vmem>>, vector<16xf32>,
        %parallel_loop3A_776 = arith.constant 1 : i32
        %parallel_loop3A_777 = vector.broadcast %parallel_loop3A_776 : i32 to vector<16xi32>
        %parallel_loop3A_778 = arith.addi %mul3A_3, %parallel_loop3A_777 : vector<16xi32>
        %parallel_loop3A_779 = tpu.vector_load_idx %arg5[%add3A_218, %parallel_loop3A_778, %parallel_loop3A_765] : memref<4x8x1000xf32, #tpu.memory_space<vmem>>[vector<16xi32>, vector<16xi32>, vector<16xi32>], vector<16xf32>,
        %parallel_loop3A_780 = arith.constant 1 : i32
        %parallel_loop3A_781 = arith.index_cast %select_n3A_188 : i32 to index
        %parallel_loop3A_782 = arith.index_cast %parallel_loop3A_236 : i32 to index
        %parallel_loop3A_783 = arith.index_cast %parallel_loop3A_780 : i32 to index
        %parallel_loop3A_784 = arith.constant 96 : index
        %parallel_loop3A_785 = tpu.vector_load %arg7[%parallel_loop3A_781, %parallel_loop3A_782, %parallel_loop3A_783, %parallel_loop3A_784] {strides = array<i32>} : memref<2x32x8x128xf32, #tpu.memory_space<vmem>>, vector<16xf32>,
        tpu.vector_store %arg7[%parallel_loop3A_781, %parallel_loop3A_782, %parallel_loop3A_783, %parallel_loop3A_784], %parallel_loop3A_779 {strides = array<i32>} : memref<2x32x8x128xf32, #tpu.memory_space<vmem>>, vector<16xf32>,
        %parallel_loop3A_786 = arith.constant 2 : i32
        %parallel_loop3A_787 = vector.broadcast %parallel_loop3A_786 : i32 to vector<16xi32>
        %parallel_loop3A_788 = arith.addi %mul3A_3, %parallel_loop3A_787 : vector<16xi32>
        %parallel_loop3A_789 = tpu.vector_load_idx %arg5[%add3A_218, %parallel_loop3A_788, %parallel_loop3A_765] : memref<4x8x1000xf32, #tpu.memory_space<vmem>>[vector<16xi32>, vector<16xi32>, vector<16xi32>], vector<16xf32>,
        %parallel_loop3A_790 = arith.constant 2 : i32
        %parallel_loop3A_791 = arith.index_cast %select_n3A_188 : i32 to index
        %parallel_loop3A_792 = arith.index_cast %parallel_loop3A_236 : i32 to index
        %parallel_loop3A_793 = arith.index_cast %parallel_loop3A_790 : i32 to index
        %parallel_loop3A_794 = arith.constant 96 : index
        %parallel_loop3A_795 = tpu.vector_load %arg7[%parallel_loop3A_791, %parallel_loop3A_792, %parallel_loop3A_793, %parallel_loop3A_794] {strides = array<i32>} : memref<2x32x8x128xf32, #tpu.memory_space<vmem>>, vector<16xf32>,
        tpu.vector_store %arg7[%parallel_loop3A_791, %parallel_loop3A_792, %parallel_loop3A_793, %parallel_loop3A_794], %parallel_loop3A_789 {strides = array<i32>} : memref<2x32x8x128xf32, #tpu.memory_space<vmem>>, vector<16xf32>,
        %parallel_loop3A_796 = arith.constant 3 : i32
        %parallel_loop3A_797 = vector.broadcast %parallel_loop3A_796 : i32 to vector<16xi32>
        %parallel_loop3A_798 = arith.addi %mul3A_3, %parallel_loop3A_797 : vector<16xi32>
        %parallel_loop3A_799 = tpu.vector_load_idx %arg5[%add3A_218, %parallel_loop3A_798, %parallel_loop3A_765] : memref<4x8x1000xf32, #tpu.memory_space<vmem>>[vector<16xi32>, vector<16xi32>, vector<16xi32>], vector<16xf32>,
        %parallel_loop3A_800 = arith.constant 3 : i32
        %parallel_loop3A_801 = arith.index_cast %select_n3A_188 : i32 to index
        %parallel_loop3A_802 = arith.index_cast %parallel_loop3A_236 : i32 to index
        %parallel_loop3A_803 = arith.index_cast %parallel_loop3A_800 : i32 to index
        %parallel_loop3A_804 = arith.constant 96 : index
        %parallel_loop3A_805 = tpu.vector_load %arg7[%parallel_loop3A_801, %parallel_loop3A_802, %parallel_loop3A_803, %parallel_loop3A_804] {strides = array<i32>} : memref<2x32x8x128xf32, #tpu.memory_space<vmem>>, vector<16xf32>,
        tpu.vector_store %arg7[%parallel_loop3A_801, %parallel_loop3A_802, %parallel_loop3A_803, %parallel_loop3A_804], %parallel_loop3A_799 {strides = array<i32>} : memref<2x32x8x128xf32, #tpu.memory_space<vmem>>, vector<16xf32>,
        %parallel_loop3A_806 = arith.constant 4 : i32
        %parallel_loop3A_807 = vector.broadcast %parallel_loop3A_806 : i32 to vector<16xi32>
        %parallel_loop3A_808 = arith.addi %mul3A_3, %parallel_loop3A_807 : vector<16xi32>
        %parallel_loop3A_809 = tpu.vector_load_idx %arg5[%add3A_218, %parallel_loop3A_808, %parallel_loop3A_765] : memref<4x8x1000xf32, #tpu.memory_space<vmem>>[vector<16xi32>, vector<16xi32>, vector<16xi32>], vector<16xf32>,
        %parallel_loop3A_810 = arith.constant 4 : i32
        %parallel_loop3A_811 = arith.index_cast %select_n3A_188 : i32 to index
        %parallel_loop3A_812 = arith.index_cast %parallel_loop3A_236 : i32 to index
        %parallel_loop3A_813 = arith.index_cast %parallel_loop3A_810 : i32 to index
        %parallel_loop3A_814 = arith.constant 96 : index
        %parallel_loop3A_815 = tpu.vector_load %arg7[%parallel_loop3A_811, %parallel_loop3A_812, %parallel_loop3A_813, %parallel_loop3A_814] {strides = array<i32>} : memref<2x32x8x128xf32, #tpu.memory_space<vmem>>, vector<16xf32>,
        tpu.vector_store %arg7[%parallel_loop3A_811, %parallel_loop3A_812, %parallel_loop3A_813, %parallel_loop3A_814], %parallel_loop3A_809 {strides = array<i32>} : memref<2x32x8x128xf32, #tpu.memory_space<vmem>>, vector<16xf32>,
        %parallel_loop3A_816 = arith.constant 5 : i32
        %parallel_loop3A_817 = vector.broadcast %parallel_loop3A_816 : i32 to vector<16xi32>
        %parallel_loop3A_818 = arith.addi %mul3A_3, %parallel_loop3A_817 : vector<16xi32>
        %parallel_loop3A_819 = tpu.vector_load_idx %arg5[%add3A_218, %parallel_loop3A_818, %parallel_loop3A_765] : memref<4x8x1000xf32, #tpu.memory_space<vmem>>[vector<16xi32>, vector<16xi32>, vector<16xi32>], vector<16xf32>,
        %parallel_loop3A_820 = arith.constant 5 : i32
        %parallel_loop3A_821 = arith.index_cast %select_n3A_188 : i32 to index
        %parallel_loop3A_822 = arith.index_cast %parallel_loop3A_236 : i32 to index
        %parallel_loop3A_823 = arith.index_cast %parallel_loop3A_820 : i32 to index
        %parallel_loop3A_824 = arith.constant 96 : index
        %parallel_loop3A_825 = tpu.vector_load %arg7[%parallel_loop3A_821, %parallel_loop3A_822, %parallel_loop3A_823, %parallel_loop3A_824] {strides = array<i32>} : memref<2x32x8x128xf32, #tpu.memory_space<vmem>>, vector<16xf32>,
        tpu.vector_store %arg7[%parallel_loop3A_821, %parallel_loop3A_822, %parallel_loop3A_823, %parallel_loop3A_824], %parallel_loop3A_819 {strides = array<i32>} : memref<2x32x8x128xf32, #tpu.memory_space<vmem>>, vector<16xf32>,
        %parallel_loop3A_826 = arith.constant 6 : i32
        %parallel_loop3A_827 = vector.broadcast %parallel_loop3A_826 : i32 to vector<16xi32>
        %parallel_loop3A_828 = arith.addi %mul3A_3, %parallel_loop3A_827 : vector<16xi32>
        %parallel_loop3A_829 = tpu.vector_load_idx %arg5[%add3A_218, %parallel_loop3A_828, %parallel_loop3A_765] : memref<4x8x1000xf32, #tpu.memory_space<vmem>>[vector<16xi32>, vector<16xi32>, vector<16xi32>], vector<16xf32>,
        %parallel_loop3A_830 = arith.constant 6 : i32
        %parallel_loop3A_831 = arith.index_cast %select_n3A_188 : i32 to index
        %parallel_loop3A_832 = arith.index_cast %parallel_loop3A_236 : i32 to index
        %parallel_loop3A_833 = arith.index_cast %parallel_loop3A_830 : i32 to index
        %parallel_loop3A_834 = arith.constant 96 : index
        %parallel_loop3A_835 = tpu.vector_load %arg7[%parallel_loop3A_831, %parallel_loop3A_832, %parallel_loop3A_833, %parallel_loop3A_834] {strides = array<i32>} : memref<2x32x8x128xf32, #tpu.memory_space<vmem>>, vector<16xf32>,
        tpu.vector_store %arg7[%parallel_loop3A_831, %parallel_loop3A_832, %parallel_loop3A_833, %parallel_loop3A_834], %parallel_loop3A_829 {strides = array<i32>} : memref<2x32x8x128xf32, #tpu.memory_space<vmem>>, vector<16xf32>,
        %parallel_loop3A_836 = arith.constant 7 : i32
        %parallel_loop3A_837 = vector.broadcast %parallel_loop3A_836 : i32 to vector<16xi32>
        %parallel_loop3A_838 = arith.addi %mul3A_3, %parallel_loop3A_837 : vector<16xi32>
        %parallel_loop3A_839 = tpu.vector_load_idx %arg5[%add3A_218, %parallel_loop3A_838, %parallel_loop3A_765] : memref<4x8x1000xf32, #tpu.memory_space<vmem>>[vector<16xi32>, vector<16xi32>, vector<16xi32>], vector<16xf32>,
        %parallel_loop3A_840 = arith.constant 7 : i32
        %parallel_loop3A_841 = arith.index_cast %select_n3A_188 : i32 to index
        %parallel_loop3A_842 = arith.index_cast %parallel_loop3A_236 : i32 to index
        %parallel_loop3A_843 = arith.index_cast %parallel_loop3A_840 : i32 to index
        %parallel_loop3A_844 = arith.constant 96 : index
        %parallel_loop3A_845 = tpu.vector_load %arg7[%parallel_loop3A_841, %parallel_loop3A_842, %parallel_loop3A_843, %parallel_loop3A_844] {strides = array<i32>} : memref<2x32x8x128xf32, #tpu.memory_space<vmem>>, vector<16xf32>,
        tpu.vector_store %arg7[%parallel_loop3A_841, %parallel_loop3A_842, %parallel_loop3A_843, %parallel_loop3A_844], %parallel_loop3A_839 {strides = array<i32>} : memref<2x32x8x128xf32, #tpu.memory_space<vmem>>, vector<16xf32>,
        %parallel_loop3A_846 = arith.constant 128 : i32
        %parallel_loop3A_847 = arith.muli %parallel_loop3A_236, %parallel_loop3A_846 : i32
        %parallel_loop3A_848 = arith.constant 112 : i32
        %parallel_loop3A_849 = arith.addi %parallel_loop3A_847, %parallel_loop3A_848 : i32
        %parallel_loop3A_850 = arith.index_cast %select_n3A_204 : i32 to index
        %parallel_loop3A_851 = arith.index_cast %parallel_loop3A_849 : i32 to index
        %parallel_loop3A_852 = tpu.vector_load %arg6[%parallel_loop3A_850, %parallel_loop3A_851] {strides = array<i32>} : memref<2x4096xi32, #tpu.memory_space<vmem>>, vector<16xi32>,
        %parallel_loop3A_853 = arith.constant 0 : i32
        %parallel_loop3A_854 = vector.broadcast %parallel_loop3A_853 : i32 to vector<16xi32>
        %parallel_loop3A_855 = arith.addi %mul3A_3, %parallel_loop3A_854 : vector<16xi32>
        %parallel_loop3A_856 = tpu.vector_load_idx %arg5[%add3A_218, %parallel_loop3A_855, %parallel_loop3A_852] : memref<4x8x1000xf32, #tpu.memory_space<vmem>>[vector<16xi32>, vector<16xi32>, vector<16xi32>], vector<16xf32>,
        %parallel_loop3A_857 = arith.constant 0 : i32
        %parallel_loop3A_858 = arith.index_cast %select_n3A_188 : i32 to index
        %parallel_loop3A_859 = arith.index_cast %parallel_loop3A_236 : i32 to index
        %parallel_loop3A_860 = arith.index_cast %parallel_loop3A_857 : i32 to index
        %parallel_loop3A_861 = arith.constant 112 : index
        %parallel_loop3A_862 = tpu.vector_load %arg7[%parallel_loop3A_858, %parallel_loop3A_859, %parallel_loop3A_860, %parallel_loop3A_861] {strides = array<i32>} : memref<2x32x8x128xf32, #tpu.memory_space<vmem>>, vector<16xf32>,
        tpu.vector_store %arg7[%parallel_loop3A_858, %parallel_loop3A_859, %parallel_loop3A_860, %parallel_loop3A_861], %parallel_loop3A_856 {strides = array<i32>} : memref<2x32x8x128xf32, #tpu.memory_space<vmem>>, vector<16xf32>,
        %parallel_loop3A_863 = arith.constant 1 : i32
        %parallel_loop3A_864 = vector.broadcast %parallel_loop3A_863 : i32 to vector<16xi32>
        %parallel_loop3A_865 = arith.addi %mul3A_3, %parallel_loop3A_864 : vector<16xi32>
        %parallel_loop3A_866 = tpu.vector_load_idx %arg5[%add3A_218, %parallel_loop3A_865, %parallel_loop3A_852] : memref<4x8x1000xf32, #tpu.memory_space<vmem>>[vector<16xi32>, vector<16xi32>, vector<16xi32>], vector<16xf32>,
        %parallel_loop3A_867 = arith.constant 1 : i32
        %parallel_loop3A_868 = arith.index_cast %select_n3A_188 : i32 to index
        %parallel_loop3A_869 = arith.index_cast %parallel_loop3A_236 : i32 to index
        %parallel_loop3A_870 = arith.index_cast %parallel_loop3A_867 : i32 to index
        %parallel_loop3A_871 = arith.constant 112 : index
        %parallel_loop3A_872 = tpu.vector_load %arg7[%parallel_loop3A_868, %parallel_loop3A_869, %parallel_loop3A_870, %parallel_loop3A_871] {strides = array<i32>} : memref<2x32x8x128xf32, #tpu.memory_space<vmem>>, vector<16xf32>,
        tpu.vector_store %arg7[%parallel_loop3A_868, %parallel_loop3A_869, %parallel_loop3A_870, %parallel_loop3A_871], %parallel_loop3A_866 {strides = array<i32>} : memref<2x32x8x128xf32, #tpu.memory_space<vmem>>, vector<16xf32>,
        %parallel_loop3A_873 = arith.constant 2 : i32
        %parallel_loop3A_874 = vector.broadcast %parallel_loop3A_873 : i32 to vector<16xi32>
        %parallel_loop3A_875 = arith.addi %mul3A_3, %parallel_loop3A_874 : vector<16xi32>
        %parallel_loop3A_876 = tpu.vector_load_idx %arg5[%add3A_218, %parallel_loop3A_875, %parallel_loop3A_852] : memref<4x8x1000xf32, #tpu.memory_space<vmem>>[vector<16xi32>, vector<16xi32>, vector<16xi32>], vector<16xf32>,
        %parallel_loop3A_877 = arith.constant 2 : i32
        %parallel_loop3A_878 = arith.index_cast %select_n3A_188 : i32 to index
        %parallel_loop3A_879 = arith.index_cast %parallel_loop3A_236 : i32 to index
        %parallel_loop3A_880 = arith.index_cast %parallel_loop3A_877 : i32 to index
        %parallel_loop3A_881 = arith.constant 112 : index
        %parallel_loop3A_882 = tpu.vector_load %arg7[%parallel_loop3A_878, %parallel_loop3A_879, %parallel_loop3A_880, %parallel_loop3A_881] {strides = array<i32>} : memref<2x32x8x128xf32, #tpu.memory_space<vmem>>, vector<16xf32>,
        tpu.vector_store %arg7[%parallel_loop3A_878, %parallel_loop3A_879, %parallel_loop3A_880, %parallel_loop3A_881], %parallel_loop3A_876 {strides = array<i32>} : memref<2x32x8x128xf32, #tpu.memory_space<vmem>>, vector<16xf32>,
        %parallel_loop3A_883 = arith.constant 3 : i32
        %parallel_loop3A_884 = vector.broadcast %parallel_loop3A_883 : i32 to vector<16xi32>
        %parallel_loop3A_885 = arith.addi %mul3A_3, %parallel_loop3A_884 : vector<16xi32>
        %parallel_loop3A_886 = tpu.vector_load_idx %arg5[%add3A_218, %parallel_loop3A_885, %parallel_loop3A_852] : memref<4x8x1000xf32, #tpu.memory_space<vmem>>[vector<16xi32>, vector<16xi32>, vector<16xi32>], vector<16xf32>,
        %parallel_loop3A_887 = arith.constant 3 : i32
        %parallel_loop3A_888 = arith.index_cast %select_n3A_188 : i32 to index
        %parallel_loop3A_889 = arith.index_cast %parallel_loop3A_236 : i32 to index
        %parallel_loop3A_890 = arith.index_cast %parallel_loop3A_887 : i32 to index
        %parallel_loop3A_891 = arith.constant 112 : index
        %parallel_loop3A_892 = tpu.vector_load %arg7[%parallel_loop3A_888, %parallel_loop3A_889, %parallel_loop3A_890, %parallel_loop3A_891] {strides = array<i32>} : memref<2x32x8x128xf32, #tpu.memory_space<vmem>>, vector<16xf32>,
        tpu.vector_store %arg7[%parallel_loop3A_888, %parallel_loop3A_889, %parallel_loop3A_890, %parallel_loop3A_891], %parallel_loop3A_886 {strides = array<i32>} : memref<2x32x8x128xf32, #tpu.memory_space<vmem>>, vector<16xf32>,
        %parallel_loop3A_893 = arith.constant 4 : i32
        %parallel_loop3A_894 = vector.broadcast %parallel_loop3A_893 : i32 to vector<16xi32>
        %parallel_loop3A_895 = arith.addi %mul3A_3, %parallel_loop3A_894 : vector<16xi32>
        %parallel_loop3A_896 = tpu.vector_load_idx %arg5[%add3A_218, %parallel_loop3A_895, %parallel_loop3A_852] : memref<4x8x1000xf32, #tpu.memory_space<vmem>>[vector<16xi32>, vector<16xi32>, vector<16xi32>], vector<16xf32>,
        %parallel_loop3A_897 = arith.constant 4 : i32
        %parallel_loop3A_898 = arith.index_cast %select_n3A_188 : i32 to index
        %parallel_loop3A_899 = arith.index_cast %parallel_loop3A_236 : i32 to index
        %parallel_loop3A_900 = arith.index_cast %parallel_loop3A_897 : i32 to index
        %parallel_loop3A_901 = arith.constant 112 : index
        %parallel_loop3A_902 = tpu.vector_load %arg7[%parallel_loop3A_898, %parallel_loop3A_899, %parallel_loop3A_900, %parallel_loop3A_901] {strides = array<i32>} : memref<2x32x8x128xf32, #tpu.memory_space<vmem>>, vector<16xf32>,
        tpu.vector_store %arg7[%parallel_loop3A_898, %parallel_loop3A_899, %parallel_loop3A_900, %parallel_loop3A_901], %parallel_loop3A_896 {strides = array<i32>} : memref<2x32x8x128xf32, #tpu.memory_space<vmem>>, vector<16xf32>,
        %parallel_loop3A_903 = arith.constant 5 : i32
        %parallel_loop3A_904 = vector.broadcast %parallel_loop3A_903 : i32 to vector<16xi32>
        %parallel_loop3A_905 = arith.addi %mul3A_3, %parallel_loop3A_904 : vector<16xi32>
        %parallel_loop3A_906 = tpu.vector_load_idx %arg5[%add3A_218, %parallel_loop3A_905, %parallel_loop3A_852] : memref<4x8x1000xf32, #tpu.memory_space<vmem>>[vector<16xi32>, vector<16xi32>, vector<16xi32>], vector<16xf32>,
        %parallel_loop3A_907 = arith.constant 5 : i32
        %parallel_loop3A_908 = arith.index_cast %select_n3A_188 : i32 to index
        %parallel_loop3A_909 = arith.index_cast %parallel_loop3A_236 : i32 to index
        %parallel_loop3A_910 = arith.index_cast %parallel_loop3A_907 : i32 to index
        %parallel_loop3A_911 = arith.constant 112 : index
        %parallel_loop3A_912 = tpu.vector_load %arg7[%parallel_loop3A_908, %parallel_loop3A_909, %parallel_loop3A_910, %parallel_loop3A_911] {strides = array<i32>} : memref<2x32x8x128xf32, #tpu.memory_space<vmem>>, vector<16xf32>,
        tpu.vector_store %arg7[%parallel_loop3A_908, %parallel_loop3A_909, %parallel_loop3A_910, %parallel_loop3A_911], %parallel_loop3A_906 {strides = array<i32>} : memref<2x32x8x128xf32, #tpu.memory_space<vmem>>, vector<16xf32>,
        %parallel_loop3A_913 = arith.constant 6 : i32
        %parallel_loop3A_914 = vector.broadcast %parallel_loop3A_913 : i32 to vector<16xi32>
        %parallel_loop3A_915 = arith.addi %mul3A_3, %parallel_loop3A_914 : vector<16xi32>
        %parallel_loop3A_916 = tpu.vector_load_idx %arg5[%add3A_218, %parallel_loop3A_915, %parallel_loop3A_852] : memref<4x8x1000xf32, #tpu.memory_space<vmem>>[vector<16xi32>, vector<16xi32>, vector<16xi32>], vector<16xf32>,
        %parallel_loop3A_917 = arith.constant 6 : i32
        %parallel_loop3A_918 = arith.index_cast %select_n3A_188 : i32 to index
        %parallel_loop3A_919 = arith.index_cast %parallel_loop3A_236 : i32 to index
        %parallel_loop3A_920 = arith.index_cast %parallel_loop3A_917 : i32 to index
        %parallel_loop3A_921 = arith.constant 112 : index
        %parallel_loop3A_922 = tpu.vector_load %arg7[%parallel_loop3A_918, %parallel_loop3A_919, %parallel_loop3A_920, %parallel_loop3A_921] {strides = array<i32>} : memref<2x32x8x128xf32, #tpu.memory_space<vmem>>, vector<16xf32>,
        tpu.vector_store %arg7[%parallel_loop3A_918, %parallel_loop3A_919, %parallel_loop3A_920, %parallel_loop3A_921], %parallel_loop3A_916 {strides = array<i32>} : memref<2x32x8x128xf32, #tpu.memory_space<vmem>>, vector<16xf32>,
        %parallel_loop3A_923 = arith.constant 7 : i32
        %parallel_loop3A_924 = vector.broadcast %parallel_loop3A_923 : i32 to vector<16xi32>
        %parallel_loop3A_925 = arith.addi %mul3A_3, %parallel_loop3A_924 : vector<16xi32>
        %parallel_loop3A_926 = tpu.vector_load_idx %arg5[%add3A_218, %parallel_loop3A_925, %parallel_loop3A_852] : memref<4x8x1000xf32, #tpu.memory_space<vmem>>[vector<16xi32>, vector<16xi32>, vector<16xi32>], vector<16xf32>,
        %parallel_loop3A_927 = arith.constant 7 : i32
        %parallel_loop3A_928 = arith.index_cast %select_n3A_188 : i32 to index
        %parallel_loop3A_929 = arith.index_cast %parallel_loop3A_236 : i32 to index
        %parallel_loop3A_930 = arith.index_cast %parallel_loop3A_927 : i32 to index
        %parallel_loop3A_931 = arith.constant 112 : index
        %parallel_loop3A_932 = tpu.vector_load %arg7[%parallel_loop3A_928, %parallel_loop3A_929, %parallel_loop3A_930, %parallel_loop3A_931] {strides = array<i32>} : memref<2x32x8x128xf32, #tpu.memory_space<vmem>>, vector<16xf32>,
        tpu.vector_store %arg7[%parallel_loop3A_928, %parallel_loop3A_929, %parallel_loop3A_930, %parallel_loop3A_931], %parallel_loop3A_926 {strides = array<i32>} : memref<2x32x8x128xf32, #tpu.memory_space<vmem>>, vector<16xf32>,
      } {sc.loop_unroll_factor = 2 : i64, sc.parallel_access}
      %eq3A_221 = arith.constant 0 : i32
      %eq3A_222 = arith.cmpi eq, %select_n3A_188, %eq3A_221 : i32
      %convert_element_type3A_223 = arith.extui %eq3A_222 : i1 to i32
      %cond3A_224 = arith.constant 0 : i32
      %cond3A_225 = arith.cmpi ne, %convert_element_type3A_223, %cond3A_224 : i32
      scf.if %cond3A_225 {
        %dma_start3A_236 = arith.constant 0 : i32
        %dma_start3A_237 = arith.constant 0 : i32
        %dma_start3A_238 = arith.constant 0 : i32
        %dma_start3A_239 = arith.constant 0 : i32
        %dma_start3A_240 = tpu.memref_slice %arg7[%dma_start3A_236, %dma_start3A_237, %dma_start3A_238, %dma_start3A_239] : memref<2x32x8x128xf32, #tpu.memory_space<vmem>> -> memref<1x32x8x128xf32, #tpu.memory_space<vmem>>
        %dma_start3A_241 = tpu.memref_squeeze %dma_start3A_240 : memref<1x32x8x128xf32, #tpu.memory_space<vmem>> -> memref<32x8x128xf32, #tpu.memory_space<vmem>>
        %dma_start3A_242 = arith.constant 0 : i32
        %dma_start3A_243 = arith.constant 0 : i32
        %dma_start3A_244 = arith.constant 0 : i32
        %dma_start3A_245 = tpu.memref_slice %arg4[%select_n3A, %min3A_216, %dma_start3A_242, %dma_start3A_243, %dma_start3A_244] : memref<20x125x32x8x128xf32, #tpu.memory_space<hbm>> -> memref<1x1x32x8x128xf32, #tpu.memory_space<hbm>>
        %dma_start3A_246 = tpu.memref_squeeze %dma_start3A_245 : memref<1x1x32x8x128xf32, #tpu.memory_space<hbm>> -> memref<32x8x128xf32, #tpu.memory_space<hbm>>
        %dma_start3A_247 = arith.constant 0 : i32
        %dma_start3A_248 = arith.constant 0 : i32
        %dma_start3A_249 = arith.constant 0 : i32
        %dma_start3A_250 = tpu.memref_slice %arg4[%select_n3A, %min3A_216, %dma_start3A_247, %dma_start3A_248, %dma_start3A_249] : memref<20x125x32x8x128xf32, #tpu.memory_space<hbm>> -> memref<1x1x32x8x128xf32, #tpu.memory_space<hbm>>
        %dma_start3A_251 = tpu.memref_squeeze %dma_start3A_250 : memref<1x1x32x8x128xf32, #tpu.memory_space<hbm>> -> memref<32x8x128xf32, #tpu.memory_space<hbm>>
        %dma_start3A_252 = arith.constant 0 : i32
        %dma_start3A_253 = arith.constant 0 : i32
        %dma_start3A_254 = arith.constant 0 : i32
        %dma_start3A_255 = tpu.memref_slice %arg7[%dma_start3A_236, %dma_start3A_252, %dma_start3A_253, %dma_start3A_254] : memref<2x32x8x128xf32, #tpu.memory_space<vmem>> -> memref<1x32x8x128xf32, #tpu.memory_space<vmem>>
        %dma_start3A_256 = tpu.memref_squeeze %dma_start3A_255 : memref<1x32x8x128xf32, #tpu.memory_space<vmem>> -> memref<32x8x128xf32, #tpu.memory_space<vmem>>
        tpu.enqueue_dma source(%dma_start3A_256 : memref<32x8x128xf32, #tpu.memory_space<vmem>>) target(%dma_start3A_251 : memref<32x8x128xf32, #tpu.memory_space<hbm>>) target_semaphore(%arg8 : memref<!tpu.dma_semaphore, #tpu.memory_space<semaphore_mem>>)
      } else {
      }
      %eq3A_226 = arith.constant 1 : i32
      %eq3A_227 = arith.cmpi eq, %select_n3A_188, %eq3A_226 : i32
      %convert_element_type3A_228 = arith.extui %eq3A_227 : i1 to i32
      %cond3A_229 = arith.constant 0 : i32
      %cond3A_230 = arith.cmpi ne, %convert_element_type3A_228, %cond3A_229 : i32
      scf.if %cond3A_230 {
        %dma_start3A_236 = arith.constant 1 : i32
        %dma_start3A_237 = arith.constant 0 : i32
        %dma_start3A_238 = arith.constant 0 : i32
        %dma_start3A_239 = arith.constant 0 : i32
        %dma_start3A_240 = tpu.memref_slice %arg7[%dma_start3A_236, %dma_start3A_237, %dma_start3A_238, %dma_start3A_239] : memref<2x32x8x128xf32, #tpu.memory_space<vmem>> -> memref<1x32x8x128xf32, #tpu.memory_space<vmem>>
        %dma_start3A_241 = tpu.memref_squeeze %dma_start3A_240 : memref<1x32x8x128xf32, #tpu.memory_space<vmem>> -> memref<32x8x128xf32, #tpu.memory_space<vmem>>
        %dma_start3A_242 = arith.constant 0 : i32
        %dma_start3A_243 = arith.constant 0 : i32
        %dma_start3A_244 = arith.constant 0 : i32
        %dma_start3A_245 = tpu.memref_slice %arg4[%select_n3A, %min3A_216, %dma_start3A_242, %dma_start3A_243, %dma_start3A_244] : memref<20x125x32x8x128xf32, #tpu.memory_space<hbm>> -> memref<1x1x32x8x128xf32, #tpu.memory_space<hbm>>
        %dma_start3A_246 = tpu.memref_squeeze %dma_start3A_245 : memref<1x1x32x8x128xf32, #tpu.memory_space<hbm>> -> memref<32x8x128xf32, #tpu.memory_space<hbm>>
        %dma_start3A_247 = arith.constant 0 : i32
        %dma_start3A_248 = arith.constant 0 : i32
        %dma_start3A_249 = arith.constant 0 : i32
        %dma_start3A_250 = tpu.memref_slice %arg4[%select_n3A, %min3A_216, %dma_start3A_247, %dma_start3A_248, %dma_start3A_249] : memref<20x125x32x8x128xf32, #tpu.memory_space<hbm>> -> memref<1x1x32x8x128xf32, #tpu.memory_space<hbm>>
        %dma_start3A_251 = tpu.memref_squeeze %dma_start3A_250 : memref<1x1x32x8x128xf32, #tpu.memory_space<hbm>> -> memref<32x8x128xf32, #tpu.memory_space<hbm>>
        %dma_start3A_252 = arith.constant 0 : i32
        %dma_start3A_253 = arith.constant 0 : i32
        %dma_start3A_254 = arith.constant 0 : i32
        %dma_start3A_255 = tpu.memref_slice %arg7[%dma_start3A_236, %dma_start3A_252, %dma_start3A_253, %dma_start3A_254] : memref<2x32x8x128xf32, #tpu.memory_space<vmem>> -> memref<1x32x8x128xf32, #tpu.memory_space<vmem>>
        %dma_start3A_256 = tpu.memref_squeeze %dma_start3A_255 : memref<1x32x8x128xf32, #tpu.memory_space<vmem>> -> memref<32x8x128xf32, #tpu.memory_space<vmem>>
        tpu.enqueue_dma source(%dma_start3A_256 : memref<32x8x128xf32, #tpu.memory_space<vmem>>) target(%dma_start3A_251 : memref<32x8x128xf32, #tpu.memory_space<hbm>>) target_semaphore(%arg9 : memref<!tpu.dma_semaphore, #tpu.memory_space<semaphore_mem>>)
      } else {
      }
      %eq3A_231 = arith.constant 3 : i32
      %eq3A_232 = arith.cmpi eq, %select_n3A_172, %eq3A_231 : i32
      %convert_element_type3A_233 = arith.extui %eq3A_232 : i1 to i32
      %cond3A_234 = arith.constant 0 : i32
      %cond3A_235 = arith.cmpi ne, %convert_element_type3A_233, %cond3A_234 : i32
      scf.if %cond3A_235 {
        %eq3A_236 = arith.constant 0 : i32
        %eq3A_237 = arith.cmpi eq, %select_n3A_204, %eq3A_236 : i32
        %convert_element_type3A_238 = arith.extui %eq3A_237 : i1 to i32
        %cond3A_239 = arith.constant 0 : i32
        %cond3A_240 = arith.cmpi ne, %convert_element_type3A_238, %cond3A_239 : i32
        scf.if %cond3A_240 {
          %add3A_246 = arith.constant 2 : i32
          %add3A_247 = arith.addi %select_n3A, %add3A_246 : i32
          %min3A_248 = arith.constant 19 : i32
          %min3A_249 = arith.minsi %add3A_247, %min3A_248 : i32
          %dma_start3A_250 = arith.constant 0 : i32
          %dma_start3A_251 = arith.constant 0 : i32
          %dma_start3A_252 = tpu.memref_slice %arg6[%dma_start3A_250, %dma_start3A_251] : memref<2x4096xi32, #tpu.memory_space<vmem>> -> memref<1x4096xi32, #tpu.memory_space<vmem>>
          %dma_start3A_253 = tpu.memref_squeeze %dma_start3A_252 : memref<1x4096xi32, #tpu.memory_space<vmem>> -> memref<4096xi32, #tpu.memory_space<vmem>>
          %dma_start3A_254 = arith.constant 0 : i32
          %dma_start3A_255 = tpu.memref_slice %arg3[%min3A_249, %dma_start3A_254] : memref<20x4096xi32, #tpu.memory_space<hbm>> -> memref<1x4096xi32, #tpu.memory_space<hbm>>
          %dma_start3A_256 = tpu.memref_squeeze %dma_start3A_255 : memref<1x4096xi32, #tpu.memory_space<hbm>> -> memref<4096xi32, #tpu.memory_space<hbm>>
          %dma_start3A_257 = arith.constant 0 : i32
          %dma_start3A_258 = tpu.memref_slice %arg6[%dma_start3A_250, %dma_start3A_257] : memref<2x4096xi32, #tpu.memory_space<vmem>> -> memref<1x4096xi32, #tpu.memory_space<vmem>>
          %dma_start3A_259 = tpu.memref_squeeze %dma_start3A_258 : memref<1x4096xi32, #tpu.memory_space<vmem>> -> memref<4096xi32, #tpu.memory_space<vmem>>
          %dma_start3A_260 = arith.constant 0 : i32
          %dma_start3A_261 = tpu.memref_slice %arg3[%min3A_249, %dma_start3A_260] : memref<20x4096xi32, #tpu.memory_space<hbm>> -> memref<1x4096xi32, #tpu.memory_space<hbm>>
          %dma_start3A_262 = tpu.memref_squeeze %dma_start3A_261 : memref<1x4096xi32, #tpu.memory_space<hbm>> -> memref<4096xi32, #tpu.memory_space<hbm>>
          tpu.enqueue_dma source(%dma_start3A_262 : memref<4096xi32, #tpu.memory_space<hbm>>) target(%dma_start3A_259 : memref<4096xi32, #tpu.memory_space<vmem>>) target_semaphore(%arg10 : memref<!tpu.dma_semaphore, #tpu.memory_space<semaphore_mem>>)
        } else {
        }
        %eq3A_241 = arith.constant 1 : i32
        %eq3A_242 = arith.cmpi eq, %select_n3A_204, %eq3A_241 : i32
        %convert_element_type3A_243 = arith.extui %eq3A_242 : i1 to i32
        %cond3A_244 = arith.constant 0 : i32
        %cond3A_245 = arith.cmpi ne, %convert_element_type3A_243, %cond3A_244 : i32
        scf.if %cond3A_245 {
          %add3A_246 = arith.constant 2 : i32
          %add3A_247 = arith.addi %select_n3A, %add3A_246 : i32
          %min3A_248 = arith.constant 19 : i32
          %min3A_249 = arith.minsi %add3A_247, %min3A_248 : i32
          %dma_start3A_250 = arith.constant 1 : i32
          %dma_start3A_251 = arith.constant 0 : i32
          %dma_start3A_252 = tpu.memref_slice %arg6[%dma_start3A_250, %dma_start3A_251] : memref<2x4096xi32, #tpu.memory_space<vmem>> -> memref<1x4096xi32, #tpu.memory_space<vmem>>
          %dma_start3A_253 = tpu.memref_squeeze %dma_start3A_252 : memref<1x4096xi32, #tpu.memory_space<vmem>> -> memref<4096xi32, #tpu.memory_space<vmem>>
          %dma_start3A_254 = arith.constant 0 : i32
          %dma_start3A_255 = tpu.memref_slice %arg3[%min3A_249, %dma_start3A_254] : memref<20x4096xi32, #tpu.memory_space<hbm>> -> memref<1x4096xi32, #tpu.memory_space<hbm>>
          %dma_start3A_256 = tpu.memref_squeeze %dma_start3A_255 : memref<1x4096xi32, #tpu.memory_space<hbm>> -> memref<4096xi32, #tpu.memory_space<hbm>>
          %dma_start3A_257 = arith.constant 0 : i32
          %dma_start3A_258 = tpu.memref_slice %arg6[%dma_start3A_250, %dma_start3A_257] : memref<2x4096xi32, #tpu.memory_space<vmem>> -> memref<1x4096xi32, #tpu.memory_space<vmem>>
          %dma_start3A_259 = tpu.memref_squeeze %dma_start3A_258 : memref<1x4096xi32, #tpu.memory_space<vmem>> -> memref<4096xi32, #tpu.memory_space<vmem>>
          %dma_start3A_260 = arith.constant 0 : i32
          %dma_start3A_261 = tpu.memref_slice %arg3[%min3A_249, %dma_start3A_260] : memref<20x4096xi32, #tpu.memory_space<hbm>> -> memref<1x4096xi32, #tpu.memory_space<hbm>>
          %dma_start3A_262 = tpu.memref_squeeze %dma_start3A_261 : memref<1x4096xi32, #tpu.memory_space<hbm>> -> memref<4096xi32, #tpu.memory_space<hbm>>
          tpu.enqueue_dma source(%dma_start3A_262 : memref<4096xi32, #tpu.memory_space<hbm>>) target(%dma_start3A_259 : memref<4096xi32, #tpu.memory_space<vmem>>) target_semaphore(%arg11 : memref<!tpu.dma_semaphore, #tpu.memory_space<semaphore_mem>>)
        } else {
        }
      } else {
      }
    }
    %scan3A_64 = arith.constant 80 : i32
    %dma_wait3A = arith.constant 0 : i32
    %dma_wait3A_65 = arith.constant 0 : i32
    %dma_wait3A_66 = arith.constant 0 : i32
    %dma_wait3A_67 = tpu.memref_slice %arg6[%dma_wait3A_65, %dma_wait3A_66] : memref<2x4096xi32, #tpu.memory_space<vmem>> -> memref<1x4096xi32, #tpu.memory_space<vmem>>
    %dma_wait3A_68 = tpu.memref_squeeze %dma_wait3A_67 : memref<1x4096xi32, #tpu.memory_space<vmem>> -> memref<4096xi32, #tpu.memory_space<vmem>>
    %dma_wait3A_69 = arith.constant 0 : i32
    %dma_wait3A_70 = tpu.memref_slice %arg3[%dma_wait3A, %dma_wait3A_69] : memref<20x4096xi32, #tpu.memory_space<hbm>> -> memref<1x4096xi32, #tpu.memory_space<hbm>>
    %dma_wait3A_71 = tpu.memref_squeeze %dma_wait3A_70 : memref<1x4096xi32, #tpu.memory_space<hbm>> -> memref<4096xi32, #tpu.memory_space<hbm>>
    %dma_wait3A_72 = arith.constant 0 : i32
    %dma_wait3A_73 = tpu.memref_slice %arg6[%dma_wait3A_65, %dma_wait3A_72] : memref<2x4096xi32, #tpu.memory_space<vmem>> -> memref<1x4096xi32, #tpu.memory_space<vmem>>
    %dma_wait3A_74 = tpu.memref_squeeze %dma_wait3A_73 : memref<1x4096xi32, #tpu.memory_space<vmem>> -> memref<4096xi32, #tpu.memory_space<vmem>>
    %dma_wait3A_75 = arith.constant 0 : i32
    %dma_wait3A_76 = tpu.memref_slice %arg3[%dma_wait3A, %dma_wait3A_75] : memref<20x4096xi32, #tpu.memory_space<hbm>> -> memref<1x4096xi32, #tpu.memory_space<hbm>>
    %dma_wait3A_77 = tpu.memref_squeeze %dma_wait3A_76 : memref<1x4096xi32, #tpu.memory_space<hbm>> -> memref<4096xi32, #tpu.memory_space<hbm>>
    tpu.wait_dma2 semaphore(%arg10 : memref<!tpu.dma_semaphore, #tpu.memory_space<semaphore_mem>>) src(%dma_wait3A_77 : memref<4096xi32, #tpu.memory_space<hbm>>) dst(%dma_wait3A_74 : memref<4096xi32, #tpu.memory_space<vmem>>)
    %dma_wait3A_78 = arith.constant 0 : i32
    %dma_wait3A_79 = arith.constant 1 : i32
    %dma_wait3A_80 = arith.constant 0 : i32
    %dma_wait3A_81 = tpu.memref_slice %arg6[%dma_wait3A_79, %dma_wait3A_80] : memref<2x4096xi32, #tpu.memory_space<vmem>> -> memref<1x4096xi32, #tpu.memory_space<vmem>>
    %dma_wait3A_82 = tpu.memref_squeeze %dma_wait3A_81 : memref<1x4096xi32, #tpu.memory_space<vmem>> -> memref<4096xi32, #tpu.memory_space<vmem>>
    %dma_wait3A_83 = arith.constant 0 : i32
    %dma_wait3A_84 = tpu.memref_slice %arg3[%dma_wait3A_78, %dma_wait3A_83] : memref<20x4096xi32, #tpu.memory_space<hbm>> -> memref<1x4096xi32, #tpu.memory_space<hbm>>
    %dma_wait3A_85 = tpu.memref_squeeze %dma_wait3A_84 : memref<1x4096xi32, #tpu.memory_space<hbm>> -> memref<4096xi32, #tpu.memory_space<hbm>>
    %dma_wait3A_86 = arith.constant 0 : i32
    %dma_wait3A_87 = tpu.memref_slice %arg6[%dma_wait3A_79, %dma_wait3A_86] : memref<2x4096xi32, #tpu.memory_space<vmem>> -> memref<1x4096xi32, #tpu.memory_space<vmem>>
    %dma_wait3A_88 = tpu.memref_squeeze %dma_wait3A_87 : memref<1x4096xi32, #tpu.memory_space<vmem>> -> memref<4096xi32, #tpu.memory_space<vmem>>
    %dma_wait3A_89 = arith.constant 0 : i32
    %dma_wait3A_90 = tpu.memref_slice %arg3[%dma_wait3A_78, %dma_wait3A_89] : memref<20x4096xi32, #tpu.memory_space<hbm>> -> memref<1x4096xi32, #tpu.memory_space<hbm>>
    %dma_wait3A_91 = tpu.memref_squeeze %dma_wait3A_90 : memref<1x4096xi32, #tpu.memory_space<hbm>> -> memref<4096xi32, #tpu.memory_space<hbm>>
    tpu.wait_dma2 semaphore(%arg11 : memref<!tpu.dma_semaphore, #tpu.memory_space<semaphore_mem>>) src(%dma_wait3A_91 : memref<4096xi32, #tpu.memory_space<hbm>>) dst(%dma_wait3A_88 : memref<4096xi32, #tpu.memory_space<vmem>>)
    %dma_wait3A_92 = arith.constant 0 : i32
    %dma_wait3A_93 = arith.constant 0 : i32
    %dma_wait3A_94 = arith.constant 0 : i32
    %dma_wait3A_95 = arith.constant 0 : i32
    %dma_wait3A_96 = arith.constant 0 : i32
    %dma_wait3A_97 = arith.constant 0 : i32
    %dma_wait3A_98 = tpu.memref_slice %arg7[%dma_wait3A_92, %dma_wait3A_95, %dma_wait3A_96, %dma_wait3A_97] : memref<2x32x8x128xf32, #tpu.memory_space<vmem>> -> memref<1x32x8x128xf32, #tpu.memory_space<vmem>>
    %dma_wait3A_99 = tpu.memref_squeeze %dma_wait3A_98 : memref<1x32x8x128xf32, #tpu.memory_space<vmem>> -> memref<32x8x128xf32, #tpu.memory_space<vmem>>
    %dma_wait3A_100 = arith.constant 0 : i32
    %dma_wait3A_101 = arith.constant 0 : i32
    %dma_wait3A_102 = arith.constant 0 : i32
    %dma_wait3A_103 = tpu.memref_slice %arg4[%dma_wait3A_93, %dma_wait3A_94, %dma_wait3A_100, %dma_wait3A_101, %dma_wait3A_102] : memref<20x125x32x8x128xf32, #tpu.memory_space<hbm>> -> memref<1x1x32x8x128xf32, #tpu.memory_space<hbm>>
    %dma_wait3A_104 = tpu.memref_squeeze %dma_wait3A_103 : memref<1x1x32x8x128xf32, #tpu.memory_space<hbm>> -> memref<32x8x128xf32, #tpu.memory_space<hbm>>
    %dma_wait3A_105 = arith.constant 0 : i32
    %dma_wait3A_106 = arith.constant 0 : i32
    %dma_wait3A_107 = arith.constant 0 : i32
    %dma_wait3A_108 = tpu.memref_slice %arg4[%dma_wait3A_93, %dma_wait3A_94, %dma_wait3A_105, %dma_wait3A_106, %dma_wait3A_107] : memref<20x125x32x8x128xf32, #tpu.memory_space<hbm>> -> memref<1x1x32x8x128xf32, #tpu.memory_space<hbm>>
    %dma_wait3A_109 = tpu.memref_squeeze %dma_wait3A_108 : memref<1x1x32x8x128xf32, #tpu.memory_space<hbm>> -> memref<32x8x128xf32, #tpu.memory_space<hbm>>
    %dma_wait3A_110 = arith.constant 0 : i32
    %dma_wait3A_111 = arith.constant 0 : i32
    %dma_wait3A_112 = arith.constant 0 : i32
    %dma_wait3A_113 = tpu.memref_slice %arg7[%dma_wait3A_92, %dma_wait3A_110, %dma_wait3A_111, %dma_wait3A_112] : memref<2x32x8x128xf32, #tpu.memory_space<vmem>> -> memref<1x32x8x128xf32, #tpu.memory_space<vmem>>
    %dma_wait3A_114 = tpu.memref_squeeze %dma_wait3A_113 : memref<1x32x8x128xf32, #tpu.memory_space<vmem>> -> memref<32x8x128xf32, #tpu.memory_space<vmem>>
    tpu.wait_dma2 semaphore(%arg8 : memref<!tpu.dma_semaphore, #tpu.memory_space<semaphore_mem>>) src(%dma_wait3A_114 : memref<32x8x128xf32, #tpu.memory_space<vmem>>) dst(%dma_wait3A_109 : memref<32x8x128xf32, #tpu.memory_space<hbm>>)
    %dma_wait3A_115 = arith.constant 1 : i32
    %dma_wait3A_116 = arith.constant 0 : i32
    %dma_wait3A_117 = arith.constant 0 : i32
    %dma_wait3A_118 = arith.constant 0 : i32
    %dma_wait3A_119 = arith.constant 0 : i32
    %dma_wait3A_120 = arith.constant 0 : i32
    %dma_wait3A_121 = tpu.memref_slice %arg7[%dma_wait3A_115, %dma_wait3A_118, %dma_wait3A_119, %dma_wait3A_120] : memref<2x32x8x128xf32, #tpu.memory_space<vmem>> -> memref<1x32x8x128xf32, #tpu.memory_space<vmem>>
    %dma_wait3A_122 = tpu.memref_squeeze %dma_wait3A_121 : memref<1x32x8x128xf32, #tpu.memory_space<vmem>> -> memref<32x8x128xf32, #tpu.memory_space<vmem>>
    %dma_wait3A_123 = arith.constant 0 : i32
    %dma_wait3A_124 = arith.constant 0 : i32
    %dma_wait3A_125 = arith.constant 0 : i32
    %dma_wait3A_126 = tpu.memref_slice %arg4[%dma_wait3A_116, %dma_wait3A_117, %dma_wait3A_123, %dma_wait3A_124, %dma_wait3A_125] : memref<20x125x32x8x128xf32, #tpu.memory_space<hbm>> -> memref<1x1x32x8x128xf32, #tpu.memory_space<hbm>>
    %dma_wait3A_127 = tpu.memref_squeeze %dma_wait3A_126 : memref<1x1x32x8x128xf32, #tpu.memory_space<hbm>> -> memref<32x8x128xf32, #tpu.memory_space<hbm>>
    %dma_wait3A_128 = arith.constant 0 : i32
    %dma_wait3A_129 = arith.constant 0 : i32
    %dma_wait3A_130 = arith.constant 0 : i32
    %dma_wait3A_131 = tpu.memref_slice %arg4[%dma_wait3A_116, %dma_wait3A_117, %dma_wait3A_128, %dma_wait3A_129, %dma_wait3A_130] : memref<20x125x32x8x128xf32, #tpu.memory_space<hbm>> -> memref<1x1x32x8x128xf32, #tpu.memory_space<hbm>>
    %dma_wait3A_132 = tpu.memref_squeeze %dma_wait3A_131 : memref<1x1x32x8x128xf32, #tpu.memory_space<hbm>> -> memref<32x8x128xf32, #tpu.memory_space<hbm>>
    %dma_wait3A_133 = arith.constant 0 : i32
    %dma_wait3A_134 = arith.constant 0 : i32
    %dma_wait3A_135 = arith.constant 0 : i32
    %dma_wait3A_136 = tpu.memref_slice %arg7[%dma_wait3A_115, %dma_wait3A_133, %dma_wait3A_134, %dma_wait3A_135] : memref<2x32x8x128xf32, #tpu.memory_space<vmem>> -> memref<1x32x8x128xf32, #tpu.memory_space<vmem>>
    %dma_wait3A_137 = tpu.memref_squeeze %dma_wait3A_136 : memref<1x32x8x128xf32, #tpu.memory_space<vmem>> -> memref<32x8x128xf32, #tpu.memory_space<vmem>>
    tpu.wait_dma2 semaphore(%arg9 : memref<!tpu.dma_semaphore, #tpu.memory_space<semaphore_mem>>) src(%dma_wait3A_137 : memref<32x8x128xf32, #tpu.memory_space<vmem>>) dst(%dma_wait3A_132 : memref<32x8x128xf32, #tpu.memory_space<hbm>>)
    return
  }
}

module attributes {stable_mosaic.version = 14 : i64} {
  func.func @_table_body(%arg0: memref<1000x128xf32, #tpu.memory_space<vmem>>, %arg1: memref<1000x128xf32, #tpu.memory_space<vmem>>, %arg2: memref<1000x1xf32, #tpu.memory_space<vmem>>, %arg3: memref<1000x1000xf32, #tpu.memory_space<vmem>>) attributes {dimension_semantics = [], scalar_prefetch = 0 : i64, scratch_operands = 0 : i64, tpu.core_type = #tpu.core_type<tc>} {
    %get3A = arith.constant 0 : index
    %get3A_0 = arith.constant 0 : index
    %get3A_1 = vector.load %arg0[%get3A, %get3A_0] : memref<1000x128xf32, #tpu.memory_space<vmem>>, vector<1000x128xf32>
    %get3A_2 = arith.constant 0 : index
    %get3A_3 = arith.constant 0 : index
    %get3A_4 = vector.load %arg1[%get3A_2, %get3A_3] : memref<1000x128xf32, #tpu.memory_space<vmem>>, vector<1000x128xf32>
    %dot_general3A = arith.constant dense<0.000000e+00> : vector<1000x1000xf32>
    %dot_general3A_5 = tpu.matmul %get3A_1, %get3A_4, %dot_general3A {dimension_numbers = #tpu.dot_dimension_numbers<[1], [1], [0], [0], [0, 0, 1, 0], [], []>, transpose_lhs_hint = false} : vector<1000x128xf32>, vector<1000x128xf32>, vector<1000x1000xf32> -> vector<1000x1000xf32>
    %get3A_6 = arith.constant 0 : index
    %get3A_7 = arith.constant 0 : index
    %get3A_8 = vector.load %arg2[%get3A_6, %get3A_7] : memref<1000x1xf32, #tpu.memory_space<vmem>>, vector<1000x1xf32>
    %add3A = vector.broadcast %get3A_8 : vector<1000x1xf32> to vector<1000x1000xf32>
    %add3A_9 = arith.addf %dot_general3A_5, %add3A : vector<1000x1000xf32>
    %swap3A = arith.constant 0 : index
    %swap3A_10 = arith.constant 0 : index
    %swap3A_11 = vector.load %arg3[%swap3A, %swap3A_10] : memref<1000x1000xf32, #tpu.memory_space<vmem>>, vector<1000x1000xf32>
    tpu.vector_store %arg3[%swap3A, %swap3A_10], %add3A_9 {strides = array<i32>} : memref<1000x1000xf32, #tpu.memory_space<vmem>>, vector<1000x1000xf32>,
    return
  }
}

</mosaic_0001>

<sc_bundles>
// kernel: kernel.4.cloned.1.call-start
scs
__scs_entry_jumppad:
0x0: {  	(pc) =	sbr.rel $0x88, $3  }
0x1: {  	(tag) =	ssettag $0x0;
	lr =	simm.s32 $0x1  }
0x2: {  	[smem:$0x3F9D] =	sst lr;
	_ =	strace $0xD0000000  }
0x3: {  	_ = 	snop  }
0x4: {  	_ = 	snop  }
0x5: {  	_ = 	snop  }
0x6: {  	_ = 	snop  }
0x7: {  	_ = 	snop  }
__scs_overlays_trampoline_lowered:
0x8: {  	[smem:$0x3FAC] =	sst s0  }
0x9: {  	[smem:$0x3FAD] =	sst s1  }
0xa: {  	[smem:$0x3FAE] =	sst s2  }
0xb: {  	[smem:$0x3FAF] =	sst s3  }
0xc: {  	[smem:$0x3FB0] =	sst s4  }
0xd: {  	[smem:$0x3FB1] =	sst s5  }
0xe: {  	[smem:$0x3FB2] =	sst s6  }
0xf: {  	[smem:$0x3FB3] =	sst s7  }
0x10: {  	[smem:$0x3FB4] =	sst s8  }
0x11: {  	[smem:$0x3FB5] =	sst s9;
	s0 =	simm.s32 @!p0 $0x0  }
0x12: {  	s1 =	sld [smem:$0x3F9B];
	s0 =	simm.s32 @p0 $0x1  }
0x13: {  	[smem:$0x3FB6] =	sst s0;
	s0 =	simm.s32 @!p1 $0x0  }
0x14: {  	s2 =	sld [smem:$0x3F9A];
	s0 =	simm.s32 @p1 $0x1  }
0x15: {  	[smem:$0x3FB7] =	sst s0;
	s0 =	simm.s32 @!p2 $0x0  }
0x16: {  	s3 =	sld [smem:$0x3FDB];
	s0 =	simm.s32 @p2 $0x1  }
0x17: {  	s4 =	simm.s32 $0x1BF5;
	[smem:$0x3FB9] =	sst s0  }
0x18: {  	s0 =	sld [smem:$0x3F9C];
	_ =	swait.ge [sflag:s4], $0x0  }
0x19: {  	s7 =	sld [smem:$0x3F9D]  }
0x1a: {  	s8 =	sadd.s32 $0xFFFFE003, lr  }
0x1b: {  	s9 =	sadd.s32 $0xFFFFFEF7, lr;
	s5 =	simm.s32 $0xFFFFFFFF;
	p2 =	slt.u32 s8, $0xFFFFF086  }
0x1c: {  	p1 =	slt.u32 s9, $0xF7A;
	s5 =	simm.s32 @!p2 $0x0  }
0x1d: {  	s5 =	simm.s32 @p1 $0x1;
	p0 =	seq.s32 s7, s2  }
0x1e: {  	s7 =	smul.u32 @!p0 $0xF7A, s2;
	p2 =	seq.s32 @!p0 s5, $0x0  }
0x1f: {  	s9 =	smul.u32 $0xF7A, s1;
	s8 =	simm.s32 @!p0 $0x1BF5;
	p2 =	por !p2, p0  }
0x20: {  	[sflag:s8] =	ssyncset.s32 @!p0 $0xFFFFF086;
	s6 =	sadd.s32 @!p0 s3, s7;
	s7 =	simm.s32 @!p0 $0x108  }
0x21: {  	s3 =	sadd.s32 s3, s9;
	s6 =	sadd.s32 @!p0 $0x88, s6;
	s7 =	simm.s32 @p2 $0x1082  }
0x22: {  	[simem:s7], [sflag:s8] =	dma.local @!p0 [hbm:s6], $0xF7A  }
0x23: {  	s9 =	sor.u32 $0xD0000000, s2;
	s6 =	simm.s32 $0x108;
	_ =	swait.ge @!p0 [sflag:s8], $0x0  }
0x24: {  	s3 =	sadd.s32 $0x88, s3;
	s6 =	simm.s32 @!p1 $0x1082;
	[sflag:s4] =	ssyncset.s32 $0xFFFFF086  }
0x25: {  	[simem:s6], [sflag:s4] =	dma.local [hbm:s3], $0xF7A  }
0x26: {  	[smem:$0x3F9D] =	sst s1;
	(tag) =	ssettag s2;
	_ =	strace s9  }
0x27: {  	s1 =	sld [smem:$0x3FAD]  }
0x28: {  	s2 =	sld [smem:$0x3FAE]  }
0x29: {  	s4 =	sld [smem:$0x3FB0]  }
0x2a: {  	p0 =	seq.s32 s5, $0x0;
	s5 =	sld [smem:$0x3FB1]  }
0x2b: {  	s6 =	sld [smem:$0x3FB2]  }
0x2c: {  	s7 =	sld [smem:$0x3FB3]  }
0x2d: {  	s3 =	simm.s32 $0x108;
	s8 =	sld [smem:$0x3FB4]  }
0x2e: {  	s3 =	simm.s32 @!p0 $0x1082;
	s9 =	sld [smem:$0x3FB5]  }
0x2f: {  	lr =	sadd.s32 s0, s3;
	s0 =	sld [smem:$0x3FAC]  }
0x30: {  	s3 =	sld [smem:$0x3FAF]  }
0x31: {  	[smem:$0x3FB8] =	sst s10  }
0x32: {  	s10 =	sld [smem:$0x3FB6];
	_ =	sdelay $0x3  }
0x33: {  	p0 =	seq.s32 s10, $0x1;
	s10 =	sld [smem:$0x3FB8];
	_ =	sdelay $0x3  }
0x34: {  	[smem:$0x3FB8] =	sst s10  }
0x35: {  	s10 =	sld [smem:$0x3FB7];
	_ =	sdelay $0x3  }
0x36: {  	p1 =	seq.s32 s10, $0x1;
	s10 =	sld [smem:$0x3FB8];
	_ =	sdelay $0x3  }
0x37: {  	[smem:$0x3FB8] =	sst s10  }
0x38: {  	s10 =	sld [smem:$0x3FB9]  }
0x39: {  	_ = 	snop;
	(pc) =	sbr.ind lr, $3  }
0x3a: {  	_ = 	snop  }
0x3b: {  	_ = 	snop  }
0x3c: {  	p2 =	seq.s32 s10, $0x1;
	s10 =	sld [smem:$0x3FB8]  }
0x3d: {  	_ =	shalt  }
0x3e: {  	_ =	shalt  }
0x3f: {  	_ =	shalt  }
0x40: {  	_ =	shalt  }
0x41: {  	_ =	shalt  }
0x42: {  	_ =	shalt  }
0x43: {  	_ =	shalt  }
0x44: {  	_ =	shalt  }
0x45: {  	_ =	shalt  }
0x46: {  	_ =	shalt  }
0x47: {  	_ =	shalt  }
0x48: {  	_ =	shalt  }
0x49: {  	_ =	shalt  }
0x4a: {  	_ =	shalt  }
0x4b: {  	_ =	shalt  }
0x4c: {  	_ =	shalt  }
0x4d: {  	_ =	shalt  }
0x4e: {  	_ =	shalt  }
0x4f: {  	_ =	shalt  }
0x50: {  	_ =	shalt  }
0x51: {  	_ =	shalt  }
0x52: {  	_ =	shalt  }
0x53: {  	_ =	shalt  }
0x54: {  	_ =	shalt  }
0x55: {  	_ =	shalt  }
0x56: {  	_ =	shalt  }
0x57: {  	_ =	shalt  }
0x58: {  	_ =	shalt  }
0x59: {  	_ =	shalt  }
0x5a: {  	_ =	shalt  }
0x5b: {  	_ =	shalt  }
0x5c: {  	_ =	shalt  }
0x5d: {  	_ =	shalt  }
0x5e: {  	_ =	shalt  }
0x5f: {  	_ =	shalt  }
0x60: {  	_ =	shalt  }
0x61: {  	_ =	shalt  }
0x62: {  	_ =	shalt  }
0x63: {  	_ =	shalt  }
0x64: {  	_ =	shalt  }
0x65: {  	_ =	shalt  }
0x66: {  	_ =	shalt  }
0x67: {  	_ =	shalt  }
0x68: {  	_ =	shalt  }
0x69: {  	_ =	shalt  }
0x6a: {  	_ =	shalt  }
0x6b: {  	_ =	shalt  }
0x6c: {  	_ =	shalt  }
0x6d: {  	_ =	shalt  }
0x6e: {  	_ =	shalt  }
0x6f: {  	_ =	shalt  }
0x70: {  	_ =	shalt  }
0x71: {  	_ =	shalt  }
0x72: {  	_ =	shalt  }
0x73: {  	_ =	shalt  }
0x74: {  	_ =	shalt  }
0x75: {  	_ =	shalt  }
0x76: {  	_ =	shalt  }
0x77: {  	_ =	shalt  }
0x78: {  	_ =	shalt  }
0x79: {  	_ =	shalt  }
0x7a: {  	_ =	shalt  }
0x7b: {  	_ =	shalt  }
0x7c: {  	_ =	shalt  }
0x7d: {  	_ =	shalt  }
0x7e: {  	_ =	shalt  }
0x7f: {  	_ =	shalt  }
0x80: {  	_ =	shalt  }
0x81: {  	_ =	shalt  }
0x82: {  	_ =	shalt  }
0x83: {  	_ =	shalt  }
0x84: {  	_ =	shalt  }
0x85: {  	_ =	shalt  }
0x86: {  	_ =	shalt  }
0x87: {  	_ =	shalt  }
.Lfunc_end0:
.L_simem_size_0:
called_computation_lowered:
.L_overlay_start_0:
0x88: {  	s2 =	sld [smem:$0x3FD9]  }
0x89: {  	s3 =	sld [smem:$0x3FFE];
	_ =	sdelay $0x1  }
0x8a: {  	s1 =	srdreg.scid  }
0x8b: {  	s0 =	sand.u32 $0x1, s1  }
0x8c: {  	s17 =	sshll.u32 s0, $0xA;
	s2 =	sadd.s32 s3, s2  }
0x8d: {  	s2 =	sadd.s32 s2, s17  }
0x8e: {  	[smem:$0x3FC4] =	sst s2  }
0x8f: {  	_ = 	snop  }
0x90: {  	s2 =	sld [smem:$0x3FD0];
	(tm) =	ssettm $0x1  }
0x91: {  	s18 =	sld [smem:$0x3FFB];
	_ =	sdelay $0x3  }
0x92: {  	_ =	strace s18  }
0x93: {  	s3 =	sld [smem:$0x3FFC];
	_ =	sdelay $0x3  }
0x94: {  	_ =	strace s3  }
0x95: {  	s3 =	sld [smem:$0x3FFD];
	_ =	sdelay $0x3  }
0x96: {  	_ =	strace s3  }
0x97: {  	_ =	strace $0x8FFFFFFF  }
0x98: {  	s19 =	sld [smem:$0x3FDB];
	_ =	sdelay $0x1  }
0x99: {  	s4 =	simm.s32 $_scs_section_size  }
0x9a: {  	s5 =	simm.s32 $_size__tile_overlayer_lowered;
	s6 =	simm.s32 $_tile_overlayer_lowered  }
0x9b: {  	s22 =	simm.s32 $0x1BFF;
	s21 =	sshll.u32 s6, $0x1;
	s3 =	sadd.s32 s4, s19  }
0x9c: {  	s7 =	simm.s32 $0x0;
	s20 =	sshll.u32 s5, $0x1;
	s5 =	sadd.s32 s21, s3  }
0x9d: {  	[timem:s7], [sflag:s22] =	dma.local [hbm:s5], s20  }
0x9e: {  	_ =	swait.ge [sflag:s22], s20  }
0x9f: {  	s4 =	ssub.s32 $0x0, s20;
	[sflag:s22] =	ssyncset.done $0x0  }
0xa0: {  	[sflag:s22] =	ssyncadd.s32 s4;
	_ =	sdelay $0x1  }
0xa1: {  	s23 =	simm.s32 $0x1B8B  }
0xa2: {  	_ =	swait.ge [sflag:s23], $0x1  }
0xa3: {  	[sflag:s23] =	ssyncset.done $0x0  }
0xa4: {  	s25 =	simm.s32 $0x1B8E;
	s24 =	sld [smem:$0x3FFE];
	[sflag:s23] =	ssyncadd.s32 $0xFFFFFFFF  }
0xa5: {  	s26 =	simm.s32 $execute0_lowered;
	[smem:$0x3FD2] =	sst s25  }
0xa6: {  	s5 =	sshll.u32 s26, $0x1;
	_ =	strace $0x80000046;
	[dreg:$0x1] =	wrdreg $0xFFFFFFFF  }
0xa7: {  	s28 =	simm.s32 $_size_execute0_lowered;
	s3 =	sadd.s32 s3, s5;
	[dreg:$0x0] =	wrdreg $0x0  }
0xa8: {  	s5 =	sshll.u32 s28, $0x1;
	[dreg:$0x2] =	wrdreg s3  }
0xa9: {  	[dreg:$0x3] =	wrdreg s5  }
0xaa: {  	[dreg:$0x4] =	wrdreg $0xC0  }
0xab: {  	_ =	task [dreg:s7], $0x5FFFF  }
0xac: {  	[dreg:$0x1] =	wrdreg $0xFFFFFFFF  }
0xad: {  	[dreg:$0x0] =	wrdreg $0x60  }
0xae: {  	[dreg:$0x2] =	wrdreg s24  }
0xaf: {  	[dreg:$0x3] =	wrdreg s2  }
0xb0: {  	[dreg:$0x4] =	wrdreg $0x9  }
0xb1: {  	_ =	task.clear_ibuf [dreg:s7], $0x5FFFF;
	_ =	strace $0x90000046  }
0xb2: {  	s29 =	simm.s32 $0x9;
	_ =	strace $0x80000048  }
0xb3: {  	_ =	swait.ge [sflag:s29], $0x1  }
0xb4: {  	[sflag:s29] =	ssyncadd.s32 $0xFFFFFFFF  }
0xb5: {  	_ =	strace $0x90000048  }
0xb6: {  	_ =	sfence  }
0xb7: {  	s30 =	sld [smem:$0x0];
	_ =	sdelay $0x2  }
0xb8: {  	s31 =	sshll.u32 s1, $0xD;
	s1 =	sshrl.u32 s1, $0x2  }
0xb9: {  	s3 =	sand.u32 $0x4000, s31;
	s1 =	sadd.s32 s1, s30  }
0xba: {  	s0 =	sor.u32 s3, s0;
	s1 =	sshll.u32 s1, $0x11  }
0xbb: {  	s0 =	sor.u32 s1, s0  }
0xbc: {  	s0 =	sadd.s32 $0x8F2B, s0  }
0xbd: {  	[sflag:s0] =	ssyncadd.remote.s32 $0x1  }
0xbe: {  	_ =	sfence.sel $0xFFFF  }
0xbf: {  	[dreg:$0x0] =	wrdreg $0xFFFFFFFF;
	(pc) =	sbr.abs _section_cstart, $3  }
0xc0: {  	[dreg:$0x1] =	wrdreg $0xFFFFFFFF  }
0xc1: {  	_ =	task.clear_ibuf [dreg:s7], $0x2FFFF;
	_ =	strace $0x9FFFFFFF  }
0xc2: {  	(tm) =	ssettm $0x7FFFFFFF  }
0xc3: {  	_ =	shalt  }
tec
execute0_lowered:
.L_overlay_start_1:
0x0: {  	(tag) =	ssettag $0x1  }
0x1: {  	s0 =	rddreg [dreg:$0x0]  }
0x2: {  	s2 =	rddreg [dreg:$0x1];
	s1 =	srdreg.scid  }
0x3: {  	s4 =	stileid.u32;
	s3 =	simm.s32 $0x0;
	s14 =	simm.s32 $0x8D00  }
0x4: {  	s15 =	simm.s32 $0x5;
	s19 =	simm.s32 $0x1;
	s20 =	simm.s32 $0x3  }
0x5: {  	s21 =	simm.s32 $0x4;
	s22 =	simm.s32 $0x2;
	s23 =	simm.s32 $0x11D00  }
0x6: {  	s24 =	simm.s32 $0x0;
	s1 =	sand.u32 $0x1, s1;
	s4 =	sshll.u32 s4, $0x1  }
0x7: {  	[smem:$0x7FF] =	sst s3;
	s5 =	sadd.s32 $0x3000, s0;
	s9 =	sadd.s32 $0x800, s0  }
0x8: {  	s28 =	sadd.s32 $0xA00, s0;
	s11 =	sadd.s32 $0xC00, s0;
	s4 =	sor.u32 s1, s4  }
0x9: {  	_ =	strace $0x80000047;
	s1 =	ssub.s32 $0x2, s1;
	s6 =	smul.u32 $0x3E8, s4  }
0xa: {  	[dreg:$0x3] =	wrdreg s9;
	s7 =	smul.u32 $0x1F40, s4;
	s8 =	smin.u32 s4, $0x1C  }
0xb: {  	[dreg:$0x4] =	wrdreg s28;
	s26 =	sshrl.u32 s1, $0x1;
	s8 =	smul.u32 $0x1F40, s8  }
0xc: {  	s1 =	ssub.s32 s1, s26;
	s7 =	sshrl.u32 s7, $0x3;
	s6 =	sadd.s32 s5, s6  }
0xd: {  	s12 =	smax.u32 s1, $0x1;
	s29 =	sadd.s32 s5, s7;
	s30 =	sshrl.u32 s8, $0x3  }
0xe: {  	[dreg:$0x5] =	wrdreg s6;
	s31 =	sadd.s32 $0x7D00, s29;
	s5 =	sadd.s32 s5, s30  }
0xf: {  	s9 =	sadd.s32 $0xFA00, s29;
	[dreg:$0x6] =	wrdreg s31;
	s10 =	sadd.s32 $0x17700, s5  }
.LBB2_1:
0x10: {  	s0 =	rddreg [dreg:$0x3];
	s1 =	simm.s32 $0x7D00  }
0x11: {  	[tilespmem:s1], [sflag:$0x3] =	stream.linear.gather [hbm4b:s0+s3], $0x1000, $0x38;
	[tilespmem:$0x19D00] =	vst v63  }
0x12: {  	s25 =	rddreg [dreg:$0x4]  }
0x13: {  	[tilespmem:s14], [sflag:$0x4] =	stream.linear.gather [hbm4b:s25+s3], $0x1000, $0x38;
	[tilespmem:$0x19D00] =	vst v63  }
0x14: {  	s26 =	rddreg [dreg:$0x5]  }
0x15: {  	[tilespmem:s3], [sflag:$0x5] =	stream.linear.gather [hbm4b:s26+s3], $0x1F40, $0x38;
	[tilespmem:$0x19D00] =	vst v63  }
0x16: {  	_ =	swait.ge [sflag:s15], $0x1F40  }
0x17: {  	[sflag:s15] =	ssyncset.done $0x0  }
0x18: {  	s29 =	simm.s32 $0x1F40;
	s28 =	rddreg [dreg:$0x6];
	[sflag:s15] =	ssyncadd.s32 $0xFFFFE0C0  }
0x19: {  	[tilespmem:s29], [sflag:$0x5] =	stream.linear.gather [hbm4b:s28+s3], $0x1F40, $0x38;
	[tilespmem:$0x19D00] =	vst v63  }
0x1a: {  	_ =	swait.ge [sflag:s15], $0x1F40  }
0x1b: {  	[sflag:s15] =	ssyncset.done $0x0  }
0x1c: {  	s30 =	simm.s32 $0x3E80;
	[sflag:s15] =	ssyncadd.s32 $0xFFFFE0C0  }
0x1d: {  	[tilespmem:s30], [sflag:$0x5] =	stream.linear.gather [hbm4b:s9+s3], $0x1F40, $0x38;
	[tilespmem:$0x19D00] =	vst v63  }
0x1e: {  	_ =	swait.ge [sflag:s15], $0x1F40  }
0x1f: {  	[sflag:s15] =	ssyncset.done $0x0  }
0x20: {  	s31 =	simm.s32 $0x5DC0;
	[sflag:s15] =	ssyncadd.s32 $0xFFFFE0C0  }
0x21: {  	[tilespmem:s31], [sflag:$0x5] =	stream.linear.gather [hbm4b:s10+s3], $0x1F40, $0x38;
	[tilespmem:$0x19D00] =	vst v63  }
0x22: {  	_ =	swait.ge [sflag:s15], $0x1F40  }
0x23: {  	[sflag:s15] =	ssyncset.done $0x0  }
0x24: {  	p0 =	por $0x0, $0x0;
	s25 =	simm.s32 $0x0;
	[sflag:s15] =	ssyncadd.s32 $0xFFFFE0C0  }
.LBB2_2:
0x25: {  	s28 =	sand.u32 $0x3, s25  }
0x26: {  	s26 =	sshrl.u32 s25, $0x2;
	p2 =	sne.s32 s28, $0x0  }
0x27: {  	s0 =	sand.u32 @!p2 $0x1, s26  }
0x28: {  	p1 =	seq.s32 @!p2 s0, $0x1  }
0x29: {  	s0 =	simm.s32 @!p2 $0x4;
	p3 =	por !p1, p2;
	p1 =	slt.u32 s25, $0x2  }
0x2a: {  	s0 =	simm.s32 @p3 $0x3;
	s1 =	sand.u32 @!p1 $0x1, s25  }
0x2b: {  	_ =	swait.ge @!p2 [sflag:s0], $0x1000;
	p3 =	seq.s32 @!p1 s1, $0x1  }
0x2c: {  	s1 =	simm.s32 @!p1 $0x2;
	[sflag:s0] =	ssyncset.done @!p2 $0x0;
	p3 =	por !p3, p1  }
0x2d: {  	[sflag:s0] =	ssyncadd.s32 @!p2 $0xFFFFF000;
	s1 =	simm.s32 @p3 $0x1  }
0x2e: {  	s29 =	sand.u32 $0x1, s26;
	_ =	swait.ge @!p1 [sflag:s1], $0x8000  }
0x2f: {  	s18 =	sshll.u32 s29, $0xC;
	[sflag:s1] =	ssyncset.done @!p1 $0x0  }
0x30: {  	s5 =	sadd.s32 $0x7D80, s18;
	[sflag:s1] =	ssyncadd.s32 @!p1 $0xFFFF8000  }
0x31: {  	v0 =	vld [tilespmem:s5+$0x0]  }
0x32: {  	v1 =	vmov s28  }
0x33: {  	v1 =	vmul.u32 $0x1F40, v1;
	_ =	sdelay $0x1  }
0x34: {  	v7 =	vbroadcast v1, $0x0  }
0x35: {  	v8 =	vand.u32 $0xFFFFFFF8, v0  }
0x36: {  	v9 =	vand.u32 $0x7, v0;
	v0 =	vadd.s32 v7, v8  }
0x37: {  	v0 =	vor.u32 v9, v0;
	_ =	sdelay $0x3  }
0x38: {  	v6 =	vadd.s32 $0x3E8, v7  }
0x39: {  	v1 =	vadd.s32 v6, v8;
	v0 =	vld.idx.msk [tilespmem:v0+s3+$0x0], $0xffff  }
0x3a: {  	s0 =	simm.s32 $0x1;
	v1 =	vor.u32 v9, v1  }
0x3b: {  	s0 =	simm.s32 @!p0 $0x0  }
0x3c: {  	s0 =	sshll.u32 s0, $0xF  }
0x3d: {  	s30 =	sadd.s32 $0xA100, s0  }
0x3e: {  	v5 =	vadd.s32 $0x7D0, v7;
	[tilespmem:s30+$0x0] =	vst v0  }
0x3f: {  	v0 =	vld.idx.msk [tilespmem:v1+s3+$0x0], $0xffff;
	v1 =	vadd.s32 v5, v8  }
0x40: {  	v1 =	vor.u32 v9, v1;
	_ =	sdelay $0x3  }
0x41: {  	v4 =	vadd.s32 $0xBB8, v7;
	[tilespmem:s30+$0x80] =	vst v0  }
0x42: {  	v0 =	vld.idx.msk [tilespmem:v1+s3+$0x0], $0xffff;
	v1 =	vadd.s32 v4, v8  }
0x43: {  	v1 =	vor.u32 v9, v1;
	_ =	sdelay $0x3  }
0x44: {  	v3 =	vadd.s32 $0xFA0, v7;
	[tilespmem:s30+$0x100] =	vst v0  }
0x45: {  	v0 =	vld.idx.msk [tilespmem:v1+s3+$0x0], $0xffff;
	v1 =	vadd.s32 v3, v8  }
0x46: {  	v1 =	vor.u32 v9, v1;
	_ =	sdelay $0x3  }
0x47: {  	v2 =	vadd.s32 $0x1388, v7;
	[tilespmem:s30+$0x180] =	vst v0  }
0x48: {  	v0 =	vld.idx.msk [tilespmem:v1+s3+$0x0], $0xffff;
	v1 =	vadd.s32 v2, v8  }
0x49: {  	v10 =	vor.u32 v9, v1;
	_ =	sdelay $0x3  }
0x4a: {  	v1 =	vadd.s32 $0x1770, v7;
	[tilespmem:s30+$0x200] =	vst v0  }
0x4b: {  	v0 =	vadd.s32 v1, v8;
	v10 =	vld.idx.msk [tilespmem:v10+s3+$0x0], $0xffff  }
0x4c: {  	v11 =	vor.u32 v9, v0  }
0x4d: {  	v12 =	vld [tilespmem:s5+$0xFFFFFF80];
	_ =	sdelay $0x2  }
0x4e: {  	v0 =	vadd.s32 $0x1B58, v7;
	[tilespmem:s30+$0x280] =	vst v10  }
0x4f: {  	v8 =	vadd.s32 v0, v8;
	v10 =	vld.idx.msk [tilespmem:v11+s3+$0x0], $0xffff  }
0x50: {  	v8 =	vor.u32 v9, v8;
	v9 =	vand.u32 $0xFFFFFFF8, v12  }
0x51: {  	v12 =	vand.u32 $0x7, v12;
	v11 =	vadd.s32 v7, v9  }
0x52: {  	v11 =	vor.u32 v12, v11;
	_ =	sdelay $0x1  }
0x53: {  	[tilespmem:s30+$0x300] =	vst v10  }
0x54: {  	v8 =	vld.idx.msk [tilespmem:v8+s3+$0x0], $0xffff;
	_ =	sdelay $0x1  }
0x55: {  	v10 =	vadd.s32 v6, v9;
	v11 =	vld.idx.msk [tilespmem:v11+s3+$0x0], $0xffff  }
0x56: {  	v10 =	vor.u32 v12, v10;
	_ =	sdelay $0x1  }
0x57: {  	[tilespmem:s30+$0x380] =	vst v8  }
0x58: {  	v8 =	vld [tilespmem:s5+$0x10]  }
0x59: {  	[tilespmem:s30+$0xFFFFFC00] =	vst v11  }
0x5a: {  	v11 =	vadd.s32 v5, v9;
	v10 =	vld.idx.msk [tilespmem:v10+s3+$0x0], $0xffff  }
0x5b: {  	v11 =	vor.u32 v12, v11;
	_ =	sdelay $0x1  }
0x5c: {  	v13 =	vand.u32 $0xFFFFFFF8, v8  }
0x5d: {  	v8 =	vand.u32 $0x7, v8;
	v14 =	vadd.s32 v7, v13  }
0x5e: {  	[tilespmem:s30+$0xFFFFFC80] =	vst v10;
	v14 =	vor.u32 v8, v14  }
0x5f: {  	v10 =	vadd.s32 v4, v9;
	v11 =	vld.idx.msk [tilespmem:v11+s3+$0x0], $0xffff  }
0x60: {  	v10 =	vor.u32 v12, v10;
	_ =	sdelay $0x2  }
0x61: {  	v15 =	vadd.s32 v6, v13;
	v14 =	vld.idx.msk [tilespmem:v14+s3+$0x0], $0xffff  }
0x62: {  	v15 =	vor.u32 v8, v15;
	[tilespmem:s30+$0xFFFFFD00] =	vst v11  }
0x63: {  	v11 =	vadd.s32 v3, v9;
	v10 =	vld.idx.msk [tilespmem:v10+s3+$0x0], $0xffff  }
0x64: {  	v11 =	vor.u32 v12, v11;
	_ =	sdelay $0x1  }
0x65: {  	[tilespmem:s30+$0x10] =	vst v14  }
0x66: {  	v14 =	vld.idx.msk [tilespmem:v15+s3+$0x0], $0xffff;
	v15 =	vadd.s32 v5, v13  }
0x67: {  	[tilespmem:s30+$0xFFFFFD80] =	vst v10;
	v15 =	vor.u32 v8, v15  }
0x68: {  	v10 =	vadd.s32 v2, v9;
	v11 =	vld.idx.msk [tilespmem:v11+s3+$0x0], $0xffff  }
0x69: {  	v10 =	vor.u32 v12, v10;
	_ =	sdelay $0x1  }
0x6a: {  	[tilespmem:s30+$0x90] =	vst v14  }
0x6b: {  	v14 =	vld.idx.msk [tilespmem:v15+s3+$0x0], $0xffff;
	v15 =	vadd.s32 v4, v13  }
0x6c: {  	[tilespmem:s30+$0xFFFFFE00] =	vst v11;
	v15 =	vor.u32 v8, v15  }
0x6d: {  	v11 =	vadd.s32 v1, v9;
	v10 =	vld.idx.msk [tilespmem:v10+s3+$0x0], $0xffff  }
0x6e: {  	v11 =	vor.u32 v12, v11;
	_ =	sdelay $0x1  }
0x6f: {  	[tilespmem:s30+$0x110] =	vst v14  }
0x70: {  	v14 =	vld.idx.msk [tilespmem:v15+s3+$0x0], $0xffff;
	v15 =	vadd.s32 v3, v13  }
0x71: {  	[tilespmem:s30+$0xFFFFFE80] =	vst v10;
	v15 =	vor.u32 v8, v15  }
0x72: {  	v9 =	vadd.s32 v0, v9;
	v10 =	vld.idx.msk [tilespmem:v11+s3+$0x0], $0xffff  }
0x73: {  	v9 =	vor.u32 v12, v9;
	_ =	sdelay $0x1  }
0x74: {  	[tilespmem:s30+$0x190] =	vst v14  }
0x75: {  	v12 =	vadd.s32 v2, v13;
	v11 =	vld.idx.msk [tilespmem:v15+s3+$0x0], $0xffff  }
0x76: {  	v12 =	vor.u32 v8, v12;
	[tilespmem:s30+$0xFFFFFF00] =	vst v10  }
0x77: {  	v9 =	vld.idx.msk [tilespmem:v9+s3+$0x0], $0xffff;
	_ =	sdelay $0x2  }
0x78: {  	[tilespmem:s30+$0x210] =	vst v11  }
0x79: {  	v11 =	vadd.s32 v1, v13;
	v10 =	vld.idx.msk [tilespmem:v12+s3+$0x0], $0xffff  }
0x7a: {  	[tilespmem:s30+$0xFFFFFF80] =	vst v9;
	v11 =	vor.u32 v8, v11  }
0x7b: {  	v9 =	vld [tilespmem:s5+$0xFFFFFF90];
	_ =	sdelay $0x2  }
0x7c: {  	[tilespmem:s30+$0x290] =	vst v10  }
0x7d: {  	v10 =	vld.idx.msk [tilespmem:v11+s3+$0x0], $0xffff;
	v11 =	vadd.s32 v0, v13  }
0x7e: {  	v8 =	vor.u32 v8, v11;
	v11 =	vand.u32 $0xFFFFFFF8, v9  }
0x7f: {  	v9 =	vand.u32 $0x7, v9;
	v12 =	vadd.s32 v7, v11  }
0x80: {  	v12 =	vor.u32 v9, v12;
	_ =	sdelay $0x1  }
0x81: {  	[tilespmem:s30+$0x310] =	vst v10  }
0x82: {  	v8 =	vld.idx.msk [tilespmem:v8+s3+$0x0], $0xffff;
	_ =	sdelay $0x1  }
0x83: {  	v10 =	vadd.s32 v6, v11;
	v12 =	vld.idx.msk [tilespmem:v12+s3+$0x0], $0xffff  }
0x84: {  	v10 =	vor.u32 v9, v10;
	_ =	sdelay $0x1  }
0x85: {  	[tilespmem:s30+$0x390] =	vst v8  }
0x86: {  	v8 =	vld [tilespmem:s5+$0x20]  }
0x87: {  	[tilespmem:s30+$0xFFFFFC10] =	vst v12  }
0x88: {  	v12 =	vadd.s32 v5, v11;
	v10 =	vld.idx.msk [tilespmem:v10+s3+$0x0], $0xffff  }
0x89: {  	v12 =	vor.u32 v9, v12;
	_ =	sdelay $0x1  }
0x8a: {  	v13 =	vand.u32 $0xFFFFFFF8, v8  }
0x8b: {  	v8 =	vand.u32 $0x7, v8;
	v14 =	vadd.s32 v7, v13  }
0x8c: {  	v14 =	vor.u32 v8, v14;
	[tilespmem:s30+$0xFFFFFC90] =	vst v10  }
0x8d: {  	v10 =	vadd.s32 v4, v11;
	v12 =	vld.idx.msk [tilespmem:v12+s3+$0x0], $0xffff  }
0x8e: {  	v10 =	vor.u32 v9, v10;
	_ =	sdelay $0x2  }
0x8f: {  	v15 =	vadd.s32 v6, v13;
	v14 =	vld.idx.msk [tilespmem:v14+s3+$0x0], $0xffff  }
0x90: {  	v15 =	vor.u32 v8, v15;
	[tilespmem:s30+$0xFFFFFD10] =	vst v12  }
0x91: {  	v12 =	vadd.s32 v3, v11;
	v10 =	vld.idx.msk [tilespmem:v10+s3+$0x0], $0xffff  }
0x92: {  	s18 =	sadd.s32 $0x100, s5;
	v12 =	vor.u32 v9, v12  }
0x93: {  	v16 =	vld [tilespmem:s18+$0x0]  }
0x94: {  	[tilespmem:s30+$0x20] =	vst v14  }
0x95: {  	v14 =	vld.idx.msk [tilespmem:v15+s3+$0x0], $0xffff;
	v15 =	vadd.s32 v5, v13  }
0x96: {  	v15 =	vor.u32 v8, v15;
	[tilespmem:s30+$0xFFFFFD90] =	vst v10  }
0x97: {  	v10 =	vadd.s32 v2, v11;
	v12 =	vld.idx.msk [tilespmem:v12+s3+$0x0], $0xffff  }
0x98: {  	v17 =	vand.u32 $0xFFFFFFF8, v16;
	v10 =	vor.u32 v9, v10  }
0x99: {  	v16 =	vand.u32 $0x7, v16;
	v18 =	vadd.s32 v7, v17  }
0x9a: {  	[tilespmem:s30+$0xA0] =	vst v14;
	v14 =	vor.u32 v16, v18  }
0x9b: {  	v18 =	vadd.s32 v4, v13;
	v15 =	vld.idx.msk [tilespmem:v15+s3+$0x0], $0xffff  }
0x9c: {  	v18 =	vor.u32 v8, v18;
	[tilespmem:s30+$0xFFFFFE10] =	vst v12  }
0x9d: {  	v12 =	vadd.s32 v1, v11;
	v10 =	vld.idx.msk [tilespmem:v10+s3+$0x0], $0xffff  }
0x9e: {  	v12 =	vor.u32 v9, v12  }
0x9f: {  	v19 =	vadd.s32 v6, v17;
	v14 =	vld.idx.msk [tilespmem:v14+s3+$0x0], $0xffff  }
0xa0: {  	[tilespmem:s30+$0x120] =	vst v15;
	v15 =	vor.u32 v16, v19  }
0xa1: {  	v19 =	vadd.s32 v3, v13;
	v18 =	vld.idx.msk [tilespmem:v18+s3+$0x0], $0xffff  }
0xa2: {  	v19 =	vor.u32 v8, v19;
	[tilespmem:s30+$0xFFFFFE90] =	vst v10  }
0xa3: {  	s31 =	sadd.s32 $0x800, s30;
	v10 =	vadd.s32 v0, v11;
	v11 =	vld.idx.msk [tilespmem:v12+s3+$0x0], $0xffff  }
0xa4: {  	v9 =	vor.u32 v9, v10;
	v10 =	vld [tilespmem:s18+$0xFFFFFF80];
	[tilespmem:s31+$0x0] =	vst v14  }
0xa5: {  	v14 =	vadd.s32 v5, v17;
	v12 =	vld.idx.msk [tilespmem:v15+s3+$0x0], $0xffff  }
0xa6: {  	v14 =	vor.u32 v16, v14;
	[tilespmem:s30+$0x1A0] =	vst v18  }
0xa7: {  	v18 =	vadd.s32 v2, v13;
	v15 =	vld.idx.msk [tilespmem:v19+s3+$0x0], $0xffff  }
0xa8: {  	v18 =	vor.u32 v8, v18;
	[tilespmem:s30+$0xFFFFFF10] =	vst v11  }
0xa9: {  	v11 =	vand.u32 $0xFFFFFFF8, v10;
	v9 =	vld.idx.msk [tilespmem:v9+s3+$0x0], $0xffff  }
0xaa: {  	v10 =	vand.u32 $0x7, v10;
	v19 =	vadd.s32 v7, v11;
	[tilespmem:s31+$0x80] =	vst v12  }
0xab: {  	v12 =	vor.u32 v10, v19;
	v19 =	vadd.s32 v4, v17;
	v14 =	vld.idx.msk [tilespmem:v14+s3+$0x0], $0xffff  }
0xac: {  	[tilespmem:s30+$0x220] =	vst v15;
	v15 =	vor.u32 v16, v19  }
0xad: {  	v19 =	vadd.s32 v1, v13;
	v18 =	vld.idx.msk [tilespmem:v18+s3+$0x0], $0xffff  }
0xae: {  	v19 =	vor.u32 v8, v19;
	[tilespmem:s30+$0xFFFFFF90] =	vst v9  }
0xaf: {  	v9 =	vld [tilespmem:s5+$0xFFFFFFA0]  }
0xb0: {  	v20 =	vadd.s32 v6, v11;
	v12 =	vld.idx.msk [tilespmem:v12+s3+$0x0], $0xffff;
	[tilespmem:s31+$0x100] =	vst v14  }
0xb1: {  	v14 =	vor.u32 v10, v20;
	v20 =	vadd.s32 v3, v17;
	v15 =	vld.idx.msk [tilespmem:v15+s3+$0x0], $0xffff  }
0xb2: {  	[tilespmem:s30+$0x2A0] =	vst v18;
	v18 =	vor.u32 v16, v20  }
0xb3: {  	v13 =	vadd.s32 v0, v13;
	v19 =	vld.idx.msk [tilespmem:v19+s3+$0x0], $0xffff  }
0xb4: {  	v8 =	vor.u32 v8, v13;
	v13 =	vand.u32 $0xFFFFFFF8, v9  }
0xb5: {  	v9 =	vand.u32 $0x7, v9;
	[tilespmem:s31+$0xFFFFFC00] =	vst v12;
	v20 =	vadd.s32 v7, v13  }
0xb6: {  	v14 =	vld.idx.msk [tilespmem:v14+s3+$0x0], $0xffff;
	v12 =	vor.u32 v9, v20;
	v20 =	vadd.s32 v5, v11;
	[tilespmem:s31+$0x180] =	vst v15  }
0xb7: {  	v15 =	vor.u32 v10, v20;
	v18 =	vld.idx.msk [tilespmem:v18+s3+$0x0], $0xffff;
	v20 =	vadd.s32 v2, v17  }
0xb8: {  	[tilespmem:s30+$0x320] =	vst v19;
	v19 =	vor.u32 v16, v20  }
0xb9: {  	v8 =	vld.idx.msk [tilespmem:v8+s3+$0x0], $0xffff;
	_ =	sdelay $0x1  }
0xba: {  	v20 =	vadd.s32 v6, v13;
	[tilespmem:s31+$0xFFFFFC80] =	vst v14;
	v12 =	vld.idx.msk [tilespmem:v12+s3+$0x0], $0xffff  }
0xbb: {  	v14 =	vor.u32 v9, v20;
	v20 =	vadd.s32 v4, v11;
	v15 =	vld.idx.msk [tilespmem:v15+s3+$0x0], $0xffff;
	[tilespmem:s31+$0x200] =	vst v18  }
0xbc: {  	v18 =	vor.u32 v10, v20;
	v20 =	vadd.s32 v1, v17;
	v19 =	vld.idx.msk [tilespmem:v19+s3+$0x0], $0xffff  }
0xbd: {  	[tilespmem:s30+$0x3A0] =	vst v8;
	v8 =	vor.u32 v16, v20  }
0xbe: {  	v20 =	vld [tilespmem:s5+$0x30]  }
0xbf: {  	[tilespmem:s30+$0xFFFFFC20] =	vst v12  }
0xc0: {  	v12 =	vadd.s32 v5, v13;
	v14 =	vld.idx.msk [tilespmem:v14+s3+$0x0], $0xffff;
	[tilespmem:s31+$0xFFFFFD00] =	vst v15  }
0xc1: {  	v12 =	vor.u32 v9, v12;
	v15 =	vadd.s32 v3, v11;
	v18 =	vld.idx.msk [tilespmem:v18+s3+$0x0], $0xffff;
	[tilespmem:s31+$0x280] =	vst v19  }
0xc2: {  	v17 =	vadd.s32 v0, v17;
	v15 =	vor.u32 v10, v15;
	v8 =	vld.idx.msk [tilespmem:v8+s3+$0x0], $0xffff  }
0xc3: {  	v16 =	vor.u32 v16, v17;
	v19 =	vand.u32 $0xFFFFFFF8, v20  }
0xc4: {  	v17 =	vand.u32 $0x7, v20;
	v20 =	vadd.s32 v7, v19  }
0xc5: {  	v20 =	vor.u32 v17, v20;
	[tilespmem:s30+$0xFFFFFCA0] =	vst v14  }
0xc6: {  	v14 =	vadd.s32 v4, v13;
	v12 =	vld.idx.msk [tilespmem:v12+s3+$0x0], $0xffff;
	[tilespmem:s31+$0xFFFFFD80] =	vst v18  }
0xc7: {  	v14 =	vor.u32 v9, v14;
	v18 =	vadd.s32 v2, v11;
	v15 =	vld.idx.msk [tilespmem:v15+s3+$0x0], $0xffff;
	[tilespmem:s31+$0x300] =	vst v8  }
0xc8: {  	v8 =	vor.u32 v10, v18;
	v16 =	vld.idx.msk [tilespmem:v16+s3+$0x0], $0xffff;
	_ =	sdelay $0x1  }
0xc9: {  	v18 =	vld.idx.msk [tilespmem:v20+s3+$0x0], $0xffff;
	v20 =	vadd.s32 v6, v19  }
0xca: {  	v20 =	vor.u32 v17, v20;
	[tilespmem:s30+$0xFFFFFD20] =	vst v12  }
0xcb: {  	v12 =	vadd.s32 v3, v13;
	v14 =	vld.idx.msk [tilespmem:v14+s3+$0x0], $0xffff;
	[tilespmem:s31+$0xFFFFFE00] =	vst v15  }
0xcc: {  	v12 =	vor.u32 v9, v12;
	v15 =	vadd.s32 v1, v11;
	v8 =	vld.idx.msk [tilespmem:v8+s3+$0x0], $0xffff;
	[tilespmem:s31+$0x380] =	vst v16  }
0xcd: {  	v15 =	vor.u32 v10, v15;
	v16 =	vld [tilespmem:s18+$0x10]  }
0xce: {  	[tilespmem:s30+$0x30] =	vst v18  }
0xcf: {  	v18 =	vld.idx.msk [tilespmem:v20+s3+$0x0], $0xffff;
	v20 =	vadd.s32 v5, v19  }
0xd0: {  	v20 =	vor.u32 v17, v20;
	[tilespmem:s30+$0xFFFFFDA0] =	vst v14  }
0xd1: {  	v14 =	vadd.s32 v2, v13;
	v12 =	vld.idx.msk [tilespmem:v12+s3+$0x0], $0xffff;
	[tilespmem:s31+$0xFFFFFE80] =	vst v8  }
0xd2: {  	v11 =	vadd.s32 v0, v11;
	v8 =	vor.u32 v9, v14;
	v14 =	vld.idx.msk [tilespmem:v15+s3+$0x0], $0xffff;
	v15 =	vand.u32 $0xFFFFFFF8, v16  }
0xd3: {  	v10 =	vor.u32 v10, v11;
	v11 =	vand.u32 $0x7, v16;
	v16 =	vadd.s32 v7, v15  }
0xd4: {  	[tilespmem:s30+$0xB0] =	vst v18;
	v16 =	vor.u32 v11, v16  }
0xd5: {  	v18 =	vld.idx.msk [tilespmem:v20+s3+$0x0], $0xffff;
	v20 =	vadd.s32 v4, v19  }
0xd6: {  	v20 =	vor.u32 v17, v20;
	[tilespmem:s30+$0xFFFFFE20] =	vst v12  }
0xd7: {  	v12 =	vadd.s32 v1, v13;
	v8 =	vld.idx.msk [tilespmem:v8+s3+$0x0], $0xffff;
	[tilespmem:s31+$0xFFFFFF00] =	vst v14  }
0xd8: {  	v12 =	vor.u32 v9, v12;
	v10 =	vld.idx.msk [tilespmem:v10+s3+$0x0], $0xffff  }
0xd9: {  	v14 =	vld.idx.msk [tilespmem:v16+s3+$0x0], $0xffff;
	v16 =	vadd.s32 v6, v15  }
0xda: {  	[tilespmem:s30+$0x130] =	vst v18;
	v16 =	vor.u32 v11, v16  }
0xdb: {  	v18 =	vld.idx.msk [tilespmem:v20+s3+$0x0], $0xffff;
	v20 =	vadd.s32 v3, v19  }
0xdc: {  	v20 =	vor.u32 v17, v20;
	[tilespmem:s30+$0xFFFFFEA0] =	vst v8  }
0xdd: {  	v8 =	vadd.s32 v0, v13;
	v12 =	vld.idx.msk [tilespmem:v12+s3+$0x0], $0xffff;
	[tilespmem:s31+$0xFFFFFF80] =	vst v10  }
0xde: {  	v8 =	vor.u32 v9, v8;
	v9 =	vld [tilespmem:s18+$0xFFFFFF90];
	[tilespmem:s31+$0x10] =	vst v14  }
0xdf: {  	v13 =	vadd.s32 v5, v15;
	v10 =	vld.idx.msk [tilespmem:v16+s3+$0x0], $0xffff  }
0xe0: {  	v13 =	vor.u32 v11, v13;
	[tilespmem:s30+$0x1B0] =	vst v18  }
0xe1: {  	v16 =	vadd.s32 v2, v19;
	v14 =	vld.idx.msk [tilespmem:v20+s3+$0x0], $0xffff  }
0xe2: {  	v16 =	vor.u32 v17, v16;
	[tilespmem:s30+$0xFFFFFF20] =	vst v12  }
0xe3: {  	v8 =	vld.idx.msk [tilespmem:v8+s3+$0x0], $0xffff;
	v12 =	vand.u32 $0xFFFFFFF8, v9  }
0xe4: {  	v9 =	vand.u32 $0x7, v9;
	v18 =	vadd.s32 v7, v12;
	[tilespmem:s31+$0x90] =	vst v10  }
0xe5: {  	v10 =	vor.u32 v9, v18;
	v13 =	vld.idx.msk [tilespmem:v13+s3+$0x0], $0xffff;
	v18 =	vadd.s32 v4, v15  }
0xe6: {  	[tilespmem:s30+$0x230] =	vst v14;
	v14 =	vor.u32 v11, v18  }
0xe7: {  	v18 =	vadd.s32 v1, v19;
	v16 =	vld.idx.msk [tilespmem:v16+s3+$0x0], $0xffff  }
0xe8: {  	v18 =	vor.u32 v17, v18;
	[tilespmem:s30+$0xFFFFFFA0] =	vst v8  }
0xe9: {  	v8 =	vld [tilespmem:s5+$0xFFFFFFB0]  }
0xea: {  	v20 =	vadd.s32 v6, v12;
	v10 =	vld.idx.msk [tilespmem:v10+s3+$0x0], $0xffff;
	[tilespmem:s31+$0x110] =	vst v13  }
0xeb: {  	v13 =	vor.u32 v9, v20;
	v20 =	vadd.s32 v3, v15;
	v14 =	vld.idx.msk [tilespmem:v14+s3+$0x0], $0xffff  }
0xec: {  	[tilespmem:s30+$0x2B0] =	vst v16;
	v16 =	vor.u32 v11, v20  }
0xed: {  	v19 =	vadd.s32 v0, v19;
	v18 =	vld.idx.msk [tilespmem:v18+s3+$0x0], $0xffff  }
0xee: {  	v17 =	vor.u32 v17, v19;
	v19 =	vand.u32 $0xFFFFFFF8, v8  }
0xef: {  	v8 =	vand.u32 $0x7, v8;
	v20 =	vadd.s32 v7, v19;
	[tilespmem:s31+$0xFFFFFC10] =	vst v10  }
0xf0: {  	v10 =	vor.u32 v8, v20;
	v20 =	vadd.s32 v5, v12;
	v13 =	vld.idx.msk [tilespmem:v13+s3+$0x0], $0xffff;
	[tilespmem:s31+$0x190] =	vst v14  }
0xf1: {  	v14 =	vor.u32 v9, v20;
	v16 =	vld.idx.msk [tilespmem:v16+s3+$0x0], $0xffff;
	v20 =	vadd.s32 v2, v15  }
0xf2: {  	[tilespmem:s30+$0x330] =	vst v18;
	v18 =	vor.u32 v11, v20  }
0xf3: {  	v17 =	vld.idx.msk [tilespmem:v17+s3+$0x0], $0xffff;
	_ =	sdelay $0x1  }
0xf4: {  	v20 =	vadd.s32 v6, v19;
	v10 =	vld.idx.msk [tilespmem:v10+s3+$0x0], $0xffff;
	[tilespmem:s31+$0xFFFFFC90] =	vst v13  }
0xf5: {  	v13 =	vor.u32 v8, v20;
	v20 =	vadd.s32 v4, v12;
	v14 =	vld.idx.msk [tilespmem:v14+s3+$0x0], $0xffff;
	[tilespmem:s31+$0x210] =	vst v16  }
0xf6: {  	v16 =	vor.u32 v9, v20;
	v20 =	vadd.s32 v1, v15;
	v18 =	vld.idx.msk [tilespmem:v18+s3+$0x0], $0xffff  }
0xf7: {  	[tilespmem:s30+$0x3B0] =	vst v17;
	v17 =	vor.u32 v11, v20  }
0xf8: {  	v20 =	vld [tilespmem:s5+$0x40]  }
0xf9: {  	[tilespmem:s30+$0xFFFFFC30] =	vst v10  }
0xfa: {  	v10 =	vadd.s32 v5, v19;
	v13 =	vld.idx.msk [tilespmem:v13+s3+$0x0], $0xffff;
	[tilespmem:s31+$0xFFFFFD10] =	vst v14  }
0xfb: {  	v10 =	vor.u32 v8, v10;
	v14 =	vadd.s32 v3, v12;
	v16 =	vld.idx.msk [tilespmem:v16+s3+$0x0], $0xffff;
	[tilespmem:s31+$0x290] =	vst v18  }
0xfc: {  	v15 =	vadd.s32 v0, v15;
	v14 =	vor.u32 v9, v14;
	v17 =	vld.idx.msk [tilespmem:v17+s3+$0x0], $0xffff  }
0xfd: {  	v11 =	vor.u32 v11, v15;
	v18 =	vand.u32 $0xFFFFFFF8, v20  }
0xfe: {  	v15 =	vand.u32 $0x7, v20;
	v20 =	vadd.s32 v7, v18  }
0xff: {  	v20 =	vor.u32 v15, v20;
	[tilespmem:s30+$0xFFFFFCB0] =	vst v13  }
0x100: {  	v13 =	vadd.s32 v4, v19;
	v10 =	vld.idx.msk [tilespmem:v10+s3+$0x0], $0xffff;
	[tilespmem:s31+$0xFFFFFD90] =	vst v16  }
0x101: {  	v13 =	vor.u32 v8, v13;
	v16 =	vadd.s32 v2, v12;
	v14 =	vld.idx.msk [tilespmem:v14+s3+$0x0], $0xffff;
	[tilespmem:s31+$0x310] =	vst v17  }
0x102: {  	v16 =	vor.u32 v9, v16;
	v11 =	vld.idx.msk [tilespmem:v11+s3+$0x0], $0xffff;
	_ =	sdelay $0x1  }
0x103: {  	v17 =	vld.idx.msk [tilespmem:v20+s3+$0x0], $0xffff;
	v20 =	vadd.s32 v6, v18  }
0x104: {  	v20 =	vor.u32 v15, v20;
	[tilespmem:s30+$0xFFFFFD30] =	vst v10  }
0x105: {  	v13 =	vld.idx.msk [tilespmem:v13+s3+$0x0], $0xffff;
	[tilespmem:s31+$0xFFFFFE10] =	vst v14  }
0x106: {  	v10 =	vadd.s32 v3, v19;
	v14 =	vadd.s32 v1, v12;
	v16 =	vld.idx.msk [tilespmem:v16+s3+$0x0], $0xffff;
	[tilespmem:s31+$0x390] =	vst v11  }
0x107: {  	v10 =	vor.u32 v8, v10;
	v11 =	vor.u32 v9, v14;
	v14 =	vld [tilespmem:s18+$0x20]  }
0x108: {  	[tilespmem:s30+$0x40] =	vst v17  }
0x109: {  	v17 =	vadd.s32 v5, v18;
	v20 =	vld.idx.msk [tilespmem:v20+s3+$0x0], $0xffff  }
0x10a: {  	v21 =	vor.u32 v15, v17  }
0x10b: {  	v12 =	vadd.s32 v0, v12;
	[tilespmem:s30+$0xFFFFFDB0] =	vst v13  }
0x10c: {  	v9 =	vor.u32 v9, v12;
	v13 =	vadd.s32 v2, v19;
	v10 =	vld.idx.msk [tilespmem:v10+s3+$0x0], $0xffff;
	[tilespmem:s31+$0xFFFFFE90] =	vst v16;
	v16 =	vand.u32 $0xFFFFFFF8, v14  }
0x10d: {  	v13 =	vor.u32 v8, v13;
	v11 =	vld.idx.msk [tilespmem:v11+s3+$0x0], $0xffff;
	v17 =	vand.u32 $0x7, v14;
	v12 =	vadd.s32 v7, v16  }
0x10e: {  	[tilespmem:s30+$0xC0] =	vst v20;
	v12 =	vor.u32 v17, v12  }
0x10f: {  	v20 =	vadd.s32 v4, v18;
	v14 =	vld.idx.msk [tilespmem:v21+s3+$0x0], $0xffff  }
0x110: {  	s1 =	sadd.s32 $0x100, s18;
	v20 =	vor.u32 v15, v20  }
0x111: {  	v22 =	vld [tilespmem:s1+$0xFFFFFF80];
	[tilespmem:s30+$0xFFFFFE30] =	vst v10  }
0x112: {  	v10 =	vld.idx.msk [tilespmem:v13+s3+$0x0], $0xffff;
	[tilespmem:s31+$0xFFFFFF10] =	vst v11;
	v11 =	vadd.s32 v1, v19  }
0x113: {  	v13 =	vadd.s32 v6, v16;
	v11 =	vor.u32 v8, v11;
	v12 =	vld.idx.msk [tilespmem:v12+s3+$0x0], $0xffff  }
0x114: {  	v9 =	vld.idx.msk [tilespmem:v9+s3+$0x0], $0xffff;
	v13 =	vor.u32 v17, v13;
	[tilespmem:s30+$0x140] =	vst v14  }
0x115: {  	v21 =	vadd.s32 v3, v18;
	v14 =	vld.idx.msk [tilespmem:v20+s3+$0x0], $0xffff  }
0x116: {  	v21 =	vor.u32 v15, v21;
	v20 =	vld [tilespmem:s1+$0x0]  }
0x117: {  	[tilespmem:s30+$0xFFFFFEB0] =	vst v10  }
0x118: {  	v10 =	vadd.s32 v0, v19;
	v19 =	vld.idx.msk [tilespmem:v11+s3+$0x0], $0xffff;
	[tilespmem:s31+$0x20] =	vst v12  }
0x119: {  	v8 =	vor.u32 v8, v10;
	[tilespmem:s31+$0xFFFFFF90] =	vst v9;
	v9 =	vadd.s32 v5, v16;
	v12 =	vld.idx.msk [tilespmem:v13+s3+$0x0], $0xffff  }
0x11a: {  	v23 =	vld [tilespmem:s18+$0xFFFFFFA0];
	v24 =	vor.u32 v17, v9;
	[tilespmem:s30+$0x1C0] =	vst v14  }
0x11b: {  	v10 =	vand.u32 $0xFFFFFFF8, v22;
	v13 =	vadd.s32 v2, v18;
	v9 =	vand.u32 $0xFFFFFFF8, v20;
	v14 =	vld.idx.msk [tilespmem:v21+s3+$0x0], $0xffff  }
0x11c: {  	v11 =	vand.u32 $0x7, v20;
	v20 =	vadd.s32 v7, v9;
	v21 =	vor.u32 v15, v13  }
0x11d: {  	v13 =	vand.u32 $0x7, v22;
	[tilespmem:s30+$0xFFFFFF30] =	vst v19;
	v19 =	vadd.s32 v7, v10;
	v20 =	vor.u32 v11, v20  }
0x11e: {  	v22 =	vld.idx.msk [tilespmem:v8+s3+$0x0], $0xffff;
	v19 =	vor.u32 v13, v19;
	[tilespmem:s31+$0xA0] =	vst v12  }
0x11f: {  	v25 =	vadd.s32 v4, v16;
	v12 =	vand.u32 $0xFFFFFFF8, v23;
	v24 =	vld.idx.msk [tilespmem:v24+s3+$0x0], $0xffff  }
0x120: {  	v25 =	vor.u32 v17, v25;
	v8 =	vand.u32 $0x7, v23;
	v23 =	vadd.s32 v7, v12;
	[tilespmem:s30+$0x240] =	vst v14  }
0x121: {  	v14 =	vor.u32 v8, v23;
	v23 =	vadd.s32 v1, v18;
	v21 =	vld.idx.msk [tilespmem:v21+s3+$0x0], $0xffff  }
0x122: {  	v26 =	vadd.s32 v6, v9;
	v20 =	vld.idx.msk [tilespmem:v20+s3+$0x0], $0xffff;
	v23 =	vor.u32 v15, v23  }
0x123: {  	v26 =	vor.u32 v11, v26;
	[tilespmem:s30+$0xFFFFFFB0] =	vst v22;
	v22 =	vadd.s32 v6, v10;
	v19 =	vld.idx.msk [tilespmem:v19+s3+$0x0], $0xffff  }
0x124: {  	v27 =	vld [tilespmem:s5+$0xFFFFFFC0];
	v22 =	vor.u32 v13, v22;
	[tilespmem:s31+$0x120] =	vst v24  }
0x125: {  	v24 =	vld.idx.msk [tilespmem:v25+s3+$0x0], $0xffff;
	v25 =	vadd.s32 v3, v16  }
0x126: {  	s0 =	sadd.s32 $0x800, s31;
	v28 =	vadd.s32 v6, v12;
	v29 =	vld.idx.msk [tilespmem:v14+s3+$0x0], $0xffff;
	v25 =	vor.u32 v17, v25;
	[tilespmem:s30+$0x2C0] =	vst v21  }
0x127: {  	v14 =	vadd.s32 v0, v18;
	v21 =	vor.u32 v8, v28;
	[tilespmem:s0+$0x0] =	vst v20;
	v20 =	vld.idx.msk [tilespmem:v23+s3+$0x0], $0xffff  }
0x128: {  	v18 =	vld.idx.msk [tilespmem:v26+s3+$0x0], $0xffff;
	[tilespmem:s0+$0xFFFFFC00] =	vst v19;
	v19 =	vadd.s32 v5, v9;
	v23 =	vor.u32 v15, v14  }
0x129: {  	v26 =	vadd.s32 v5, v10;
	v14 =	vand.u32 $0xFFFFFFF8, v27;
	v22 =	vld.idx.msk [tilespmem:v22+s3+$0x0], $0xffff;
	v19 =	vor.u32 v11, v19  }
0x12a: {  	v15 =	vand.u32 $0x7, v27;
	v26 =	vor.u32 v13, v26;
	v27 =	vadd.s32 v7, v14;
	[tilespmem:s31+$0x1A0] =	vst v24  }
0x12b: {  	v24 =	vor.u32 v15, v27;
	[tilespmem:s31+$0xFFFFFC20] =	vst v29;
	v27 =	vadd.s32 v2, v16;
	v25 =	vld.idx.msk [tilespmem:v25+s3+$0x0], $0xffff  }
0x12c: {  	v28 =	vadd.s32 v5, v12;
	v21 =	vld.idx.msk [tilespmem:v21+s3+$0x0], $0xffff;
	v27 =	vor.u32 v17, v27;
	[tilespmem:s30+$0x340] =	vst v20  }
0x12d: {  	v20 =	vor.u32 v8, v28;
	[tilespmem:s0+$0x80] =	vst v18;
	v18 =	vld.idx.msk [tilespmem:v23+s3+$0x0], $0xffff  }
0x12e: {  	v19 =	vld.idx.msk [tilespmem:v19+s3+$0x0], $0xffff;
	[tilespmem:s0+$0xFFFFFC80] =	vst v22;
	v22 =	vadd.s32 v4, v9  }
0x12f: {  	v23 =	vadd.s32 v4, v10;
	v22 =	vor.u32 v11, v22;
	v26 =	vld.idx.msk [tilespmem:v26+s3+$0x0], $0xffff  }
0x130: {  	v28 =	vadd.s32 v6, v14;
	v23 =	vor.u32 v13, v23;
	v24 =	vld.idx.msk [tilespmem:v24+s3+$0x0], $0xffff;
	[tilespmem:s31+$0x220] =	vst v25  }
0x131: {  	v25 =	vor.u32 v15, v28;
	[tilespmem:s31+$0xFFFFFCA0] =	vst v21;
	v21 =	vld.idx.msk [tilespmem:v27+s3+$0x0], $0xffff;
	v27 =	vadd.s32 v1, v16  }
0x132: {  	v28 =	vadd.s32 v4, v12;
	v20 =	vld.idx.msk [tilespmem:v20+s3+$0x0], $0xffff;
	v27 =	vor.u32 v17, v27;
	[tilespmem:s30+$0x3C0] =	vst v18  }
0x133: {  	v18 =	vor.u32 v8, v28;
	[tilespmem:s0+$0x100] =	vst v19;
	v19 =	vld [tilespmem:s5+$0x50]  }
0x134: {  	v22 =	vld.idx.msk [tilespmem:v22+s3+$0x0], $0xffff;
	[tilespmem:s0+$0xFFFFFD00] =	vst v26;
	v26 =	vadd.s32 v3, v9  }
0x135: {  	[tilespmem:s30+$0xFFFFFC40] =	vst v24;
	v24 =	vadd.s32 v3, v10;
	v23 =	vld.idx.msk [tilespmem:v23+s3+$0x0], $0xffff;
	v26 =	vor.u32 v11, v26  }
0x136: {  	v28 =	vadd.s32 v5, v14;
	v25 =	vld.idx.msk [tilespmem:v25+s3+$0x0], $0xffff;
	v24 =	vor.u32 v13, v24;
	[tilespmem:s31+$0x2A0] =	vst v21  }
0x137: {  	v21 =	vor.u32 v15, v28;
	[tilespmem:s31+$0xFFFFFD20] =	vst v20;
	v20 =	vld.idx.msk [tilespmem:v27+s3+$0x0], $0xffff;
	v27 =	vadd.s32 v0, v16  }
0x138: {  	v28 =	vadd.s32 v3, v12;
	v18 =	vld.idx.msk [tilespmem:v18+s3+$0x0], $0xffff;
	v16 =	vand.u32 $0xFFFFFFF8, v19;
	v27 =	vor.u32 v17, v27  }
0x139: {  	v28 =	vor.u32 v8, v28;
	[tilespmem:s0+$0x180] =	vst v22;
	v17 =	vand.u32 $0x7, v19;
	v19 =	vadd.s32 v7, v16  }
0x13a: {  	v22 =	vld.idx.msk [tilespmem:v26+s3+$0x0], $0xffff;
	[tilespmem:s0+$0xFFFFFD80] =	vst v23;
	v23 =	vadd.s32 v2, v9;
	v19 =	vor.u32 v17, v19  }
0x13b: {  	v26 =	vadd.s32 v2, v10;
	[tilespmem:s30+$0xFFFFFCC0] =	vst v25;
	v24 =	vld.idx.msk [tilespmem:v24+s3+$0x0], $0xffff;
	v23 =	vor.u32 v11, v23  }
0x13c: {  	v25 =	vadd.s32 v4, v14;
	v26 =	vor.u32 v13, v26;
	v21 =	vld.idx.msk [tilespmem:v21+s3+$0x0], $0xffff;
	[tilespmem:s31+$0x320] =	vst v20  }
0x13d: {  	v20 =	vor.u32 v15, v25;
	[tilespmem:s31+$0xFFFFFDA0] =	vst v18;
	v18 =	vld.idx.msk [tilespmem:v27+s3+$0x0], $0xffff  }
0x13e: {  	v25 =	vadd.s32 v2, v12;
	v27 =	vld.idx.msk [tilespmem:v28+s3+$0x0], $0xffff  }
0x13f: {  	v25 =	vor.u32 v8, v25;
	[tilespmem:s0+$0x200] =	vst v22;
	v22 =	vadd.s32 v6, v16;
	v19 =	vld.idx.msk [tilespmem:v19+s3+$0x0], $0xffff  }
0x140: {  	v23 =	vld.idx.msk [tilespmem:v23+s3+$0x0], $0xffff;
	v22 =	vor.u32 v17, v22;
	[tilespmem:s0+$0xFFFFFE00] =	vst v24;
	v24 =	vadd.s32 v1, v9  }
0x141: {  	v28 =	vadd.s32 v1, v10;
	[tilespmem:s30+$0xFFFFFD40] =	vst v21;
	v21 =	vld.idx.msk [tilespmem:v26+s3+$0x0], $0xffff;
	v24 =	vor.u32 v11, v24  }
0x142: {  	v28 =	vor.u32 v13, v28;
	v26 =	vadd.s32 v3, v14;
	v20 =	vld.idx.msk [tilespmem:v20+s3+$0x0], $0xffff;
	[tilespmem:s31+$0x3A0] =	vst v18  }
0x143: {  	v18 =	vor.u32 v15, v26;
	[tilespmem:s31+$0xFFFFFE20] =	vst v27;
	v26 =	vld [tilespmem:s18+$0x30]  }
0x144: {  	v27 =	vadd.s32 v1, v12;
	v25 =	vld.idx.msk [tilespmem:v25+s3+$0x0], $0xffff;
	[tilespmem:s30+$0x50] =	vst v19  }
0x145: {  	v27 =	vor.u32 v8, v27;
	[tilespmem:s0+$0x280] =	vst v23;
	v19 =	vadd.s32 v5, v16;
	v22 =	vld.idx.msk [tilespmem:v22+s3+$0x0], $0xffff  }
0x146: {  	v9 =	vadd.s32 v0, v9;
	v23 =	vld.idx.msk [tilespmem:v24+s3+$0x0], $0xffff;
	v24 =	vor.u32 v17, v19;
	[tilespmem:s0+$0xFFFFFE80] =	vst v21  }
0x147: {  	v10 =	vadd.s32 v0, v10;
	v9 =	vor.u32 v11, v9;
	[tilespmem:s30+$0xFFFFFDC0] =	vst v20;
	v20 =	vld.idx.msk [tilespmem:v28+s3+$0x0], $0xffff  }
0x148: {  	v10 =	vor.u32 v13, v10;
	v11 =	vadd.s32 v2, v14;
	v13 =	vld.idx.msk [tilespmem:v18+s3+$0x0], $0xffff;
	v19 =	vand.u32 $0xFFFFFFF8, v26  }
0x149: {  	v11 =	vor.u32 v15, v11;
	[tilespmem:s31+$0xFFFFFEA0] =	vst v25;
	v18 =	vand.u32 $0x7, v26;
	v21 =	vadd.s32 v7, v19  }
0x14a: {  	v12 =	vadd.s32 v0, v12;
	v25 =	vld.idx.msk [tilespmem:v27+s3+$0x0], $0xffff;
	v21 =	vor.u32 v18, v21;
	[tilespmem:s30+$0xD0] =	vst v22  }
0x14b: {  	v8 =	vor.u32 v8, v12;
	[tilespmem:s0+$0x300] =	vst v23;
	v22 =	vadd.s32 v4, v16;
	v12 =	vld.idx.msk [tilespmem:v24+s3+$0x0], $0xffff  }
0x14c: {  	v9 =	vld.idx.msk [tilespmem:v9+s3+$0x0], $0xffff;
	v22 =	vor.u32 v17, v22;
	[tilespmem:s0+$0xFFFFFF00] =	vst v20  }
0x14d: {  	[tilespmem:s30+$0xFFFFFE40] =	vst v13;
	v10 =	vld.idx.msk [tilespmem:v10+s3+$0x0], $0xffff  }
0x14e: {  	v13 =	vadd.s32 v1, v14;
	v11 =	vld.idx.msk [tilespmem:v11+s3+$0x0], $0xffff  }
0x14f: {  	v13 =	vor.u32 v15, v13;
	[tilespmem:s31+$0xFFFFFF20] =	vst v25;
	v20 =	vld.idx.msk [tilespmem:v21+s3+$0x0], $0xffff;
	v21 =	vadd.s32 v6, v19  }
0x150: {  	v8 =	vld.idx.msk [tilespmem:v8+s3+$0x0], $0xffff;
	v21 =	vor.u32 v18, v21;
	[tilespmem:s30+$0x150] =	vst v12  }
0x151: {  	[tilespmem:s0+$0x380] =	vst v9;
	v9 =	vadd.s32 v3, v16;
	v12 =	vld.idx.msk [tilespmem:v22+s3+$0x0], $0xffff  }
0x152: {  	v22 =	vld [tilespmem:s1+$0x10];
	v9 =	vor.u32 v17, v9;
	[tilespmem:s0+$0xFFFFFF80] =	vst v10  }
0x153: {  	[tilespmem:s30+$0xFFFFFEC0] =	vst v11;
	v10 =	vld [tilespmem:s1+$0xFFFFFF90]  }
0x154: {  	v11 =	vadd.s32 v0, v14;
	v13 =	vld.idx.msk [tilespmem:v13+s3+$0x0], $0xffff;
	[tilespmem:s31+$0x30] =	vst v20  }
0x155: {  	v14 =	vor.u32 v15, v11;
	[tilespmem:s31+$0xFFFFFFA0] =	vst v8;
	v8 =	vadd.s32 v5, v19;
	v20 =	vld.idx.msk [tilespmem:v21+s3+$0x0], $0xffff  }
0x156: {  	v21 =	vld [tilespmem:s18+$0xFFFFFFB0];
	v23 =	vor.u32 v18, v8;
	[tilespmem:s30+$0x1D0] =	vst v12  }
0x157: {  	v11 =	vand.u32 $0xFFFFFFF8, v22;
	v8 =	vand.u32 $0x7, v22;
	v24 =	vld.idx.msk [tilespmem:v9+s3+$0x0], $0xffff;
	v9 =	vadd.s32 v2, v16  }
0x158: {  	v22 =	vadd.s32 v7, v11;
	v15 =	vand.u32 $0xFFFFFFF8, v10;
	v25 =	vor.u32 v17, v9  }
0x159: {  	v12 =	vand.u32 $0x7, v10;
	[tilespmem:s30+$0xFFFFFF40] =	vst v13;
	v13 =	vor.u32 v8, v22;
	v9 =	vadd.s32 v7, v15  }
0x15a: {  	v14 =	vld.idx.msk [tilespmem:v14+s3+$0x0], $0xffff;
	[tilespmem:s31+$0xB0] =	vst v20;
	v20 =	vor.u32 v12, v9  }
0x15b: {  	v10 =	vand.u32 $0xFFFFFFF8, v21;
	v22 =	vld.idx.msk [tilespmem:v23+s3+$0x0], $0xffff;
	v23 =	vadd.s32 v4, v19  }
0x15c: {  	v9 =	vand.u32 $0x7, v21;
	v21 =	vadd.s32 v7, v10;
	v23 =	vor.u32 v18, v23;
	[tilespmem:s30+$0x250] =	vst v24  }
0x15d: {  	v21 =	vor.u32 v9, v21;
	v24 =	vld.idx.msk [tilespmem:v25+s3+$0x0], $0xffff;
	v25 =	vadd.s32 v1, v16  }
0x15e: {  	v26 =	vadd.s32 v6, v11;
	v13 =	vld.idx.msk [tilespmem:v13+s3+$0x0], $0xffff;
	v25 =	vor.u32 v17, v25  }
0x15f: {  	v26 =	vor.u32 v8, v26;
	[tilespmem:s30+$0xFFFFFFC0] =	vst v14;
	v14 =	vadd.s32 v6, v15;
	v20 =	vld.idx.msk [tilespmem:v20+s3+$0x0], $0xffff  }
0x160: {  	v27 =	vld [tilespmem:s5+$0xFFFFFFD0];
	v14 =	vor.u32 v12, v14;
	[tilespmem:s31+$0x130] =	vst v22  }
0x161: {  	v22 =	vld.idx.msk [tilespmem:v23+s3+$0x0], $0xffff;
	v23 =	vadd.s32 v3, v19  }
0x162: {  	v28 =	vadd.s32 v6, v10;
	v21 =	vld.idx.msk [tilespmem:v21+s3+$0x0], $0xffff;
	v23 =	vor.u32 v18, v23;
	[tilespmem:s30+$0x2D0] =	vst v24  }
0x163: {  	v24 =	vor.u32 v9, v28;
	[tilespmem:s0+$0x10] =	vst v13;
	v13 =	vadd.s32 v0, v16;
	v25 =	vld.idx.msk [tilespmem:v25+s3+$0x0], $0xffff  }
0x164: {  	v16 =	vld.idx.msk [tilespmem:v26+s3+$0x0], $0xffff;
	v17 =	vor.u32 v17, v13;
	[tilespmem:s0+$0xFFFFFC10] =	vst v20;
	v20 =	vadd.s32 v5, v11  }
0x165: {  	v26 =	vadd.s32 v5, v15;
	v13 =	vand.u32 $0xFFFFFFF8, v27;
	v28 =	vld.idx.msk [tilespmem:v14+s3+$0x0], $0xffff;
	v20 =	vor.u32 v8, v20  }
0x166: {  	v26 =	vor.u32 v12, v26;
	v14 =	vand.u32 $0x7, v27;
	v27 =	vadd.s32 v7, v13;
	[tilespmem:s31+$0x1B0] =	vst v22  }
0x167: {  	[tilespmem:s31+$0xFFFFFC30] =	vst v21;
	v21 =	vor.u32 v14, v27;
	v22 =	vld.idx.msk [tilespmem:v23+s3+$0x0], $0xffff;
	v23 =	vadd.s32 v2, v19  }
0x168: {  	v27 =	vadd.s32 v5, v10;
	v24 =	vld.idx.msk [tilespmem:v24+s3+$0x0], $0xffff;
	v23 =	vor.u32 v18, v23;
	[tilespmem:s30+$0x350] =	vst v25  }
0x169: {  	v25 =	vor.u32 v9, v27;
	[tilespmem:s0+$0x90] =	vst v16;
	v16 =	vld.idx.msk [tilespmem:v17+s3+$0x0], $0xffff  }
0x16a: {  	v17 =	vld.idx.msk [tilespmem:v20+s3+$0x0], $0xffff;
	[tilespmem:s0+$0xFFFFFC90] =	vst v28;
	v20 =	vadd.s32 v4, v11  }
0x16b: {  	v27 =	vadd.s32 v4, v15;
	v26 =	vld.idx.msk [tilespmem:v26+s3+$0x0], $0xffff;
	v20 =	vor.u32 v8, v20  }
0x16c: {  	v27 =	vor.u32 v12, v27;
	v28 =	vadd.s32 v6, v13;
	v21 =	vld.idx.msk [tilespmem:v21+s3+$0x0], $0xffff;
	[tilespmem:s31+$0x230] =	vst v22  }
0x16d: {  	v22 =	vor.u32 v14, v28;
	[tilespmem:s31+$0xFFFFFCB0] =	vst v24;
	v24 =	vadd.s32 v1, v19;
	v23 =	vld.idx.msk [tilespmem:v23+s3+$0x0], $0xffff  }
0x16e: {  	v28 =	vadd.s32 v4, v10;
	v25 =	vld.idx.msk [tilespmem:v25+s3+$0x0], $0xffff;
	v24 =	vor.u32 v18, v24;
	[tilespmem:s30+$0x3D0] =	vst v16  }
0x16f: {  	v16 =	vor.u32 v9, v28;
	[tilespmem:s0+$0x110] =	vst v17;
	v17 =	vld [tilespmem:s5+$0x60]  }
0x170: {  	v20 =	vld.idx.msk [tilespmem:v20+s3+$0x0], $0xffff;
	[tilespmem:s0+$0xFFFFFD10] =	vst v26;
	v26 =	vadd.s32 v3, v11  }
0x171: {  	v28 =	vadd.s32 v3, v15;
	[tilespmem:s30+$0xFFFFFC50] =	vst v21;
	v21 =	vld.idx.msk [tilespmem:v27+s3+$0x0], $0xffff;
	v26 =	vor.u32 v8, v26  }
0x172: {  	v27 =	vor.u32 v12, v28;
	v28 =	vadd.s32 v5, v13;
	v22 =	vld.idx.msk [tilespmem:v22+s3+$0x0], $0xffff;
	[tilespmem:s31+$0x2B0] =	vst v23  }
0x173: {  	v19 =	vadd.s32 v0, v19;
	v23 =	vor.u32 v14, v28;
	[tilespmem:s31+$0xFFFFFD30] =	vst v25;
	v24 =	vld.idx.msk [tilespmem:v24+s3+$0x0], $0xffff  }
0x174: {  	v18 =	vor.u32 v18, v19;
	v25 =	vadd.s32 v3, v10;
	v28 =	vld.idx.msk [tilespmem:v16+s3+$0x0], $0xffff;
	v16 =	vand.u32 $0xFFFFFFF8, v17  }
0x175: {  	v19 =	vor.u32 v9, v25;
	v17 =	vand.u32 $0x7, v17;
	v25 =	vadd.s32 v7, v16;
	[tilespmem:s0+$0x190] =	vst v20  }
0x176: {  	v20 =	vor.u32 v17, v25;
	v25 =	vld.idx.msk [tilespmem:v26+s3+$0x0], $0xffff;
	[tilespmem:s0+$0xFFFFFD90] =	vst v21;
	v21 =	vadd.s32 v2, v11  }
0x177: {  	v26 =	vadd.s32 v2, v15;
	[tilespmem:s30+$0xFFFFFCD0] =	vst v22;
	v22 =	vld.idx.msk [tilespmem:v27+s3+$0x0], $0xffff;
	v21 =	vor.u32 v8, v21  }
0x178: {  	v26 =	vor.u32 v12, v26;
	v27 =	vadd.s32 v4, v13;
	v23 =	vld.idx.msk [tilespmem:v23+s3+$0x0], $0xffff;
	[tilespmem:s31+$0x330] =	vst v24  }
0x179: {  	v24 =	vor.u32 v14, v27;
	[tilespmem:s31+$0xFFFFFDB0] =	vst v28;
	v18 =	vld.idx.msk [tilespmem:v18+s3+$0x0], $0xffff  }
0x17a: {  	v27 =	vadd.s32 v2, v10;
	v19 =	vld.idx.msk [tilespmem:v19+s3+$0x0], $0xffff  }
0x17b: {  	v28 =	vadd.s32 v6, v16;
	v27 =	vor.u32 v9, v27;
	v20 =	vld.idx.msk [tilespmem:v20+s3+$0x0], $0xffff;
	[tilespmem:s0+$0x210] =	vst v25  }
0x17c: {  	v25 =	vor.u32 v17, v28;
	v21 =	vld.idx.msk [tilespmem:v21+s3+$0x0], $0xffff;
	[tilespmem:s0+$0xFFFFFE10] =	vst v22;
	v22 =	vadd.s32 v1, v11  }
0x17d: {  	[tilespmem:s30+$0xFFFFFD50] =	vst v23;
	v23 =	vld.idx.msk [tilespmem:v26+s3+$0x0], $0xffff;
	v22 =	vor.u32 v8, v22  }
0x17e: {  	v28 =	vadd.s32 v1, v15;
	v24 =	vld.idx.msk [tilespmem:v24+s3+$0x0], $0xffff;
	[tilespmem:s31+$0x3B0] =	vst v18  }
0x17f: {  	v26 =	vor.u32 v12, v28;
	v28 =	vadd.s32 v3, v13;
	[tilespmem:s31+$0xFFFFFE30] =	vst v19;
	v19 =	vld [tilespmem:s18+$0x40]  }
0x180: {  	v18 =	vor.u32 v14, v28;
	v28 =	vadd.s32 v1, v10;
	v27 =	vld.idx.msk [tilespmem:v27+s3+$0x0], $0xffff;
	[tilespmem:s30+$0x60] =	vst v20  }
0x181: {  	v20 =	vor.u32 v9, v28;
	v28 =	vadd.s32 v5, v16;
	v25 =	vld.idx.msk [tilespmem:v25+s3+$0x0], $0xffff;
	[tilespmem:s0+$0x290] =	vst v21  }
0x182: {  	v11 =	vadd.s32 v0, v11;
	v21 =	vor.u32 v17, v28;
	v28 =	vld.idx.msk [tilespmem:v22+s3+$0x0], $0xffff  }
0x183: {  	v15 =	vadd.s32 v0, v15;
	v11 =	vor.u32 v8, v11;
	[tilespmem:s0+$0xFFFFFE90] =	vst v23  }
0x184: {  	v12 =	vor.u32 v12, v15;
	v15 =	vadd.s32 v2, v13;
	[tilespmem:s30+$0xFFFFFDD0] =	vst v24;
	v23 =	vld.idx.msk [tilespmem:v26+s3+$0x0], $0xffff;
	v8 =	vand.u32 $0xFFFFFFF8, v19  }
0x185: {  	v15 =	vor.u32 v14, v15;
	v18 =	vld.idx.msk [tilespmem:v18+s3+$0x0], $0xffff;
	[tilespmem:s31+$0xFFFFFEB0] =	vst v27;
	v22 =	vand.u32 $0x7, v19;
	v19 =	vadd.s32 v7, v8  }
0x186: {  	v10 =	vadd.s32 v0, v10;
	v20 =	vld.idx.msk [tilespmem:v20+s3+$0x0], $0xffff;
	v19 =	vor.u32 v22, v19;
	[tilespmem:s30+$0xE0] =	vst v25  }
0x187: {  	v9 =	vor.u32 v9, v10;
	v10 =	vld.idx.msk [tilespmem:v21+s3+$0x0], $0xffff;
	v21 =	vadd.s32 v4, v16;
	[tilespmem:s0+$0x310] =	vst v28  }
0x188: {  	v21 =	vor.u32 v17, v21;
	v11 =	vld.idx.msk [tilespmem:v11+s3+$0x0], $0xffff  }
0x189: {  	[tilespmem:s0+$0xFFFFFF10] =	vst v23  }
0x18a: {  	[tilespmem:s30+$0xFFFFFE50] =	vst v18;
	v12 =	vld.idx.msk [tilespmem:v12+s3+$0x0], $0xffff  }
0x18b: {  	[tilespmem:s31+$0xFFFFFF30] =	vst v20;
	v18 =	vld.idx.msk [tilespmem:v19+s3+$0x0], $0xffff;
	v19 =	vadd.s32 v6, v8  }
0x18c: {  	v15 =	vld.idx.msk [tilespmem:v15+s3+$0x0], $0xffff;
	v20 =	vadd.s32 v1, v13;
	v19 =	vor.u32 v22, v19;
	[tilespmem:s30+$0x160] =	vst v10  }
0x18d: {  	v10 =	vor.u32 v14, v20;
	v20 =	vld.idx.msk [tilespmem:v21+s3+$0x0], $0xffff;
	v21 =	vadd.s32 v3, v16;
	[tilespmem:s0+$0x390] =	vst v11  }
0x18e: {  	v11 =	vor.u32 v17, v21;
	v23 =	vld [tilespmem:s1+$0x20]  }
0x18f: {  	v9 =	vld.idx.msk [tilespmem:v9+s3+$0x0], $0xffff;
	[tilespmem:s0+$0xFFFFFF90] =	vst v12  }
0x190: {  	v12 =	vld [tilespmem:s1+$0xFFFFFFA0];
	[tilespmem:s31+$0x40] =	vst v18  }
0x191: {  	[tilespmem:s30+$0xFFFFFED0] =	vst v15;
	v15 =	vadd.s32 v5, v8;
	v18 =	vld.idx.msk [tilespmem:v19+s3+$0x0], $0xffff  }
0x192: {  	v13 =	vadd.s32 v0, v13;
	v10 =	vld.idx.msk [tilespmem:v10+s3+$0x0], $0xffff;
	v19 =	vor.u32 v22, v15;
	[tilespmem:s30+$0x1E0] =	vst v20  }
0x193: {  	v14 =	vor.u32 v14, v13;
	v13 =	vadd.s32 v2, v16;
	v11 =	vld.idx.msk [tilespmem:v11+s3+$0x0], $0xffff;
	v21 =	vand.u32 $0xFFFFFFF8, v23  }
0x194: {  	[tilespmem:s31+$0xFFFFFFB0] =	vst v9;
	v20 =	vand.u32 $0x7, v23;
	v23 =	vor.u32 v17, v13;
	v9 =	vadd.s32 v7, v21  }
0x195: {  	v24 =	vld [tilespmem:s18+$0xFFFFFFC0];
	v15 =	vand.u32 $0xFFFFFFF8, v12;
	v9 =	vor.u32 v20, v9  }
0x196: {  	v13 =	vand.u32 $0x7, v12;
	v12 =	vadd.s32 v7, v15;
	[tilespmem:s31+$0xC0] =	vst v18  }
0x197: {  	v18 =	vor.u32 v13, v12;
	[tilespmem:s30+$0xFFFFFF50] =	vst v10;
	v12 =	vadd.s32 v4, v8;
	v10 =	vld.idx.msk [tilespmem:v19+s3+$0x0], $0xffff  }
0x198: {  	v19 =	vld.idx.msk [tilespmem:v14+s3+$0x0], $0xffff;
	v25 =	vor.u32 v22, v12;
	[tilespmem:s30+$0x260] =	vst v11  }
0x199: {  	v12 =	vadd.s32 v1, v16;
	v11 =	vld.idx.msk [tilespmem:v23+s3+$0x0], $0xffff  }
0x19a: {  	s16 =	sadd.s32 $0x100, s1;
	v14 =	vand.u32 $0xFFFFFFF8, v24;
	v26 =	vor.u32 v17, v12;
	v23 =	vadd.s32 v6, v21;
	v9 =	vld.idx.msk [tilespmem:v9+s3+$0x0], $0xffff  }
0x19b: {  	v29 =	vld [tilespmem:s16+$0xFFFFFF80];
	v12 =	vand.u32 $0x7, v24;
	v24 =	vadd.s32 v7, v14;
	v23 =	vor.u32 v20, v23  }
0x19c: {  	v24 =	vor.u32 v12, v24;
	[tilespmem:s31+$0x140] =	vst v10;
	v10 =	vld [tilespmem:s16+$0x0]  }
0x19d: {  	v27 =	vadd.s32 v3, v8;
	v25 =	vld.idx.msk [tilespmem:v25+s3+$0x0], $0xffff  }
0x19e: {  	v27 =	vor.u32 v22, v27;
	v28 =	vadd.s32 v6, v15;
	v18 =	vld.idx.msk [tilespmem:v18+s3+$0x0], $0xffff;
	[tilespmem:s30+$0x2E0] =	vst v11  }
0x19f: {  	v16 =	vadd.s32 v0, v16;
	v11 =	vor.u32 v13, v28;
	[tilespmem:s0+$0x20] =	vst v9;
	v9 =	vld.idx.msk [tilespmem:v26+s3+$0x0], $0xffff  }
0x1a0: {  	v28 =	vor.u32 v17, v16;
	v26 =	vadd.s32 v5, v21;
	v23 =	vld.idx.msk [tilespmem:v23+s3+$0x0], $0xffff  }
0x1a1: {  	[tilespmem:s30+$0xFFFFFFD0] =	vst v19;
	v17 =	vadd.s32 v6, v14;
	v24 =	vld.idx.msk [tilespmem:v24+s3+$0x0], $0xffff;
	v26 =	vor.u32 v20, v26;
	v16 =	vand.u32 $0xFFFFFFF8, v10  }
0x1a2: {  	v30 =	vld [tilespmem:s5+$0xFFFFFFE0];
	v31 =	vor.u32 v12, v17;
	v17 =	vand.u32 $0x7, v10;
	[tilespmem:s31+$0x1C0] =	vst v25;
	v10 =	vadd.s32 v7, v16  }
0x1a3: {  	[tilespmem:s0+$0xFFFFFC20] =	vst v18;
	v18 =	vand.u32 $0xFFFFFFF8, v29;
	v25 =	vld.idx.msk [tilespmem:v27+s3+$0x0], $0xffff;
	v10 =	vor.u32 v17, v10;
	v27 =	vadd.s32 v2, v8  }
0x1a4: {  	v19 =	vand.u32 $0x7, v29;
	v32 =	vadd.s32 v7, v18;
	v11 =	vld.idx.msk [tilespmem:v11+s3+$0x0], $0xffff;
	v27 =	vor.u32 v22, v27;
	[tilespmem:s30+$0x360] =	vst v9  }
0x1a5: {  	v9 =	vor.u32 v19, v32;
	[tilespmem:s0+$0xA0] =	vst v23;
	v23 =	vld.idx.msk [tilespmem:v28+s3+$0x0], $0xffff  }
0x1a6: {  	[tilespmem:s31+$0xFFFFFC40] =	vst v24;
	v24 =	vld.idx.msk [tilespmem:v26+s3+$0x0], $0xffff;
	v26 =	vadd.s32 v4, v21  }
0x1a7: {  	v29 =	vld.idx.msk [tilespmem:v31+s3+$0x0], $0xffff;
	v28 =	vadd.s32 v5, v15;
	v26 =	vor.u32 v20, v26  }
0x1a8: {  	v28 =	vor.u32 v13, v28;
	v31 =	vld.idx.msk [tilespmem:v10+s3+$0x0], $0xffff;
	[tilespmem:s31+$0x240] =	vst v25;
	v10 =	vadd.s32 v6, v16  }
0x1a9: {  	[tilespmem:s0+$0xFFFFFCA0] =	vst v11;
	v25 =	vld.idx.msk [tilespmem:v27+s3+$0x0], $0xffff;
	v27 =	vor.u32 v17, v10;
	v10 =	vadd.s32 v1, v8  }
0x1aa: {  	v11 =	vadd.s32 v6, v18;
	v9 =	vld.idx.msk [tilespmem:v9+s3+$0x0], $0xffff;
	v38 =	vor.u32 v22, v10;
	[tilespmem:s30+$0x3E0] =	vst v23  }
0x1ab: {  	v33 =	vor.u32 v19, v11;
	v23 =	vadd.s32 v5, v14;
	v10 =	vand.u32 $0xFFFFFFF8, v30;
	[tilespmem:s0+$0x120] =	vst v24;
	v24 =	vld [tilespmem:s5+$0x70]  }
0x1ac: {  	s13 =	sadd.s32 $0x800, s0;
	v11 =	vand.u32 $0x7, v30;
	v23 =	vor.u32 v12, v23;
	v30 =	vadd.s32 v7, v10;
	v26 =	vld.idx.msk [tilespmem:v26+s3+$0x0], $0xffff  }
0x1ad: {  	v28 =	vld.idx.msk [tilespmem:v28+s3+$0x0], $0xffff;
	v30 =	vor.u32 v11, v30;
	[tilespmem:s13+$0x0] =	vst v31;
	v31 =	vadd.s32 v3, v21  }
0x1ae: {  	v34 =	vadd.s32 v4, v15;
	v27 =	vld.idx.msk [tilespmem:v27+s3+$0x0], $0xffff;
	v31 =	vor.u32 v20, v31;
	[tilespmem:s31+$0x2C0] =	vst v25  }
0x1af: {  	v25 =	vor.u32 v13, v34;
	[tilespmem:s13+$0xFFFFFC00] =	vst v9;
	v9 =	vadd.s32 v5, v16;
	v32 =	vld.idx.msk [tilespmem:v38+s3+$0x0], $0xffff  }
0x1b0: {  	v8 =	vadd.s32 v0, v8;
	[tilespmem:s31+$0xFFFFFCC0] =	vst v29;
	v29 =	vld.idx.msk [tilespmem:v33+s3+$0x0], $0xffff;
	v39 =	vor.u32 v17, v9  }
0x1b1: {  	v40 =	vadd.s32 v5, v18;
	v22 =	vor.u32 v22, v8;
	v9 =	vand.u32 $0xFFFFFFF8, v24;
	v23 =	vld.idx.msk [tilespmem:v23+s3+$0x0], $0xffff  }
0x1b2: {  	v34 =	vor.u32 v19, v40;
	v8 =	vand.u32 $0x7, v24;
	v24 =	vadd.s32 v7, v9;
	[tilespmem:s0+$0x1A0] =	vst v26;
	v26 =	vld.idx.msk [tilespmem:v30+s3+$0x0], $0xffff  }
0x1b3: {  	v30 =	vadd.s32 v4, v14;
	[tilespmem:s0+$0xFFFFFD20] =	vst v28;
	v24 =	vor.u32 v8, v24;
	v28 =	vld.idx.msk [tilespmem:v31+s3+$0x0], $0xffff  }
0x1b4: {  	v30 =	vor.u32 v12, v30;
	[tilespmem:s13+$0x80] =	vst v27;
	v25 =	vld.idx.msk [tilespmem:v25+s3+$0x0], $0xffff;
	v27 =	vadd.s32 v2, v21  }
0x1b5: {  	v31 =	vadd.s32 v3, v15;
	v33 =	vld.idx.msk [tilespmem:v39+s3+$0x0], $0xffff;
	v27 =	vor.u32 v20, v27;
	[tilespmem:s31+$0x340] =	vst v32  }
0x1b6: {  	v41 =	vadd.s32 v4, v16;
	v31 =	vor.u32 v13, v31;
	[tilespmem:s13+$0xFFFFFC80] =	vst v29;
	v22 =	vld.idx.msk [tilespmem:v22+s3+$0x0], $0xffff  }
0x1b7: {  	v29 =	vor.u32 v17, v41;
	[tilespmem:s31+$0xFFFFFD40] =	vst v23;
	v23 =	vld.idx.msk [tilespmem:v34+s3+$0x0], $0xffff  }
0x1b8: {  	v43 =	vadd.s32 v4, v18;
	[tilespmem:s30+$0xFFFFFC60] =	vst v26;
	v24 =	vld.idx.msk [tilespmem:v24+s3+$0x0], $0xffff  }
0x1b9: {  	v42 =	vadd.s32 v6, v9;
	v34 =	vor.u32 v19, v43;
	[tilespmem:s0+$0x220] =	vst v28;
	v28 =	vld.idx.msk [tilespmem:v30+s3+$0x0], $0xffff  }
0x1ba: {  	v44 =	vadd.s32 v3, v14;
	v30 =	vor.u32 v8, v42;
	[tilespmem:s0+$0xFFFFFDA0] =	vst v25;
	v25 =	vld.idx.msk [tilespmem:v27+s3+$0x0], $0xffff  }
0x1bb: {  	v45 =	vadd.s32 v1, v21;
	v27 =	vor.u32 v12, v44;
	[tilespmem:s13+$0x100] =	vst v33;
	v31 =	vld.idx.msk [tilespmem:v31+s3+$0x0], $0xffff  }
0x1bc: {  	v46 =	vadd.s32 v2, v15;
	v32 =	vor.u32 v20, v45;
	v29 =	vld.idx.msk [tilespmem:v29+s3+$0x0], $0xffff;
	[tilespmem:s31+$0x3C0] =	vst v22  }
0x1bd: {  	v47 =	vadd.s32 v6, v10;
	v22 =	vor.u32 v13, v46;
	[tilespmem:s13+$0xFFFFFD00] =	vst v23;
	v35 =	vld [tilespmem:s18+$0x50]  }
0x1be: {  	v33 =	vor.u32 v11, v47;
	v23 =	vadd.s32 v3, v16;
	v34 =	vld.idx.msk [tilespmem:v34+s3+$0x0], $0xffff;
	[tilespmem:s30+$0x70] =	vst v24  }
0x1bf: {  	v36 =	vor.u32 v17, v23;
	v24 =	vadd.s32 v3, v18;
	v30 =	vld.idx.msk [tilespmem:v30+s3+$0x0], $0xffff;
	[tilespmem:s31+$0xFFFFFDC0] =	vst v28  }
0x1c0: {  	v23 =	vadd.s32 v5, v9;
	v28 =	vor.u32 v19, v24;
	[tilespmem:s0+$0x2A0] =	vst v25;
	v25 =	vld.idx.msk [tilespmem:v27+s3+$0x0], $0xffff  }
0x1c1: {  	v21 =	vadd.s32 v0, v21;
	v27 =	vor.u32 v8, v23;
	[tilespmem:s0+$0xFFFFFE20] =	vst v31;
	v31 =	vld.idx.msk [tilespmem:v32+s3+$0x0], $0xffff  }
0x1c2: {  	v20 =	vor.u32 v20, v21;
	v24 =	vadd.s32 v2, v14;
	v22 =	vld.idx.msk [tilespmem:v22+s3+$0x0], $0xffff;
	[tilespmem:s13+$0x180] =	vst v29;
	v23 =	vand.u32 $0xFFFFFFF8, v35  }
0x1c3: {  	v21 =	vor.u32 v12, v24;
	v29 =	vld.idx.msk [tilespmem:v33+s3+$0x0], $0xffff;
	v24 =	vand.u32 $0x7, v35;
	[tilespmem:s13+$0xFFFFFD80] =	vst v34;
	v26 =	vadd.s32 v7, v23  }
0x1c4: {  	v48 =	vld.idx.msk [tilespmem:v36+s3+$0x0], $0xffff;
	v26 =	vor.u32 v24, v26;
	[tilespmem:s30+$0xF0] =	vst v30;
	v30 =	vadd.s32 v2, v16  }
0x1c5: {  	v49 =	vadd.s32 v1, v15;
	v28 =	vld.idx.msk [tilespmem:v28+s3+$0x0], $0xffff;
	v30 =	vor.u32 v17, v30  }
0x1c6: {  	v50 =	vadd.s32 v2, v18;
	v33 =	vor.u32 v13, v49;
	v27 =	vld.idx.msk [tilespmem:v27+s3+$0x0], $0xffff;
	[tilespmem:s0+$0x320] =	vst v31  }
0x1c7: {  	[tilespmem:s31+$0xFFFFFE40] =	vst v25;
	v31 =	vor.u32 v19, v50;
	v20 =	vld.idx.msk [tilespmem:v20+s3+$0x0], $0xffff  }
0x1c8: {  	v25 =	vadd.s32 v4, v9;
	v21 =	vld.idx.msk [tilespmem:v21+s3+$0x0], $0xffff  }
0x1c9: {  	v51 =	vadd.s32 v6, v23;
	v25 =	vor.u32 v8, v25;
	[tilespmem:s13+$0x200] =	vst v48;
	v26 =	vld.idx.msk [tilespmem:v26+s3+$0x0], $0xffff  }
0x1ca: {  	v52 =	vadd.s32 v1, v16;
	[tilespmem:s0+$0xFFFFFEA0] =	vst v22;
	v22 =	vld.idx.msk [tilespmem:v30+s3+$0x0], $0xffff;
	v30 =	vor.u32 v24, v51  }
0x1cb: {  	v53 =	vadd.s32 v1, v14;
	v33 =	vld.idx.msk [tilespmem:v33+s3+$0x0], $0xffff;
	[tilespmem:s13+$0xFFFFFE00] =	vst v28;
	v28 =	vor.u32 v17, v52  }
0x1cc: {  	v54 =	vadd.s32 v1, v18;
	v34 =	vor.u32 v12, v53;
	v31 =	vld.idx.msk [tilespmem:v31+s3+$0x0], $0xffff;
	[tilespmem:s0+$0x3A0] =	vst v20  }
0x1cd: {  	v15 =	vadd.s32 v0, v15;
	[tilespmem:s30+$0x170] =	vst v27;
	v20 =	vor.u32 v19, v54;
	v27 =	vld [tilespmem:s1+$0x30]  }
0x1ce: {  	v13 =	vor.u32 v13, v15;
	v15 =	vld.idx.msk [tilespmem:v25+s3+$0x0], $0xffff;
	v25 =	vadd.s32 v3, v9;
	[tilespmem:s31+$0x50] =	vst v26  }
0x1cf: {  	v25 =	vor.u32 v8, v25;
	v26 =	vld.idx.msk [tilespmem:v30+s3+$0x0], $0xffff;
	[tilespmem:s13+$0x280] =	vst v22;
	v22 =	vadd.s32 v5, v23  }
0x1d0: {  	v16 =	vadd.s32 v0, v16;
	[tilespmem:s31+$0xFFFFFEC0] =	vst v21;
	v28 =	vld.idx.msk [tilespmem:v28+s3+$0x0], $0xffff;
	v30 =	vor.u32 v24, v22  }
0x1d1: {  	v14 =	vadd.s32 v0, v14;
	v16 =	vor.u32 v17, v16;
	v55 =	vld.idx.msk [tilespmem:v34+s3+$0x0], $0xffff;
	[tilespmem:s13+$0xFFFFFE80] =	vst v31  }
0x1d2: {  	v12 =	vor.u32 v12, v14;
	v17 =	vadd.s32 v0, v18;
	[tilespmem:s0+$0xFFFFFF20] =	vst v33;
	v14 =	vld.idx.msk [tilespmem:v20+s3+$0x0], $0xffff;
	v21 =	vand.u32 $0xFFFFFFF8, v27  }
0x1d3: {  	v17 =	vor.u32 v19, v17;
	v13 =	vld.idx.msk [tilespmem:v13+s3+$0x0], $0xffff;
	[tilespmem:s30+$0x1F0] =	vst v15;
	v22 =	vand.u32 $0x7, v27;
	v15 =	vadd.s32 v7, v21  }
0x1d4: {  	v18 =	vld.idx.msk [tilespmem:v25+s3+$0x0], $0xffff;
	v15 =	vor.u32 v22, v15;
	[tilespmem:s31+$0xD0] =	vst v26  }
0x1d5: {  	v20 =	vadd.s32 v4, v23;
	v19 =	vld.idx.msk [tilespmem:v30+s3+$0x0], $0xffff;
	[tilespmem:s13+$0x300] =	vst v28  }
0x1d6: {  	[tilespmem:s31+$0xFFFFFF40] =	vst v55;
	v20 =	vor.u32 v24, v20;
	v16 =	vld.idx.msk [tilespmem:v16+s3+$0x0], $0xffff  }
0x1d7: {  	v25 =	vadd.s32 v2, v9;
	v12 =	vld.idx.msk [tilespmem:v12+s3+$0x0], $0xffff;
	[tilespmem:s13+$0xFFFFFF00] =	vst v14  }
0x1d8: {  	v14 =	vor.u32 v8, v25;
	v17 =	vld.idx.msk [tilespmem:v17+s3+$0x0], $0xffff  }
0x1d9: {  	[tilespmem:s0+$0xFFFFFFA0] =	vst v13;
	v13 =	vld.idx.msk [tilespmem:v15+s3+$0x0], $0xffff;
	v15 =	vadd.s32 v6, v21  }
0x1da: {  	v25 =	vld [tilespmem:s1+$0xFFFFFFB0];
	v15 =	vor.u32 v22, v15;
	[tilespmem:s31+$0x150] =	vst v19  }
0x1db: {  	v19 =	vld.idx.msk [tilespmem:v20+s3+$0x0], $0xffff;
	[tilespmem:s13+$0x380] =	vst v16;
	v16 =	vadd.s32 v3, v23  }
0x1dc: {  	[tilespmem:s30+$0x270] =	vst v18;
	v18 =	vld [tilespmem:s16+$0x10];
	v26 =	vor.u32 v24, v16  }
0x1dd: {  	v20 =	vadd.s32 v5, v10;
	v14 =	vld.idx.msk [tilespmem:v14+s3+$0x0], $0xffff;
	[tilespmem:s13+$0xFFFFFF80] =	vst v17  }
0x1de: {  	v20 =	vor.u32 v11, v20;
	v16 =	vadd.s32 v1, v9;
	[tilespmem:s0+$0x30] =	vst v13;
	v13 =	vld [tilespmem:s16+$0xFFFFFF90]  }
0x1df: {  	v17 =	vadd.s32 v5, v21;
	v27 =	vor.u32 v8, v16;
	v16 =	vand.u32 $0xFFFFFFF8, v25;
	v28 =	vld.idx.msk [tilespmem:v15+s3+$0x0], $0xffff  }
0x1e0: {  	v30 =	vor.u32 v22, v17;
	v15 =	vand.u32 $0x7, v25;
	v25 =	vadd.s32 v7, v16;
	[tilespmem:s31+$0x1D0] =	vst v19  }
0x1e1: {  	[tilespmem:s31+$0xFFFFFFC0] =	vst v12;
	v25 =	vor.u32 v15, v25;
	v19 =	vadd.s32 v2, v23;
	v26 =	vld.idx.msk [tilespmem:v26+s3+$0x0], $0xffff;
	v17 =	vand.u32 $0xFFFFFFF8, v18  }
0x1e2: {  	[tilespmem:s30+$0xFFFFFCE0] =	vst v29;
	v32 =	vld [tilespmem:s18+$0xFFFFFFD0];
	v18 =	vand.u32 $0x7, v18;
	v31 =	vor.u32 v24, v19;
	v12 =	vadd.s32 v7, v17  }
0x1e3: {  	[tilespmem:s30+$0x2F0] =	vst v14;
	v29 =	vld.idx.msk [tilespmem:v20+s3+$0x0], $0xffff;
	v20 =	vadd.s32 v4, v10;
	v19 =	vand.u32 $0xFFFFFFF8, v13;
	v14 =	vor.u32 v18, v12  }
0x1e4: {  	v56 =	vor.u32 v11, v20;
	v12 =	vld.idx.msk [tilespmem:v27+s3+$0x0], $0xffff;
	v20 =	vand.u32 $0x7, v13;
	[tilespmem:s0+$0xB0] =	vst v28;
	v13 =	vadd.s32 v7, v19  }
0x1e5: {  	v27 =	vld.idx.msk [tilespmem:v30+s3+$0x0], $0xffff;
	v28 =	vor.u32 v20, v13;
	v13 =	vadd.s32 v4, v21  }
0x1e6: {  	v30 =	vadd.s32 v6, v16;
	v25 =	vld.idx.msk [tilespmem:v25+s3+$0x0], $0xffff;
	v57 =	vor.u32 v22, v13;
	[tilespmem:s31+$0x250] =	vst v26  }
0x1e7: {  	v26 =	vor.u32 v15, v30;
	v30 =	vld.idx.msk [tilespmem:v31+s3+$0x0], $0xffff;
	v31 =	vadd.s32 v1, v23  }
0x1e8: {  	v58 =	vadd.s32 v6, v17;
	[tilespmem:s30+$0xFFFFFD60] =	vst v29;
	v13 =	vand.u32 $0xFFFFFFF8, v32;
	v29 =	vld.idx.msk [tilespmem:v14+s3+$0x0], $0xffff;
	v31 =	vor.u32 v24, v31  }
0x1e9: {  	v35 =	vor.u32 v18, v58;
	v59 =	vadd.s32 v7, v13;
	v33 =	vld.idx.msk [tilespmem:v56+s3+$0x0], $0xffff;
	v14 =	vand.u32 $0x7, v32  }
0x1ea: {  	v60 =	vadd.s32 v6, v19;
	v28 =	vld.idx.msk [tilespmem:v28+s3+$0x0], $0xffff;
	[tilespmem:s0+$0x130] =	vst v27;
	v27 =	vor.u32 v14, v59  }
0x1eb: {  	v62 =	vadd.s32 v3, v21;
	v61 =	vor.u32 v20, v60;
	[tilespmem:s0+$0xFFFFFC30] =	vst v25;
	v25 =	vld.idx.msk [tilespmem:v57+s3+$0x0], $0xffff  }
0x1ec: {  	v34 =	vor.u32 v22, v62;
	v63 =	vadd.s32 v5, v16;
	v26 =	vld.idx.msk [tilespmem:v26+s3+$0x0], $0xffff;
	[tilespmem:s31+$0x2D0] =	vst v30  }
0x1ed: {  	v23 =	vadd.s32 v0, v23;
	v30 =	vor.u32 v15, v63;
	[tilespmem:s13+$0x10] =	vst v29;
	v29 =	vld.idx.msk [tilespmem:v31+s3+$0x0], $0xffff  }
0x1ee: {  	v38 =	vadd.s32 v5, v17;
	v23 =	vor.u32 v24, v23;
	v31 =	vld.idx.msk [tilespmem:v35+s3+$0x0], $0xffff  }
0x1ef: {  	v24 =	vadd.s32 v6, v13;
	[tilespmem:s13+$0xFFFFFC10] =	vst v28;
	v27 =	vld.idx.msk [tilespmem:v27+s3+$0x0], $0xffff;
	v28 =	vor.u32 v18, v38  }
0x1f0: {  	v39 =	vadd.s32 v5, v19;
	v24 =	vor.u32 v14, v24;
	v32 =	vld.idx.msk [tilespmem:v61+s3+$0x0], $0xffff;
	[tilespmem:s0+$0x1B0] =	vst v25  }
0x1f1: {  	v40 =	vadd.s32 v2, v21;
	v25 =	vor.u32 v20, v39;
	[tilespmem:s0+$0xFFFFFCB0] =	vst v26;
	v26 =	vld.idx.msk [tilespmem:v34+s3+$0x0], $0xffff  }
0x1f2: {  	v41 =	vadd.s32 v4, v16;
	v30 =	vld.idx.msk [tilespmem:v30+s3+$0x0], $0xffff;
	v34 =	vor.u32 v22, v40;
	[tilespmem:s31+$0x350] =	vst v29  }
0x1f3: {  	v29 =	vor.u32 v15, v41;
	[tilespmem:s13+$0x90] =	vst v31;
	v23 =	vld.idx.msk [tilespmem:v23+s3+$0x0], $0xffff  }
0x1f4: {  	v31 =	vadd.s32 v3, v10;
	v28 =	vld.idx.msk [tilespmem:v28+s3+$0x0], $0xffff;
	[tilespmem:s31+$0xFFFFFC50] =	vst v27  }
0x1f5: {  	v27 =	vor.u32 v11, v31;
	v31 =	vadd.s32 v4, v17;
	[tilespmem:s13+$0xFFFFFC90] =	vst v32;
	v24 =	vld.idx.msk [tilespmem:v24+s3+$0x0], $0xffff  }
0x1f6: {  	v42 =	vadd.s32 v5, v13;
	v31 =	vor.u32 v18, v31;
	v25 =	vld.idx.msk [tilespmem:v25+s3+$0x0], $0xffff;
	[tilespmem:s0+$0x230] =	vst v26  }
0x1f7: {  	v32 =	vor.u32 v14, v42;
	v26 =	vadd.s32 v4, v19;
	[tilespmem:s0+$0xFFFFFD30] =	vst v30;
	v30 =	vld.idx.msk [tilespmem:v34+s3+$0x0], $0xffff  }
0x1f8: {  	v43 =	vadd.s32 v1, v21;
	v26 =	vor.u32 v20, v26;
	v29 =	vld.idx.msk [tilespmem:v29+s3+$0x0], $0xffff;
	[tilespmem:s31+$0x3D0] =	vst v23  }
0x1f9: {  	v44 =	vor.u32 v22, v43;
	[tilespmem:s30+$0xFFFFFDE0] =	vst v33;
	v23 =	vadd.s32 v3, v16;
	v45 =	vld [tilespmem:s18+$0x60]  }
0x1fa: {  	v46 =	vadd.s32 v2, v10;
	v23 =	vor.u32 v15, v23;
	v27 =	vld.idx.msk [tilespmem:v27+s3+$0x0], $0xffff;
	[tilespmem:s13+$0x110] =	vst v28  }
0x1fb: {  	v28 =	vor.u32 v11, v46;
	v31 =	vld.idx.msk [tilespmem:v31+s3+$0x0], $0xffff;
	[tilespmem:s31+$0xFFFFFCD0] =	vst v24;
	v24 =	vadd.s32 v3, v17  }
0x1fc: {  	v47 =	vadd.s32 v4, v13;
	[tilespmem:s13+$0xFFFFFD10] =	vst v25;
	v25 =	vld.idx.msk [tilespmem:v32+s3+$0x0], $0xffff;
	v24 =	vor.u32 v18, v24  }
0x1fd: {  	v48 =	vadd.s32 v3, v19;
	v35 =	vor.u32 v14, v47;
	v26 =	vld.idx.msk [tilespmem:v26+s3+$0x0], $0xffff;
	[tilespmem:s0+$0x2B0] =	vst v30  }
0x1fe: {  	v49 =	vadd.s32 v0, v21;
	v30 =	vor.u32 v20, v48;
	[tilespmem:s0+$0xFFFFFDB0] =	vst v29;
	v29 =	vld.idx.msk [tilespmem:v44+s3+$0x0], $0xffff  }
0x1ff: {  	v51 =	vadd.s32 v2, v16;
	v21 =	vand.u32 $0xFFFFFFF8, v45;
	v23 =	vld.idx.msk [tilespmem:v23+s3+$0x0], $0xffff;
	[tilespmem:s30+$0xFFFFFE60] =	vst v27;
	v27 =	vor.u32 v22, v49  }
0x200: {  	v33 =	vor.u32 v15, v51;
	v22 =	vand.u32 $0x7, v45;
	v50 =	vadd.s32 v7, v21;
	v28 =	vld.idx.msk [tilespmem:v28+s3+$0x0], $0xffff;
	[tilespmem:s13+$0x190] =	vst v31  }
0x201: {  	v52 =	vadd.s32 v1, v10;
	v31 =	vor.u32 v22, v50;
	v24 =	vld.idx.msk [tilespmem:v24+s3+$0x0], $0xffff;
	[tilespmem:s31+$0xFFFFFD50] =	vst v25  }
0x202: {  	v25 =	vor.u32 v11, v52;
	[tilespmem:s13+$0xFFFFFD90] =	vst v26;
	v26 =	vadd.s32 v2, v17;
	v53 =	vld.idx.msk [tilespmem:v35+s3+$0x0], $0xffff  }
0x203: {  	v54 =	vadd.s32 v3, v13;
	v30 =	vld.idx.msk [tilespmem:v30+s3+$0x0], $0xffff;
	v26 =	vor.u32 v18, v26;
	[tilespmem:s0+$0x330] =	vst v29  }
0x204: {  	v34 =	vor.u32 v14, v54;
	v29 =	vadd.s32 v2, v19;
	v27 =	vld.idx.msk [tilespmem:v27+s3+$0x0], $0xffff;
	[tilespmem:s0+$0xFFFFFE30] =	vst v23  }
0x205: {  	v29 =	vor.u32 v20, v29;
	[tilespmem:s30+$0xFFFFFEE0] =	vst v28;
	v28 =	vld.idx.msk [tilespmem:v33+s3+$0x0], $0xffff  }
0x206: {  	v23 =	vld.idx.msk [tilespmem:v31+s3+$0x0], $0xffff;
	v31 =	vadd.s32 v6, v21  }
0x207: {  	v55 =	vadd.s32 v1, v16;
	[tilespmem:s13+$0x210] =	vst v24;
	v25 =	vld.idx.msk [tilespmem:v25+s3+$0x0], $0xffff;
	v24 =	vor.u32 v22, v31  }
0x208: {  	v56 =	vadd.s32 v1, v17;
	v31 =	vor.u32 v15, v55;
	[tilespmem:s31+$0xFFFFFDD0] =	vst v53;
	v26 =	vld.idx.msk [tilespmem:v26+s3+$0x0], $0xffff  }
0x209: {  	v10 =	vadd.s32 v0, v10;
	v32 =	vor.u32 v18, v56;
	[tilespmem:s13+$0xFFFFFE10] =	vst v30;
	v30 =	vld.idx.msk [tilespmem:v34+s3+$0x0], $0xffff  }
0x20a: {  	v10 =	vor.u32 v11, v10;
	v11 =	vadd.s32 v1, v19;
	v29 =	vld.idx.msk [tilespmem:v29+s3+$0x0], $0xffff;
	[tilespmem:s0+$0x3B0] =	vst v27  }
0x20b: {  	v11 =	vor.u32 v20, v11;
	v27 =	vadd.s32 v2, v13;
	v57 =	vld [tilespmem:s1+$0x40];
	[tilespmem:s31+$0x60] =	vst v23  }
0x20c: {  	[tilespmem:s0+$0xFFFFFEB0] =	vst v28;
	v23 =	vor.u32 v14, v27;
	v27 =	vadd.s32 v5, v21;
	v24 =	vld.idx.msk [tilespmem:v24+s3+$0x0], $0xffff  }
0x20d: {  	v16 =	vadd.s32 v0, v16;
	v28 =	vld.idx.msk [tilespmem:v31+s3+$0x0], $0xffff;
	v27 =	vor.u32 v22, v27;
	[tilespmem:s13+$0x290] =	vst v26  }
0x20e: {  	v17 =	vadd.s32 v0, v17;
	v15 =	vor.u32 v15, v16;
	[tilespmem:s30+$0xFFFFFF60] =	vst v25;
	v16 =	vld.idx.msk [tilespmem:v32+s3+$0x0], $0xffff  }
0x20f: {  	v18 =	vor.u32 v18, v17;
	v10 =	vld.idx.msk [tilespmem:v10+s3+$0x0], $0xffff;
	[tilespmem:s13+$0xFFFFFE90] =	vst v29  }
0x210: {  	v19 =	vadd.s32 v0, v19;
	[tilespmem:s31+$0xFFFFFE50] =	vst v30;
	v17 =	vand.u32 $0xFFFFFFF8, v57;
	v11 =	vld.idx.msk [tilespmem:v11+s3+$0x0], $0xffff  }
0x211: {  	v19 =	vor.u32 v20, v19;
	v26 =	vand.u32 $0x7, v57;
	v20 =	vld.idx.msk [tilespmem:v23+s3+$0x0], $0xffff;
	v23 =	vadd.s32 v7, v17;
	[tilespmem:s31+$0xE0] =	vst v24  }
0x212: {  	v25 =	vadd.s32 v4, v21;
	v23 =	vor.u32 v26, v23;
	[tilespmem:s0+$0xFFFFFF30] =	vst v28;
	v24 =	vld.idx.msk [tilespmem:v27+s3+$0x0], $0xffff  }
0x213: {  	v15 =	vld.idx.msk [tilespmem:v15+s3+$0x0], $0xffff;
	[tilespmem:s13+$0x310] =	vst v16;
	v16 =	vor.u32 v22, v25  }
0x214: {  	[tilespmem:s30+$0xFFFFFFE0] =	vst v10;
	v10 =	vld.idx.msk [tilespmem:v18+s3+$0x0], $0xffff  }
0x215: {  	v25 =	vld [tilespmem:s5+$0xFFFFFFF0];
	v18 =	vadd.s32 v1, v13;
	[tilespmem:s13+$0xFFFFFF10] =	vst v11  }
0x216: {  	v11 =	vor.u32 v14, v18;
	v18 =	vld.idx.msk [tilespmem:v19+s3+$0x0], $0xffff  }
0x217: {  	v19 =	vld.idx.msk [tilespmem:v23+s3+$0x0], $0xffff;
	[tilespmem:s31+$0x160] =	vst v24  }
0x218: {  	v23 =	vadd.s32 v6, v17;
	[tilespmem:s0+$0xFFFFFFB0] =	vst v15;
	v15 =	vld.idx.msk [tilespmem:v16+s3+$0x0], $0xffff  }
0x219: {  	v24 =	vadd.s32 v3, v21;
	v16 =	vor.u32 v26, v23;
	v23 =	vld [tilespmem:s1+$0xFFFFFFC0];
	[tilespmem:s13+$0x390] =	vst v10  }
0x21a: {  	[tilespmem:s31+$0xFFFFFED0] =	vst v20;
	v10 =	vor.u32 v22, v24;
	v20 =	vld [tilespmem:s16+$0x20]  }
0x21b: {  	v9 =	vadd.s32 v0, v9;
	v11 =	vld.idx.msk [tilespmem:v11+s3+$0x0], $0xffff  }
0x21c: {  	v27 =	vor.u32 v8, v9;
	v13 =	vadd.s32 v0, v13;
	[tilespmem:s13+$0xFFFFFF90] =	vst v18  }
0x21d: {  	v29 =	vor.u32 v14, v13;
	v9 =	vand.u32 $0xFFFFFFF8, v25;
	v8 =	vand.u32 $0x7, v25;
	v28 =	vld [tilespmem:s16+$0xFFFFFFA0];
	[tilespmem:s0+$0x40] =	vst v19  }
0x21e: {  	v30 =	vld.idx.msk [tilespmem:v16+s3+$0x0], $0xffff;
	v16 =	vadd.s32 v5, v17;
	v14 =	vand.u32 $0xFFFFFFF8, v23;
	v13 =	vand.u32 $0x7, v23;
	[tilespmem:s31+$0x1E0] =	vst v15  }
0x21f: {  	v15 =	vadd.s32 v2, v21;
	v23 =	vor.u32 v26, v16;
	v10 =	vld.idx.msk [tilespmem:v10+s3+$0x0], $0xffff;
	v24 =	vand.u32 $0xFFFFFFF8, v20  }
0x220: {  	s17 =	sadd.s32 $0x100, s16;
	v25 =	vand.u32 $0x7, v20;
	v20 =	vor.u32 v22, v15;
	[tilespmem:s31+$0xFFFFFF50] =	vst v11;
	v11 =	vadd.s32 v7, v14  }
0x221: {  	v60 =	vld [tilespmem:s17+$0xFFFFFF80];
	[tilespmem:s30+$0x370] =	vst v12;
	v12 =	vadd.s32 v7, v24;
	v11 =	vor.u32 v13, v11  }
0x222: {  	v18 =	vadd.s32 v7, v9;
	v19 =	vld.idx.msk [tilespmem:v27+s3+$0x0], $0xffff;
	v12 =	vor.u32 v25, v12  }
0x223: {  	v18 =	vor.u32 v8, v18;
	v15 =	vand.u32 $0xFFFFFFF8, v28;
	v27 =	vld.idx.msk [tilespmem:v29+s3+$0x0], $0xffff;
	[tilespmem:s0+$0xC0] =	vst v30  }
0x224: {  	v16 =	vand.u32 $0x7, v28;
	v28 =	vadd.s32 v7, v15;
	v23 =	vld.idx.msk [tilespmem:v23+s3+$0x0], $0xffff;
	[tilespmem:s31+$0x260] =	vst v10  }
0x225: {  	v29 =	vadd.s32 v4, v17;
	v28 =	vor.u32 v16, v28;
	v20 =	vld.idx.msk [tilespmem:v20+s3+$0x0], $0xffff  }
0x226: {  	v10 =	vor.u32 v26, v29;
	v29 =	vadd.s32 v1, v21;
	v11 =	vld.idx.msk [tilespmem:v11+s3+$0x0], $0xffff  }
0x227: {  	v30 =	vadd.s32 v6, v24;
	v29 =	vor.u32 v22, v29;
	v12 =	vld.idx.msk [tilespmem:v12+s3+$0x0], $0xffff  }
0x228: {  	v31 =	vadd.s32 v6, v14;
	v18 =	vld.idx.msk [tilespmem:v18+s3+$0x0], $0xffff;
	v30 =	vor.u32 v25, v30;
	[tilespmem:s31+$0xFFFFFFD0] =	vst v27  }
0x229: {  	v31 =	vor.u32 v13, v31;
	[tilespmem:s0+$0x140] =	vst v23;
	v23 =	vld [tilespmem:s17+$0x0]  }
0x22a: {  	v58 =	vadd.s32 v3, v17;
	v59 =	vadd.s32 v6, v15;
	v28 =	vld.idx.msk [tilespmem:v28+s3+$0x0], $0xffff;
	[tilespmem:s31+$0x2E0] =	vst v20  }
0x22b: {  	v32 =	vor.u32 v26, v58;
	v33 =	vor.u32 v16, v59;
	v10 =	vld.idx.msk [tilespmem:v10+s3+$0x0], $0xffff;
	[tilespmem:s0+$0xFFFFFC40] =	vst v11  }
0x22c: {  	v20 =	vadd.s32 v0, v21;
	v21 =	vadd.s32 v5, v24;
	[tilespmem:s13+$0x20] =	vst v12;
	v12 =	vld.idx.msk [tilespmem:v29+s3+$0x0], $0xffff  }
0x22d: {  	v11 =	vor.u32 v25, v21;
	v29 =	vor.u32 v22, v20;
	v22 =	vadd.s32 v6, v9;
	v27 =	vld.idx.msk [tilespmem:v30+s3+$0x0], $0xffff  }
0x22e: {  	v31 =	vld.idx.msk [tilespmem:v31+s3+$0x0], $0xffff;
	v61 =	vor.u32 v8, v22;
	v22 =	vand.u32 $0xFFFFFFF8, v60;
	v20 =	vand.u32 $0xFFFFFFF8, v23  }
0x22f: {  	v30 =	vld [tilespmem:s18+$0xFFFFFFE0];
	[tilespmem:s13+$0xFFFFFC20] =	vst v28;
	v21 =	vand.u32 $0x7, v23;
	v63 =	vadd.s32 v7, v22;
	v23 =	vand.u32 $0x7, v60  }
0x230: {  	v33 =	vld.idx.msk [tilespmem:v33+s3+$0x0], $0xffff;
	[tilespmem:s0+$0x1C0] =	vst v10;
	v10 =	vadd.s32 v7, v20;
	v34 =	vor.u32 v23, v63  }
0x231: {  	v62 =	vadd.s32 v2, v17;
	v28 =	vld.idx.msk [tilespmem:v32+s3+$0x0], $0xffff;
	v10 =	vor.u32 v21, v10;
	[tilespmem:s31+$0x360] =	vst v12  }
0x232: {  	v32 =	vor.u32 v26, v62;
	[tilespmem:s13+$0xA0] =	vst v27;
	v27 =	vld.idx.msk [tilespmem:v29+s3+$0x0], $0xffff  }
0x233: {  	[tilespmem:s30+$0xFFFFFC70] =	vst v18;
	v18 =	vadd.s32 v4, v24;
	v11 =	vld.idx.msk [tilespmem:v11+s3+$0x0], $0xffff  }
0x234: {  	v18 =	vor.u32 v25, v18;
	v29 =	vadd.s32 v5, v15;
	v12 =	vld.idx.msk [tilespmem:v61+s3+$0x0], $0xffff  }
0x235: {  	v42 =	vadd.s32 v6, v22;
	[tilespmem:s0+$0xFFFFFCC0] =	vst v31;
	v29 =	vor.u32 v16, v29;
	v34 =	vld.idx.msk [tilespmem:v34+s3+$0x0], $0xffff  }
0x236: {  	v36 =	vor.u32 v23, v42;
	v40 =	vld.idx.msk [tilespmem:v10+s3+$0x0], $0xffff;
	[tilespmem:s0+$0x240] =	vst v28;
	v10 =	vadd.s32 v6, v20  }
0x237: {  	v28 =	vld.idx.msk [tilespmem:v32+s3+$0x0], $0xffff;
	v41 =	vor.u32 v21, v10;
	v10 =	vadd.s32 v1, v17;
	[tilespmem:s31+$0x3E0] =	vst v27  }
0x238: {  	v37 =	vor.u32 v26, v10;
	v27 =	vadd.s32 v5, v14;
	v10 =	vand.u32 $0xFFFFFFF8, v30;
	[tilespmem:s13+$0x120] =	vst v11;
	v38 =	vld [tilespmem:s18+$0x70]  }
0x239: {  	s5 =	sadd.s32 $0x800, s13;
	[tilespmem:s13+$0xFFFFFCA0] =	vst v33;
	v27 =	vor.u32 v13, v27;
	v11 =	vand.u32 $0x7, v30;
	v30 =	vld.idx.msk [tilespmem:v18+s3+$0x0], $0xffff;
	v18 =	vadd.s32 v7, v10  }
0x23a: {  	v43 =	vadd.s32 v3, v24;
	v29 =	vld.idx.msk [tilespmem:v29+s3+$0x0], $0xffff;
	[tilespmem:s5+$0xFFFFFC00] =	vst v34;
	v44 =	vor.u32 v11, v18  }
0x23b: {  	v33 =	vor.u32 v25, v43;
	[tilespmem:s5+$0x0] =	vst v40;
	v18 =	vadd.s32 v4, v15;
	v31 =	vld.idx.msk [tilespmem:v36+s3+$0x0], $0xffff  }
0x23c: {  	v32 =	vld.idx.msk [tilespmem:v41+s3+$0x0], $0xffff;
	[tilespmem:s0+$0x2C0] =	vst v28;
	v28 =	vor.u32 v16, v18;
	v18 =	vadd.s32 v5, v20  }
0x23d: {  	v17 =	vadd.s32 v0, v17;
	v45 =	vld.idx.msk [tilespmem:v37+s3+$0x0], $0xffff;
	v46 =	vor.u32 v21, v18  }
0x23e: {  	v48 =	vadd.s32 v5, v22;
	v26 =	vor.u32 v26, v17;
	v18 =	vand.u32 $0xFFFFFFF8, v38;
	v27 =	vld.idx.msk [tilespmem:v27+s3+$0x0], $0xffff  }
0x23f: {  	v17 =	vand.u32 $0x7, v38;
	v38 =	vor.u32 v23, v48;
	v47 =	vadd.s32 v7, v18;
	[tilespmem:s13+$0x1A0] =	vst v30;
	v30 =	vld.idx.msk [tilespmem:v44+s3+$0x0], $0xffff  }
0x240: {  	v50 =	vadd.s32 v4, v14;
	[tilespmem:s13+$0xFFFFFD20] =	vst v29;
	v49 =	vor.u32 v17, v47;
	v29 =	vld.idx.msk [tilespmem:v33+s3+$0x0], $0xffff  }
0x241: {  	v51 =	vor.u32 v13, v50;
	v52 =	vadd.s32 v2, v24;
	[tilespmem:s5+$0x80] =	vst v32;
	v28 =	vld.idx.msk [tilespmem:v28+s3+$0x0], $0xffff  }
0x242: {  	v53 =	vadd.s32 v3, v15;
	v32 =	vor.u32 v25, v52;
	v36 =	vld.idx.msk [tilespmem:v46+s3+$0x0], $0xffff;
	[tilespmem:s0+$0x340] =	vst v45  }
0x243: {  	v54 =	vor.u32 v16, v53;
	v55 =	vadd.s32 v4, v20;
	[tilespmem:s5+$0xFFFFFC80] =	vst v31;
	v26 =	vld.idx.msk [tilespmem:v26+s3+$0x0], $0xffff  }
0x244: {  	v31 =	vor.u32 v21, v55;
	[tilespmem:s0+$0xFFFFFD40] =	vst v27;
	v27 =	vld.idx.msk [tilespmem:v38+s3+$0x0], $0xffff  }
0x245: {  	v57 =	vadd.s32 v4, v22;
	v35 =	vld.idx.msk [tilespmem:v49+s3+$0x0], $0xffff  }
0x246: {  	v56 =	vadd.s32 v6, v18;
	v38 =	vor.u32 v23, v57;
	[tilespmem:s13+$0x220] =	vst v29;
	v29 =	vld.idx.msk [tilespmem:v51+s3+$0x0], $0xffff  }
0x247: {  	v59 =	vadd.s32 v3, v14;
	v58 =	vor.u32 v17, v56;
	[tilespmem:s13+$0xFFFFFDA0] =	vst v28;
	v28 =	vld.idx.msk [tilespmem:v32+s3+$0x0], $0xffff  }
0x248: {  	v60 =	vor.u32 v13, v59;
	v61 =	vadd.s32 v1, v24;
	[tilespmem:s5+$0x100] =	vst v36;
	v34 =	vld.idx.msk [tilespmem:v54+s3+$0x0], $0xffff  }
0x249: {  	v62 =	vadd.s32 v2, v15;
	v36 =	vor.u32 v25, v61;
	v31 =	vld.idx.msk [tilespmem:v31+s3+$0x0], $0xffff;
	[tilespmem:s0+$0x3C0] =	vst v26  }
0x24a: {  	v63 =	vadd.s32 v6, v10;
	v26 =	vor.u32 v16, v62;
	[tilespmem:s5+$0xFFFFFD00] =	vst v27;
	v39 =	vld [tilespmem:s1+$0x50]  }
0x24b: {  	v40 =	vor.u32 v11, v63;
	v27 =	vadd.s32 v3, v20;
	v41 =	vld.idx.msk [tilespmem:v38+s3+$0x0], $0xffff;
	[tilespmem:s31+$0x70] =	vst v35  }
0x24c: {  	v42 =	vor.u32 v21, v27;
	[tilespmem:s0+$0xFFFFFDC0] =	vst v29;
	v29 =	vadd.s32 v3, v22;
	v33 =	vld.idx.msk [tilespmem:v58+s3+$0x0], $0xffff  }
0x24d: {  	v27 =	vadd.s32 v5, v18;
	[tilespmem:s13+$0x2A0] =	vst v28;
	v28 =	vld.idx.msk [tilespmem:v60+s3+$0x0], $0xffff;
	v29 =	vor.u32 v23, v29  }
0x24e: {  	v43 =	vor.u32 v17, v27;
	v27 =	vadd.s32 v2, v14;
	[tilespmem:s13+$0xFFFFFE20] =	vst v34;
	v44 =	vld.idx.msk [tilespmem:v36+s3+$0x0], $0xffff  }
0x24f: {  	v24 =	vadd.s32 v0, v24;
	[tilespmem:s31+$0xFFFFFC60] =	vst v30;
	v45 =	vor.u32 v13, v27;
	v30 =	vld.idx.msk [tilespmem:v26+s3+$0x0], $0xffff  }
0x250: {  	v24 =	vor.u32 v25, v24;
	v46 =	vadd.s32 v1, v15;
	[tilespmem:s5+$0x180] =	vst v31;
	v31 =	vld.idx.msk [tilespmem:v40+s3+$0x0], $0xffff;
	v26 =	vand.u32 $0xFFFFFFF8, v39  }
0x251: {  	v47 =	vor.u32 v16, v46;
	v27 =	vand.u32 $0x7, v39;
	v38 =	vld.idx.msk [tilespmem:v42+s3+$0x0], $0xffff;
	[tilespmem:s5+$0xFFFFFD80] =	vst v41;
	v25 =	vadd.s32 v7, v26  }
0x252: {  	v48 =	vadd.s32 v2, v20;
	v25 =	vor.u32 v27, v25;
	[tilespmem:s31+$0xF0] =	vst v33;
	v29 =	vld.idx.msk [tilespmem:v29+s3+$0x0], $0xffff  }
0x253: {  	v49 =	vadd.s32 v2, v22;
	v35 =	vor.u32 v21, v48;
	[tilespmem:s0+$0xFFFFFE40] =	vst v28;
	v32 =	vld.idx.msk [tilespmem:v43+s3+$0x0], $0xffff  }
0x254: {  	v51 =	vor.u32 v23, v49;
	v28 =	vadd.s32 v4, v18;
	[tilespmem:s13+$0x320] =	vst v44;
	v50 =	vld.idx.msk [tilespmem:v45+s3+$0x0], $0xffff  }
0x255: {  	v28 =	vor.u32 v17, v28;
	v24 =	vld.idx.msk [tilespmem:v24+s3+$0x0], $0xffff;
	[tilespmem:s13+$0xFFFFFEA0] =	vst v30  }
0x256: {  	v52 =	vadd.s32 v1, v14;
	v33 =	vld.idx.msk [tilespmem:v47+s3+$0x0], $0xffff  }
0x257: {  	v53 =	vadd.s32 v6, v26;
	v30 =	vor.u32 v13, v52;
	[tilespmem:s5+$0x200] =	vst v38;
	v25 =	vld.idx.msk [tilespmem:v25+s3+$0x0], $0xffff  }
0x258: {  	v54 =	vadd.s32 v1, v20;
	v37 =	vor.u32 v27, v53;
	v35 =	vld.idx.msk [tilespmem:v35+s3+$0x0], $0xffff;
	[tilespmem:s5+$0xFFFFFE00] =	vst v29  }
0x259: {  	v15 =	vadd.s32 v0, v15;
	v29 =	vor.u32 v21, v54;
	[tilespmem:s31+$0x170] =	vst v32;
	v55 =	vld.idx.msk [tilespmem:v51+s3+$0x0], $0xffff  }
0x25a: {  	v15 =	vor.u32 v16, v15;
	v16 =	vadd.s32 v1, v22;
	v28 =	vld.idx.msk [tilespmem:v28+s3+$0x0], $0xffff;
	[tilespmem:s13+$0x3A0] =	vst v24  }
0x25b: {  	v16 =	vor.u32 v23, v16;
	[tilespmem:s0+$0xFFFFFEC0] =	vst v50;
	v24 =	vadd.s32 v3, v18;
	v56 =	vld [tilespmem:s16+$0x30]  }
0x25c: {  	v14 =	vadd.s32 v0, v14;
	v30 =	vld.idx.msk [tilespmem:v30+s3+$0x0], $0xffff;
	v24 =	vor.u32 v17, v24;
	[tilespmem:s0+$0x50] =	vst v25  }
0x25d: {  	v13 =	vor.u32 v13, v14;
	[tilespmem:s5+$0x280] =	vst v35;
	v25 =	vadd.s32 v5, v26;
	v14 =	vld.idx.msk [tilespmem:v37+s3+$0x0], $0xffff  }
0x25e: {  	v20 =	vadd.s32 v0, v20;
	[tilespmem:s13+$0xFFFFFF20] =	vst v33;
	v29 =	vld.idx.msk [tilespmem:v29+s3+$0x0], $0xffff;
	v57 =	vor.u32 v27, v25  }
0x25f: {  	v20 =	vor.u32 v21, v20;
	v15 =	vld.idx.msk [tilespmem:v15+s3+$0x0], $0xffff;
	[tilespmem:s5+$0xFFFFFE80] =	vst v55  }
0x260: {  	v21 =	vadd.s32 v0, v22;
	[tilespmem:s31+$0x1F0] =	vst v28;
	v16 =	vld.idx.msk [tilespmem:v16+s3+$0x0], $0xffff;
	v22 =	vand.u32 $0xFFFFFFF8, v56  }
0x261: {  	v21 =	vor.u32 v23, v21;
	[tilespmem:s0+$0xFFFFFF40] =	vst v30;
	v23 =	vld.idx.msk [tilespmem:v24+s3+$0x0], $0xffff;
	v25 =	vand.u32 $0x7, v56;
	v24 =	vadd.s32 v7, v22  }
0x262: {  	v28 =	vadd.s32 v2, v18;
	v30 =	vld.idx.msk [tilespmem:v13+s3+$0x0], $0xffff;
	v13 =	vor.u32 v25, v24;
	[tilespmem:s0+$0xD0] =	vst v14  }
0x263: {  	[tilespmem:s5+$0x300] =	vst v29;
	v14 =	vor.u32 v17, v28;
	v28 =	vadd.s32 v4, v26;
	v24 =	vld.idx.msk [tilespmem:v57+s3+$0x0], $0xffff  }
0x264: {  	[tilespmem:s13+$0xFFFFFFA0] =	vst v15;
	v15 =	vld.idx.msk [tilespmem:v20+s3+$0x0], $0xffff;
	v20 =	vor.u32 v27, v28  }
0x265: {  	v29 =	vld [tilespmem:s16+$0xFFFFFFB0];
	v28 =	vadd.s32 v5, v10;
	[tilespmem:s5+$0xFFFFFF00] =	vst v16  }
0x266: {  	v16 =	vor.u32 v11, v28;
	v21 =	vld.idx.msk [tilespmem:v21+s3+$0x0], $0xffff  }
0x267: {  	[tilespmem:s31+$0x270] =	vst v23;
	v23 =	vld.idx.msk [tilespmem:v13+s3+$0x0], $0xffff;
	v13 =	vadd.s32 v6, v22  }
0x268: {  	v28 =	vld.idx.msk [tilespmem:v14+s3+$0x0], $0xffff;
	v58 =	vor.u32 v25, v13;
	[tilespmem:s0+$0x150] =	vst v24  }
0x269: {  	[tilespmem:s5+$0x380] =	vst v15;
	v14 =	vadd.s32 v3, v26;
	v20 =	vld.idx.msk [tilespmem:v20+s3+$0x0], $0xffff  }
0x26a: {  	[tilespmem:s31+$0xFFFFFCE0] =	vst v31;
	v15 =	vadd.s32 v1, v18;
	v13 =	vand.u32 $0xFFFFFFF8, v29;
	v24 =	vld [tilespmem:s17+$0x10];
	v31 =	vor.u32 v27, v14  }
0x26b: {  	v15 =	vor.u32 v17, v15;
	v14 =	vand.u32 $0x7, v29;
	v59 =	vld.idx.msk [tilespmem:v16+s3+$0x0], $0xffff;
	v16 =	vadd.s32 v7, v13;
	[tilespmem:s5+$0xFFFFFF80] =	vst v21  }
0x26c: {  	v21 =	vadd.s32 v4, v10;
	v29 =	vor.u32 v14, v16;
	v60 =	vld [tilespmem:s17+$0xFFFFFF90];
	[tilespmem:s13+$0x30] =	vst v23  }
0x26d: {  	[tilespmem:s0+$0xFFFFFFC0] =	vst v30;
	v61 =	vor.u32 v11, v21;
	v16 =	vadd.s32 v5, v22;
	v30 =	vld.idx.msk [tilespmem:v58+s3+$0x0], $0xffff  }
0x26e: {  	v62 =	vld [tilespmem:s1+$0xFFFFFFD0];
	v21 =	vadd.s32 v5, v9;
	v63 =	vor.u32 v25, v16;
	[tilespmem:s0+$0x1D0] =	vst v20  }
0x26f: {  	v23 =	vadd.s32 v2, v26;
	[tilespmem:s31+$0x2F0] =	vst v28;
	v20 =	vor.u32 v8, v21;
	v21 =	vand.u32 $0xFFFFFFF8, v24;
	v28 =	vld.idx.msk [tilespmem:v31+s3+$0x0], $0xffff  }
0x270: {  	v15 =	vld.idx.msk [tilespmem:v15+s3+$0x0], $0xffff;
	v16 =	vand.u32 $0x7, v24;
	v24 =	vadd.s32 v7, v21;
	v31 =	vor.u32 v27, v23  }
0x271: {  	v18 =	vadd.s32 v0, v18;
	[tilespmem:s31+$0xFFFFFD60] =	vst v59;
	v29 =	vld.idx.msk [tilespmem:v29+s3+$0x0], $0xffff;
	v23 =	vand.u32 $0xFFFFFFF8, v60;
	v40 =	vor.u32 v16, v24  }
0x272: {  	v17 =	vor.u32 v17, v18;
	v18 =	vld.idx.msk [tilespmem:v61+s3+$0x0], $0xffff;
	v24 =	vand.u32 $0x7, v60;
	[tilespmem:s13+$0xB0] =	vst v30;
	v30 =	vadd.s32 v7, v23  }
0x273: {  	[tilespmem:s30+$0xFFFFFCF0] =	vst v12;
	v12 =	vadd.s32 v4, v22;
	v41 =	vld.idx.msk [tilespmem:v63+s3+$0x0], $0xffff;
	v30 =	vor.u32 v24, v30  }
0x274: {  	v43 =	vor.u32 v25, v12;
	v42 =	vadd.s32 v6, v13;
	v36 =	vld.idx.msk [tilespmem:v20+s3+$0x0], $0xffff;
	[tilespmem:s0+$0x250] =	vst v28  }
0x275: {  	v20 =	vadd.s32 v1, v26;
	v28 =	vor.u32 v14, v42;
	v31 =	vld.idx.msk [tilespmem:v31+s3+$0x0], $0xffff  }
0x276: {  	v12 =	vand.u32 $0xFFFFFFF8, v62;
	v44 =	vadd.s32 v6, v21;
	[tilespmem:s31+$0x370] =	vst v15;
	v45 =	vor.u32 v27, v20;
	v33 =	vld.idx.msk [tilespmem:v40+s3+$0x0], $0xffff  }
0x277: {  	v46 =	vadd.s32 v7, v12;
	v15 =	vand.u32 $0x7, v62;
	v20 =	vld.idx.msk [tilespmem:v17+s3+$0x0], $0xffff;
	v17 =	vor.u32 v16, v44  }
0x278: {  	v47 =	vadd.s32 v6, v23;
	v32 =	vor.u32 v15, v46;
	v30 =	vld.idx.msk [tilespmem:v30+s3+$0x0], $0xffff;
	[tilespmem:s13+$0x130] =	vst v41  }
0x279: {  	v49 =	vadd.s32 v3, v22;
	v48 =	vor.u32 v24, v47;
	[tilespmem:s13+$0xFFFFFC30] =	vst v29;
	v29 =	vld.idx.msk [tilespmem:v43+s3+$0x0], $0xffff  }
0x27a: {  	v35 =	vor.u32 v25, v49;
	v50 =	vadd.s32 v5, v13;
	v28 =	vld.idx.msk [tilespmem:v28+s3+$0x0], $0xffff;
	[tilespmem:s0+$0x2D0] =	vst v31  }
0x27b: {  	v26 =	vadd.s32 v0, v26;
	v31 =	vor.u32 v14, v50;
	[tilespmem:s5+$0x10] =	vst v33;
	v51 =	vld.idx.msk [tilespmem:v45+s3+$0x0], $0xffff  }
0x27c: {  	v52 =	vadd.s32 v5, v21;
	v26 =	vor.u32 v27, v26;
	v17 =	vld.idx.msk [tilespmem:v17+s3+$0x0], $0xffff  }
0x27d: {  	v53 =	vor.u32 v16, v52;
	v27 =	vadd.s32 v6, v12;
	[tilespmem:s5+$0xFFFFFC10] =	vst v30;
	v30 =	vld.idx.msk [tilespmem:v32+s3+$0x0], $0xffff  }
0x27e: {  	v54 =	vadd.s32 v5, v23;
	v27 =	vor.u32 v15, v27;
	v34 =	vld.idx.msk [tilespmem:v48+s3+$0x0], $0xffff;
	[tilespmem:s13+$0x1B0] =	vst v29  }
0x27f: {  	v55 =	vadd.s32 v2, v22;
	v29 =	vor.u32 v24, v54;
	[tilespmem:s13+$0xFFFFFCB0] =	vst v28;
	v28 =	vld.idx.msk [tilespmem:v35+s3+$0x0], $0xffff  }
0x280: {  	v56 =	vadd.s32 v4, v13;
	v35 =	vor.u32 v25, v55;
	v31 =	vld.idx.msk [tilespmem:v31+s3+$0x0], $0xffff;
	[tilespmem:s0+$0x350] =	vst v51  }
0x281: {  	v57 =	vadd.s32 v3, v10;
	v37 =	vor.u32 v14, v56;
	[tilespmem:s5+$0x90] =	vst v17;
	v17 =	vld.idx.msk [tilespmem:v26+s3+$0x0], $0xffff  }
0x282: {  	v26 =	vor.u32 v11, v57;
	v32 =	vld.idx.msk [tilespmem:v53+s3+$0x0], $0xffff;
	[tilespmem:s0+$0xFFFFFC50] =	vst v30  }
0x283: {  	v30 =	vadd.s32 v4, v21;
	[tilespmem:s5+$0xFFFFFC90] =	vst v34;
	v27 =	vld.idx.msk [tilespmem:v27+s3+$0x0], $0xffff  }
0x284: {  	v58 =	vadd.s32 v5, v12;
	v30 =	vor.u32 v16, v30;
	v29 =	vld.idx.msk [tilespmem:v29+s3+$0x0], $0xffff;
	[tilespmem:s13+$0x230] =	vst v28  }
0x285: {  	v33 =	vor.u32 v15, v58;
	v28 =	vadd.s32 v4, v23;
	[tilespmem:s13+$0xFFFFFD30] =	vst v31;
	v31 =	vld.idx.msk [tilespmem:v35+s3+$0x0], $0xffff  }
0x286: {  	v60 =	vadd.s32 v1, v22;
	[tilespmem:s31+$0xFFFFFDE0] =	vst v18;
	v28 =	vor.u32 v24, v28;
	v59 =	vld.idx.msk [tilespmem:v37+s3+$0x0], $0xffff  }
0x287: {  	v18 =	vadd.s32 v3, v13;
	v35 =	vor.u32 v25, v60;
	[tilespmem:s0+$0x3D0] =	vst v17;
	v26 =	vld.idx.msk [tilespmem:v26+s3+$0x0], $0xffff  }
0x288: {  	v18 =	vor.u32 v14, v18;
	v17 =	vadd.s32 v2, v10;
	[tilespmem:s5+$0x110] =	vst v32;
	v61 =	vld [tilespmem:s1+$0x60]  }
0x289: {  	v62 =	vadd.s32 v4, v9;
	v63 =	vor.u32 v11, v17;
	v30 =	vld.idx.msk [tilespmem:v30+s3+$0x0], $0xffff;
	[tilespmem:s0+$0xFFFFFCD0] =	vst v27  }
0x28a: {  	v27 =	vor.u32 v8, v62;
	v17 =	vadd.s32 v3, v21;
	[tilespmem:s5+$0xFFFFFD10] =	vst v29;
	v29 =	vld.idx.msk [tilespmem:v33+s3+$0x0], $0xffff  }
0x28b: {  	v40 =	vadd.s32 v4, v12;
	v41 =	vor.u32 v16, v17;
	v28 =	vld.idx.msk [tilespmem:v28+s3+$0x0], $0xffff;
	[tilespmem:s13+$0x2B0] =	vst v31  }
0x28c: {  	v17 =	vadd.s32 v3, v23;
	v31 =	vor.u32 v15, v40;
	[tilespmem:s13+$0xFFFFFDB0] =	vst v59;
	v42 =	vld.idx.msk [tilespmem:v35+s3+$0x0], $0xffff  }
0x28d: {  	v43 =	vor.u32 v24, v17;
	v44 =	vld.idx.msk [tilespmem:v18+s3+$0x0], $0xffff;
	v18 =	vadd.s32 v0, v22;
	[tilespmem:s31+$0xFFFFFE60] =	vst v26  }
0x28e: {  	[tilespmem:s30+$0xFFFFFD70] =	vst v36;
	v45 =	vadd.s32 v2, v13;
	v22 =	vor.u32 v25, v18;
	v26 =	vld.idx.msk [tilespmem:v63+s3+$0x0], $0xffff  }
0x28f: {  	v32 =	vor.u32 v14, v45;
	v17 =	vand.u32 $0xFFFFFFF8, v61;
	[tilespmem:s5+$0x190] =	vst v30;
	v27 =	vld.idx.msk [tilespmem:v27+s3+$0x0], $0xffff;
	v30 =	vadd.s32 v1, v10  }
0x290: {  	v18 =	vand.u32 $0x7, v61;
	v25 =	vadd.s32 v7, v17;
	v46 =	vld.idx.msk [tilespmem:v41+s3+$0x0], $0xffff;
	[tilespmem:s0+$0xFFFFFD50] =	vst v29;
	v29 =	vor.u32 v11, v30  }
0x291: {  	v25 =	vor.u32 v18, v25;
	[tilespmem:s5+$0xFFFFFD90] =	vst v28;
	v28 =	vadd.s32 v2, v21;
	v30 =	vld.idx.msk [tilespmem:v31+s3+$0x0], $0xffff  }
0x292: {  	v31 =	vadd.s32 v3, v12;
	v34 =	vld.idx.msk [tilespmem:v43+s3+$0x0], $0xffff;
	v28 =	vor.u32 v16, v28;
	[tilespmem:s13+$0x330] =	vst v42  }
0x293: {  	v47 =	vadd.s32 v2, v23;
	v31 =	vor.u32 v15, v31;
	[tilespmem:s13+$0xFFFFFE30] =	vst v44;
	v22 =	vld.idx.msk [tilespmem:v22+s3+$0x0], $0xffff  }
0x294: {  	v33 =	vor.u32 v24, v47;
	[tilespmem:s31+$0xFFFFFEE0] =	vst v26;
	v26 =	vld.idx.msk [tilespmem:v32+s3+$0x0], $0xffff  }
0x295: {  	v49 =	vadd.s32 v1, v13;
	[tilespmem:s30+$0xFFFFFDF0] =	vst v27;
	v29 =	vld.idx.msk [tilespmem:v29+s3+$0x0], $0xffff  }
0x296: {  	v35 =	vor.u32 v14, v49;
	v10 =	vadd.s32 v0, v10;
	[tilespmem:s5+$0x210] =	vst v46;
	v25 =	vld.idx.msk [tilespmem:v25+s3+$0x0], $0xffff  }
0x297: {  	v48 =	vadd.s32 v6, v17;
	v10 =	vor.u32 v11, v10;
	[tilespmem:s0+$0xFFFFFDD0] =	vst v30;
	v28 =	vld.idx.msk [tilespmem:v28+s3+$0x0], $0xffff  }
0x298: {  	v11 =	vadd.s32 v1, v21;
	v32 =	vor.u32 v18, v48;
	[tilespmem:s5+$0xFFFFFE10] =	vst v34;
	v30 =	vld.idx.msk [tilespmem:v31+s3+$0x0], $0xffff  }
0x299: {  	v11 =	vor.u32 v16, v11;
	v31 =	vadd.s32 v2, v12;
	v33 =	vld.idx.msk [tilespmem:v33+s3+$0x0], $0xffff;
	[tilespmem:s13+$0x3B0] =	vst v22  }
0x29a: {  	v31 =	vor.u32 v15, v31;
	v22 =	vadd.s32 v1, v23;
	[tilespmem:s13+$0xFFFFFEB0] =	vst v26;
	v50 =	vld [tilespmem:s16+$0x40]  }
0x29b: {  	v13 =	vadd.s32 v0, v13;
	v22 =	vor.u32 v24, v22;
	v51 =	vld.idx.msk [tilespmem:v35+s3+$0x0], $0xffff;
	[tilespmem:s31+$0xFFFFFF60] =	vst v29  }
0x29c: {  	v13 =	vor.u32 v14, v13;
	[tilespmem:s0+$0x60] =	vst v25;
	v25 =	vadd.s32 v3, v9;
	v10 =	vld.idx.msk [tilespmem:v10+s3+$0x0], $0xffff  }
0x29d: {  	v14 =	vadd.s32 v0, v21;
	v26 =	vld.idx.msk [tilespmem:v32+s3+$0x0], $0xffff;
	v25 =	vor.u32 v8, v25;
	[tilespmem:s5+$0x290] =	vst v28  }
0x29e: {  	v14 =	vor.u32 v16, v14;
	v52 =	vadd.s32 v5, v17;
	[tilespmem:s0+$0xFFFFFE50] =	vst v30;
	v11 =	vld.idx.msk [tilespmem:v11+s3+$0x0], $0xffff  }
0x29f: {  	v23 =	vadd.s32 v0, v23;
	v28 =	vor.u32 v18, v52;
	[tilespmem:s5+$0xFFFFFE90] =	vst v33;
	v29 =	vld.idx.msk [tilespmem:v31+s3+$0x0], $0xffff  }
0x2a0: {  	v23 =	vor.u32 v24, v23;
	v24 =	vadd.s32 v1, v12;
	v27 =	vld.idx.msk [tilespmem:v22+s3+$0x0], $0xffff;
	[tilespmem:s13+$0xFFFFFF30] =	vst v51  }
0x2a1: {  	v24 =	vor.u32 v15, v24;
	v21 =	vand.u32 $0xFFFFFFF8, v50;
	v13 =	vld.idx.msk [tilespmem:v13+s3+$0x0], $0xffff;
	[tilespmem:s31+$0xFFFFFFE0] =	vst v10  }
0x2a2: {  	v22 =	vand.u32 $0x7, v50;
	v16 =	vadd.s32 v7, v21;
	[tilespmem:s0+$0xE0] =	vst v26;
	v26 =	vld.idx.msk [tilespmem:v25+s3+$0x0], $0xffff  }
0x2a3: {  	v10 =	vadd.s32 v2, v9;
	v16 =	vor.u32 v22, v16;
	v30 =	vld [tilespmem:s18+$0xFFFFFFF0]  }
0x2a4: {  	v12 =	vadd.s32 v0, v12;
	v31 =	vor.u32 v8, v10;
	v25 =	vld.idx.msk [tilespmem:v28+s3+$0x0], $0xffff;
	[tilespmem:s5+$0x310] =	vst v11  }
0x2a5: {  	v10 =	vadd.s32 v1, v9;
	v28 =	vadd.s32 v4, v17;
	[tilespmem:s0+$0xFFFFFED0] =	vst v29;
	v53 =	vld.idx.msk [tilespmem:v14+s3+$0x0], $0xffff  }
0x2a6: {  	v9 =	vadd.s32 v0, v9;
	v28 =	vor.u32 v18, v28;
	v24 =	vld.idx.msk [tilespmem:v24+s3+$0x0], $0xffff;
	[tilespmem:s5+$0xFFFFFF10] =	vst v27  }
0x2a7: {  	v57 =	vadd.s32 v5, v21;
	v11 =	vor.u32 v8, v10;
	v8 =	vor.u32 v8, v9;
	v9 =	vld.idx.msk [tilespmem:v23+s3+$0x0], $0xffff  }
0x2a8: {  	v14 =	vadd.s32 v6, v21;
	v27 =	vor.u32 v15, v12;
	[tilespmem:s13+$0xFFFFFFB0] =	vst v13;
	v10 =	vld.idx.msk [tilespmem:v16+s3+$0x0], $0xffff  }
0x2a9: {  	[tilespmem:s30+$0x3F0] =	vst v19;
	v35 =	vor.u32 v22, v57;
	v12 =	vadd.s32 v3, v17;
	v23 =	vor.u32 v22, v14;
	v29 =	vld [tilespmem:s16+$0xFFFFFFC0]  }
0x2aa: {  	v14 =	vand.u32 $0xFFFFFFF8, v30;
	v13 =	vand.u32 $0x7, v30;
	v30 =	vor.u32 v18, v12;
	[tilespmem:s0+$0x160] =	vst v25  }
0x2ab: {  	v15 =	vadd.s32 v7, v14;
	v16 =	vadd.s32 v6, v14;
	v28 =	vld.idx.msk [tilespmem:v28+s3+$0x0], $0xffff;
	[tilespmem:s5+$0x390] =	vst v53  }
0x2ac: {  	v25 =	vadd.s32 v3, v14;
	v54 =	vor.u32 v13, v15;
	v16 =	vor.u32 v13, v16;
	[tilespmem:s0+$0xFFFFFF50] =	vst v24;
	v55 =	vld [tilespmem:s17+$0x20]  }
0x2ad: {  	v15 =	vadd.s32 v4, v14;
	v27 =	vld.idx.msk [tilespmem:v27+s3+$0x0], $0xffff;
	[tilespmem:s5+$0xFFFFFF90] =	vst v9;
	v9 =	vor.u32 v13, v25  }
0x2ae: {  	[tilespmem:s13+$0x40] =	vst v10;
	v10 =	vadd.s32 v5, v14;
	v56 =	vld [tilespmem:s17+$0xFFFFFFA0];
	v25 =	vand.u32 $0xFFFFFFF8, v29;
	v24 =	vand.u32 $0x7, v29  }
0x2af: {  	v23 =	vld.idx.msk [tilespmem:v23+s3+$0x0], $0xffff;
	v12 =	vor.u32 v13, v10;
	v10 =	vor.u32 v13, v15;
	v15 =	vadd.s32 v2, v14  }
0x2b0: {  	[tilespmem:s31+$0x3F0] =	vst v20;
	v19 =	vadd.s32 v7, v25;
	v58 =	vadd.s32 v6, v25;
	v44 =	vadd.s32 v5, v25  }
0x2b1: {  	[tilespmem:s0+$0x1E0] =	vst v28;
	v59 =	vor.u32 v24, v19;
	v19 =	vadd.s32 v2, v17;
	v38 =	vor.u32 v24, v58  }
0x2b2: {  	[tilespmem:s30+$0xFFFFFE70] =	vst v26;
	v30 =	vld.idx.msk [tilespmem:v30+s3+$0x0], $0xffff;
	v28 =	vand.u32 $0xFFFFFFF8, v55;
	v29 =	vand.u32 $0x7, v55;
	v60 =	vor.u32 v18, v19  }
0x2b3: {  	v20 =	vld.idx.msk [tilespmem:v54+s3+$0x0], $0xffff;
	[tilespmem:s0+$0xFFFFFFD0] =	vst v27;
	v26 =	vadd.s32 v7, v28;
	v63 =	vadd.s32 v6, v28;
	v61 =	vand.u32 $0xFFFFFFF8, v56  }
0x2b4: {  	v19 =	vld.idx.msk [tilespmem:v31+s3+$0x0], $0xffff;
	v33 =	vand.u32 $0x7, v56;
	v62 =	vor.u32 v29, v26;
	[tilespmem:s13+$0xC0] =	vst v23;
	v23 =	vadd.s32 v7, v61  }
0x2b5: {  	v45 =	vor.u32 v29, v63;
	v43 =	vld.idx.msk [tilespmem:v35+s3+$0x0], $0xffff;
	v42 =	vor.u32 v33, v23;
	v23 =	vadd.s32 v4, v21  }
0x2b6: {  	v26 =	vadd.s32 v6, v61;
	v31 =	vadd.s32 v5, v61;
	v36 =	vld.idx.msk [tilespmem:v59+s3+$0x0], $0xffff;
	v46 =	vor.u32 v22, v23  }
0x2b7: {  	v27 =	vadd.s32 v3, v61;
	v41 =	vor.u32 v33, v26;
	v26 =	vadd.s32 v4, v61;
	v23 =	vld [tilespmem:s1+$0xFFFFFFE0];
	[tilespmem:s0+$0x260] =	vst v30  }
0x2b8: {  	v34 =	vor.u32 v33, v27;
	v27 =	vadd.s32 v1, v17;
	v35 =	vor.u32 v33, v26;
	v26 =	vld.idx.msk [tilespmem:v60+s3+$0x0], $0xffff  }
0x2b9: {  	v40 =	vor.u32 v33, v31;
	v30 =	vadd.s32 v2, v61;
	v27 =	vor.u32 v18, v27;
	v39 =	vld.idx.msk [tilespmem:v62+s3+$0x0], $0xffff  }
0x2ba: {  	s7 =	simm.s32 $0x8;
	v31 =	vor.u32 v33, v30;
	v30 =	vadd.s32 v1, v61;
	v42 =	vld.idx.msk [tilespmem:v42+s3+$0x0], $0xffff;
	[tilespmem:s13+$0x140] =	vst v43  }
0x2bb: {  	s8 =	sadd.s32 $0x100, s17;
	s6 =	smov.u32 s5;
	s18 =	sand.u32 $0x1, s25;
	v32 =	vor.u32 v24, v44;
	v30 =	vor.u32 v33, v30;
	v43 =	vadd.s32 v0, v61;
	v37 =	vld.idx.msk [tilespmem:v46+s3+$0x0], $0xffff  }
.LBB2_3:
0x2bc: {  	v46 =	vld [tilespmem:s8+$0x0];
	v33 =	vor.u32 v33, v43;
	v43 =	vadd.s32 v4, v25;
	v44 =	vadd.s32 v3, v21;
	[tilespmem:s31+$0xFFFFFC70] =	vst v20  }
0x2bd: {  	v47 =	vld [tilespmem:s8+$0xFFFFFF80];
	v20 =	vor.u32 v24, v43;
	v43 =	vadd.s32 v3, v25;
	v48 =	vor.u32 v22, v44;
	[tilespmem:s0+$0x2E0] =	vst v26  }
0x2be: {  	s7 =	sadd.s32 $0x2, s7;
	v26 =	vadd.s32 v2, v25;
	v44 =	vand.u32 $0xFFFFFFF8, v23;
	[tilespmem:s5+$0x20] =	vst v39;
	v39 =	vor.u32 v24, v43;
	v27 =	vld.idx.msk [tilespmem:v27+s3+$0x0], $0xffff  }
0x2bf: {  	v17 =	vadd.s32 v0, v17;
	p1 =	slt.u32 s7, $0x1E;
	v43 =	vld.idx.msk [tilespmem:v45+s3+$0x0], $0xffff;
	[tilespmem:s13+$0xFFFFFC40] =	vst v36;
	v36 =	vor.u32 v24, v26;
	v45 =	vand.u32 $0x7, v23  }
0x2c0: {  	v17 =	vor.u32 v18, v17;
	v23 =	vadd.s32 v5, v28;
	[tilespmem:s5+$0xFFFFFC20] =	vst v42;
	v26 =	vld.idx.msk [tilespmem:v38+s3+$0x0], $0xffff  }
0x2c1: {  	v42 =	vadd.s32 v1, v25;
	v18 =	vand.u32 $0xFFFFFFF8, v46;
	v38 =	vld.idx.msk [tilespmem:v41+s3+$0x0], $0xffff;
	v41 =	vor.u32 v29, v23;
	[tilespmem:s13+$0x1C0] =	vst v37  }
0x2c2: {  	v23 =	vand.u32 $0x7, v46;
	v49 =	vand.u32 $0xFFFFFFF8, v47;
	v37 =	vadd.s32 v7, v18;
	v46 =	vld.idx.msk [tilespmem:v48+s3+$0x0], $0xffff;
	[tilespmem:s30+$0xFFFFFEF0] =	vst v19  }
0x2c3: {  	v48 =	vadd.s32 v2, v21;
	v19 =	vadd.s32 v7, v49;
	v37 =	vor.u32 v23, v37;
	v16 =	vld.idx.msk [tilespmem:v16+s3+$0x0], $0xffff  }
0x2c4: {  	v47 =	vand.u32 $0x7, v47;
	v50 =	vadd.s32 v6, v49;
	v48 =	vor.u32 v22, v48;
	[tilespmem:s0+$0x360] =	vst v27;
	v11 =	vld.idx.msk [tilespmem:v11+s3+$0x0], $0xffff  }
0x2c5: {  	v19 =	vor.u32 v47, v19;
	v50 =	vor.u32 v47, v50;
	[tilespmem:s5+$0xA0] =	vst v43;
	v17 =	vld.idx.msk [tilespmem:v17+s3+$0x0], $0xffff  }
0x2c6: {  	v51 =	vadd.s32 v3, v49;
	v27 =	vadd.s32 v5, v49;
	v43 =	vadd.s32 v4, v49;
	v52 =	vld.idx.msk [tilespmem:v41+s3+$0x0], $0xffff  }
0x2c7: {  	v53 =	vor.u32 v47, v27;
	v27 =	vadd.s32 v4, v28;
	v54 =	vor.u32 v47, v43;
	[tilespmem:s5+$0xFFFFFCA0] =	vst v38  }
0x2c8: {  	v43 =	vor.u32 v47, v51;
	v38 =	vor.u32 v29, v27;
	v51 =	vld.idx.msk [tilespmem:v37+s3+$0x0], $0xffff;
	[tilespmem:s13+$0x240] =	vst v46  }
0x2c9: {  	v27 =	vadd.s32 v2, v49;
	v37 =	vadd.s32 v1, v49;
	v46 =	vadd.s32 v6, v18;
	v48 =	vld.idx.msk [tilespmem:v48+s3+$0x0], $0xffff  }
0x2ca: {  	v41 =	vor.u32 v47, v27;
	v27 =	vadd.s32 v1, v21;
	v46 =	vor.u32 v23, v46;
	v19 =	vld.idx.msk [tilespmem:v19+s3+$0x0], $0xffff  }
0x2cb: {  	v49 =	vadd.s32 v0, v49;
	v37 =	vor.u32 v47, v37;
	v55 =	vor.u32 v22, v27;
	[tilespmem:s0+$0x3E0] =	vst v17  }
0x2cc: {  	v42 =	vor.u32 v24, v42;
	v27 =	vor.u32 v47, v49;
	v17 =	vadd.s32 v0, v25;
	[tilespmem:s5+$0x120] =	vst v52;
	v25 =	vld [tilespmem:s1+$0x70]  }
0x2cd: {  	s5 =	sadd.s32 $0x800, s5;
	v47 =	vld.idx.msk [tilespmem:v38+s3+$0x0], $0xffff;
	[tilespmem:s13+$0xFFFFFCC0] =	vst v26;
	v38 =	vor.u32 v24, v17;
	v17 =	vadd.s32 v7, v44  }
0x2ce: {  	v24 =	vadd.s32 v3, v28;
	[tilespmem:s5+$0x0] =	vst v51;
	v26 =	vld.idx.msk [tilespmem:v40+s3+$0x0], $0xffff;
	v17 =	vor.u32 v45, v17  }
0x2cf: {  	v40 =	vld.idx.msk [tilespmem:v46+s3+$0x0], $0xffff;
	v46 =	vor.u32 v29, v24;
	[tilespmem:s13+$0x2C0] =	vst v48;
	v24 =	vadd.s32 v6, v44  }
0x2d0: {  	[tilespmem:s5+$0xFFFFFC00] =	vst v19;
	v19 =	vadd.s32 v5, v18;
	v48 =	vld.idx.msk [tilespmem:v55+s3+$0x0], $0xffff;
	v49 =	vor.u32 v45, v24  }
0x2d1: {  	v21 =	vadd.s32 v0, v21;
	v50 =	vld.idx.msk [tilespmem:v50+s3+$0x0], $0xffff;
	v19 =	vor.u32 v23, v19;
	v24 =	vand.u32 $0xFFFFFFF8, v25;
	[tilespmem:s31+$0xFFFFFCF0] =	vst v16  }
0x2d2: {  	v21 =	vor.u32 v22, v21;
	v25 =	vand.u32 $0x7, v25;
	v16 =	vld.idx.msk [tilespmem:v32+s3+$0x0], $0xffff;
	v22 =	vadd.s32 v7, v24;
	[tilespmem:s30+$0xFFFFFF70] =	vst v11  }
0x2d3: {  	[tilespmem:s6+$0x1A0] =	vst v47;
	v11 =	vld.idx.msk [tilespmem:v17+s3+$0x0], $0xffff;
	v17 =	vadd.s32 v5, v44;
	v22 =	vor.u32 v25, v22  }
0x2d4: {  	[tilespmem:s6+$0xFFFFFD20] =	vst v26;
	v46 =	vld.idx.msk [tilespmem:v46+s3+$0x0], $0xffff;
	v32 =	vor.u32 v45, v17;
	v17 =	vadd.s32 v4, v44  }
0x2d5: {  	[tilespmem:s5+$0x80] =	vst v40;
	v35 =	vld.idx.msk [tilespmem:v35+s3+$0x0], $0xffff;
	v40 =	vadd.s32 v2, v28;
	v26 =	vor.u32 v45, v17  }
0x2d6: {  	v17 =	vadd.s32 v3, v44;
	v19 =	vld.idx.msk [tilespmem:v19+s3+$0x0], $0xffff;
	v40 =	vor.u32 v29, v40;
	[tilespmem:s13+$0x340] =	vst v48  }
0x2d7: {  	v47 =	vadd.s32 v4, v18;
	v17 =	vor.u32 v45, v17;
	[tilespmem:s5+$0xFFFFFC80] =	vst v50;
	v48 =	vld.idx.msk [tilespmem:v21+s3+$0x0], $0xffff  }
0x2d8: {  	v47 =	vor.u32 v23, v47;
	[tilespmem:s13+$0xFFFFFD40] =	vst v16;
	v16 =	vadd.s32 v2, v44;
	v22 =	vld.idx.msk [tilespmem:v22+s3+$0x0], $0xffff  }
0x2d9: {  	v50 =	vld.idx.msk [tilespmem:v53+s3+$0x0], $0xffff;
	[tilespmem:s0+$0xFFFFFC60] =	vst v11;
	v21 =	vor.u32 v45, v16;
	v11 =	vadd.s32 v6, v24  }
0x2da: {  	v16 =	vadd.s32 v1, v44;
	[tilespmem:s6+$0x220] =	vst v46;
	v46 =	vld.idx.msk [tilespmem:v20+s3+$0x0], $0xffff;
	v11 =	vor.u32 v25, v11  }
0x2db: {  	v20 =	vor.u32 v45, v16;
	v16 =	vadd.s32 v0, v44;
	[tilespmem:s6+$0xFFFFFDA0] =	vst v35;
	v35 =	vld.idx.msk [tilespmem:v40+s3+$0x0], $0xffff  }
0x2dc: {  	v16 =	vor.u32 v45, v16;
	[tilespmem:s5+$0x100] =	vst v19;
	v34 =	vld.idx.msk [tilespmem:v34+s3+$0x0], $0xffff;
	v19 =	vadd.s32 v1, v28  }
0x2dd: {  	v40 =	vld.idx.msk [tilespmem:v47+s3+$0x0], $0xffff;
	v44 =	vor.u32 v29, v19;
	[tilespmem:s13+$0x3C0] =	vst v48;
	v19 =	vor.u32 v13, v15  }
0x2de: {  	v15 =	vld [tilespmem:s16+$0x50];
	[tilespmem:s0+$0x70] =	vst v22;
	v22 =	vadd.s32 v1, v14;
	v14 =	vadd.s32 v0, v14  }
0x2df: {  	v45 =	vadd.s32 v3, v18;
	[tilespmem:s5+$0xFFFFFD00] =	vst v50;
	v47 =	vld.idx.msk [tilespmem:v11+s3+$0x0], $0xffff;
	v11 =	vor.u32 v13, v22  }
0x2e0: {  	v45 =	vor.u32 v23, v45;
	v22 =	vadd.s32 v5, v24;
	v48 =	vld.idx.msk [tilespmem:v54+s3+$0x0], $0xffff;
	[tilespmem:s13+$0xFFFFFDC0] =	vst v46  }
0x2e1: {  	v13 =	vor.u32 v13, v14;
	[tilespmem:s6+$0x2A0] =	vst v35;
	v35 =	vld.idx.msk [tilespmem:v39+s3+$0x0], $0xffff;
	v39 =	vor.u32 v25, v22  }
0x2e2: {  	[tilespmem:s6+$0xFFFFFE20] =	vst v34;
	v34 =	vld.idx.msk [tilespmem:v44+s3+$0x0], $0xffff  }
0x2e3: {  	v14 =	vadd.s32 v0, v28;
	v31 =	vld.idx.msk [tilespmem:v31+s3+$0x0], $0xffff;
	v22 =	vand.u32 $0xFFFFFFF8, v15  }
0x2e4: {  	v28 =	vor.u32 v29, v14;
	v14 =	vand.u32 $0x7, v15;
	[tilespmem:s5+$0x180] =	vst v40;
	v15 =	vadd.s32 v7, v22;
	v29 =	vld.idx.msk [tilespmem:v49+s3+$0x0], $0xffff  }
0x2e5: {  	v40 =	vld.idx.msk [tilespmem:v45+s3+$0x0], $0xffff;
	v15 =	vor.u32 v14, v15;
	[tilespmem:s0+$0xF0] =	vst v47  }
0x2e6: {  	v44 =	vadd.s32 v2, v18;
	[tilespmem:s5+$0xFFFFFD80] =	vst v48;
	v39 =	vld.idx.msk [tilespmem:v39+s3+$0x0], $0xffff  }
0x2e7: {  	v44 =	vor.u32 v23, v44;
	v43 =	vld.idx.msk [tilespmem:v43+s3+$0x0], $0xffff;
	[tilespmem:s13+$0xFFFFFE40] =	vst v35;
	v35 =	vadd.s32 v4, v24  }
0x2e8: {  	[tilespmem:s6+$0x320] =	vst v34;
	v34 =	vld.idx.msk [tilespmem:v36+s3+$0x0], $0xffff;
	v35 =	vor.u32 v25, v35  }
0x2e9: {  	[tilespmem:s6+$0xFFFFFEA0] =	vst v31;
	v28 =	vld.idx.msk [tilespmem:v28+s3+$0x0], $0xffff  }
0x2ea: {  	v15 =	vld.idx.msk [tilespmem:v15+s3+$0x0], $0xffff;
	[tilespmem:s0+$0xFFFFFCE0] =	vst v29  }
0x2eb: {  	[tilespmem:s5+$0x200] =	vst v40;
	v29 =	vld.idx.msk [tilespmem:v30+s3+$0x0], $0xffff;
	v30 =	vadd.s32 v6, v22  }
0x2ec: {  	v31 =	vld.idx.msk [tilespmem:v44+s3+$0x0], $0xffff;
	v30 =	vor.u32 v14, v30;
	[tilespmem:s0+$0x170] =	vst v39  }
0x2ed: {  	v36 =	vadd.s32 v1, v18;
	[tilespmem:s5+$0xFFFFFE00] =	vst v43;
	v35 =	vld.idx.msk [tilespmem:v35+s3+$0x0], $0xffff  }
0x2ee: {  	v36 =	vor.u32 v23, v36;
	v39 =	vld.idx.msk [tilespmem:v41+s3+$0x0], $0xffff;
	[tilespmem:s13+$0xFFFFFEC0] =	vst v34;
	v34 =	vadd.s32 v3, v24  }
0x2ef: {  	[tilespmem:s6+$0x3A0] =	vst v28;
	v28 =	vld.idx.msk [tilespmem:v42+s3+$0x0], $0xffff;
	v34 =	vor.u32 v25, v34  }
0x2f0: {  	v40 =	vld [tilespmem:s17+$0x30];
	[tilespmem:s13+$0x50] =	vst v15  }
0x2f1: {  	[tilespmem:s6+$0xFFFFFF20] =	vst v29;
	v29 =	vld.idx.msk [tilespmem:v30+s3+$0x0], $0xffff  }
0x2f2: {  	v15 =	vadd.s32 v5, v22;
	[tilespmem:s5+$0x280] =	vst v31;
	v30 =	vld.idx.msk [tilespmem:v33+s3+$0x0], $0xffff  }
0x2f3: {  	v33 =	vor.u32 v14, v15;
	v31 =	vld.idx.msk [tilespmem:v36+s3+$0x0], $0xffff;
	[tilespmem:s0+$0x1F0] =	vst v35  }
0x2f4: {  	v15 =	vadd.s32 v0, v18;
	[tilespmem:s5+$0xFFFFFE80] =	vst v39;
	v34 =	vld.idx.msk [tilespmem:v34+s3+$0x0], $0xffff  }
0x2f5: {  	v23 =	vor.u32 v23, v15;
	v35 =	vld.idx.msk [tilespmem:v37+s3+$0x0], $0xffff;
	v15 =	vand.u32 $0xFFFFFFF8, v40;
	[tilespmem:s13+$0xFFFFFF40] =	vst v28;
	v28 =	vadd.s32 v2, v24  }
0x2f6: {  	v18 =	vand.u32 $0x7, v40;
	v36 =	vadd.s32 v7, v15;
	v37 =	vld.idx.msk [tilespmem:v38+s3+$0x0], $0xffff;
	v28 =	vor.u32 v25, v28  }
0x2f7: {  	v36 =	vor.u32 v18, v36;
	[tilespmem:s13+$0xD0] =	vst v29;
	v29 =	vld.idx.msk [tilespmem:v32+s3+$0x0], $0xffff  }
0x2f8: {  	[tilespmem:s6+$0xFFFFFFA0] =	vst v30;
	v30 =	vld.idx.msk [tilespmem:v33+s3+$0x0], $0xffff  }
0x2f9: {  	v32 =	vadd.s32 v4, v22;
	[tilespmem:s5+$0x300] =	vst v31;
	v31 =	vld [tilespmem:s17+$0xFFFFFFB0]  }
0x2fa: {  	v32 =	vor.u32 v14, v32;
	v23 =	vld.idx.msk [tilespmem:v23+s3+$0x0], $0xffff;
	[tilespmem:s0+$0x270] =	vst v34  }
0x2fb: {  	[tilespmem:s5+$0xFFFFFF00] =	vst v35;
	v28 =	vld.idx.msk [tilespmem:v28+s3+$0x0], $0xffff  }
0x2fc: {  	v34 =	vadd.s32 v1, v24;
	v33 =	vld.idx.msk [tilespmem:v36+s3+$0x0], $0xffff;
	[tilespmem:s13+$0xFFFFFFC0] =	vst v37  }
0x2fd: {  	v35 =	vadd.s32 v6, v15;
	v27 =	vld.idx.msk [tilespmem:v27+s3+$0x0], $0xffff;
	[tilespmem:s0+$0xFFFFFD60] =	vst v29;
	v29 =	vor.u32 v25, v34  }
0x2fe: {  	v34 =	vand.u32 $0xFFFFFFF8, v31;
	v36 =	vand.u32 $0x7, v31;
	v31 =	vor.u32 v18, v35;
	v35 =	vld [tilespmem:s16+$0xFFFFFFD0];
	[tilespmem:s13+$0x150] =	vst v30  }
0x2ff: {  	v30 =	vadd.s32 v7, v34;
	v37 =	vadd.s32 v6, v34;
	v38 =	vadd.s32 v5, v34;
	v39 =	vld.idx.msk [tilespmem:v32+s3+$0x0], $0xffff  }
0x300: {  	[tilespmem:s5+$0x380] =	vst v23;
	v23 =	vor.u32 v36, v30;
	v37 =	vor.u32 v36, v37;
	v30 =	vadd.s32 v3, v22  }
0x301: {  	v32 =	vadd.s32 v4, v34;
	v38 =	vor.u32 v36, v38;
	v40 =	vld [tilespmem:s8+$0x10];
	v41 =	vor.u32 v14, v30;
	[tilespmem:s0+$0x2F0] =	vst v28  }
0x302: {  	v32 =	vor.u32 v36, v32;
	v28 =	vadd.s32 v3, v34;
	[tilespmem:s6+$0x30] =	vst v33;
	v29 =	vld.idx.msk [tilespmem:v29+s3+$0x0], $0xffff  }
0x303: {  	v24 =	vadd.s32 v0, v24;
	v30 =	vor.u32 v36, v28;
	[tilespmem:s5+$0xFFFFFF80] =	vst v27;
	v28 =	vld.idx.msk [tilespmem:v31+s3+$0x0], $0xffff;
	v42 =	vand.u32 $0xFFFFFFF8, v35  }
0x304: {  	v43 =	vor.u32 v25, v24;
	v33 =	vadd.s32 v5, v15;
	v27 =	vadd.s32 v2, v34;
	v31 =	vld [tilespmem:s8+$0xFFFFFF90]  }
0x305: {  	v45 =	vor.u32 v18, v33;
	v35 =	vand.u32 $0x7, v35;
	v27 =	vor.u32 v36, v27;
	v44 =	vld.idx.msk [tilespmem:v23+s3+$0x0], $0xffff;
	[tilespmem:s13+$0x1D0] =	vst v39  }
0x306: {  	v24 =	vadd.s32 v1, v34;
	v46 =	vadd.s32 v7, v42;
	v39 =	vadd.s32 v0, v34;
	v34 =	vld.idx.msk [tilespmem:v41+s3+$0x0], $0xffff  }
0x307: {  	v25 =	vor.u32 v36, v24;
	v33 =	vadd.s32 v2, v22;
	v23 =	vand.u32 $0xFFFFFFF8, v40;
	v41 =	vld.idx.msk [tilespmem:v26+s3+$0x0], $0xffff  }
0x308: {  	v24 =	vand.u32 $0x7, v40;
	v40 =	vor.u32 v14, v33;
	v26 =	vadd.s32 v7, v23;
	[tilespmem:s0+$0x370] =	vst v29;
	v33 =	vld.idx.msk [tilespmem:v12+s3+$0x0], $0xffff  }
0x309: {  	v26 =	vor.u32 v24, v26;
	v12 =	vand.u32 $0xFFFFFFF8, v31;
	v47 =	vand.u32 $0x7, v31;
	[tilespmem:s6+$0xB0] =	vst v28;
	v28 =	vld.idx.msk [tilespmem:v43+s3+$0x0], $0xffff  }
0x30a: {  	v29 =	vadd.s32 v7, v12;
	v31 =	vadd.s32 v6, v12;
	v43 =	vadd.s32 v5, v12;
	v45 =	vld.idx.msk [tilespmem:v45+s3+$0x0], $0xffff  }
0x30b: {  	v29 =	vor.u32 v47, v29;
	v48 =	vor.u32 v47, v31;
	[tilespmem:s6+$0xFFFFFC30] =	vst v44;
	v31 =	vadd.s32 v4, v15  }
0x30c: {  	v43 =	vor.u32 v47, v43;
	v44 =	vadd.s32 v4, v12;
	v49 =	vor.u32 v18, v31;
	[tilespmem:s13+$0x250] =	vst v34  }
0x30d: {  	v50 =	vadd.s32 v2, v12;
	v44 =	vor.u32 v47, v44;
	v31 =	vadd.s32 v3, v12;
	v40 =	vld.idx.msk [tilespmem:v40+s3+$0x0], $0xffff  }
0x30e: {  	v34 =	vor.u32 v47, v31;
	v31 =	vor.u32 v47, v50;
	v50 =	vadd.s32 v1, v22;
	v26 =	vld.idx.msk [tilespmem:v26+s3+$0x0], $0xffff  }
0x30f: {  	v52 =	vadd.s32 v6, v23;
	v51 =	vadd.s32 v1, v12;
	v50 =	vor.u32 v14, v50;
	[tilespmem:s0+$0x3F0] =	vst v28  }
0x310: {  	v53 =	vld.idx.msk [tilespmem:v29+s3+$0x0], $0xffff;
	v29 =	vor.u32 v47, v51;
	v51 =	vor.u32 v24, v52;
	[tilespmem:s6+$0x130] =	vst v45  }
0x311: {  	v12 =	vadd.s32 v0, v12;
	v28 =	vor.u32 v36, v39;
	v39 =	vor.u32 v35, v46;
	v36 =	vld.idx.msk [tilespmem:v49+s3+$0x0], $0xffff  }
0x312: {  	v12 =	vor.u32 v47, v12;
	v46 =	vadd.s32 v6, v42;
	v45 =	vadd.s32 v3, v15;
	v37 =	vld.idx.msk [tilespmem:v37+s3+$0x0], $0xffff  }
0x313: {  	v46 =	vor.u32 v35, v46;
	v47 =	vadd.s32 v5, v42;
	v45 =	vor.u32 v18, v45;
	[tilespmem:s13+$0x2D0] =	vst v40  }
0x314: {  	v40 =	vor.u32 v35, v47;
	[tilespmem:s5+$0x10] =	vst v26;
	v26 =	vadd.s32 v4, v42;
	v47 =	vld.idx.msk [tilespmem:v50+s3+$0x0], $0xffff  }
0x315: {  	v22 =	vadd.s32 v0, v22;
	v49 =	vld.idx.msk [tilespmem:v51+s3+$0x0], $0xffff;
	v50 =	vor.u32 v35, v26;
	v26 =	vadd.s32 v3, v42  }
0x316: {  	v22 =	vor.u32 v14, v22;
	v51 =	vadd.s32 v5, v23;
	[tilespmem:s5+$0xFFFFFC10] =	vst v53;
	v39 =	vld.idx.msk [tilespmem:v39+s3+$0x0], $0xffff  }
0x317: {  	v51 =	vor.u32 v24, v51;
	v48 =	vld.idx.msk [tilespmem:v48+s3+$0x0], $0xffff;
	[tilespmem:s6+$0x1B0] =	vst v36;
	v36 =	vor.u32 v35, v26  }
0x318: {  	v14 =	vadd.s32 v2, v42;
	v26 =	vadd.s32 v1, v42;
	[tilespmem:s6+$0xFFFFFCB0] =	vst v37;
	v37 =	vld.idx.msk [tilespmem:v45+s3+$0x0], $0xffff  }
0x319: {  	v52 =	vor.u32 v35, v14;
	v45 =	vadd.s32 v2, v15;
	v14 =	vor.u32 v35, v26;
	v38 =	vld.idx.msk [tilespmem:v38+s3+$0x0], $0xffff  }
0x31a: {  	v26 =	vadd.s32 v0, v42;
	v45 =	vor.u32 v18, v45;
	[tilespmem:s13+$0x350] =	vst v47;
	v42 =	vld.idx.msk [tilespmem:v8+s3+$0x0], $0xffff;
	v8 =	vmov v13  }
0x31b: {  	v26 =	vor.u32 v35, v26;
	[tilespmem:s5+$0x90] =	vst v49;
	v13 =	vld.idx.msk [tilespmem:v22+s3+$0x0], $0xffff  }
0x31c: {  	v22 =	vld.idx.msk [tilespmem:v51+s3+$0x0], $0xffff;
	[tilespmem:s13+$0xFFFFFC50] =	vst v39  }
0x31d: {  	v35 =	vadd.s32 v4, v23;
	[tilespmem:s5+$0xFFFFFC90] =	vst v48;
	v39 =	vld.idx.msk [tilespmem:v46+s3+$0x0], $0xffff  }
0x31e: {  	v35 =	vor.u32 v24, v35;
	v43 =	vld.idx.msk [tilespmem:v43+s3+$0x0], $0xffff;
	[tilespmem:s6+$0x230] =	vst v37  }
0x31f: {  	[tilespmem:s6+$0xFFFFFD30] =	vst v38;
	v37 =	vld.idx.msk [tilespmem:v45+s3+$0x0], $0xffff  }
0x320: {  	v38 =	vadd.s32 v1, v15;
	v32 =	vld.idx.msk [tilespmem:v32+s3+$0x0], $0xffff;
	[tilespmem:s0+$0xFFFFFDE0] =	vst v41  }
0x321: {  	v38 =	vor.u32 v18, v38;
	[tilespmem:s13+$0x3D0] =	vst v13;
	v13 =	vld.idx.msk [tilespmem:v17+s3+$0x0], $0xffff  }
0x322: {  	[tilespmem:s5+$0x110] =	vst v22;
	v22 =	vld [tilespmem:s16+$0x60]  }
0x323: {  	v35 =	vld.idx.msk [tilespmem:v35+s3+$0x0], $0xffff;
	[tilespmem:s13+$0xFFFFFCD0] =	vst v39  }
0x324: {  	v17 =	vadd.s32 v3, v23;
	[tilespmem:s5+$0xFFFFFD10] =	vst v43;
	v39 =	vld.idx.msk [tilespmem:v40+s3+$0x0], $0xffff  }
0x325: {  	v41 =	vor.u32 v24, v17;
	v40 =	vld.idx.msk [tilespmem:v44+s3+$0x0], $0xffff;
	[tilespmem:s6+$0x2B0] =	vst v37  }
0x326: {  	[tilespmem:s6+$0xFFFFFDB0] =	vst v32;
	v32 =	vld.idx.msk [tilespmem:v38+s3+$0x0], $0xffff  }
0x327: {  	v15 =	vadd.s32 v0, v15;
	v30 =	vld.idx.msk [tilespmem:v30+s3+$0x0], $0xffff;
	v17 =	vand.u32 $0xFFFFFFF8, v22;
	[tilespmem:s0+$0xFFFFFE60] =	vst v13  }
0x328: {  	v13 =	vor.u32 v18, v15;
	v18 =	vand.u32 $0x7, v22;
	v15 =	vadd.s32 v7, v17;
	v21 =	vld.idx.msk [tilespmem:v21+s3+$0x0], $0xffff;
	[tilespmem:s31+$0xFFFFFD70] =	vst v33  }
0x329: {  	[tilespmem:s5+$0x190] =	vst v35;
	v15 =	vor.u32 v18, v15;
	v10 =	vld.idx.msk [tilespmem:v10+s3+$0x0], $0xffff  }
0x32a: {  	v22 =	vld.idx.msk [tilespmem:v41+s3+$0x0], $0xffff;
	[tilespmem:s13+$0xFFFFFD50] =	vst v39  }
0x32b: {  	v33 =	vadd.s32 v2, v23;
	[tilespmem:s5+$0xFFFFFD90] =	vst v40;
	v35 =	vld.idx.msk [tilespmem:v50+s3+$0x0], $0xffff  }
0x32c: {  	v33 =	vor.u32 v24, v33;
	v34 =	vld.idx.msk [tilespmem:v34+s3+$0x0], $0xffff;
	[tilespmem:s6+$0x330] =	vst v32  }
0x32d: {  	[tilespmem:s6+$0xFFFFFE30] =	vst v30;
	v13 =	vld.idx.msk [tilespmem:v13+s3+$0x0], $0xffff  }
0x32e: {  	v15 =	vld.idx.msk [tilespmem:v15+s3+$0x0], $0xffff;
	[tilespmem:s0+$0xFFFFFEE0] =	vst v21  }
0x32f: {  	v21 =	vld.idx.msk [tilespmem:v27+s3+$0x0], $0xffff;
	v27 =	vadd.s32 v6, v17;
	[tilespmem:s31+$0xFFFFFDF0] =	vst v10  }
0x330: {  	[tilespmem:s5+$0x210] =	vst v22;
	v10 =	vor.u32 v18, v27;
	v20 =	vld.idx.msk [tilespmem:v20+s3+$0x0], $0xffff  }
0x331: {  	v22 =	vld.idx.msk [tilespmem:v33+s3+$0x0], $0xffff;
	[tilespmem:s13+$0xFFFFFDD0] =	vst v35  }
0x332: {  	v27 =	vadd.s32 v1, v23;
	[tilespmem:s5+$0xFFFFFE10] =	vst v34;
	v30 =	vld.idx.msk [tilespmem:v36+s3+$0x0], $0xffff  }
0x333: {  	v27 =	vor.u32 v24, v27;
	v31 =	vld.idx.msk [tilespmem:v31+s3+$0x0], $0xffff;
	[tilespmem:s6+$0x3B0] =	vst v13  }
0x334: {  	v13 =	vld [tilespmem:s17+$0x40];
	[tilespmem:s13+$0x60] =	vst v15  }
0x335: {  	[tilespmem:s6+$0xFFFFFEB0] =	vst v21;
	v10 =	vld.idx.msk [tilespmem:v10+s3+$0x0], $0xffff  }
0x336: {  	v21 =	vadd.s32 v5, v17;
	v15 =	vld.idx.msk [tilespmem:v25+s3+$0x0], $0xffff;
	[tilespmem:s0+$0xFFFFFF60] =	vst v20  }
0x337: {  	v20 =	vor.u32 v18, v21;
	[tilespmem:s5+$0x290] =	vst v22;
	v16 =	vld.idx.msk [tilespmem:v16+s3+$0x0], $0xffff  }
0x338: {  	v25 =	vld.idx.msk [tilespmem:v27+s3+$0x0], $0xffff;
	[tilespmem:s13+$0xFFFFFE50] =	vst v30  }
0x339: {  	v22 =	vadd.s32 v0, v23;
	[tilespmem:s5+$0xFFFFFE90] =	vst v31;
	v21 =	vand.u32 $0xFFFFFFF8, v13;
	v23 =	vld.idx.msk [tilespmem:v52+s3+$0x0], $0xffff  }
0x33a: {  	v24 =	vor.u32 v24, v22;
	v22 =	vand.u32 $0x7, v13;
	v27 =	vld.idx.msk [tilespmem:v29+s3+$0x0], $0xffff;
	v13 =	vadd.s32 v7, v21;
	[tilespmem:s30+$0xFFFFFFF0] =	vst v42;
	s30 =	smov.u32 s31;
	s31 =	smov.u32 s0;
	s0 =	smov.u32 s13  }
0x33b: {  	s13 =	smov.u32 s6;
	s6 =	smov.u32 s5;
	v13 =	vor.u32 v22, v13;
	[tilespmem:s0+$0xE0] =	vst v10;
	v9 =	vld.idx.msk [tilespmem:v9+s3+$0x0], $0xffff  }
0x33c: {  	[tilespmem:s13+$0xFFFFFF30] =	vst v15;
	v10 =	vld.idx.msk [tilespmem:v20+s3+$0x0], $0xffff  }
0x33d: {  	v20 =	vadd.s32 v4, v17;
	v15 =	vld.idx.msk [tilespmem:v28+s3+$0x0], $0xffff;
	[tilespmem:s31+$0xFFFFFFE0] =	vst v16  }
0x33e: {  	v16 =	vor.u32 v18, v20;
	[tilespmem:s5+$0x310] =	vst v25;
	v20 =	vld [tilespmem:s1+$0xFFFFFFF0];
	s1 =	smov.u32 s16;
	s16 =	smov.u32 s17;
	s17 =	smov.u32 s8  }
0x33f: {  	v24 =	vld.idx.msk [tilespmem:v24+s3+$0x0], $0xffff;
	[tilespmem:s0+$0xFFFFFED0] =	vst v23  }
0x340: {  	[tilespmem:s5+$0xFFFFFF10] =	vst v27;
	v23 =	vld.idx.msk [tilespmem:v13+s3+$0x0], $0xffff  }
0x341: {  	v13 =	vadd.s32 v6, v21;
	v12 =	vld.idx.msk [tilespmem:v12+s3+$0x0], $0xffff;
	[tilespmem:s30+$0xFFFFFE70] =	vst v9  }
0x342: {  	v9 =	vor.u32 v22, v13;
	v25 =	vld.idx.msk [tilespmem:v14+s3+$0x0], $0xffff;
	[tilespmem:s0+$0x160] =	vst v10  }
0x343: {  	[tilespmem:s13+$0xFFFFFFB0] =	vst v15;
	v27 =	vld.idx.msk [tilespmem:v16+s3+$0x0], $0xffff;
	v14 =	vand.u32 $0xFFFFFFF8, v20;
	v13 =	vand.u32 $0x7, v20  }
0x344: {  	v10 =	vadd.s32 v3, v17;
	v20 =	vld [tilespmem:s16+$0xFFFFFFC0];
	v15 =	vadd.s32 v7, v14;
	v16 =	vadd.s32 v6, v14  }
0x345: {  	v28 =	vor.u32 v18, v10;
	[tilespmem:s5+$0x390] =	vst v24;
	v29 =	vor.u32 v13, v15;
	v16 =	vor.u32 v13, v16  }
0x346: {  	v10 =	vadd.s32 v5, v14;
	v15 =	vadd.s32 v4, v14;
	v30 =	vld [tilespmem:s8+$0x20];
	[tilespmem:s13+$0x40] =	vst v23;
	v23 =	vadd.s32 v3, v14  }
0x347: {  	[tilespmem:s5+$0xFFFFFF90] =	vst v12;
	v31 =	vld.idx.msk [tilespmem:v9+s3+$0x0], $0xffff;
	v12 =	vor.u32 v13, v10;
	v10 =	vor.u32 v13, v15  }
0x348: {  	v33 =	vadd.s32 v5, v21;
	v9 =	vor.u32 v13, v23;
	v15 =	vadd.s32 v2, v14;
	v32 =	vld [tilespmem:s8+$0xFFFFFFA0];
	[tilespmem:s0+$0xFFFFFF50] =	vst v25  }
0x349: {  	v23 =	vor.u32 v22, v33;
	v25 =	vand.u32 $0xFFFFFFF8, v20;
	v24 =	vand.u32 $0x7, v20;
	v26 =	vld.idx.msk [tilespmem:v26+s3+$0x0], $0xffff;
	[tilespmem:s0+$0x1E0] =	vst v27  }
0x34a: {  	v20 =	vadd.s32 v7, v25;
	v37 =	vadd.s32 v6, v25;
	v44 =	vadd.s32 v5, v25;
	v27 =	vld.idx.msk [tilespmem:v28+s3+$0x0], $0xffff  }
0x34b: {  	v33 =	vadd.s32 v2, v17;
	v28 =	vand.u32 $0xFFFFFFF8, v30;
	v36 =	vor.u32 v24, v20;
	v20 =	vld.idx.msk [tilespmem:v29+s3+$0x0], $0xffff  }
0x34c: {  	v34 =	vor.u32 v18, v33;
	v29 =	vand.u32 $0x7, v30;
	v30 =	vadd.s32 v7, v28;
	v19 =	vld.idx.msk [tilespmem:v19+s3+$0x0], $0xffff  }
0x34d: {  	v38 =	vand.u32 $0xFFFFFFF8, v32;
	v33 =	vand.u32 $0x7, v32;
	v30 =	vor.u32 v29, v30;
	[tilespmem:s13+$0xC0] =	vst v31  }
0x34e: {  	v31 =	vadd.s32 v7, v38;
	v32 =	vadd.s32 v6, v38;
	v35 =	vadd.s32 v5, v38;
	v43 =	vld.idx.msk [tilespmem:v23+s3+$0x0], $0xffff  }
0x34f: {  	v23 =	vadd.s32 v4, v21;
	v42 =	vor.u32 v33, v31;
	v41 =	vor.u32 v33, v32;
	[tilespmem:s0+$0xFFFFFFD0] =	vst v26  }
0x350: {  	v40 =	vor.u32 v33, v35;
	v26 =	vadd.s32 v4, v38;
	v46 =	vor.u32 v22, v23;
	v23 =	vld [tilespmem:s1+$0xFFFFFFE0];
	[tilespmem:s0+$0x260] =	vst v27  }
.Ltmp0:
0x351: {  	v31 =	vadd.s32 v2, v38;
	v35 =	vor.u32 v33, v26;
	v27 =	vadd.s32 v3, v38;
	v26 =	vld.idx.msk [tilespmem:v34+s3+$0x0], $0xffff;
	(pc) =	sbr.rel @p1 .LBB2_3-.Ltmp0, $4  }
0x352: {  	v31 =	vor.u32 v33, v31;
	v34 =	vor.u32 v33, v27;
	v27 =	vadd.s32 v1, v17;
	v39 =	vld.idx.msk [tilespmem:v30+s3+$0x0], $0xffff  }
0x353: {  	v32 =	vadd.s32 v6, v28;
	v30 =	vadd.s32 v1, v38;
	v27 =	vor.u32 v18, v27;
	v36 =	vld.idx.msk [tilespmem:v36+s3+$0x0], $0xffff  }
0x354: {  	v45 =	vor.u32 v29, v32;
	v30 =	vor.u32 v33, v30;
	v42 =	vld.idx.msk [tilespmem:v42+s3+$0x0], $0xffff;
	[tilespmem:s13+$0x140] =	vst v43  }
0x355: {  	s8 =	sadd.s32 $0x100, s8;
	v32 =	vor.u32 v24, v44;
	v43 =	vadd.s32 v0, v38;
	v38 =	vor.u32 v24, v37;
	v37 =	vld.idx.msk [tilespmem:v46+s3+$0x0], $0xffff  }
0x356: {  	_ =	sdelay $0x2  }
0x357: {  	[tilespmem:s5+$0x20] =	vst v39  }
0x358: {  	v44 =	vadd.s32 v5, v28;
	v39 =	vld.idx.msk [tilespmem:v45+s3+$0x0], $0xffff;
	[tilespmem:s5+$0xFFFFFC20] =	vst v42  }
0x359: {  	v44 =	vor.u32 v29, v44;
	v41 =	vld.idx.msk [tilespmem:v41+s3+$0x0], $0xffff;
	_ =	sdelay $0x3  }
0x35a: {  	[tilespmem:s5+$0xA0] =	vst v39  }
0x35b: {  	v58 =	vadd.s32 v4, v28;
	v39 =	vld.idx.msk [tilespmem:v44+s3+$0x0], $0xffff;
	[tilespmem:s5+$0xFFFFFCA0] =	vst v41  }
0x35c: {  	v42 =	vor.u32 v29, v58;
	v40 =	vld.idx.msk [tilespmem:v40+s3+$0x0], $0xffff;
	_ =	sdelay $0x3  }
0x35d: {  	[tilespmem:s5+$0x120] =	vst v39  }
0x35e: {  	v59 =	vadd.s32 v3, v28;
	v39 =	vld.idx.msk [tilespmem:v42+s3+$0x0], $0xffff;
	[tilespmem:s6+$0xFFFFFD20] =	vst v40  }
0x35f: {  	v41 =	vor.u32 v29, v59;
	v35 =	vld.idx.msk [tilespmem:v35+s3+$0x0], $0xffff;
	_ =	sdelay $0x3  }
0x360: {  	[tilespmem:s6+$0x1A0] =	vst v39  }
0x361: {  	v60 =	vadd.s32 v2, v28;
	v39 =	vld.idx.msk [tilespmem:v41+s3+$0x0], $0xffff;
	[tilespmem:s6+$0xFFFFFDA0] =	vst v35  }
0x362: {  	v40 =	vor.u32 v29, v60;
	v34 =	vld.idx.msk [tilespmem:v34+s3+$0x0], $0xffff;
	_ =	sdelay $0x3  }
0x363: {  	[tilespmem:s6+$0x220] =	vst v39  }
0x364: {  	v62 =	vadd.s32 v1, v28;
	v61 =	vld.idx.msk [tilespmem:v40+s3+$0x0], $0xffff;
	[tilespmem:s6+$0xFFFFFE20] =	vst v34  }
0x365: {  	v39 =	vor.u32 v29, v62;
	v31 =	vld.idx.msk [tilespmem:v31+s3+$0x0], $0xffff;
	_ =	sdelay $0x3  }
0x366: {  	[tilespmem:s6+$0x2A0] =	vst v61  }
0x367: {  	v63 =	vld.idx.msk [tilespmem:v39+s3+$0x0], $0xffff;
	v39 =	vadd.s32 v0, v28;
	[tilespmem:s6+$0xFFFFFEA0] =	vst v31  }
0x368: {  	v28 =	vor.u32 v29, v39;
	v40 =	vld.idx.msk [tilespmem:v30+s3+$0x0], $0xffff  }
0x369: {  	v41 =	vor.u32 v33, v43;
	_ =	sdelay $0x2  }
0x36a: {  	[tilespmem:s6+$0x320] =	vst v63  }
0x36b: {  	v28 =	vld.idx.msk [tilespmem:v28+s3+$0x0], $0xffff;
	[tilespmem:s6+$0xFFFFFF20] =	vst v40  }
0x36c: {  	v29 =	vld.idx.msk [tilespmem:v41+s3+$0x0], $0xffff;
	_ =	sdelay $0x3  }
0x36d: {  	[tilespmem:s6+$0x3A0] =	vst v28  }
0x36e: {  	v28 =	vld [tilespmem:s17+$0x30];
	[tilespmem:s6+$0xFFFFFFA0] =	vst v29  }
0x36f: {  	v29 =	vld [tilespmem:s17+$0xFFFFFFB0];
	_ =	sdelay $0x3  }
0x370: {  	v42 =	vand.u32 $0xFFFFFFF8, v28  }
0x371: {  	v28 =	vand.u32 $0x7, v28;
	v43 =	vadd.s32 v7, v42;
	v44 =	vand.u32 $0xFFFFFFF8, v29  }
0x372: {  	v31 =	vor.u32 v28, v43;
	v29 =	vand.u32 $0x7, v29;
	v45 =	vadd.s32 v7, v44  }
0x373: {  	v34 =	vor.u32 v29, v45;
	_ =	sdelay $0x3  }
0x374: {  	v46 =	vadd.s32 v6, v42;
	v31 =	vld.idx.msk [tilespmem:v31+s3+$0x0], $0xffff  }
0x375: {  	v35 =	vor.u32 v28, v46;
	v47 =	vadd.s32 v6, v44;
	v34 =	vld.idx.msk [tilespmem:v34+s3+$0x0], $0xffff  }
0x376: {  	v39 =	vor.u32 v29, v47;
	_ =	sdelay $0x2  }
0x377: {  	[tilespmem:s6+$0x30] =	vst v31  }
0x378: {  	v48 =	vadd.s32 v5, v42;
	v31 =	vld.idx.msk [tilespmem:v35+s3+$0x0], $0xffff;
	[tilespmem:s6+$0xFFFFFC30] =	vst v34  }
0x379: {  	v49 =	vadd.s32 v5, v44;
	v35 =	vor.u32 v28, v48;
	v39 =	vld.idx.msk [tilespmem:v39+s3+$0x0], $0xffff  }
0x37a: {  	v34 =	vor.u32 v29, v49;
	_ =	sdelay $0x2  }
0x37b: {  	[tilespmem:s6+$0xB0] =	vst v31  }
0x37c: {  	v50 =	vadd.s32 v4, v42;
	v31 =	vld.idx.msk [tilespmem:v35+s3+$0x0], $0xffff;
	[tilespmem:s6+$0xFFFFFCB0] =	vst v39  }
0x37d: {  	v51 =	vadd.s32 v4, v44;
	v35 =	vor.u32 v28, v50;
	v34 =	vld.idx.msk [tilespmem:v34+s3+$0x0], $0xffff  }
0x37e: {  	v39 =	vor.u32 v29, v51;
	_ =	sdelay $0x2  }
0x37f: {  	[tilespmem:s6+$0x130] =	vst v31  }
0x380: {  	v52 =	vadd.s32 v3, v42;
	v31 =	vld.idx.msk [tilespmem:v35+s3+$0x0], $0xffff;
	[tilespmem:s6+$0xFFFFFD30] =	vst v34  }
0x381: {  	v53 =	vadd.s32 v3, v44;
	v35 =	vor.u32 v28, v52;
	v39 =	vld.idx.msk [tilespmem:v39+s3+$0x0], $0xffff  }
0x382: {  	v34 =	vor.u32 v29, v53;
	_ =	sdelay $0x2  }
0x383: {  	[tilespmem:s6+$0x1B0] =	vst v31  }
0x384: {  	v54 =	vadd.s32 v2, v42;
	v31 =	vld.idx.msk [tilespmem:v35+s3+$0x0], $0xffff;
	[tilespmem:s6+$0xFFFFFDB0] =	vst v39  }
0x385: {  	v55 =	vadd.s32 v2, v44;
	v35 =	vor.u32 v28, v54;
	v34 =	vld.idx.msk [tilespmem:v34+s3+$0x0], $0xffff  }
0x386: {  	v39 =	vor.u32 v29, v55;
	_ =	sdelay $0x2  }
0x387: {  	[tilespmem:s6+$0x230] =	vst v31  }
0x388: {  	v56 =	vadd.s32 v1, v42;
	v31 =	vld.idx.msk [tilespmem:v35+s3+$0x0], $0xffff;
	[tilespmem:s6+$0xFFFFFE30] =	vst v34  }
0x389: {  	v57 =	vadd.s32 v1, v44;
	v35 =	vor.u32 v28, v56;
	v39 =	vld.idx.msk [tilespmem:v39+s3+$0x0], $0xffff  }
0x38a: {  	v34 =	vor.u32 v29, v57;
	_ =	sdelay $0x2  }
0x38b: {  	[tilespmem:s6+$0x2B0] =	vst v31  }
0x38c: {  	v30 =	vadd.s32 v0, v42;
	v31 =	vld.idx.msk [tilespmem:v35+s3+$0x0], $0xffff;
	[tilespmem:s6+$0xFFFFFEB0] =	vst v39  }
0x38d: {  	v58 =	vadd.s32 v0, v44;
	v28 =	vor.u32 v28, v30;
	v59 =	vld.idx.msk [tilespmem:v34+s3+$0x0], $0xffff  }
0x38e: {  	v29 =	vor.u32 v29, v58;
	_ =	sdelay $0x2  }
0x38f: {  	[tilespmem:s6+$0x330] =	vst v31  }
0x390: {  	v28 =	vld.idx.msk [tilespmem:v28+s3+$0x0], $0xffff;
	[tilespmem:s6+$0xFFFFFF30] =	vst v59  }
0x391: {  	v29 =	vld.idx.msk [tilespmem:v29+s3+$0x0], $0xffff;
	_ =	sdelay $0x3  }
0x392: {  	[tilespmem:s6+$0x3B0] =	vst v28  }
0x393: {  	v28 =	vld [tilespmem:s17+$0x40];
	[tilespmem:s6+$0xFFFFFFB0] =	vst v29  }
0x394: {  	v29 =	vld [tilespmem:s17+$0xFFFFFFC0];
	_ =	sdelay $0x3  }
0x395: {  	v30 =	vand.u32 $0xFFFFFFF8, v28  }
0x396: {  	v28 =	vand.u32 $0x7, v28;
	v60 =	vadd.s32 v7, v30;
	v33 =	vand.u32 $0xFFFFFFF8, v29  }
0x397: {  	v31 =	vor.u32 v28, v60;
	v29 =	vand.u32 $0x7, v29;
	v61 =	vadd.s32 v7, v33  }
0x398: {  	v34 =	vor.u32 v29, v61;
	_ =	sdelay $0x3  }
0x399: {  	v62 =	vadd.s32 v6, v30;
	v31 =	vld.idx.msk [tilespmem:v31+s3+$0x0], $0xffff  }
0x39a: {  	v35 =	vor.u32 v28, v62;
	v63 =	vadd.s32 v6, v33;
	v34 =	vld.idx.msk [tilespmem:v34+s3+$0x0], $0xffff  }
0x39b: {  	v39 =	vor.u32 v29, v63  }
0x39c: {  	[tilespmem:s13+$0xFFFFFC40] =	vst v36  }
0x39d: {  	v36 =	vld.idx.msk [tilespmem:v38+s3+$0x0], $0xffff  }
0x39e: {  	[tilespmem:s6+$0x40] =	vst v31  }
0x39f: {  	v42 =	vadd.s32 v5, v30;
	v31 =	vld.idx.msk [tilespmem:v35+s3+$0x0], $0xffff;
	[tilespmem:s6+$0xFFFFFC40] =	vst v34  }
0x3a0: {  	v43 =	vadd.s32 v5, v33;
	v35 =	vor.u32 v28, v42;
	v44 =	vld.idx.msk [tilespmem:v39+s3+$0x0], $0xffff  }
0x3a1: {  	v34 =	vor.u32 v29, v43  }
0x3a2: {  	[tilespmem:s13+$0xFFFFFCC0] =	vst v36  }
0x3a3: {  	v32 =	vld.idx.msk [tilespmem:v32+s3+$0x0], $0xffff;
	v46 =	vadd.s32 v4, v25  }
0x3a4: {  	v36 =	vor.u32 v24, v46;
	[tilespmem:s6+$0xC0] =	vst v31  }
0x3a5: {  	v45 =	vadd.s32 v4, v30;
	v31 =	vld.idx.msk [tilespmem:v35+s3+$0x0], $0xffff;
	[tilespmem:s6+$0xFFFFFCC0] =	vst v44  }
0x3a6: {  	v47 =	vadd.s32 v4, v33;
	v35 =	vor.u32 v28, v45;
	v34 =	vld.idx.msk [tilespmem:v34+s3+$0x0], $0xffff  }
0x3a7: {  	v48 =	vadd.s32 v3, v21;
	v38 =	vor.u32 v29, v47  }
0x3a8: {  	[tilespmem:s13+$0xFFFFFD40] =	vst v32;
	v39 =	vor.u32 v22, v48  }
0x3a9: {  	v36 =	vld.idx.msk [tilespmem:v36+s3+$0x0], $0xffff;
	v51 =	vadd.s32 v3, v25  }
0x3aa: {  	v52 =	vor.u32 v24, v51;
	[tilespmem:s6+$0x140] =	vst v31  }
0x3ab: {  	v49 =	vadd.s32 v3, v30;
	v31 =	vld.idx.msk [tilespmem:v35+s3+$0x0], $0xffff;
	[tilespmem:s6+$0xFFFFFD40] =	vst v34  }
0x3ac: {  	[tilespmem:s13+$0x1C0] =	vst v37;
	v50 =	vor.u32 v28, v49;
	v53 =	vadd.s32 v3, v33;
	v54 =	vld.idx.msk [tilespmem:v38+s3+$0x0], $0xffff  }
0x3ad: {  	v56 =	vadd.s32 v2, v21;
	v55 =	vld.idx.msk [tilespmem:v39+s3+$0x0], $0xffff;
	v35 =	vor.u32 v29, v53  }
0x3ae: {  	[tilespmem:s13+$0xFFFFFDC0] =	vst v36;
	v39 =	vor.u32 v22, v56  }
0x3af: {  	v58 =	vadd.s32 v2, v25;
	v34 =	vld.idx.msk [tilespmem:v52+s3+$0x0], $0xffff  }
0x3b0: {  	v36 =	vor.u32 v24, v58;
	[tilespmem:s6+$0x1C0] =	vst v31  }
0x3b1: {  	v57 =	vadd.s32 v2, v30;
	v31 =	vld.idx.msk [tilespmem:v50+s3+$0x0], $0xffff;
	[tilespmem:s6+$0xFFFFFDC0] =	vst v54  }
0x3b2: {  	v32 =	vor.u32 v28, v57;
	v59 =	vadd.s32 v2, v33;
	[tilespmem:s13+$0x240] =	vst v55;
	v35 =	vld.idx.msk [tilespmem:v35+s3+$0x0], $0xffff  }
0x3b3: {  	v60 =	vadd.s32 v1, v21;
	v37 =	vor.u32 v29, v59;
	v38 =	vld.idx.msk [tilespmem:v39+s3+$0x0], $0xffff  }
0x3b4: {  	v39 =	vor.u32 v22, v60;
	[tilespmem:s13+$0xFFFFFE40] =	vst v34  }
0x3b5: {  	v62 =	vadd.s32 v1, v25;
	v36 =	vld.idx.msk [tilespmem:v36+s3+$0x0], $0xffff  }
0x3b6: {  	v34 =	vor.u32 v24, v62;
	[tilespmem:s6+$0x240] =	vst v31  }
0x3b7: {  	v61 =	vadd.s32 v1, v30;
	v31 =	vld.idx.msk [tilespmem:v32+s3+$0x0], $0xffff;
	[tilespmem:s6+$0xFFFFFE40] =	vst v35  }
0x3b8: {  	v63 =	vadd.s32 v1, v33;
	[tilespmem:s13+$0x2C0] =	vst v38;
	v32 =	vor.u32 v28, v61;
	v37 =	vld.idx.msk [tilespmem:v37+s3+$0x0], $0xffff  }
0x3b9: {  	v40 =	vadd.s32 v0, v21;
	v38 =	vld.idx.msk [tilespmem:v39+s3+$0x0], $0xffff;
	v35 =	vor.u32 v29, v63  }
0x3ba: {  	v21 =	vor.u32 v22, v40;
	[tilespmem:s13+$0xFFFFFEC0] =	vst v36  }
0x3bb: {  	v42 =	vadd.s32 v0, v25;
	v43 =	vld.idx.msk [tilespmem:v34+s3+$0x0], $0xffff  }
0x3bc: {  	v44 =	vor.u32 v24, v42;
	[tilespmem:s6+$0x2C0] =	vst v31  }
0x3bd: {  	v30 =	vadd.s32 v0, v30;
	v41 =	vld.idx.msk [tilespmem:v32+s3+$0x0], $0xffff;
	[tilespmem:s6+$0xFFFFFEC0] =	vst v37  }
0x3be: {  	v45 =	vadd.s32 v0, v33;
	v28 =	vor.u32 v28, v30;
	[tilespmem:s13+$0x340] =	vst v38;
	v46 =	vld.idx.msk [tilespmem:v35+s3+$0x0], $0xffff  }
0x3bf: {  	v25 =	vor.u32 v29, v45;
	v21 =	vld.idx.msk [tilespmem:v21+s3+$0x0], $0xffff  }
0x3c0: {  	[tilespmem:s13+$0xFFFFFF40] =	vst v43  }
0x3c1: {  	v24 =	vld.idx.msk [tilespmem:v44+s3+$0x0], $0xffff  }
0x3c2: {  	[tilespmem:s6+$0x340] =	vst v41  }
0x3c3: {  	v22 =	vld.idx.msk [tilespmem:v28+s3+$0x0], $0xffff;
	[tilespmem:s6+$0xFFFFFF40] =	vst v46  }
0x3c4: {  	[tilespmem:s13+$0x3C0] =	vst v21;
	v47 =	vld.idx.msk [tilespmem:v25+s3+$0x0], $0xffff  }
0x3c5: {  	v48 =	vld [tilespmem:s16+$0x50]  }
0x3c6: {  	[tilespmem:s13+$0xFFFFFFC0] =	vst v24  }
0x3c7: {  	v24 =	vld [tilespmem:s16+$0xFFFFFFD0]  }
0x3c8: {  	[tilespmem:s6+$0x3C0] =	vst v22  }
0x3c9: {  	v22 =	vld [tilespmem:s17+$0x50];
	[tilespmem:s6+$0xFFFFFFC0] =	vst v47  }
0x3ca: {  	v21 =	vand.u32 $0xFFFFFFF8, v48;
	v49 =	vld [tilespmem:s17+$0xFFFFFFD0]  }
0x3cb: {  	v25 =	vand.u32 $0x7, v48;
	v50 =	vadd.s32 v7, v21  }
0x3cc: {  	v29 =	vor.u32 v25, v50;
	v32 =	vand.u32 $0xFFFFFFF8, v24  }
0x3cd: {  	v24 =	vand.u32 $0x7, v24;
	v52 =	vadd.s32 v7, v32  }
0x3ce: {  	v33 =	vor.u32 v24, v52;
	v30 =	vand.u32 $0xFFFFFFF8, v22  }
0x3cf: {  	v22 =	vand.u32 $0x7, v22;
	v51 =	vadd.s32 v7, v30;
	v34 =	vand.u32 $0xFFFFFFF8, v49  }
0x3d0: {  	v31 =	vor.u32 v22, v51;
	v28 =	vand.u32 $0x7, v49;
	v53 =	vadd.s32 v7, v34  }
0x3d1: {  	v54 =	vadd.s32 v6, v21;
	v29 =	vld.idx.msk [tilespmem:v29+s3+$0x0], $0xffff;
	v35 =	vor.u32 v28, v53  }
0x3d2: {  	v36 =	vor.u32 v25, v54  }
0x3d3: {  	v56 =	vadd.s32 v6, v32;
	v33 =	vld.idx.msk [tilespmem:v33+s3+$0x0], $0xffff  }
0x3d4: {  	v57 =	vor.u32 v24, v56  }
0x3d5: {  	v55 =	vadd.s32 v6, v30;
	v31 =	vld.idx.msk [tilespmem:v31+s3+$0x0], $0xffff  }
0x3d6: {  	v37 =	vor.u32 v22, v55;
	[tilespmem:s13+$0x50] =	vst v29;
	v58 =	vadd.s32 v6, v34;
	v35 =	vld.idx.msk [tilespmem:v35+s3+$0x0], $0xffff  }
0x3d7: {  	v59 =	vadd.s32 v5, v21;
	v36 =	vld.idx.msk [tilespmem:v36+s3+$0x0], $0xffff;
	v38 =	vor.u32 v28, v58  }
0x3d8: {  	v39 =	vor.u32 v25, v59;
	[tilespmem:s13+$0xFFFFFC50] =	vst v33  }
0x3d9: {  	v62 =	vadd.s32 v5, v32;
	v29 =	vld.idx.msk [tilespmem:v57+s3+$0x0], $0xffff  }
0x3da: {  	v63 =	vor.u32 v24, v62;
	[tilespmem:s6+$0x50] =	vst v31  }
0x3db: {  	v60 =	vadd.s32 v5, v30;
	v31 =	vld.idx.msk [tilespmem:v37+s3+$0x0], $0xffff;
	[tilespmem:s6+$0xFFFFFC50] =	vst v35  }
0x3dc: {  	v61 =	vor.u32 v22, v60;
	v42 =	vadd.s32 v5, v34;
	[tilespmem:s13+$0xD0] =	vst v36;
	v43 =	vld.idx.msk [tilespmem:v38+s3+$0x0], $0xffff  }
0x3dd: {  	v45 =	vadd.s32 v4, v21;
	v36 =	vor.u32 v28, v42;
	v44 =	vld.idx.msk [tilespmem:v39+s3+$0x0], $0xffff  }
0x3de: {  	v39 =	vor.u32 v25, v45;
	[tilespmem:s13+$0xFFFFFCD0] =	vst v29  }
0x3df: {  	v48 =	vadd.s32 v4, v32;
	v35 =	vld.idx.msk [tilespmem:v63+s3+$0x0], $0xffff  }
0x3e0: {  	v33 =	vor.u32 v24, v48;
	[tilespmem:s6+$0xD0] =	vst v31  }
0x3e1: {  	v46 =	vadd.s32 v4, v30;
	v31 =	vld.idx.msk [tilespmem:v61+s3+$0x0], $0xffff;
	[tilespmem:s6+$0xFFFFFCD0] =	vst v43  }
0x3e2: {  	v47 =	vor.u32 v22, v46;
	v49 =	vadd.s32 v4, v34;
	[tilespmem:s13+$0x150] =	vst v44;
	v36 =	vld.idx.msk [tilespmem:v36+s3+$0x0], $0xffff  }
0x3e3: {  	v50 =	vadd.s32 v3, v21;
	v37 =	vor.u32 v28, v49;
	v38 =	vld.idx.msk [tilespmem:v39+s3+$0x0], $0xffff  }
0x3e4: {  	v39 =	vor.u32 v25, v50;
	[tilespmem:s13+$0xFFFFFD50] =	vst v35  }
0x3e5: {  	v52 =	vadd.s32 v3, v32;
	v33 =	vld.idx.msk [tilespmem:v33+s3+$0x0], $0xffff  }
0x3e6: {  	v35 =	vor.u32 v24, v52;
	[tilespmem:s6+$0x150] =	vst v31  }
0x3e7: {  	v51 =	vadd.s32 v3, v30;
	v29 =	vld.idx.msk [tilespmem:v47+s3+$0x0], $0xffff;
	[tilespmem:s6+$0xFFFFFD50] =	vst v36  }
0x3e8: {  	v53 =	vadd.s32 v3, v34;
	[tilespmem:s13+$0x1D0] =	vst v38;
	v31 =	vor.u32 v22, v51;
	v37 =	vld.idx.msk [tilespmem:v37+s3+$0x0], $0xffff  }
0x3e9: {  	v54 =	vadd.s32 v2, v21;
	v38 =	vld.idx.msk [tilespmem:v39+s3+$0x0], $0xffff;
	v36 =	vor.u32 v28, v53  }
0x3ea: {  	v39 =	vor.u32 v25, v54;
	[tilespmem:s13+$0xFFFFFDD0] =	vst v33  }
0x3eb: {  	v56 =	vadd.s32 v2, v32;
	v35 =	vld.idx.msk [tilespmem:v35+s3+$0x0], $0xffff  }
0x3ec: {  	v33 =	vor.u32 v24, v56;
	[tilespmem:s6+$0x1D0] =	vst v29  }
0x3ed: {  	v55 =	vadd.s32 v2, v30;
	v29 =	vld.idx.msk [tilespmem:v31+s3+$0x0], $0xffff;
	[tilespmem:s6+$0xFFFFFDD0] =	vst v37  }
0x3ee: {  	v57 =	vadd.s32 v2, v34;
	[tilespmem:s13+$0x250] =	vst v38;
	v31 =	vor.u32 v22, v55;
	v36 =	vld.idx.msk [tilespmem:v36+s3+$0x0], $0xffff  }
0x3ef: {  	v58 =	vadd.s32 v1, v21;
	v38 =	vld.idx.msk [tilespmem:v39+s3+$0x0], $0xffff;
	v37 =	vor.u32 v28, v57  }
0x3f0: {  	v39 =	vor.u32 v25, v58;
	[tilespmem:s13+$0xFFFFFE50] =	vst v35  }
0x3f1: {  	v60 =	vadd.s32 v1, v32;
	v33 =	vld.idx.msk [tilespmem:v33+s3+$0x0], $0xffff  }
0x3f2: {  	v35 =	vor.u32 v24, v60;
	[tilespmem:s6+$0x250] =	vst v29  }
0x3f3: {  	v59 =	vadd.s32 v1, v30;
	v29 =	vld.idx.msk [tilespmem:v31+s3+$0x0], $0xffff;
	[tilespmem:s6+$0xFFFFFE50] =	vst v36  }
0x3f4: {  	v61 =	vadd.s32 v1, v34;
	[tilespmem:s13+$0x2D0] =	vst v38;
	v31 =	vor.u32 v22, v59;
	v37 =	vld.idx.msk [tilespmem:v37+s3+$0x0], $0xffff  }
0x3f5: {  	v21 =	vadd.s32 v0, v21;
	v38 =	vld.idx.msk [tilespmem:v39+s3+$0x0], $0xffff;
	v36 =	vor.u32 v28, v61  }
0x3f6: {  	v21 =	vor.u32 v25, v21;
	[tilespmem:s13+$0xFFFFFED0] =	vst v33  }
0x3f7: {  	v33 =	vadd.s32 v0, v32;
	v35 =	vld.idx.msk [tilespmem:v35+s3+$0x0], $0xffff  }
0x3f8: {  	v24 =	vor.u32 v24, v33;
	[tilespmem:s6+$0x2D0] =	vst v29  }
0x3f9: {  	v63 =	vadd.s32 v0, v30;
	v62 =	vld.idx.msk [tilespmem:v31+s3+$0x0], $0xffff;
	[tilespmem:s6+$0xFFFFFED0] =	vst v37  }
0x3fa: {  	v22 =	vor.u32 v22, v63;
	[tilespmem:s13+$0x350] =	vst v38;
	v38 =	vadd.s32 v0, v34;
	v39 =	vld.idx.msk [tilespmem:v36+s3+$0x0], $0xffff  }
0x3fb: {  	v21 =	vld.idx.msk [tilespmem:v21+s3+$0x0], $0xffff;
	v28 =	vor.u32 v28, v38  }
0x3fc: {  	[tilespmem:s13+$0xFFFFFF50] =	vst v35  }
0x3fd: {  	v24 =	vld.idx.msk [tilespmem:v24+s3+$0x0], $0xffff  }
0x3fe: {  	[tilespmem:s6+$0x350] =	vst v62  }
0x3ff: {  	v22 =	vld.idx.msk [tilespmem:v22+s3+$0x0], $0xffff;
	[tilespmem:s6+$0xFFFFFF50] =	vst v39  }
0x400: {  	[tilespmem:s13+$0x3D0] =	vst v21;
	v40 =	vld.idx.msk [tilespmem:v28+s3+$0x0], $0xffff  }
0x401: {  	v41 =	vld [tilespmem:s16+$0x60]  }
0x402: {  	[tilespmem:s13+$0xFFFFFFD0] =	vst v24  }
0x403: {  	[tilespmem:s0+$0x2E0] =	vst v26;
	v43 =	vld [tilespmem:s16+$0xFFFFFFE0]  }
0x404: {  	v17 =	vadd.s32 v0, v17;
	v42 =	vld.idx.msk [tilespmem:v27+s3+$0x0], $0xffff;
	[tilespmem:s6+$0x3D0] =	vst v22  }
0x405: {  	v17 =	vor.u32 v18, v17;
	v22 =	vld [tilespmem:s17+$0x60];
	[tilespmem:s6+$0xFFFFFFD0] =	vst v40  }
0x406: {  	v21 =	vand.u32 $0x7, v23;
	v28 =	vand.u32 $0xFFFFFFF8, v41;
	v44 =	vld [tilespmem:s17+$0xFFFFFFE0]  }
0x407: {  	v24 =	vand.u32 $0xFFFFFFF8, v23;
	v27 =	vand.u32 $0x7, v41;
	v45 =	vadd.s32 v7, v28  }
0x408: {  	v46 =	vadd.s32 v7, v24;
	v47 =	vor.u32 v27, v45;
	v25 =	vand.u32 $0xFFFFFFF8, v43  }
0x409: {  	[tilespmem:s0+$0x360] =	vst v42;
	v48 =	vor.u32 v21, v46;
	v18 =	vand.u32 $0x7, v43;
	v52 =	vadd.s32 v7, v25  }
0x40a: {  	v50 =	vld.idx.msk [tilespmem:v17+s3+$0x0], $0xffff;
	v53 =	vor.u32 v18, v52;
	v26 =	vand.u32 $0xFFFFFFF8, v22  }
0x40b: {  	v23 =	vand.u32 $0x7, v22;
	v49 =	vadd.s32 v7, v26;
	v22 =	vand.u32 $0xFFFFFFF8, v44  }
0x40c: {  	v51 =	vor.u32 v23, v49;
	v17 =	vand.u32 $0x7, v44;
	v54 =	vadd.s32 v7, v22  }
0x40d: {  	v55 =	vadd.s32 v6, v28;
	v31 =	vld.idx.msk [tilespmem:v47+s3+$0x0], $0xffff;
	v30 =	vor.u32 v17, v54  }
0x40e: {  	v56 =	vadd.s32 v6, v24;
	v35 =	vor.u32 v27, v55;
	v29 =	vld.idx.msk [tilespmem:v48+s3+$0x0], $0xffff  }
0x40f: {  	[tilespmem:s0+$0x3E0] =	vst v50;
	v57 =	vor.u32 v21, v56;
	v60 =	vadd.s32 v6, v25;
	v34 =	vld.idx.msk [tilespmem:v53+s3+$0x0], $0xffff  }
0x410: {  	v59 =	vld [tilespmem:s1+$0x70];
	v61 =	vor.u32 v18, v60  }
0x411: {  	v58 =	vadd.s32 v6, v26;
	v33 =	vld.idx.msk [tilespmem:v51+s3+$0x0], $0xffff  }
0x412: {  	v36 =	vor.u32 v23, v58;
	[tilespmem:s13+$0x60] =	vst v31;
	v62 =	vadd.s32 v6, v22;
	v63 =	vld.idx.msk [tilespmem:v30+s3+$0x0], $0xffff  }
0x413: {  	[tilespmem:s0+$0xFFFFFC60] =	vst v29;
	v44 =	vadd.s32 v5, v28;
	v35 =	vld.idx.msk [tilespmem:v35+s3+$0x0], $0xffff;
	v38 =	vor.u32 v17, v62  }
0x414: {  	v45 =	vadd.s32 v5, v24;
	v32 =	vld.idx.msk [tilespmem:v57+s3+$0x0], $0xffff;
	v46 =	vor.u32 v27, v44;
	[tilespmem:s13+$0xFFFFFC60] =	vst v34  }
0x415: {  	v47 =	vor.u32 v21, v45;
	v29 =	vand.u32 $0xFFFFFFF8, v59;
	v51 =	vadd.s32 v5, v25;
	v31 =	vld.idx.msk [tilespmem:v61+s3+$0x0], $0xffff  }
0x416: {  	v49 =	vadd.s32 v7, v29;
	v52 =	vor.u32 v18, v51;
	v30 =	vand.u32 $0x7, v59;
	[tilespmem:s6+$0x60] =	vst v33  }
0x417: {  	v48 =	vadd.s32 v5, v26;
	v37 =	vor.u32 v30, v49;
	v36 =	vld.idx.msk [tilespmem:v36+s3+$0x0], $0xffff;
	[tilespmem:s6+$0xFFFFFC60] =	vst v63  }
0x418: {  	v50 =	vor.u32 v23, v48;
	v53 =	vadd.s32 v5, v22;
	[tilespmem:s13+$0xE0] =	vst v35;
	v38 =	vld.idx.msk [tilespmem:v38+s3+$0x0], $0xffff  }
0x419: {  	v55 =	vadd.s32 v4, v28;
	v39 =	vor.u32 v17, v53;
	[tilespmem:s0+$0xFFFFFCE0] =	vst v32;
	v54 =	vld.idx.msk [tilespmem:v46+s3+$0x0], $0xffff  }
0x41a: {  	v56 =	vadd.s32 v4, v24;
	v40 =	vor.u32 v27, v55;
	v33 =	vld.idx.msk [tilespmem:v47+s3+$0x0], $0xffff;
	[tilespmem:s13+$0xFFFFFCE0] =	vst v31  }
0x41b: {  	v57 =	vor.u32 v21, v56;
	v62 =	vadd.s32 v4, v25;
	v35 =	vld.idx.msk [tilespmem:v52+s3+$0x0], $0xffff  }
0x41c: {  	v59 =	vadd.s32 v6, v29;
	v63 =	vor.u32 v18, v62;
	v37 =	vld.idx.msk [tilespmem:v37+s3+$0x0], $0xffff;
	[tilespmem:s6+$0xE0] =	vst v36  }
0x41d: {  	v58 =	vadd.s32 v4, v26;
	v61 =	vor.u32 v30, v59;
	v34 =	vld.idx.msk [tilespmem:v50+s3+$0x0], $0xffff;
	[tilespmem:s6+$0xFFFFFCE0] =	vst v38  }
0x41e: {  	v60 =	vor.u32 v23, v58;
	v45 =	vadd.s32 v4, v22;
	[tilespmem:s13+$0x160] =	vst v54;
	v39 =	vld.idx.msk [tilespmem:v39+s3+$0x0], $0xffff  }
0x41f: {  	v47 =	vadd.s32 v3, v28;
	v46 =	vld.idx.msk [tilespmem:v40+s3+$0x0], $0xffff;
	[tilespmem:s0+$0xFFFFFD60] =	vst v33;
	v38 =	vor.u32 v17, v45  }
0x420: {  	v48 =	vadd.s32 v3, v24;
	v40 =	vor.u32 v27, v47;
	v36 =	vld.idx.msk [tilespmem:v57+s3+$0x0], $0xffff;
	[tilespmem:s13+$0xFFFFFD60] =	vst v35  }
0x421: {  	v49 =	vor.u32 v21, v48;
	v54 =	vadd.s32 v3, v25;
	[tilespmem:s0+$0x70] =	vst v37;
	v32 =	vld.idx.msk [tilespmem:v63+s3+$0x0], $0xffff  }
0x422: {  	v51 =	vadd.s32 v5, v29;
	v55 =	vor.u32 v18, v54;
	v41 =	vld.idx.msk [tilespmem:v61+s3+$0x0], $0xffff;
	[tilespmem:s6+$0x160] =	vst v34  }
0x423: {  	v53 =	vor.u32 v30, v51;
	v50 =	vadd.s32 v3, v26;
	v31 =	vld.idx.msk [tilespmem:v60+s3+$0x0], $0xffff;
	[tilespmem:s6+$0xFFFFFD60] =	vst v39  }
0x424: {  	v56 =	vadd.s32 v3, v22;
	v52 =	vor.u32 v23, v50;
	[tilespmem:s13+$0x1E0] =	vst v46;
	v38 =	vld.idx.msk [tilespmem:v38+s3+$0x0], $0xffff  }
0x425: {  	v58 =	vadd.s32 v2, v28;
	v57 =	vld.idx.msk [tilespmem:v40+s3+$0x0], $0xffff;
	[tilespmem:s0+$0xFFFFFDE0] =	vst v36;
	v39 =	vor.u32 v17, v56  }
0x426: {  	v59 =	vadd.s32 v2, v24;
	v40 =	vor.u32 v27, v58;
	v34 =	vld.idx.msk [tilespmem:v49+s3+$0x0], $0xffff;
	[tilespmem:s13+$0xFFFFFDE0] =	vst v32  }
0x427: {  	v46 =	vadd.s32 v2, v25;
	v60 =	vor.u32 v21, v59;
	[tilespmem:s0+$0xF0] =	vst v41;
	v33 =	vld.idx.msk [tilespmem:v55+s3+$0x0], $0xffff  }
0x428: {  	v62 =	vadd.s32 v4, v29;
	v47 =	vor.u32 v18, v46;
	v37 =	vld.idx.msk [tilespmem:v53+s3+$0x0], $0xffff;
	[tilespmem:s6+$0x1E0] =	vst v31  }
0x429: {  	v45 =	vor.u32 v30, v62;
	v61 =	vadd.s32 v2, v26;
	v35 =	vld.idx.msk [tilespmem:v52+s3+$0x0], $0xffff;
	[tilespmem:s6+$0xFFFFFDE0] =	vst v38  }
0x42a: {  	v48 =	vadd.s32 v2, v22;
	v63 =	vor.u32 v23, v61;
	[tilespmem:s13+$0x260] =	vst v57;
	v39 =	vld.idx.msk [tilespmem:v39+s3+$0x0], $0xffff  }
0x42b: {  	v50 =	vadd.s32 v1, v28;
	v49 =	vld.idx.msk [tilespmem:v40+s3+$0x0], $0xffff;
	[tilespmem:s0+$0xFFFFFE60] =	vst v34;
	v38 =	vor.u32 v17, v48  }
0x42c: {  	v51 =	vadd.s32 v1, v24;
	v40 =	vor.u32 v27, v50;
	v31 =	vld.idx.msk [tilespmem:v60+s3+$0x0], $0xffff;
	[tilespmem:s13+$0xFFFFFE60] =	vst v33  }
0x42d: {  	v57 =	vadd.s32 v1, v25;
	v52 =	vor.u32 v21, v51;
	[tilespmem:s0+$0x170] =	vst v37;
	v36 =	vld.idx.msk [tilespmem:v47+s3+$0x0], $0xffff  }
0x42e: {  	v58 =	vor.u32 v18, v57;
	v41 =	vld.idx.msk [tilespmem:v45+s3+$0x0], $0xffff;
	[tilespmem:s6+$0x260] =	vst v35  }
0x42f: {  	v53 =	vadd.s32 v1, v26;
	v32 =	vld.idx.msk [tilespmem:v63+s3+$0x0], $0xffff;
	[tilespmem:s6+$0xFFFFFE60] =	vst v39  }
0x430: {  	v59 =	vadd.s32 v1, v22;
	v55 =	vor.u32 v23, v53;
	[tilespmem:s13+$0x2E0] =	vst v49;
	v38 =	vld.idx.msk [tilespmem:v38+s3+$0x0], $0xffff  }
0x431: {  	v28 =	vadd.s32 v0, v28;
	v60 =	vld.idx.msk [tilespmem:v40+s3+$0x0], $0xffff;
	[tilespmem:s0+$0xFFFFFEE0] =	vst v31;
	v39 =	vor.u32 v17, v59  }
0x432: {  	v24 =	vadd.s32 v0, v24;
	v27 =	vor.u32 v27, v28;
	v35 =	vld.idx.msk [tilespmem:v52+s3+$0x0], $0xffff;
	[tilespmem:s13+$0xFFFFFEE0] =	vst v36  }
0x433: {  	v25 =	vadd.s32 v0, v25;
	v21 =	vor.u32 v21, v24;
	[tilespmem:s0+$0x1F0] =	vst v41;
	v40 =	vld.idx.msk [tilespmem:v58+s3+$0x0], $0xffff  }
0x434: {  	v54 =	vadd.s32 v3, v29;
	v18 =	vor.u32 v18, v25;
	[tilespmem:s6+$0x2E0] =	vst v32  }
0x435: {  	v56 =	vor.u32 v30, v54;
	v26 =	vadd.s32 v0, v26;
	v61 =	vld.idx.msk [tilespmem:v55+s3+$0x0], $0xffff;
	[tilespmem:s6+$0xFFFFFEE0] =	vst v38  }
0x436: {  	v22 =	vadd.s32 v0, v22;
	v23 =	vor.u32 v23, v26;
	[tilespmem:s13+$0x360] =	vst v60;
	v41 =	vld.idx.msk [tilespmem:v39+s3+$0x0], $0xffff  }
0x437: {  	v17 =	vor.u32 v17, v22;
	v27 =	vld.idx.msk [tilespmem:v27+s3+$0x0], $0xffff;
	[tilespmem:s0+$0xFFFFFF60] =	vst v35  }
0x438: {  	v21 =	vld.idx.msk [tilespmem:v21+s3+$0x0], $0xffff;
	[tilespmem:s13+$0xFFFFFF60] =	vst v40  }
0x439: {  	v18 =	vld.idx.msk [tilespmem:v18+s3+$0x0], $0xffff  }
0x43a: {  	v62 =	vld.idx.msk [tilespmem:v56+s3+$0x0], $0xffff;
	[tilespmem:s6+$0x360] =	vst v61  }
0x43b: {  	v42 =	vld.idx.msk [tilespmem:v23+s3+$0x0], $0xffff;
	[tilespmem:s6+$0xFFFFFF60] =	vst v41  }
0x43c: {  	[tilespmem:s13+$0x3E0] =	vst v27;
	v17 =	vld.idx.msk [tilespmem:v17+s3+$0x0], $0xffff  }
0x43d: {  	v63 =	vadd.s32 v2, v29;
	v44 =	vld [tilespmem:s16+$0x70];
	[tilespmem:s0+$0xFFFFFFE0] =	vst v21  }
0x43e: {  	v37 =	vor.u32 v30, v63;
	v46 =	vld [tilespmem:s1+$0xFFFFFFF0];
	[tilespmem:s13+$0xFFFFFFE0] =	vst v18  }
0x43f: {  	[tilespmem:s31+$0xFFFFFC70] =	vst v20;
	v50 =	vld [tilespmem:s16+$0xFFFFFFF0]  }
0x440: {  	v58 =	vld.idx.msk [tilespmem:v16+s3+$0x0], $0xffff;
	[tilespmem:s6+$0x3E0] =	vst v42  }
0x441: {  	v45 =	vadd.s32 v1, v29;
	v48 =	vld [tilespmem:s17+$0x70];
	[tilespmem:s6+$0xFFFFFFE0] =	vst v17  }
0x442: {  	v47 =	vor.u32 v30, v45;
	[tilespmem:s0+$0x270] =	vst v62;
	v23 =	vand.u32 $0xFFFFFFF8, v44;
	v52 =	vld [tilespmem:s17+$0xFFFFFFF0]  }
0x443: {  	v43 =	vld.idx.msk [tilespmem:v37+s3+$0x0], $0xffff;
	v24 =	vand.u32 $0x7, v44;
	v53 =	vadd.s32 v7, v23;
	v18 =	vand.u32 $0x7, v46  }
0x444: {  	v55 =	vor.u32 v24, v53;
	v20 =	vand.u32 $0xFFFFFFF8, v50;
	v17 =	vand.u32 $0xFFFFFFF8, v46  }
0x445: {  	v16 =	vand.u32 $0x7, v50;
	v59 =	vadd.s32 v7, v20;
	v56 =	vadd.s32 v7, v17  }
0x446: {  	[tilespmem:s30+$0xFFFFFEF0] =	vst v19;
	v27 =	vor.u32 v16, v59;
	v31 =	vor.u32 v18, v56;
	v22 =	vand.u32 $0xFFFFFFF8, v48  }
0x447: {  	v60 =	vld.idx.msk [tilespmem:v11+s3+$0x0], $0xffff;
	[tilespmem:s31+$0xFFFFFCF0] =	vst v58;
	v21 =	vand.u32 $0x7, v48;
	v57 =	vadd.s32 v7, v22;
	v19 =	vand.u32 $0xFFFFFFF8, v52  }
0x448: {  	v12 =	vld.idx.msk [tilespmem:v12+s3+$0x0], $0xffff;
	[tilespmem:s0+$0x2F0] =	vst v43;
	v26 =	vor.u32 v21, v57;
	v11 =	vand.u32 $0x7, v52;
	v61 =	vadd.s32 v7, v19  }
0x449: {  	v49 =	vadd.s32 v0, v29;
	v54 =	vld.idx.msk [tilespmem:v47+s3+$0x0], $0xffff;
	v7 =	vor.u32 v11, v61  }
0x44a: {  	v51 =	vor.u32 v30, v49;
	v62 =	vadd.s32 v6, v23;
	v25 =	vld.idx.msk [tilespmem:v55+s3+$0x0], $0xffff  }
0x44b: {  	v29 =	vor.u32 v24, v62;
	v37 =	vadd.s32 v6, v20;
	v27 =	vld.idx.msk [tilespmem:v27+s3+$0x0], $0xffff  }
0x44c: {  	[tilespmem:s30+$0xFFFFFF70] =	vst v60;
	v36 =	vadd.s32 v6, v17;
	v38 =	vor.u32 v16, v37;
	v31 =	vld.idx.msk [tilespmem:v31+s3+$0x0], $0xffff  }
0x44d: {  	[tilespmem:s31+$0xFFFFFD70] =	vst v12;
	v32 =	vor.u32 v18, v36;
	v63 =	vadd.s32 v6, v22;
	v26 =	vld.idx.msk [tilespmem:v26+s3+$0x0], $0xffff  }
0x44e: {  	[tilespmem:s0+$0x370] =	vst v54;
	v30 =	vor.u32 v21, v63;
	v39 =	vadd.s32 v6, v19;
	v7 =	vld.idx.msk [tilespmem:v7+s3+$0x0], $0xffff  }
0x44f: {  	v28 =	vld.idx.msk [tilespmem:v51+s3+$0x0], $0xffff;
	[tilespmem:s13+$0x70] =	vst v25;
	v6 =	vor.u32 v11, v39  }
0x450: {  	v41 =	vadd.s32 v5, v23;
	v40 =	vld.idx.msk [tilespmem:v29+s3+$0x0], $0xffff;
	[tilespmem:s13+$0xFFFFFC70] =	vst v27  }
0x451: {  	v46 =	vadd.s32 v5, v20;
	v29 =	vor.u32 v24, v41;
	[tilespmem:s0+$0xFFFFFC70] =	vst v31;
	v25 =	vld.idx.msk [tilespmem:v38+s3+$0x0], $0xffff  }
0x452: {  	v43 =	vadd.s32 v5, v17;
	v47 =	vor.u32 v16, v46;
	v32 =	vld.idx.msk [tilespmem:v32+s3+$0x0], $0xffff;
	[tilespmem:s6+$0x70] =	vst v26  }
0x453: {  	v45 =	vor.u32 v18, v43;
	v42 =	vadd.s32 v5, v22;
	v26 =	vld.idx.msk [tilespmem:v30+s3+$0x0], $0xffff;
	[tilespmem:s6+$0xFFFFFC70] =	vst v7  }
0x454: {  	[tilespmem:s0+$0x3F0] =	vst v28;
	v44 =	vor.u32 v21, v42;
	v48 =	vadd.s32 v5, v19;
	v6 =	vld.idx.msk [tilespmem:v6+s3+$0x0], $0xffff  }
0x455: {  	v8 =	vld.idx.msk [tilespmem:v8+s3+$0x0], $0xffff;
	v5 =	vor.u32 v11, v48;
	[tilespmem:s13+$0xF0] =	vst v40  }
0x456: {  	v50 =	vadd.s32 v4, v23;
	v49 =	vld.idx.msk [tilespmem:v29+s3+$0x0], $0xffff;
	[tilespmem:s13+$0xFFFFFCF0] =	vst v25  }
0x457: {  	v55 =	vadd.s32 v4, v20;
	v28 =	vor.u32 v24, v50;
	[tilespmem:s0+$0xFFFFFCF0] =	vst v32;
	v7 =	vld.idx.msk [tilespmem:v47+s3+$0x0], $0xffff  }
0x458: {  	v56 =	vor.u32 v16, v55;
	v52 =	vadd.s32 v4, v17;
	v30 =	vld.idx.msk [tilespmem:v45+s3+$0x0], $0xffff;
	[tilespmem:s6+$0xF0] =	vst v26  }
0x459: {  	v51 =	vadd.s32 v4, v22;
	v54 =	vor.u32 v18, v52;
	v26 =	vld.idx.msk [tilespmem:v44+s3+$0x0], $0xffff;
	[tilespmem:s6+$0xFFFFFCF0] =	vst v6  }
0x45a: {  	[tilespmem:s30+$0xFFFFFFF0] =	vst v8;
	v53 =	vor.u32 v21, v51;
	v57 =	vadd.s32 v4, v19;
	v5 =	vld.idx.msk [tilespmem:v5+s3+$0x0], $0xffff  }
0x45b: {  	v10 =	vld.idx.msk [tilespmem:v10+s3+$0x0], $0xffff;
	v4 =	vor.u32 v11, v57;
	[tilespmem:s13+$0x170] =	vst v49  }
0x45c: {  	v59 =	vadd.s32 v3, v23;
	v58 =	vld.idx.msk [tilespmem:v28+s3+$0x0], $0xffff;
	[tilespmem:s13+$0xFFFFFD70] =	vst v7  }
0x45d: {  	v12 =	vor.u32 v24, v59;
	v63 =	vadd.s32 v3, v20;
	[tilespmem:s0+$0xFFFFFD70] =	vst v30;
	v6 =	vld.idx.msk [tilespmem:v56+s3+$0x0], $0xffff  }
0x45e: {  	v61 =	vadd.s32 v3, v17;
	v32 =	vor.u32 v16, v63;
	v27 =	vld.idx.msk [tilespmem:v54+s3+$0x0], $0xffff;
	[tilespmem:s6+$0x170] =	vst v26  }
0x45f: {  	v60 =	vadd.s32 v3, v22;
	v62 =	vor.u32 v18, v61;
	v25 =	vld.idx.msk [tilespmem:v53+s3+$0x0], $0xffff;
	[tilespmem:s6+$0xFFFFFD70] =	vst v5  }
0x460: {  	[tilespmem:s31+$0xFFFFFDF0] =	vst v10;
	v33 =	vadd.s32 v3, v19;
	v26 =	vor.u32 v21, v60;
	v4 =	vld.idx.msk [tilespmem:v4+s3+$0x0], $0xffff  }
0x461: {  	v9 =	vld.idx.msk [tilespmem:v9+s3+$0x0], $0xffff;
	v3 =	vor.u32 v11, v33;
	[tilespmem:s13+$0x1F0] =	vst v58  }
0x462: {  	v35 =	vadd.s32 v2, v23;
	v36 =	vor.u32 v13, v15;
	v34 =	vld.idx.msk [tilespmem:v12+s3+$0x0], $0xffff;
	[tilespmem:s13+$0xFFFFFDF0] =	vst v6  }
0x463: {  	v10 =	vor.u32 v24, v35;
	v41 =	vadd.s32 v2, v20;
	[tilespmem:s0+$0xFFFFFDF0] =	vst v27;
	v5 =	vld.idx.msk [tilespmem:v32+s3+$0x0], $0xffff  }
0x464: {  	v39 =	vadd.s32 v2, v17;
	v42 =	vor.u32 v16, v41;
	v7 =	vld.idx.msk [tilespmem:v62+s3+$0x0], $0xffff;
	[tilespmem:s6+$0x1F0] =	vst v25  }
0x465: {  	v38 =	vadd.s32 v2, v22;
	v40 =	vor.u32 v18, v39;
	v37 =	vld.idx.msk [tilespmem:v26+s3+$0x0], $0xffff;
	[tilespmem:s6+$0xFFFFFDF0] =	vst v4  }
0x466: {  	[tilespmem:s31+$0xFFFFFE70] =	vst v9;
	v43 =	vadd.s32 v2, v19;
	v25 =	vor.u32 v21, v38;
	v3 =	vld.idx.msk [tilespmem:v3+s3+$0x0], $0xffff  }
0x467: {  	v2 =	vor.u32 v11, v43;
	v45 =	vadd.s32 v1, v14;
	v12 =	vld.idx.msk [tilespmem:v36+s3+$0x0], $0xffff;
	[tilespmem:s13+$0x270] =	vst v34  }
0x468: {  	v44 =	vadd.s32 v1, v23;
	v8 =	vld.idx.msk [tilespmem:v10+s3+$0x0], $0xffff;
	v10 =	vor.u32 v13, v45;
	[tilespmem:s13+$0xFFFFFE70] =	vst v5  }
0x469: {  	v50 =	vadd.s32 v1, v20;
	v9 =	vor.u32 v24, v44;
	[tilespmem:s0+$0xFFFFFE70] =	vst v7;
	v4 =	vld.idx.msk [tilespmem:v42+s3+$0x0], $0xffff  }
0x46a: {  	v51 =	vor.u32 v16, v50;
	v48 =	vadd.s32 v1, v17;
	v6 =	vld.idx.msk [tilespmem:v40+s3+$0x0], $0xffff;
	[tilespmem:s6+$0x270] =	vst v37  }
0x46b: {  	v47 =	vadd.s32 v1, v22;
	v49 =	vor.u32 v18, v48;
	v46 =	vld.idx.msk [tilespmem:v25+s3+$0x0], $0xffff;
	[tilespmem:s6+$0xFFFFFE70] =	vst v3  }
0x46c: {  	v52 =	vadd.s32 v1, v19;
	v15 =	vor.u32 v21, v47;
	[tilespmem:s31+$0xFFFFFEF0] =	vst v12;
	v2 =	vld.idx.msk [tilespmem:v2+s3+$0x0], $0xffff  }
0x46d: {  	v1 =	vor.u32 v11, v52;
	v54 =	vadd.s32 v0, v14;
	[tilespmem:s13+$0x2F0] =	vst v8;
	v10 =	vld.idx.msk [tilespmem:v10+s3+$0x0], $0xffff  }
0x46e: {  	v55 =	vor.u32 v13, v54;
	v53 =	vadd.s32 v0, v23;
	v8 =	vld.idx.msk [tilespmem:v9+s3+$0x0], $0xffff;
	[tilespmem:s13+$0xFFFFFEF0] =	vst v4  }
0x46f: {  	v60 =	vadd.s32 v0, v20;
	v9 =	vor.u32 v24, v53;
	[tilespmem:s0+$0xFFFFFEF0] =	vst v6;
	v3 =	vld.idx.msk [tilespmem:v51+s3+$0x0], $0xffff  }
0x470: {  	v58 =	vadd.s32 v0, v17;
	v61 =	vor.u32 v16, v60;
	v5 =	vld.idx.msk [tilespmem:v49+s3+$0x0], $0xffff;
	[tilespmem:s6+$0x2F0] =	vst v46  }
0x471: {  	v57 =	vadd.s32 v0, v22;
	v59 =	vor.u32 v18, v58;
	v56 =	vld.idx.msk [tilespmem:v15+s3+$0x0], $0xffff;
	[tilespmem:s6+$0xFFFFFEF0] =	vst v2  }
0x472: {  	v12 =	vor.u32 v21, v57;
	v62 =	vadd.s32 v0, v19;
	[tilespmem:s31+$0xFFFFFF70] =	vst v10;
	v1 =	vld.idx.msk [tilespmem:v1+s3+$0x0], $0xffff  }
0x473: {  	v0 =	vor.u32 v11, v62;
	[tilespmem:s13+$0x370] =	vst v8;
	v7 =	vld.idx.msk [tilespmem:v55+s3+$0x0], $0xffff  }
0x474: {  	v8 =	vld.idx.msk [tilespmem:v9+s3+$0x0], $0xffff;
	[tilespmem:s13+$0xFFFFFF70] =	vst v3  }
0x475: {  	[tilespmem:s0+$0xFFFFFF70] =	vst v5;
	v2 =	vld.idx.msk [tilespmem:v61+s3+$0x0], $0xffff  }
0x476: {  	v4 =	vld.idx.msk [tilespmem:v59+s3+$0x0], $0xffff;
	[tilespmem:s6+$0x370] =	vst v56  }
0x477: {  	s17 =	sshll.u32 s28, $0x5;
	v63 =	vld.idx.msk [tilespmem:v12+s3+$0x0], $0xffff;
	[tilespmem:s6+$0xFFFFFF70] =	vst v1  }
0x478: {  	s1 =	sor.u32 s4, s17;
	[tilespmem:s31+$0xFFFFFFF0] =	vst v7;
	v0 =	vld.idx.msk [tilespmem:v0+s3+$0x0], $0xffff  }
0x479: {  	s30 =	smul.u32 $0x3E8000, s26;
	s1 =	smin.u32 s1, $0x7C;
	[tilespmem:s13+$0x3F0] =	vst v8  }
0x47a: {  	s1 =	sshll.u32 s1, $0xF;
	[tilespmem:s13+$0xFFFFFFF0] =	vst v2  }
0x47b: {  	p1 =	seq.s32 s18, $0x1;
	s31 =	sadd.s32 s30, s1;
	[tilespmem:s0+$0xFFFFFFF0] =	vst v4  }
0x47c: {  	p2 =	seq.s32 @!p1 s18, $0x0;
	s0 =	sshrl.u32 s31, $0x3;
	[tilespmem:s6+$0x3F0] =	vst v63  }
0x47d: {  	s5 =	simm.s32 @!p1 $0x9D00;
	s1 =	simm.s32 @!p1 $0x0;
	s0 =	sadd.s32 s2, s0;
	[tilespmem:s6+$0xFFFFFFF0] =	vst v0  }
0x47e: {  	[hbm4b:s0+s1] =	stream.linear.scatter @!p1 [tilespmem:s5], [sflag:$0x1], $0x8000, $0x38;
	[tilespmem:$0x19D00] =	vst v63  }
0x47f: {  	p1 =	por p1, !p2  }
0x480: {  	[hbm4b:s0+s3] =	stream.linear.scatter @p1 [tilespmem:s23], [sflag:$0x2], $0x8000, $0x38;
	[tilespmem:$0x19D00] =	vst v63  }
0x481: {  	p1 =	sne.s32 s28, $0x3  }
0x482: {  	s0 =	sand.u32 @!p1 $0x1, s26  }
0x483: {  	p2 =	seq.s32 @!p1 s0, $0x1;
	s0 =	smin.u32 @!p1 s26, $0x11  }
0x484: {  	s0 =	sshll.u32 @!p1 s0, $0x9;
	p3 =	por p2, p1  }
0x485: {  	s0 =	sadd.s32 @!p1 s0, s11;
	s1 =	simm.s32 @!p3 $0x0;
	s5 =	simm.s32 @!p3 $0x7D00  }
0x486: {  	[tilespmem:s5], [sflag:$0x3] =	stream.linear.gather @!p3 [hbm4b:s0+s1], $0x1000, $0x38;
	[tilespmem:$0x19D00] =	vst v63  }
0x487: {  	p3 =	seq.s32 @!p3 s29, $0x0  }
0x488: {  	p2 =	por @!p1 p2, !p3  }
0x489: {  	s25 =	sadd.s32 $0x1, s25;
	p1 =	por p1, !p2  }
0x48a: {  	[tilespmem:s14], [sflag:$0x4] =	stream.linear.gather @!p1 [hbm4b:s0+s3], $0x1000, $0x38;
	[tilespmem:$0x19D00] =	vst v63  }
0x48b: {  	p1 =	sne.s32 s25, $0x50  }
.Ltmp1:
0x48c: {  	_ = 	snop;
	(pc) =	sbr.rel @p1 .LBB2_2-.Ltmp1, $2  }
0x48d: {  	_ =	sdelay $0x2  }
0x48e: {  	p0 =	por !p0, !p0  }
0x48f: {  	_ =	swait.ge [sflag:s20], $0x1000  }
0x490: {  	[sflag:s20] =	ssyncset.done $0x0  }
0x491: {  	[sflag:s20] =	ssyncadd.s32 $0xFFFFF000  }
0x492: {  	_ =	swait.ge [sflag:s21], $0x1000  }
0x493: {  	[sflag:s21] =	ssyncset.done $0x0  }
0x494: {  	s24 =	sadd.s32 $0x1, s24;
	[sflag:s21] =	ssyncadd.s32 $0xFFFFF000  }
0x495: {  	p0 =	sne.s32 s24, s12;
	_ =	swait.ge [sflag:s19], $0x8000  }
.Ltmp2:
0x496: {  	[sflag:s19] =	ssyncset.done $0x0;
	(pc) =	sbr.rel @p0 .LBB2_1-.Ltmp2, $4  }
0x497: {  	[sflag:s19] =	ssyncadd.s32 $0xFFFF8000  }
0x498: {  	_ =	swait.ge [sflag:s22], $0x8000  }
0x499: {  	[sflag:s22] =	ssyncset.done $0x0  }
0x49a: {  	[sflag:s22] =	ssyncadd.s32 $0xFFFF8000  }
0x49b: {  	_ =	sfence.sel $0x180000  }
0x49c: {  	[bflag:$0x0] =	sbarrier.arrive $0xFFFF  }
0x49d: {  	_ =	strace $0x90000047  }
0x49e: {  	s0 =	stileid.u32;
	[bflag:$0x2] =	sbarrier.arrive $0xFFFF  }
0x49f: {  	p0 =	sne.s32 s0, $0x0;
	s0 =	rddreg [dreg:$0x2]  }
0x4a0: {  	s0 =	sadd.s32 @!p0 $0x100000, s0  }
0x4a1: {  	[sflag:s0] =	ssyncadd.tile.s32 @!p0 $0x1;
	_ =	shalt  }
.Lfunc_end2:
_tile_overlayer_lowered:
.L_overlay_start_2:
0x4a2: {  	(tag) =	ssettag $0x2  }
0x4a3: {  	s0 =	rddreg [dreg:$0x0];
	s2 =	stileid.u32  }
0x4a4: {  	s1 =	rddreg [dreg:$0x1];
	p0 =	sne.s32 s2, $0x0  }
0x4a5: {  	s3 =	rddreg [dreg:$0x2];
	[bflag:$0x3] =	sbarrier.arrive $0xFFFF;
	s2 =	simm.s32 @!p0 $0x1C05  }
0x4a6: {  	[timem:s3], [sflag:s2] =	dma.local @!p0 [hbm:s0], s1  }
0x4a7: {  	s0 =	simm.s32 @!p0 $0x5  }
0x4a8: {  	_ =	swait.ge @!p0 [sflag:s0], s1  }
0x4a9: {  	s1 =	ssub.s32 @!p0 $0x0, s1;
	[sflag:s0] =	ssyncset.done @!p0 $0x0  }
0x4aa: {  	[sflag:s0] =	ssyncadd.s32 @!p0 s1  }
0x4ab: {  	[bflag:$0x3] =	sbarrier.arrive $0xFFFF  }
0x4ac: {  	_ =	shalt  }

</sc_bundles>
